<compile_context>
chip_gen: v7x
topology: tpu7x:2x2x1
jax: 0.10.2.dev20260603
libtpu: 0.0.44.dev20260713+nightly
codegen_flags: <defaults>
</compile_context>

<pallas_src>
import functools
import math

import jax
import jax.numpy as jnp
from jax import lax
from jax.experimental import pallas as pl
from jax.experimental.pallas import tpu as pltpu
from jax.experimental.pallas import tpu_sc as plsc

H = 128
NRBF = 32
SW = 144
NC, NS, LANES = 2, 16, 16
NW = NC * NS
C = 40


def _proj3_body(x_ref, wa_ref, wb_ref, wc_ref, oa_ref, ob_ref, oc_ref):
    xv = x_ref[...]
    f = jnp.float32
    oa_ref[...] = jnp.dot(xv, wa_ref[...], preferred_element_type=f).astype(jnp.bfloat16)
    ob_ref[...] = jnp.dot(xv, wb_ref[...], preferred_element_type=f).astype(jnp.bfloat16)
    oc_ref[...] = jnp.dot(xv, wc_ref[...], preferred_element_type=f).astype(jnp.bfloat16)


def _perm128():
    p = []
    for b in range(4):
        for i in range(16):
            p.extend((32 * b + i, 32 * b + 16 + i))
    return p


def _count_col(rows):
    lane = lax.broadcasted_iota(jnp.int32, (rows, SW - H), 1)
    return jnp.where(lane == 0, 1.0, 0.0).astype(jnp.float32)


def _eproj_body(a_ref, w_ref, b_ref, o_ref):
    o_ref[:, :H] = (jnp.dot(a_ref[...], w_ref[...],
                            preferred_element_type=jnp.float32) + b_ref[...])
    o_ref[:, H:] = _count_col(o_ref.shape[0])


def _tproj_body(ang_ref, cen_ref, w_ref, b_ref, o_ref, *, inv_sig2):
    d = ang_ref[...] - cen_ref[...]
    rbf = jnp.exp(-(d * d) * inv_sig2)
    o_ref[:, :H] = (jnp.dot(rbf, w_ref[...],
                            preferred_element_type=jnp.float32) + b_ref[...])
    o_ref[:, H:] = _count_col(o_ref.shape[0])


def _node_body(x_ref, ae_ref, at_ref, we2_ref, be2_ref, wt2_ref, bt2_ref,
               wn1x_ref, wn1a_ref, bn1_ref, wn2_ref, bn2_ref, o_ref):
    ae = ae_ref[0] + ae_ref[1]
    at = at_ref[0] + at_ref[1]
    aggr = (jnp.dot(ae[:, :H], we2_ref[...], preferred_element_type=jnp.float32)
            + ae[:, H:H + 1] * be2_ref[...]
            + jnp.dot(at[:, :H], wt2_ref[...], preferred_element_type=jnp.float32)
            + at[:, H:H + 1] * bt2_ref[...])
    xv = x_ref[...]
    h = (jnp.dot(xv, wn1x_ref[...], preferred_element_type=jnp.float32)
         + jnp.dot(aggr, wn1a_ref[...], preferred_element_type=jnp.float32)
         + bn1_ref[...])
    h = h / (1.0 + jnp.exp(-h))
    o_ref[...] = (xv + jnp.dot(h, wn2_ref[...],
                               preferred_element_type=jnp.float32) + bn2_ref[...])


def _make_sc_kernel(n_nodes, n_edges, n_trip):
    ew = n_edges // NW
    mw = n_trip // NW
    ne_ch = ew // C
    nt_ch = mw // C
    n_pad = ((n_nodes + NS * 128 - 1) // (NS * 128)) * (NS * 128)
    rpt = n_pad // NS
    nz = rpt // C

    mesh = plsc.VectorSubcoreMesh(core_axis_name="c", subcore_axis_name="s")

    @functools.partial(
        pl.kernel,
        mesh=mesh,
        compiler_params=pltpu.CompilerParams(use_tc_tiling_on_sc=False, needs_layout_passes=False),
        out_type=[jax.ShapeDtypeStruct((NC, n_pad, SW), jnp.float32),
                  jax.ShapeDtypeStruct((NC, n_pad, SW), jnp.float32)],
        scratch_types=[
            pltpu.VMEM((4, C), jnp.int32),
            pltpu.VMEM((4, C), jnp.int32),
            pltpu.VMEM((2, C, H // 2), jnp.int32),
            pltpu.VMEM((2, C, H // 2), jnp.int32),
            pltpu.VMEM((3, C, SW), jnp.float32),
            pltpu.VMEM_SHARED((n_pad, SW), jnp.float32),
            pltpu.SemaphoreType.DMA,
            pltpu.SemaphoreType.DMA,
            pltpu.SemaphoreType.DMA,
        ],
    )
    def sc_kernel(row_hbm, col_hbm, ctr_hbm, eproj_hbm, tproj_hbm,
                  xr_hbm, xc_hbm, xt_hbm, zeros_hbm, agg_e_hbm, agg_t_hbm,
                  ia4, ib4, b1, b2, sbuf, acc, sem_i, sem_g, sem_s):
        cid = lax.axis_index("c")
        sid = lax.axis_index("s")
        wid = sid * NC + cid

        def zero_stripe():
            pltpu.sync_copy(zeros_hbm, acc.at[pl.ds(sid * rpt, rpt)])

        def flush_stripe(out_hbm):
            sl = pl.ds(sid * rpt, rpt)
            pltpu.sync_copy(acc.at[sl], out_hbm.at[cid, sl])

        def run_phase(nch, base0, idx_hbms, proj_hbm, gat_hbms, out_hbm):
            two = len(idx_hbms) == 2

            def idx_copies(j):
                base = base0 + j * C
                s = lax.rem(j, 4)
                cps = [pltpu.make_async_copy(
                    idx_hbms[0].at[pl.ds(base, C)], ia4.at[s], sem_i)]
                if two:
                    cps.append(pltpu.make_async_copy(
                        idx_hbms[1].at[pl.ds(base, C)], ib4.at[s], sem_i))
                return cps

            def load_copies(j):
                base = base0 + j * C
                s4 = lax.rem(j, 4)
                s3 = lax.rem(j, 3)
                s2 = lax.rem(j, 2)
                cps = [
                    pltpu.make_async_copy(
                        proj_hbm.at[pl.ds(base, C)], sbuf.at[s3], sem_g),
                    pltpu.make_async_copy(
                        gat_hbms[0].at[ia4.at[s4]], b1.at[s2], sem_g),
                ]
                if two:
                    cps.append(pltpu.make_async_copy(
                        gat_hbms[1].at[ib4.at[s4]], b2.at[s2], sem_g))
                return cps

            def scatter_copy(j):
                return pltpu.make_async_copy(
                    sbuf.at[lax.rem(j, 3)], acc.at[ia4.at[lax.rem(j, 4)]],
                    sem_s)

            for cp in idx_copies(0):
                cp.start()
            for cp in idx_copies(0):
                cp.wait()
            for cp in idx_copies(1):
                cp.start()
            for cp in load_copies(0):
                cp.start()

            def body(j, carry):
                @pl.when(j >= 2)
                def _():
                    scatter_copy(j - 2).wait()

                @pl.when(j + 2 < nch)
                def _():
                    for cp in idx_copies(j + 2):
                        cp.start()

                @pl.when(j + 1 < nch)
                def _():
                    for cp in idx_copies(j + 1):
                        cp.wait()
                    for cp in load_copies(j + 1):
                        cp.start()

                for cp in load_copies(j):
                    cp.wait()

                s3 = lax.rem(j, 3)
                s2 = lax.rem(j, 2)

                himask = jnp.full((LANES,), -65536, jnp.int32)

                def crow(r, carry2):
                    for g in range(H // (2 * LANES)):
                        wsl = pl.ds(g * LANES, LANES)
                        w1 = b1[s2, r, wsl]
                        lo = plsc.bitcast(lax.shift_left(w1, 16), jnp.float32)
                        hi = plsc.bitcast(w1 & himask, jnp.float32)
                        if two:
                            w2 = b2[s2, r, wsl]
                            lo = lo + plsc.bitcast(
                                lax.shift_left(w2, 16), jnp.float32)
                            hi = hi + plsc.bitcast(w2 & himask, jnp.float32)
                        sl_lo = pl.ds(2 * g * LANES, LANES)
                        sl_hi = pl.ds((2 * g + 1) * LANES, LANES)
                        v = sbuf[s3, r, sl_lo] + lo
                        sbuf[s3, r, sl_lo] = v / (1.0 + jnp.exp(-v))
                        v = sbuf[s3, r, sl_hi] + hi
                        sbuf[s3, r, sl_hi] = v / (1.0 + jnp.exp(-v))
                    return carry2

                lax.fori_loop(0, C, crow, 0, unroll=8)
                scatter_copy(j).start(add=True)
                return carry

            lax.fori_loop(0, nch, body, 0)
            scatter_copy(nch - 2).wait()
            scatter_copy(nch - 1).wait()
            plsc.subcore_barrier()
            flush_stripe(out_hbm)

        zero_stripe()
        plsc.subcore_barrier()
        run_phase(ne_ch, wid * ew, (row_hbm, col_hbm), eproj_hbm,
                  (xr_hbm, xc_hbm), agg_e_hbm)
        zero_stripe()
        plsc.subcore_barrier()
        run_phase(nt_ch, wid * mw, (ctr_hbm,), tproj_hbm,
                  (xt_hbm,), agg_t_hbm)

    return sc_kernel


def kernel(x, edge_index, edge_attr_rbf, triplet_index, angles,
           W_e1, b_e1, W_e2, b_e2,
           W_t1, b_t1, W_t2, b_t2,
           W_n1, b_n1, W_n2, b_n2,
           centers):
    n_nodes, h = x.shape
    n_edges = edge_index.shape[1]
    n_trip = triplet_index.shape[0]
    n_rbf_a = centers.shape[0]
    sigma = math.pi / n_rbf_a
    inv_sig2 = 1.0 / (sigma * sigma)

    We1a, We1b, We1c = W_e1[:h], W_e1[h:2 * h], W_e1[2 * h:]
    Wt1a, Wt1b = W_t1[:h], W_t1[h:]
    Wn1x, Wn1a = W_n1[:h], W_n1[h:]
    be1 = b_e1.reshape(1, h)
    bt1 = b_t1.reshape(1, h)
    be2 = b_e2.reshape(1, h)
    bt2 = b_t2.reshape(1, h)
    bn1 = b_n1.reshape(1, h)
    bn2 = b_n2.reshape(1, h)
    row1 = edge_index[0]
    col1 = edge_index[1]
    ctr1 = triplet_index[:, 1]
    ang2 = angles.reshape(n_trip, 1)
    cen2 = centers.reshape(1, n_rbf_a)

    perm = jnp.array(_perm128(), jnp.int32)
    xr, xc, xt = pl.pallas_call(
        _proj3_body,
        out_shape=[jax.ShapeDtypeStruct((n_nodes, h), jnp.bfloat16)] * 3,
    )(x, We1a[:, perm], We1b[:, perm], Wt1a[:, perm])

    def _pack_i32(t):
        return jax.lax.bitcast_convert_type(
            t.reshape(n_nodes, h // 2, 2), jnp.int32)

    xr, xc, xt = _pack_i32(xr), _pack_i32(xc), _pack_i32(xt)

    BE = 2000
    eproj = pl.pallas_call(
        _eproj_body,
        grid=(n_edges // BE,),
        in_specs=[pl.BlockSpec((BE, NRBF), lambda i: (i, 0)),
                  pl.BlockSpec((NRBF, h), lambda i: (0, 0)),
                  pl.BlockSpec((1, h), lambda i: (0, 0))],
        out_specs=pl.BlockSpec((BE, SW), lambda i: (i, 0)),
        out_shape=jax.ShapeDtypeStruct((n_edges, SW), jnp.float32),
    )(edge_attr_rbf, We1c, be1)

    BT = 2560
    tproj = pl.pallas_call(
        functools.partial(_tproj_body, inv_sig2=inv_sig2),
        grid=(n_trip // BT,),
        in_specs=[pl.BlockSpec((BT, 1), lambda i: (i, 0)),
                  pl.BlockSpec((1, n_rbf_a), lambda i: (0, 0)),
                  pl.BlockSpec((n_rbf_a, h), lambda i: (0, 0)),
                  pl.BlockSpec((1, h), lambda i: (0, 0))],
        out_specs=pl.BlockSpec((BT, SW), lambda i: (i, 0)),
        out_shape=jax.ShapeDtypeStruct((n_trip, SW), jnp.float32),
    )(ang2, cen2, Wt1b, bt1)

    sc = _make_sc_kernel(n_nodes, n_edges, n_trip)
    zeros_blk = jnp.zeros((((n_nodes + NS * 128 - 1) // (NS * 128)) * 128, SW),
                          jnp.float32)
    agg_e, agg_t = sc(row1, col1, ctr1, eproj, tproj, xr, xc, xt, zeros_blk)

    BN = 2000
    out = pl.pallas_call(
        _node_body,
        grid=(n_nodes // BN,),
        in_specs=[pl.BlockSpec((BN, h), lambda i: (i, 0)),
                  pl.BlockSpec((NC, BN, SW), lambda i: (0, i, 0)),
                  pl.BlockSpec((NC, BN, SW), lambda i: (0, i, 0)),
                  pl.BlockSpec((h, h), lambda i: (0, 0)),
                  pl.BlockSpec((1, h), lambda i: (0, 0)),
                  pl.BlockSpec((h, h), lambda i: (0, 0)),
                  pl.BlockSpec((1, h), lambda i: (0, 0)),
                  pl.BlockSpec((h, h), lambda i: (0, 0)),
                  pl.BlockSpec((h, h), lambda i: (0, 0)),
                  pl.BlockSpec((1, h), lambda i: (0, 0)),
                  pl.BlockSpec((h, h), lambda i: (0, 0)),
                  pl.BlockSpec((1, h), lambda i: (0, 0))],
        out_specs=pl.BlockSpec((BN, h), lambda i: (i, 0)),
        out_shape=jax.ShapeDtypeStruct((n_nodes, h), jnp.float32),
    )(x, agg_e, agg_t, W_e2, be2, W_t2, bt2, Wn1x, Wn1a, bn1, W_n2, bn2)
    return out

# --- scband reference (transcript-rebuilt; emitter-appended) ---
"""Pipeline reference for scband-local-interaction-layer-17454747091354 (READ-ONLY COPY).

The authoritative reference and input builder live on the scoring server;
editing this copy changes nothing except your own understanding.
"""

import jax, jax.numpy as jnp
import numpy as np
import math


def _mlp2(h, W1, b1, W2, b2):
    h = h @ W1 + b1
    h = h * jax.nn.sigmoid(h)  # SiLU
    return h @ W2 + b2


def setup_inputs(seed: int = 0) -> dict:
    key = jax.random.key(seed)
    ks = jax.random.split(key, 24)
    N, E, M, H = 10000, 320000, 640000, 128
    n_rbf_e, n_rbf_a = 32, 32

    x = jax.random.normal(ks[0], (N, H), dtype=jnp.float32)
    edge_index = jax.random.randint(ks[1], (2, E), 0, N, dtype=jnp.int32)
    edge_attr_rbf = jax.random.uniform(ks[2], (E, n_rbf_e), dtype=jnp.float32)
    triplet_index = jax.random.randint(ks[3], (M, 3), 0, N, dtype=jnp.int32)
    angles = jax.random.uniform(ks[4], (M,), dtype=jnp.float32)  # in [0,1) subset of [0, pi]

    def lin(k, fan_in, fan_out):
        s = 1.0 / math.sqrt(fan_in)
        kw, kb = jax.random.split(k)
        W = jax.random.uniform(kw, (fan_in, fan_out), minval=-s, maxval=s, dtype=jnp.float32)
        b = jax.random.uniform(kb, (fan_out,), minval=-s, maxval=s, dtype=jnp.float32)
        return W, b

    W_e1, b_e1 = lin(ks[5], 2 * H + n_rbf_e, H)
    W_e2, b_e2 = lin(ks[6], H, H)
    W_t1, b_t1 = lin(ks[7], H + n_rbf_a, H)
    W_t2, b_t2 = lin(ks[8], H, H)
    W_n1, b_n1 = lin(ks[9], 2 * H, H)
    W_n2, b_n2 = lin(ks[10], H, H)

    centers = jnp.linspace(0.0, math.pi, n_rbf_a).astype(jnp.float32)

    return {
        "x": x,
        "edge_index": edge_index,
        "edge_attr_rbf": edge_attr_rbf,
        "triplet_index": triplet_index,
        "angles": angles,
        "W_e1": W_e1, "b_e1": b_e1, "W_e2": W_e2, "b_e2": b_e2,
        "W_t1": W_t1, "b_t1": b_t1, "W_t2": W_t2, "b_t2": b_t2,
        "W_n1": W_n1, "b_n1": b_n1, "W_n2": W_n2, "b_n2": b_n2,
        "centers": centers,
    }


def reference(x, edge_index, edge_attr_rbf, triplet_index, angles,
              W_e1, b_e1, W_e2, b_e2,
              W_t1, b_t1, W_t2, b_t2,
              W_n1, b_n1, W_n2, b_n2,
              centers):
    n_rbf_a = centers.shape[0]
    sigma = math.pi / n_rbf_a

    row = edge_index[0]
    col = edge_index[1]

    edge_cat = jnp.concatenate([x[row], x[col], edge_attr_rbf], axis=-1)
    edge_messages = _mlp2(edge_cat, W_e1, b_e1, W_e2, b_e2)

    angle_rbf = jnp.exp(-((angles[:, None] - centers[None, :]) ** 2) / (sigma ** 2))

    center_nodes = triplet_index[:, 1]
    triplet_input = jnp.concatenate([x[center_nodes], angle_rbf], axis=-1)
    triplet_messages = _mlp2(triplet_input, W_t1, b_t1, W_t2, b_t2)

    aggr = jnp.zeros_like(x)
    aggr = aggr.at[row].add(edge_messages)
    aggr = aggr.at[center_nodes].add(triplet_messages)

    new_x = _mlp2(jnp.concatenate([x, aggr], axis=-1), W_n1, b_n1, W_n2, b_n2)
    return x + new_x

if __name__ == "__main__":
    import jax
    _d = setup_inputs()
    print(jax.jit(kernel)(*tuple(_d.values())))

</pallas_src>

<mosaic_0001>
#map = affine_map<(d0, d1) -> (0)>
#map1 = affine_map<(d0, d1) -> (0, 0)>
#map2 = affine_map<(d0, d1) -> (0, 0, 0)>
module attributes {stable_mosaic.version = 14 : i64} {
  func.func @sc_kernel(%arg0: i32, %arg1: i32, %arg2: memref<320000xi32, #tpu.memory_space<hbm>>, %arg3: memref<320000xi32, #tpu.memory_space<hbm>>, %arg4: memref<640000xi32, #tpu.memory_space<hbm>>, %arg5: memref<320000x144xf32, #tpu.memory_space<hbm>>, %arg6: memref<640000x144xf32, #tpu.memory_space<hbm>>, %arg7: memref<10000x64xi32, #tpu.memory_space<hbm>>, %arg8: memref<10000x64xi32, #tpu.memory_space<hbm>>, %arg9: memref<10000x64xi32, #tpu.memory_space<hbm>>, %arg10: memref<640x144xf32, #tpu.memory_space<hbm>>, %arg11: memref<2x10240x144xf32, #tpu.memory_space<hbm>>, %arg12: memref<2x10240x144xf32, #tpu.memory_space<hbm>>, %arg13: memref<4x40xi32, #tpu.memory_space<vmem>>, %arg14: memref<4x40xi32, #tpu.memory_space<vmem>>, %arg15: memref<2x40x64xi32, #tpu.memory_space<vmem>>, %arg16: memref<2x40x64xi32, #tpu.memory_space<vmem>>, %arg17: memref<3x40x144xf32, #tpu.memory_space<vmem>>, %arg18: memref<10240x144xf32, #tpu.memory_space<vmem_shared>>, %arg19: memref<!tpu.dma_semaphore, #tpu.memory_space<semaphore_mem>>, %arg20: memref<!tpu.dma_semaphore, #tpu.memory_space<semaphore_mem>>, %arg21: memref<!tpu.dma_semaphore, #tpu.memory_space<semaphore_mem>>) attributes {dimension_semantics = [#tpu.dimension_semantics<core_parallel>, #tpu.dimension_semantics<subcore_parallel>], iteration_bounds = array<i64: 2, 16>, scalar_prefetch = 0 : i64, scratch_operands = 9 : i64, tpu.core_type = #tpu.core_type<sc_vector_subcore>, window_params = [{transform_indices = #map}, {transform_indices = #map}, {transform_indices = #map}, {transform_indices = #map1}, {transform_indices = #map1}, {transform_indices = #map1}, {transform_indices = #map1}, {transform_indices = #map1}, {transform_indices = #map1}, {transform_indices = #map2}, {transform_indices = #map2}]} {
    %mul3A = arith.constant 2 : i32
    %mul3A_0 = arith.muli %arg1, %mul3A : i32
    %add3A = arith.addi %mul3A_0, %arg0 : i32
    %mul3A_1 = arith.constant 640 : i32
    %mul3A_2 = arith.muli %arg1, %mul3A_1 : i32
    "tpu.region"() ({
      %run_scoped3A = tpu.sem_alloc : memref<!tpu.dma_semaphore, #tpu.memory_space<semaphore_mem>>
      %dma_start3A_266 = arith.constant 0 : i32
      %dma_start3A_267 = tpu.memref_slice %arg18[%mul3A_2, %dma_start3A_266] : memref<10240x144xf32, #tpu.memory_space<vmem_shared>> -> memref<640x144xf32, #tpu.memory_space<vmem_shared>>
      tpu.enqueue_dma source(%arg10 : memref<640x144xf32, #tpu.memory_space<hbm>>) target(%dma_start3A_267 : memref<640x144xf32, #tpu.memory_space<vmem_shared>>) target_semaphore(%run_scoped3A : memref<!tpu.dma_semaphore, #tpu.memory_space<semaphore_mem>>)
      %dma_wait3A_268 = arith.constant 0 : i32
      %dma_wait3A_269 = tpu.memref_slice %arg18[%mul3A_2, %dma_wait3A_268] : memref<10240x144xf32, #tpu.memory_space<vmem_shared>> -> memref<640x144xf32, #tpu.memory_space<vmem_shared>>
      tpu.wait_dma2 semaphore(%run_scoped3A : memref<!tpu.dma_semaphore, #tpu.memory_space<semaphore_mem>>) src(%arg10 : memref<640x144xf32, #tpu.memory_space<hbm>>) dst(%dma_wait3A_269 : memref<640x144xf32, #tpu.memory_space<vmem_shared>>)
      tpu.yield
    }) : () -> ()
    %barrier3A = arith.constant 0 : index
    tpu.barrier barrier_id(%barrier3A)
    %mul3A_3 = arith.constant 10000 : i32
    %mul3A_4 = arith.muli %add3A, %mul3A_3 : i32
    %add3A_5 = arith.constant 0 : i32
    %add3A_6 = arith.addi %mul3A_4, %add3A_5 : i32
    %rem3A = arith.constant 0 : i32
    %rem3A_7 = arith.constant 4 : i32
    %rem3A_8 = arith.remsi %rem3A, %rem3A_7 : i32
    %dma_start3A = arith.constant 0 : i32
    %dma_start3A_9 = tpu.memref_slice %arg13[%rem3A_8, %dma_start3A] : memref<4x40xi32, #tpu.memory_space<vmem>> -> memref<1x40xi32, #tpu.memory_space<vmem>>
    %dma_start3A_10 = tpu.memref_squeeze %dma_start3A_9 : memref<1x40xi32, #tpu.memory_space<vmem>> -> memref<40xi32, #tpu.memory_space<vmem>>
    %dma_start3A_11 = tpu.memref_slice %arg2[%add3A_6] : memref<320000xi32, #tpu.memory_space<hbm>> -> memref<40xi32, #tpu.memory_space<hbm>>
    %dma_start3A_12 = arith.constant 0 : i32
    %dma_start3A_13 = tpu.memref_slice %arg13[%rem3A_8, %dma_start3A_12] : memref<4x40xi32, #tpu.memory_space<vmem>> -> memref<1x40xi32, #tpu.memory_space<vmem>>
    %dma_start3A_14 = tpu.memref_squeeze %dma_start3A_13 : memref<1x40xi32, #tpu.memory_space<vmem>> -> memref<40xi32, #tpu.memory_space<vmem>>
    %dma_start3A_15 = tpu.memref_slice %arg2[%add3A_6] : memref<320000xi32, #tpu.memory_space<hbm>> -> memref<40xi32, #tpu.memory_space<hbm>>
    tpu.enqueue_dma source(%dma_start3A_15 : memref<40xi32, #tpu.memory_space<hbm>>) target(%dma_start3A_14 : memref<40xi32, #tpu.memory_space<vmem>>) target_semaphore(%arg19 : memref<!tpu.dma_semaphore, #tpu.memory_space<semaphore_mem>>)
    %dma_start3A_16 = arith.constant 0 : i32
    %dma_start3A_17 = tpu.memref_slice %arg14[%rem3A_8, %dma_start3A_16] : memref<4x40xi32, #tpu.memory_space<vmem>> -> memref<1x40xi32, #tpu.memory_space<vmem>>
    %dma_start3A_18 = tpu.memref_squeeze %dma_start3A_17 : memref<1x40xi32, #tpu.memory_space<vmem>> -> memref<40xi32, #tpu.memory_space<vmem>>
    %dma_start3A_19 = tpu.memref_slice %arg3[%add3A_6] : memref<320000xi32, #tpu.memory_space<hbm>> -> memref<40xi32, #tpu.memory_space<hbm>>
    %dma_start3A_20 = arith.constant 0 : i32
    %dma_start3A_21 = tpu.memref_slice %arg14[%rem3A_8, %dma_start3A_20] : memref<4x40xi32, #tpu.memory_space<vmem>> -> memref<1x40xi32, #tpu.memory_space<vmem>>
    %dma_start3A_22 = tpu.memref_squeeze %dma_start3A_21 : memref<1x40xi32, #tpu.memory_space<vmem>> -> memref<40xi32, #tpu.memory_space<vmem>>
    %dma_start3A_23 = tpu.memref_slice %arg3[%add3A_6] : memref<320000xi32, #tpu.memory_space<hbm>> -> memref<40xi32, #tpu.memory_space<hbm>>
    tpu.enqueue_dma source(%dma_start3A_23 : memref<40xi32, #tpu.memory_space<hbm>>) target(%dma_start3A_22 : memref<40xi32, #tpu.memory_space<vmem>>) target_semaphore(%arg19 : memref<!tpu.dma_semaphore, #tpu.memory_space<semaphore_mem>>)
    %add3A_24 = arith.constant 0 : i32
    %add3A_25 = arith.addi %mul3A_4, %add3A_24 : i32
    %rem3A_26 = arith.constant 0 : i32
    %rem3A_27 = arith.constant 4 : i32
    %rem3A_28 = arith.remsi %rem3A_26, %rem3A_27 : i32
    %dma_wait3A = arith.constant 0 : i32
    %dma_wait3A_29 = tpu.memref_slice %arg13[%rem3A_28, %dma_wait3A] : memref<4x40xi32, #tpu.memory_space<vmem>> -> memref<1x40xi32, #tpu.memory_space<vmem>>
    %dma_wait3A_30 = tpu.memref_squeeze %dma_wait3A_29 : memref<1x40xi32, #tpu.memory_space<vmem>> -> memref<40xi32, #tpu.memory_space<vmem>>
    %dma_wait3A_31 = tpu.memref_slice %arg2[%add3A_25] : memref<320000xi32, #tpu.memory_space<hbm>> -> memref<40xi32, #tpu.memory_space<hbm>>
    %dma_wait3A_32 = arith.constant 0 : i32
    %dma_wait3A_33 = tpu.memref_slice %arg13[%rem3A_28, %dma_wait3A_32] : memref<4x40xi32, #tpu.memory_space<vmem>> -> memref<1x40xi32, #tpu.memory_space<vmem>>
    %dma_wait3A_34 = tpu.memref_squeeze %dma_wait3A_33 : memref<1x40xi32, #tpu.memory_space<vmem>> -> memref<40xi32, #tpu.memory_space<vmem>>
    %dma_wait3A_35 = tpu.memref_slice %arg2[%add3A_25] : memref<320000xi32, #tpu.memory_space<hbm>> -> memref<40xi32, #tpu.memory_space<hbm>>
    tpu.wait_dma2 semaphore(%arg19 : memref<!tpu.dma_semaphore, #tpu.memory_space<semaphore_mem>>) src(%dma_wait3A_35 : memref<40xi32, #tpu.memory_space<hbm>>) dst(%dma_wait3A_34 : memref<40xi32, #tpu.memory_space<vmem>>)
    %dma_wait3A_36 = arith.constant 0 : i32
    %dma_wait3A_37 = tpu.memref_slice %arg14[%rem3A_28, %dma_wait3A_36] : memref<4x40xi32, #tpu.memory_space<vmem>> -> memref<1x40xi32, #tpu.memory_space<vmem>>
    %dma_wait3A_38 = tpu.memref_squeeze %dma_wait3A_37 : memref<1x40xi32, #tpu.memory_space<vmem>> -> memref<40xi32, #tpu.memory_space<vmem>>
    %dma_wait3A_39 = tpu.memref_slice %arg3[%add3A_25] : memref<320000xi32, #tpu.memory_space<hbm>> -> memref<40xi32, #tpu.memory_space<hbm>>
    %dma_wait3A_40 = arith.constant 0 : i32
    %dma_wait3A_41 = tpu.memref_slice %arg14[%rem3A_28, %dma_wait3A_40] : memref<4x40xi32, #tpu.memory_space<vmem>> -> memref<1x40xi32, #tpu.memory_space<vmem>>
    %dma_wait3A_42 = tpu.memref_squeeze %dma_wait3A_41 : memref<1x40xi32, #tpu.memory_space<vmem>> -> memref<40xi32, #tpu.memory_space<vmem>>
    %dma_wait3A_43 = tpu.memref_slice %arg3[%add3A_25] : memref<320000xi32, #tpu.memory_space<hbm>> -> memref<40xi32, #tpu.memory_space<hbm>>
    tpu.wait_dma2 semaphore(%arg19 : memref<!tpu.dma_semaphore, #tpu.memory_space<semaphore_mem>>) src(%dma_wait3A_43 : memref<40xi32, #tpu.memory_space<hbm>>) dst(%dma_wait3A_42 : memref<40xi32, #tpu.memory_space<vmem>>)
    %add3A_44 = arith.constant 40 : i32
    %add3A_45 = arith.addi %mul3A_4, %add3A_44 : i32
    %rem3A_46 = arith.constant 1 : i32
    %rem3A_47 = arith.constant 4 : i32
    %rem3A_48 = arith.remsi %rem3A_46, %rem3A_47 : i32
    %dma_start3A_49 = arith.constant 0 : i32
    %dma_start3A_50 = tpu.memref_slice %arg13[%rem3A_48, %dma_start3A_49] : memref<4x40xi32, #tpu.memory_space<vmem>> -> memref<1x40xi32, #tpu.memory_space<vmem>>
    %dma_start3A_51 = tpu.memref_squeeze %dma_start3A_50 : memref<1x40xi32, #tpu.memory_space<vmem>> -> memref<40xi32, #tpu.memory_space<vmem>>
    %dma_start3A_52 = tpu.memref_slice %arg2[%add3A_45] : memref<320000xi32, #tpu.memory_space<hbm>> -> memref<40xi32, #tpu.memory_space<hbm>>
    %dma_start3A_53 = arith.constant 0 : i32
    %dma_start3A_54 = tpu.memref_slice %arg13[%rem3A_48, %dma_start3A_53] : memref<4x40xi32, #tpu.memory_space<vmem>> -> memref<1x40xi32, #tpu.memory_space<vmem>>
    %dma_start3A_55 = tpu.memref_squeeze %dma_start3A_54 : memref<1x40xi32, #tpu.memory_space<vmem>> -> memref<40xi32, #tpu.memory_space<vmem>>
    %dma_start3A_56 = tpu.memref_slice %arg2[%add3A_45] : memref<320000xi32, #tpu.memory_space<hbm>> -> memref<40xi32, #tpu.memory_space<hbm>>
    tpu.enqueue_dma source(%dma_start3A_56 : memref<40xi32, #tpu.memory_space<hbm>>) target(%dma_start3A_55 : memref<40xi32, #tpu.memory_space<vmem>>) target_semaphore(%arg19 : memref<!tpu.dma_semaphore, #tpu.memory_space<semaphore_mem>>)
    %dma_start3A_57 = arith.constant 0 : i32
    %dma_start3A_58 = tpu.memref_slice %arg14[%rem3A_48, %dma_start3A_57] : memref<4x40xi32, #tpu.memory_space<vmem>> -> memref<1x40xi32, #tpu.memory_space<vmem>>
    %dma_start3A_59 = tpu.memref_squeeze %dma_start3A_58 : memref<1x40xi32, #tpu.memory_space<vmem>> -> memref<40xi32, #tpu.memory_space<vmem>>
    %dma_start3A_60 = tpu.memref_slice %arg3[%add3A_45] : memref<320000xi32, #tpu.memory_space<hbm>> -> memref<40xi32, #tpu.memory_space<hbm>>
    %dma_start3A_61 = arith.constant 0 : i32
    %dma_start3A_62 = tpu.memref_slice %arg14[%rem3A_48, %dma_start3A_61] : memref<4x40xi32, #tpu.memory_space<vmem>> -> memref<1x40xi32, #tpu.memory_space<vmem>>
    %dma_start3A_63 = tpu.memref_squeeze %dma_start3A_62 : memref<1x40xi32, #tpu.memory_space<vmem>> -> memref<40xi32, #tpu.memory_space<vmem>>
    %dma_start3A_64 = tpu.memref_slice %arg3[%add3A_45] : memref<320000xi32, #tpu.memory_space<hbm>> -> memref<40xi32, #tpu.memory_space<hbm>>
    tpu.enqueue_dma source(%dma_start3A_64 : memref<40xi32, #tpu.memory_space<hbm>>) target(%dma_start3A_63 : memref<40xi32, #tpu.memory_space<vmem>>) target_semaphore(%arg19 : memref<!tpu.dma_semaphore, #tpu.memory_space<semaphore_mem>>)
    %add3A_65 = arith.constant 0 : i32
    %add3A_66 = arith.addi %mul3A_4, %add3A_65 : i32
    %rem3A_67 = arith.constant 0 : i32
    %rem3A_68 = arith.constant 4 : i32
    %rem3A_69 = arith.remsi %rem3A_67, %rem3A_68 : i32
    %rem3A_70 = arith.constant 0 : i32
    %rem3A_71 = arith.constant 3 : i32
    %rem3A_72 = arith.remsi %rem3A_70, %rem3A_71 : i32
    %rem3A_73 = arith.constant 0 : i32
    %rem3A_74 = arith.constant 2 : i32
    %rem3A_75 = arith.remsi %rem3A_73, %rem3A_74 : i32
    %dma_start3A_76 = arith.constant 0 : i32
    %dma_start3A_77 = arith.constant 0 : i32
    %dma_start3A_78 = tpu.memref_slice %arg17[%rem3A_72, %dma_start3A_76, %dma_start3A_77] : memref<3x40x144xf32, #tpu.memory_space<vmem>> -> memref<1x40x144xf32, #tpu.memory_space<vmem>>
    %dma_start3A_79 = tpu.memref_squeeze %dma_start3A_78 : memref<1x40x144xf32, #tpu.memory_space<vmem>> -> memref<40x144xf32, #tpu.memory_space<vmem>>
    %dma_start3A_80 = arith.constant 0 : i32
    %dma_start3A_81 = tpu.memref_slice %arg5[%add3A_66, %dma_start3A_80] : memref<320000x144xf32, #tpu.memory_space<hbm>> -> memref<40x144xf32, #tpu.memory_space<hbm>>
    %dma_start3A_82 = arith.constant 0 : i32
    %dma_start3A_83 = arith.constant 0 : i32
    %dma_start3A_84 = tpu.memref_slice %arg17[%rem3A_72, %dma_start3A_82, %dma_start3A_83] : memref<3x40x144xf32, #tpu.memory_space<vmem>> -> memref<1x40x144xf32, #tpu.memory_space<vmem>>
    %dma_start3A_85 = tpu.memref_squeeze %dma_start3A_84 : memref<1x40x144xf32, #tpu.memory_space<vmem>> -> memref<40x144xf32, #tpu.memory_space<vmem>>
    %dma_start3A_86 = arith.constant 0 : i32
    %dma_start3A_87 = tpu.memref_slice %arg5[%add3A_66, %dma_start3A_86] : memref<320000x144xf32, #tpu.memory_space<hbm>> -> memref<40x144xf32, #tpu.memory_space<hbm>>
    tpu.enqueue_dma source(%dma_start3A_87 : memref<40x144xf32, #tpu.memory_space<hbm>>) target(%dma_start3A_85 : memref<40x144xf32, #tpu.memory_space<vmem>>) target_semaphore(%arg20 : memref<!tpu.dma_semaphore, #tpu.memory_space<semaphore_mem>>)
    %dma_start3A_88 = arith.constant 0 : i32
    %dma_start3A_89 = arith.constant 0 : i32
    %dma_start3A_90 = tpu.memref_slice %arg15[%rem3A_75, %dma_start3A_88, %dma_start3A_89] : memref<2x40x64xi32, #tpu.memory_space<vmem>> -> memref<1x40x64xi32, #tpu.memory_space<vmem>>
    %dma_start3A_91 = tpu.memref_squeeze %dma_start3A_90 : memref<1x40x64xi32, #tpu.memory_space<vmem>> -> memref<40x64xi32, #tpu.memory_space<vmem>>
    %dma_start3A_92 = arith.constant 0 : i32
    %dma_start3A_93 = tpu.memref_slice %arg13[%rem3A_69, %dma_start3A_92] : memref<4x40xi32, #tpu.memory_space<vmem>> -> memref<1x40xi32, #tpu.memory_space<vmem>>
    %dma_start3A_94 = tpu.memref_squeeze %dma_start3A_93 : memref<1x40xi32, #tpu.memory_space<vmem>> -> memref<40xi32, #tpu.memory_space<vmem>>
    %dma_start3A_95 = arith.constant 0 : i32
    %dma_start3A_96 = arith.constant 0 : i32
    %dma_start3A_97 = tpu.memref_slice %arg7[%dma_start3A_95, %dma_start3A_96] : memref<10000x64xi32, #tpu.memory_space<hbm>> -> memref<10000x64xi32, #tpu.memory_space<hbm>>
    tpu.enqueue_indirect_dma source(%dma_start3A_97 : memref<10000x64xi32, #tpu.memory_space<hbm>>) target(%dma_start3A_91 : memref<40x64xi32, #tpu.memory_space<vmem>>) offsets(%dma_start3A_94 : memref<40xi32, #tpu.memory_space<vmem>>) semaphore(%arg20 : memref<!tpu.dma_semaphore, #tpu.memory_space<semaphore_mem>>)
    %dma_start3A_98 = arith.constant 0 : i32
    %dma_start3A_99 = arith.constant 0 : i32
    %dma_start3A_100 = tpu.memref_slice %arg16[%rem3A_75, %dma_start3A_98, %dma_start3A_99] : memref<2x40x64xi32, #tpu.memory_space<vmem>> -> memref<1x40x64xi32, #tpu.memory_space<vmem>>
    %dma_start3A_101 = tpu.memref_squeeze %dma_start3A_100 : memref<1x40x64xi32, #tpu.memory_space<vmem>> -> memref<40x64xi32, #tpu.memory_space<vmem>>
    %dma_start3A_102 = arith.constant 0 : i32
    %dma_start3A_103 = tpu.memref_slice %arg14[%rem3A_69, %dma_start3A_102] : memref<4x40xi32, #tpu.memory_space<vmem>> -> memref<1x40xi32, #tpu.memory_space<vmem>>
    %dma_start3A_104 = tpu.memref_squeeze %dma_start3A_103 : memref<1x40xi32, #tpu.memory_space<vmem>> -> memref<40xi32, #tpu.memory_space<vmem>>
    %dma_start3A_105 = arith.constant 0 : i32
    %dma_start3A_106 = arith.constant 0 : i32
    %dma_start3A_107 = tpu.memref_slice %arg8[%dma_start3A_105, %dma_start3A_106] : memref<10000x64xi32, #tpu.memory_space<hbm>> -> memref<10000x64xi32, #tpu.memory_space<hbm>>
    tpu.enqueue_indirect_dma source(%dma_start3A_107 : memref<10000x64xi32, #tpu.memory_space<hbm>>) target(%dma_start3A_101 : memref<40x64xi32, #tpu.memory_space<vmem>>) offsets(%dma_start3A_104 : memref<40xi32, #tpu.memory_space<vmem>>) semaphore(%arg20 : memref<!tpu.dma_semaphore, #tpu.memory_space<semaphore_mem>>)
    %scan3A = arith.constant 0 : i32
    %scan3A_108 = arith.constant 0 : i32
    %scan3A_109 = arith.constant 250 : i32
    %scan3A_110 = arith.addi %scan3A_108, %scan3A_109 : i32
    %scan3A_111 = arith.constant 1 : i32
    scf.for %scan3A_266 = %scan3A_108 to %scan3A_110 step %scan3A_111  : i32 {
      %ge3A = arith.constant 2 : i32
      %ge3A_267 = arith.cmpi sge, %scan3A_266, %ge3A : i32
      %convert_element_type3A = arith.extui %ge3A_267 : i1 to i32
      %cond3A = arith.constant 0 : i32
      %cond3A_268 = arith.cmpi ne, %convert_element_type3A, %cond3A : i32
      scf.if %cond3A_268 {
        %sub3A = arith.constant 2 : i32
        %sub3A_348 = arith.subi %scan3A_266, %sub3A : i32
        %rem3A_349 = arith.constant 3 : i32
        %rem3A_350 = arith.remsi %sub3A_348, %rem3A_349 : i32
        %rem3A_351 = arith.constant 4 : i32
        %rem3A_352 = arith.remsi %sub3A_348, %rem3A_351 : i32
        %dma_wait3A_353 = arith.constant 0 : i32
        %dma_wait3A_354 = arith.constant 0 : i32
        %dma_wait3A_355 = tpu.memref_slice %arg17[%rem3A_350, %dma_wait3A_353, %dma_wait3A_354] : memref<3x40x144xf32, #tpu.memory_space<vmem>> -> memref<1x40x144xf32, #tpu.memory_space<vmem>>
        %dma_wait3A_356 = tpu.memref_squeeze %dma_wait3A_355 : memref<1x40x144xf32, #tpu.memory_space<vmem>> -> memref<40x144xf32, #tpu.memory_space<vmem>>
        %dma_wait3A_357 = arith.constant 0 : i32
        %dma_wait3A_358 = tpu.memref_slice %arg13[%rem3A_352, %dma_wait3A_357] : memref<4x40xi32, #tpu.memory_space<vmem>> -> memref<1x40xi32, #tpu.memory_space<vmem>>
        %dma_wait3A_359 = tpu.memref_squeeze %dma_wait3A_358 : memref<1x40xi32, #tpu.memory_space<vmem>> -> memref<40xi32, #tpu.memory_space<vmem>>
        %dma_wait3A_360 = arith.constant 0 : i32
        %dma_wait3A_361 = arith.constant 0 : i32
        %dma_wait3A_362 = tpu.memref_slice %arg18[%dma_wait3A_360, %dma_wait3A_361] : memref<10240x144xf32, #tpu.memory_space<vmem_shared>> -> memref<10240x144xf32, #tpu.memory_space<vmem_shared>>
        tpu.wait_indirect_dma semaphore(%arg21 : memref<!tpu.dma_semaphore, #tpu.memory_space<semaphore_mem>>) src(%dma_wait3A_356 : memref<40x144xf32, #tpu.memory_space<vmem>>) dst(%dma_wait3A_362 : memref<10240x144xf32, #tpu.memory_space<vmem_shared>>)
      } else {
      }
      %add3A_269 = arith.constant 2 : i32
      %add3A_270 = arith.addi %scan3A_266, %add3A_269 : i32
      %lt3A = arith.constant 250 : i32
      %lt3A_271 = arith.cmpi slt, %add3A_270, %lt3A : i32
      %convert_element_type3A_272 = arith.extui %lt3A_271 : i1 to i32
      %cond3A_273 = arith.constant 0 : i32
      %cond3A_274 = arith.cmpi ne, %convert_element_type3A_272, %cond3A_273 : i32
      scf.if %cond3A_274 {
        %add3A_348 = arith.constant 2 : i32
        %add3A_349 = arith.addi %scan3A_266, %add3A_348 : i32
        %mul3A_350 = arith.constant 40 : i32
        %mul3A_351 = arith.muli %add3A_349, %mul3A_350 : i32
        %add3A_352 = arith.addi %mul3A_4, %mul3A_351 : i32
        %rem3A_353 = arith.constant 4 : i32
        %rem3A_354 = arith.remsi %add3A_349, %rem3A_353 : i32
        %dma_start3A_355 = arith.constant 0 : i32
        %dma_start3A_356 = tpu.memref_slice %arg13[%rem3A_354, %dma_start3A_355] : memref<4x40xi32, #tpu.memory_space<vmem>> -> memref<1x40xi32, #tpu.memory_space<vmem>>
        %dma_start3A_357 = tpu.memref_squeeze %dma_start3A_356 : memref<1x40xi32, #tpu.memory_space<vmem>> -> memref<40xi32, #tpu.memory_space<vmem>>
        %dma_start3A_358 = tpu.memref_slice %arg2[%add3A_352] : memref<320000xi32, #tpu.memory_space<hbm>> -> memref<40xi32, #tpu.memory_space<hbm>>
        %dma_start3A_359 = arith.constant 0 : i32
        %dma_start3A_360 = tpu.memref_slice %arg13[%rem3A_354, %dma_start3A_359] : memref<4x40xi32, #tpu.memory_space<vmem>> -> memref<1x40xi32, #tpu.memory_space<vmem>>
        %dma_start3A_361 = tpu.memref_squeeze %dma_start3A_360 : memref<1x40xi32, #tpu.memory_space<vmem>> -> memref<40xi32, #tpu.memory_space<vmem>>
        %dma_start3A_362 = tpu.memref_slice %arg2[%add3A_352] : memref<320000xi32, #tpu.memory_space<hbm>> -> memref<40xi32, #tpu.memory_space<hbm>>
        tpu.enqueue_dma source(%dma_start3A_362 : memref<40xi32, #tpu.memory_space<hbm>>) target(%dma_start3A_361 : memref<40xi32, #tpu.memory_space<vmem>>) target_semaphore(%arg19 : memref<!tpu.dma_semaphore, #tpu.memory_space<semaphore_mem>>)
        %dma_start3A_363 = arith.constant 0 : i32
        %dma_start3A_364 = tpu.memref_slice %arg14[%rem3A_354, %dma_start3A_363] : memref<4x40xi32, #tpu.memory_space<vmem>> -> memref<1x40xi32, #tpu.memory_space<vmem>>
        %dma_start3A_365 = tpu.memref_squeeze %dma_start3A_364 : memref<1x40xi32, #tpu.memory_space<vmem>> -> memref<40xi32, #tpu.memory_space<vmem>>
        %dma_start3A_366 = tpu.memref_slice %arg3[%add3A_352] : memref<320000xi32, #tpu.memory_space<hbm>> -> memref<40xi32, #tpu.memory_space<hbm>>
        %dma_start3A_367 = arith.constant 0 : i32
        %dma_start3A_368 = tpu.memref_slice %arg14[%rem3A_354, %dma_start3A_367] : memref<4x40xi32, #tpu.memory_space<vmem>> -> memref<1x40xi32, #tpu.memory_space<vmem>>
        %dma_start3A_369 = tpu.memref_squeeze %dma_start3A_368 : memref<1x40xi32, #tpu.memory_space<vmem>> -> memref<40xi32, #tpu.memory_space<vmem>>
        %dma_start3A_370 = tpu.memref_slice %arg3[%add3A_352] : memref<320000xi32, #tpu.memory_space<hbm>> -> memref<40xi32, #tpu.memory_space<hbm>>
        tpu.enqueue_dma source(%dma_start3A_370 : memref<40xi32, #tpu.memory_space<hbm>>) target(%dma_start3A_369 : memref<40xi32, #tpu.memory_space<vmem>>) target_semaphore(%arg19 : memref<!tpu.dma_semaphore, #tpu.memory_space<semaphore_mem>>)
      } else {
      }
      %add3A_275 = arith.constant 1 : i32
      %add3A_276 = arith.addi %scan3A_266, %add3A_275 : i32
      %lt3A_277 = arith.constant 250 : i32
      %lt3A_278 = arith.cmpi slt, %add3A_276, %lt3A_277 : i32
      %convert_element_type3A_279 = arith.extui %lt3A_278 : i1 to i32
      %cond3A_280 = arith.constant 0 : i32
      %cond3A_281 = arith.cmpi ne, %convert_element_type3A_279, %cond3A_280 : i32
      scf.if %cond3A_281 {
        %add3A_348 = arith.constant 1 : i32
        %add3A_349 = arith.addi %scan3A_266, %add3A_348 : i32
        %mul3A_350 = arith.constant 40 : i32
        %mul3A_351 = arith.muli %add3A_349, %mul3A_350 : i32
        %add3A_352 = arith.addi %mul3A_4, %mul3A_351 : i32
        %rem3A_353 = arith.constant 4 : i32
        %rem3A_354 = arith.remsi %add3A_349, %rem3A_353 : i32
        %dma_wait3A_355 = arith.constant 0 : i32
        %dma_wait3A_356 = tpu.memref_slice %arg13[%rem3A_354, %dma_wait3A_355] : memref<4x40xi32, #tpu.memory_space<vmem>> -> memref<1x40xi32, #tpu.memory_space<vmem>>
        %dma_wait3A_357 = tpu.memref_squeeze %dma_wait3A_356 : memref<1x40xi32, #tpu.memory_space<vmem>> -> memref<40xi32, #tpu.memory_space<vmem>>
        %dma_wait3A_358 = tpu.memref_slice %arg2[%add3A_352] : memref<320000xi32, #tpu.memory_space<hbm>> -> memref<40xi32, #tpu.memory_space<hbm>>
        %dma_wait3A_359 = arith.constant 0 : i32
        %dma_wait3A_360 = tpu.memref_slice %arg13[%rem3A_354, %dma_wait3A_359] : memref<4x40xi32, #tpu.memory_space<vmem>> -> memref<1x40xi32, #tpu.memory_space<vmem>>
        %dma_wait3A_361 = tpu.memref_squeeze %dma_wait3A_360 : memref<1x40xi32, #tpu.memory_space<vmem>> -> memref<40xi32, #tpu.memory_space<vmem>>
        %dma_wait3A_362 = tpu.memref_slice %arg2[%add3A_352] : memref<320000xi32, #tpu.memory_space<hbm>> -> memref<40xi32, #tpu.memory_space<hbm>>
        tpu.wait_dma2 semaphore(%arg19 : memref<!tpu.dma_semaphore, #tpu.memory_space<semaphore_mem>>) src(%dma_wait3A_362 : memref<40xi32, #tpu.memory_space<hbm>>) dst(%dma_wait3A_361 : memref<40xi32, #tpu.memory_space<vmem>>)
        %dma_wait3A_363 = arith.constant 0 : i32
        %dma_wait3A_364 = tpu.memref_slice %arg14[%rem3A_354, %dma_wait3A_363] : memref<4x40xi32, #tpu.memory_space<vmem>> -> memref<1x40xi32, #tpu.memory_space<vmem>>
        %dma_wait3A_365 = tpu.memref_squeeze %dma_wait3A_364 : memref<1x40xi32, #tpu.memory_space<vmem>> -> memref<40xi32, #tpu.memory_space<vmem>>
        %dma_wait3A_366 = tpu.memref_slice %arg3[%add3A_352] : memref<320000xi32, #tpu.memory_space<hbm>> -> memref<40xi32, #tpu.memory_space<hbm>>
        %dma_wait3A_367 = arith.constant 0 : i32
        %dma_wait3A_368 = tpu.memref_slice %arg14[%rem3A_354, %dma_wait3A_367] : memref<4x40xi32, #tpu.memory_space<vmem>> -> memref<1x40xi32, #tpu.memory_space<vmem>>
        %dma_wait3A_369 = tpu.memref_squeeze %dma_wait3A_368 : memref<1x40xi32, #tpu.memory_space<vmem>> -> memref<40xi32, #tpu.memory_space<vmem>>
        %dma_wait3A_370 = tpu.memref_slice %arg3[%add3A_352] : memref<320000xi32, #tpu.memory_space<hbm>> -> memref<40xi32, #tpu.memory_space<hbm>>
        tpu.wait_dma2 semaphore(%arg19 : memref<!tpu.dma_semaphore, #tpu.memory_space<semaphore_mem>>) src(%dma_wait3A_370 : memref<40xi32, #tpu.memory_space<hbm>>) dst(%dma_wait3A_369 : memref<40xi32, #tpu.memory_space<vmem>>)
        %add3A_371 = arith.constant 1 : i32
        %add3A_372 = arith.addi %scan3A_266, %add3A_371 : i32
        %mul3A_373 = arith.constant 40 : i32
        %mul3A_374 = arith.muli %add3A_372, %mul3A_373 : i32
        %add3A_375 = arith.addi %mul3A_4, %mul3A_374 : i32
        %rem3A_376 = arith.constant 4 : i32
        %rem3A_377 = arith.remsi %add3A_372, %rem3A_376 : i32
        %rem3A_378 = arith.constant 3 : i32
        %rem3A_379 = arith.remsi %add3A_372, %rem3A_378 : i32
        %rem3A_380 = arith.constant 2 : i32
        %rem3A_381 = arith.remsi %add3A_372, %rem3A_380 : i32
        %dma_start3A_382 = arith.constant 0 : i32
        %dma_start3A_383 = arith.constant 0 : i32
        %dma_start3A_384 = tpu.memref_slice %arg17[%rem3A_379, %dma_start3A_382, %dma_start3A_383] : memref<3x40x144xf32, #tpu.memory_space<vmem>> -> memref<1x40x144xf32, #tpu.memory_space<vmem>>
        %dma_start3A_385 = tpu.memref_squeeze %dma_start3A_384 : memref<1x40x144xf32, #tpu.memory_space<vmem>> -> memref<40x144xf32, #tpu.memory_space<vmem>>
        %dma_start3A_386 = arith.constant 0 : i32
        %dma_start3A_387 = tpu.memref_slice %arg5[%add3A_375, %dma_start3A_386] : memref<320000x144xf32, #tpu.memory_space<hbm>> -> memref<40x144xf32, #tpu.memory_space<hbm>>
        %dma_start3A_388 = arith.constant 0 : i32
        %dma_start3A_389 = arith.constant 0 : i32
        %dma_start3A_390 = tpu.memref_slice %arg17[%rem3A_379, %dma_start3A_388, %dma_start3A_389] : memref<3x40x144xf32, #tpu.memory_space<vmem>> -> memref<1x40x144xf32, #tpu.memory_space<vmem>>
        %dma_start3A_391 = tpu.memref_squeeze %dma_start3A_390 : memref<1x40x144xf32, #tpu.memory_space<vmem>> -> memref<40x144xf32, #tpu.memory_space<vmem>>
        %dma_start3A_392 = arith.constant 0 : i32
        %dma_start3A_393 = tpu.memref_slice %arg5[%add3A_375, %dma_start3A_392] : memref<320000x144xf32, #tpu.memory_space<hbm>> -> memref<40x144xf32, #tpu.memory_space<hbm>>
        tpu.enqueue_dma source(%dma_start3A_393 : memref<40x144xf32, #tpu.memory_space<hbm>>) target(%dma_start3A_391 : memref<40x144xf32, #tpu.memory_space<vmem>>) target_semaphore(%arg20 : memref<!tpu.dma_semaphore, #tpu.memory_space<semaphore_mem>>)
        %dma_start3A_394 = arith.constant 0 : i32
        %dma_start3A_395 = arith.constant 0 : i32
        %dma_start3A_396 = tpu.memref_slice %arg15[%rem3A_381, %dma_start3A_394, %dma_start3A_395] : memref<2x40x64xi32, #tpu.memory_space<vmem>> -> memref<1x40x64xi32, #tpu.memory_space<vmem>>
        %dma_start3A_397 = tpu.memref_squeeze %dma_start3A_396 : memref<1x40x64xi32, #tpu.memory_space<vmem>> -> memref<40x64xi32, #tpu.memory_space<vmem>>
        %dma_start3A_398 = arith.constant 0 : i32
        %dma_start3A_399 = tpu.memref_slice %arg13[%rem3A_377, %dma_start3A_398] : memref<4x40xi32, #tpu.memory_space<vmem>> -> memref<1x40xi32, #tpu.memory_space<vmem>>
        %dma_start3A_400 = tpu.memref_squeeze %dma_start3A_399 : memref<1x40xi32, #tpu.memory_space<vmem>> -> memref<40xi32, #tpu.memory_space<vmem>>
        %dma_start3A_401 = arith.constant 0 : i32
        %dma_start3A_402 = arith.constant 0 : i32
        %dma_start3A_403 = tpu.memref_slice %arg7[%dma_start3A_401, %dma_start3A_402] : memref<10000x64xi32, #tpu.memory_space<hbm>> -> memref<10000x64xi32, #tpu.memory_space<hbm>>
        tpu.enqueue_indirect_dma source(%dma_start3A_403 : memref<10000x64xi32, #tpu.memory_space<hbm>>) target(%dma_start3A_397 : memref<40x64xi32, #tpu.memory_space<vmem>>) offsets(%dma_start3A_400 : memref<40xi32, #tpu.memory_space<vmem>>) semaphore(%arg20 : memref<!tpu.dma_semaphore, #tpu.memory_space<semaphore_mem>>)
        %dma_start3A_404 = arith.constant 0 : i32
        %dma_start3A_405 = arith.constant 0 : i32
        %dma_start3A_406 = tpu.memref_slice %arg16[%rem3A_381, %dma_start3A_404, %dma_start3A_405] : memref<2x40x64xi32, #tpu.memory_space<vmem>> -> memref<1x40x64xi32, #tpu.memory_space<vmem>>
        %dma_start3A_407 = tpu.memref_squeeze %dma_start3A_406 : memref<1x40x64xi32, #tpu.memory_space<vmem>> -> memref<40x64xi32, #tpu.memory_space<vmem>>
        %dma_start3A_408 = arith.constant 0 : i32
        %dma_start3A_409 = tpu.memref_slice %arg14[%rem3A_377, %dma_start3A_408] : memref<4x40xi32, #tpu.memory_space<vmem>> -> memref<1x40xi32, #tpu.memory_space<vmem>>
        %dma_start3A_410 = tpu.memref_squeeze %dma_start3A_409 : memref<1x40xi32, #tpu.memory_space<vmem>> -> memref<40xi32, #tpu.memory_space<vmem>>
        %dma_start3A_411 = arith.constant 0 : i32
        %dma_start3A_412 = arith.constant 0 : i32
        %dma_start3A_413 = tpu.memref_slice %arg8[%dma_start3A_411, %dma_start3A_412] : memref<10000x64xi32, #tpu.memory_space<hbm>> -> memref<10000x64xi32, #tpu.memory_space<hbm>>
        tpu.enqueue_indirect_dma source(%dma_start3A_413 : memref<10000x64xi32, #tpu.memory_space<hbm>>) target(%dma_start3A_407 : memref<40x64xi32, #tpu.memory_space<vmem>>) offsets(%dma_start3A_410 : memref<40xi32, #tpu.memory_space<vmem>>) semaphore(%arg20 : memref<!tpu.dma_semaphore, #tpu.memory_space<semaphore_mem>>)
      } else {
      }
      %mul3A_282 = arith.constant 40 : i32
      %mul3A_283 = arith.muli %scan3A_266, %mul3A_282 : i32
      %add3A_284 = arith.addi %mul3A_4, %mul3A_283 : i32
      %rem3A_285 = arith.constant 4 : i32
      %rem3A_286 = arith.remsi %scan3A_266, %rem3A_285 : i32
      %rem3A_287 = arith.constant 3 : i32
      %rem3A_288 = arith.remsi %scan3A_266, %rem3A_287 : i32
      %rem3A_289 = arith.constant 2 : i32
      %rem3A_290 = arith.remsi %scan3A_266, %rem3A_289 : i32
      %dma_wait3A_291 = arith.constant 0 : i32
      %dma_wait3A_292 = arith.constant 0 : i32
      %dma_wait3A_293 = tpu.memref_slice %arg17[%rem3A_288, %dma_wait3A_291, %dma_wait3A_292] : memref<3x40x144xf32, #tpu.memory_space<vmem>> -> memref<1x40x144xf32, #tpu.memory_space<vmem>>
      %dma_wait3A_294 = tpu.memref_squeeze %dma_wait3A_293 : memref<1x40x144xf32, #tpu.memory_space<vmem>> -> memref<40x144xf32, #tpu.memory_space<vmem>>
      %dma_wait3A_295 = arith.constant 0 : i32
      %dma_wait3A_296 = tpu.memref_slice %arg5[%add3A_284, %dma_wait3A_295] : memref<320000x144xf32, #tpu.memory_space<hbm>> -> memref<40x144xf32, #tpu.memory_space<hbm>>
      %dma_wait3A_297 = arith.constant 0 : i32
      %dma_wait3A_298 = arith.constant 0 : i32
      %dma_wait3A_299 = tpu.memref_slice %arg17[%rem3A_288, %dma_wait3A_297, %dma_wait3A_298] : memref<3x40x144xf32, #tpu.memory_space<vmem>> -> memref<1x40x144xf32, #tpu.memory_space<vmem>>
      %dma_wait3A_300 = tpu.memref_squeeze %dma_wait3A_299 : memref<1x40x144xf32, #tpu.memory_space<vmem>> -> memref<40x144xf32, #tpu.memory_space<vmem>>
      %dma_wait3A_301 = arith.constant 0 : i32
      %dma_wait3A_302 = tpu.memref_slice %arg5[%add3A_284, %dma_wait3A_301] : memref<320000x144xf32, #tpu.memory_space<hbm>> -> memref<40x144xf32, #tpu.memory_space<hbm>>
      tpu.wait_dma2 semaphore(%arg20 : memref<!tpu.dma_semaphore, #tpu.memory_space<semaphore_mem>>) src(%dma_wait3A_302 : memref<40x144xf32, #tpu.memory_space<hbm>>) dst(%dma_wait3A_300 : memref<40x144xf32, #tpu.memory_space<vmem>>)
      %dma_wait3A_303 = arith.constant 0 : i32
      %dma_wait3A_304 = arith.constant 0 : i32
      %dma_wait3A_305 = tpu.memref_slice %arg15[%rem3A_290, %dma_wait3A_303, %dma_wait3A_304] : memref<2x40x64xi32, #tpu.memory_space<vmem>> -> memref<1x40x64xi32, #tpu.memory_space<vmem>>
      %dma_wait3A_306 = tpu.memref_squeeze %dma_wait3A_305 : memref<1x40x64xi32, #tpu.memory_space<vmem>> -> memref<40x64xi32, #tpu.memory_space<vmem>>
      %dma_wait3A_307 = arith.constant 0 : i32
      %dma_wait3A_308 = tpu.memref_slice %arg13[%rem3A_286, %dma_wait3A_307] : memref<4x40xi32, #tpu.memory_space<vmem>> -> memref<1x40xi32, #tpu.memory_space<vmem>>
      %dma_wait3A_309 = tpu.memref_squeeze %dma_wait3A_308 : memref<1x40xi32, #tpu.memory_space<vmem>> -> memref<40xi32, #tpu.memory_space<vmem>>
      %dma_wait3A_310 = arith.constant 0 : i32
      %dma_wait3A_311 = arith.constant 0 : i32
      %dma_wait3A_312 = tpu.memref_slice %arg7[%dma_wait3A_310, %dma_wait3A_311] : memref<10000x64xi32, #tpu.memory_space<hbm>> -> memref<10000x64xi32, #tpu.memory_space<hbm>>
      tpu.wait_indirect_dma semaphore(%arg20 : memref<!tpu.dma_semaphore, #tpu.memory_space<semaphore_mem>>) src(%dma_wait3A_312 : memref<10000x64xi32, #tpu.memory_space<hbm>>) dst(%dma_wait3A_306 : memref<40x64xi32, #tpu.memory_space<vmem>>)
      %dma_wait3A_313 = arith.constant 0 : i32
      %dma_wait3A_314 = arith.constant 0 : i32
      %dma_wait3A_315 = tpu.memref_slice %arg16[%rem3A_290, %dma_wait3A_313, %dma_wait3A_314] : memref<2x40x64xi32, #tpu.memory_space<vmem>> -> memref<1x40x64xi32, #tpu.memory_space<vmem>>
      %dma_wait3A_316 = tpu.memref_squeeze %dma_wait3A_315 : memref<1x40x64xi32, #tpu.memory_space<vmem>> -> memref<40x64xi32, #tpu.memory_space<vmem>>
      %dma_wait3A_317 = arith.constant 0 : i32
      %dma_wait3A_318 = tpu.memref_slice %arg14[%rem3A_286, %dma_wait3A_317] : memref<4x40xi32, #tpu.memory_space<vmem>> -> memref<1x40xi32, #tpu.memory_space<vmem>>
      %dma_wait3A_319 = tpu.memref_squeeze %dma_wait3A_318 : memref<1x40xi32, #tpu.memory_space<vmem>> -> memref<40xi32, #tpu.memory_space<vmem>>
      %dma_wait3A_320 = arith.constant 0 : i32
      %dma_wait3A_321 = arith.constant 0 : i32
      %dma_wait3A_322 = tpu.memref_slice %arg8[%dma_wait3A_320, %dma_wait3A_321] : memref<10000x64xi32, #tpu.memory_space<hbm>> -> memref<10000x64xi32, #tpu.memory_space<hbm>>
      tpu.wait_indirect_dma semaphore(%arg20 : memref<!tpu.dma_semaphore, #tpu.memory_space<semaphore_mem>>) src(%dma_wait3A_322 : memref<10000x64xi32, #tpu.memory_space<hbm>>) dst(%dma_wait3A_316 : memref<40x64xi32, #tpu.memory_space<vmem>>)
      %rem3A_323 = arith.constant 3 : i32
      %rem3A_324 = arith.remsi %scan3A_266, %rem3A_323 : i32
      %rem3A_325 = arith.constant 2 : i32
      %rem3A_326 = arith.remsi %scan3A_266, %rem3A_325 : i32
      %broadcast_in_dim3A = arith.constant -65536 : i32
      %broadcast_in_dim3A_327 = vector.broadcast %broadcast_in_dim3A : i32 to vector<16xi32>
      %scan3A_328 = arith.constant 0 : i32
      %scan3A_329 = arith.constant 0 : i32
      %scan3A_330 = arith.constant 40 : i32
      %scan3A_331 = arith.addi %scan3A_329, %scan3A_330 : i32
      %scan3A_332 = arith.constant 8 : i32
      scf.for %scan3A_348 = %scan3A_329 to %scan3A_331 step %scan3A_332  : i32 {
        %get3A = arith.index_cast %rem3A_326 : i32 to index
        %get3A_349 = arith.index_cast %scan3A_348 : i32 to index
        %get3A_350 = arith.constant 0 : index
        %get3A_351 = tpu.vector_load %arg15[%get3A, %get3A_349, %get3A_350] {strides = array<i32>} : memref<2x40x64xi32, #tpu.memory_space<vmem>>, vector<16xi32>,
        %shift_left3A = arith.constant 16 : i32
        %shift_left3A_352 = vector.broadcast %shift_left3A : i32 to vector<16xi32>
        %shift_left3A_353 = arith.shli %get3A_351, %shift_left3A_352 : vector<16xi32>
        %bitcast3A = vector.bitcast %shift_left3A_353 : vector<16xi32> to vector<16xf32>
        %and3A = arith.andi %get3A_351, %broadcast_in_dim3A_327 : vector<16xi32>
        %bitcast3A_354 = vector.bitcast %and3A : vector<16xi32> to vector<16xf32>
        %get3A_355 = arith.index_cast %rem3A_326 : i32 to index
        %get3A_356 = arith.index_cast %scan3A_348 : i32 to index
        %get3A_357 = arith.constant 0 : index
        %get3A_358 = tpu.vector_load %arg16[%get3A_355, %get3A_356, %get3A_357] {strides = array<i32>} : memref<2x40x64xi32, #tpu.memory_space<vmem>>, vector<16xi32>,
        %shift_left3A_359 = arith.constant 16 : i32
        %shift_left3A_360 = vector.broadcast %shift_left3A_359 : i32 to vector<16xi32>
        %shift_left3A_361 = arith.shli %get3A_358, %shift_left3A_360 : vector<16xi32>
        %bitcast3A_362 = vector.bitcast %shift_left3A_361 : vector<16xi32> to vector<16xf32>
        %add3A_363 = arith.addf %bitcast3A, %bitcast3A_362 : vector<16xf32>
        %and3A_364 = arith.andi %get3A_358, %broadcast_in_dim3A_327 : vector<16xi32>
        %bitcast3A_365 = vector.bitcast %and3A_364 : vector<16xi32> to vector<16xf32>
        %add3A_366 = arith.addf %bitcast3A_354, %bitcast3A_365 : vector<16xf32>
        %get3A_367 = arith.index_cast %rem3A_324 : i32 to index
        %get3A_368 = arith.index_cast %scan3A_348 : i32 to index
        %get3A_369 = arith.constant 0 : index
        %get3A_370 = tpu.vector_load %arg17[%get3A_367, %get3A_368, %get3A_369] {strides = array<i32>} : memref<3x40x144xf32, #tpu.memory_space<vmem>>, vector<16xf32>,
        %add3A_371 = arith.addf %get3A_370, %add3A_363 : vector<16xf32>
        %neg3A = arith.constant 0.000000e+00 : f32
        %neg3A_372 = vector.broadcast %neg3A : f32 to vector<16xf32>
        %neg3A_373 = arith.subf %neg3A_372, %add3A_371 : vector<16xf32>
        %exp3A = math.exp %neg3A_373 : vector<16xf32>
        %add3A_374 = arith.constant 1.000000e+00 : f32
        %add3A_375 = vector.broadcast %add3A_374 : f32 to vector<16xf32>
        %add3A_376 = arith.addf %add3A_375, %exp3A : vector<16xf32>
        %div3A = arith.divf %add3A_371, %add3A_376 : vector<16xf32>
        %swap3A = arith.index_cast %rem3A_324 : i32 to index
        %swap3A_377 = arith.index_cast %scan3A_348 : i32 to index
        %swap3A_378 = arith.constant 0 : index
        %swap3A_379 = tpu.vector_load %arg17[%swap3A, %swap3A_377, %swap3A_378] {strides = array<i32>} : memref<3x40x144xf32, #tpu.memory_space<vmem>>, vector<16xf32>,
        tpu.vector_store %arg17[%swap3A, %swap3A_377, %swap3A_378], %div3A {strides = array<i32>} : memref<3x40x144xf32, #tpu.memory_space<vmem>>, vector<16xf32>,
        %get3A_380 = arith.index_cast %rem3A_324 : i32 to index
        %get3A_381 = arith.index_cast %scan3A_348 : i32 to index
        %get3A_382 = arith.constant 16 : index
        %get3A_383 = tpu.vector_load %arg17[%get3A_380, %get3A_381, %get3A_382] {strides = array<i32>} : memref<3x40x144xf32, #tpu.memory_space<vmem>>, vector<16xf32>,
        %add3A_384 = arith.addf %get3A_383, %add3A_366 : vector<16xf32>
        %neg3A_385 = arith.constant 0.000000e+00 : f32
        %neg3A_386 = vector.broadcast %neg3A_385 : f32 to vector<16xf32>
        %neg3A_387 = arith.subf %neg3A_386, %add3A_384 : vector<16xf32>
        %exp3A_388 = math.exp %neg3A_387 : vector<16xf32>
        %add3A_389 = arith.constant 1.000000e+00 : f32
        %add3A_390 = vector.broadcast %add3A_389 : f32 to vector<16xf32>
        %add3A_391 = arith.addf %add3A_390, %exp3A_388 : vector<16xf32>
        %div3A_392 = arith.divf %add3A_384, %add3A_391 : vector<16xf32>
        %swap3A_393 = arith.index_cast %rem3A_324 : i32 to index
        %swap3A_394 = arith.index_cast %scan3A_348 : i32 to index
        %swap3A_395 = arith.constant 16 : index
        %swap3A_396 = tpu.vector_load %arg17[%swap3A_393, %swap3A_394, %swap3A_395] {strides = array<i32>} : memref<3x40x144xf32, #tpu.memory_space<vmem>>, vector<16xf32>,
        tpu.vector_store %arg17[%swap3A_393, %swap3A_394, %swap3A_395], %div3A_392 {strides = array<i32>} : memref<3x40x144xf32, #tpu.memory_space<vmem>>, vector<16xf32>,
        %get3A_397 = arith.index_cast %rem3A_326 : i32 to index
        %get3A_398 = arith.index_cast %scan3A_348 : i32 to index
        %get3A_399 = arith.constant 16 : index
        %get3A_400 = tpu.vector_load %arg15[%get3A_397, %get3A_398, %get3A_399] {strides = array<i32>} : memref<2x40x64xi32, #tpu.memory_space<vmem>>, vector<16xi32>,
        %shift_left3A_401 = arith.constant 16 : i32
        %shift_left3A_402 = vector.broadcast %shift_left3A_401 : i32 to vector<16xi32>
        %shift_left3A_403 = arith.shli %get3A_400, %shift_left3A_402 : vector<16xi32>
        %bitcast3A_404 = vector.bitcast %shift_left3A_403 : vector<16xi32> to vector<16xf32>
        %and3A_405 = arith.andi %get3A_400, %broadcast_in_dim3A_327 : vector<16xi32>
        %bitcast3A_406 = vector.bitcast %and3A_405 : vector<16xi32> to vector<16xf32>
        %get3A_407 = arith.index_cast %rem3A_326 : i32 to index
        %get3A_408 = arith.index_cast %scan3A_348 : i32 to index
        %get3A_409 = arith.constant 16 : index
        %get3A_410 = tpu.vector_load %arg16[%get3A_407, %get3A_408, %get3A_409] {strides = array<i32>} : memref<2x40x64xi32, #tpu.memory_space<vmem>>, vector<16xi32>,
        %shift_left3A_411 = arith.constant 16 : i32
        %shift_left3A_412 = vector.broadcast %shift_left3A_411 : i32 to vector<16xi32>
        %shift_left3A_413 = arith.shli %get3A_410, %shift_left3A_412 : vector<16xi32>
        %bitcast3A_414 = vector.bitcast %shift_left3A_413 : vector<16xi32> to vector<16xf32>
        %add3A_415 = arith.addf %bitcast3A_404, %bitcast3A_414 : vector<16xf32>
        %and3A_416 = arith.andi %get3A_410, %broadcast_in_dim3A_327 : vector<16xi32>
        %bitcast3A_417 = vector.bitcast %and3A_416 : vector<16xi32> to vector<16xf32>
        %add3A_418 = arith.addf %bitcast3A_406, %bitcast3A_417 : vector<16xf32>
        %get3A_419 = arith.index_cast %rem3A_324 : i32 to index
        %get3A_420 = arith.index_cast %scan3A_348 : i32 to index
        %get3A_421 = arith.constant 32 : index
        %get3A_422 = tpu.vector_load %arg17[%get3A_419, %get3A_420, %get3A_421] {strides = array<i32>} : memref<3x40x144xf32, #tpu.memory_space<vmem>>, vector<16xf32>,
        %add3A_423 = arith.addf %get3A_422, %add3A_415 : vector<16xf32>
        %neg3A_424 = arith.constant 0.000000e+00 : f32
        %neg3A_425 = vector.broadcast %neg3A_424 : f32 to vector<16xf32>
        %neg3A_426 = arith.subf %neg3A_425, %add3A_423 : vector<16xf32>
        %exp3A_427 = math.exp %neg3A_426 : vector<16xf32>
        %add3A_428 = arith.constant 1.000000e+00 : f32
        %add3A_429 = vector.broadcast %add3A_428 : f32 to vector<16xf32>
        %add3A_430 = arith.addf %add3A_429, %exp3A_427 : vector<16xf32>
        %div3A_431 = arith.divf %add3A_423, %add3A_430 : vector<16xf32>
        %swap3A_432 = arith.index_cast %rem3A_324 : i32 to index
        %swap3A_433 = arith.index_cast %scan3A_348 : i32 to index
        %swap3A_434 = arith.constant 32 : index
        %swap3A_435 = tpu.vector_load %arg17[%swap3A_432, %swap3A_433, %swap3A_434] {strides = array<i32>} : memref<3x40x144xf32, #tpu.memory_space<vmem>>, vector<16xf32>,
        tpu.vector_store %arg17[%swap3A_432, %swap3A_433, %swap3A_434], %div3A_431 {strides = array<i32>} : memref<3x40x144xf32, #tpu.memory_space<vmem>>, vector<16xf32>,
        %get3A_436 = arith.index_cast %rem3A_324 : i32 to index
        %get3A_437 = arith.index_cast %scan3A_348 : i32 to index
        %get3A_438 = arith.constant 48 : index
        %get3A_439 = tpu.vector_load %arg17[%get3A_436, %get3A_437, %get3A_438] {strides = array<i32>} : memref<3x40x144xf32, #tpu.memory_space<vmem>>, vector<16xf32>,
        %add3A_440 = arith.addf %get3A_439, %add3A_418 : vector<16xf32>
        %neg3A_441 = arith.constant 0.000000e+00 : f32
        %neg3A_442 = vector.broadcast %neg3A_441 : f32 to vector<16xf32>
        %neg3A_443 = arith.subf %neg3A_442, %add3A_440 : vector<16xf32>
        %exp3A_444 = math.exp %neg3A_443 : vector<16xf32>
        %add3A_445 = arith.constant 1.000000e+00 : f32
        %add3A_446 = vector.broadcast %add3A_445 : f32 to vector<16xf32>
        %add3A_447 = arith.addf %add3A_446, %exp3A_444 : vector<16xf32>
        %div3A_448 = arith.divf %add3A_440, %add3A_447 : vector<16xf32>
        %swap3A_449 = arith.index_cast %rem3A_324 : i32 to index
        %swap3A_450 = arith.index_cast %scan3A_348 : i32 to index
        %swap3A_451 = arith.constant 48 : index
        %swap3A_452 = tpu.vector_load %arg17[%swap3A_449, %swap3A_450, %swap3A_451] {strides = array<i32>} : memref<3x40x144xf32, #tpu.memory_space<vmem>>, vector<16xf32>,
        tpu.vector_store %arg17[%swap3A_449, %swap3A_450, %swap3A_451], %div3A_448 {strides = array<i32>} : memref<3x40x144xf32, #tpu.memory_space<vmem>>, vector<16xf32>,
        %get3A_453 = arith.index_cast %rem3A_326 : i32 to index
        %get3A_454 = arith.index_cast %scan3A_348 : i32 to index
        %get3A_455 = arith.constant 32 : index
        %get3A_456 = tpu.vector_load %arg15[%get3A_453, %get3A_454, %get3A_455] {strides = array<i32>} : memref<2x40x64xi32, #tpu.memory_space<vmem>>, vector<16xi32>,
        %shift_left3A_457 = arith.constant 16 : i32
        %shift_left3A_458 = vector.broadcast %shift_left3A_457 : i32 to vector<16xi32>
        %shift_left3A_459 = arith.shli %get3A_456, %shift_left3A_458 : vector<16xi32>
        %bitcast3A_460 = vector.bitcast %shift_left3A_459 : vector<16xi32> to vector<16xf32>
        %and3A_461 = arith.andi %get3A_456, %broadcast_in_dim3A_327 : vector<16xi32>
        %bitcast3A_462 = vector.bitcast %and3A_461 : vector<16xi32> to vector<16xf32>
        %get3A_463 = arith.index_cast %rem3A_326 : i32 to index
        %get3A_464 = arith.index_cast %scan3A_348 : i32 to index
        %get3A_465 = arith.constant 32 : index
        %get3A_466 = tpu.vector_load %arg16[%get3A_463, %get3A_464, %get3A_465] {strides = array<i32>} : memref<2x40x64xi32, #tpu.memory_space<vmem>>, vector<16xi32>,
        %shift_left3A_467 = arith.constant 16 : i32
        %shift_left3A_468 = vector.broadcast %shift_left3A_467 : i32 to vector<16xi32>
        %shift_left3A_469 = arith.shli %get3A_466, %shift_left3A_468 : vector<16xi32>
        %bitcast3A_470 = vector.bitcast %shift_left3A_469 : vector<16xi32> to vector<16xf32>
        %add3A_471 = arith.addf %bitcast3A_460, %bitcast3A_470 : vector<16xf32>
        %and3A_472 = arith.andi %get3A_466, %broadcast_in_dim3A_327 : vector<16xi32>
        %bitcast3A_473 = vector.bitcast %and3A_472 : vector<16xi32> to vector<16xf32>
        %add3A_474 = arith.addf %bitcast3A_462, %bitcast3A_473 : vector<16xf32>
        %get3A_475 = arith.index_cast %rem3A_324 : i32 to index
        %get3A_476 = arith.index_cast %scan3A_348 : i32 to index
        %get3A_477 = arith.constant 64 : index
        %get3A_478 = tpu.vector_load %arg17[%get3A_475, %get3A_476, %get3A_477] {strides = array<i32>} : memref<3x40x144xf32, #tpu.memory_space<vmem>>, vector<16xf32>,
        %add3A_479 = arith.addf %get3A_478, %add3A_471 : vector<16xf32>
        %neg3A_480 = arith.constant 0.000000e+00 : f32
        %neg3A_481 = vector.broadcast %neg3A_480 : f32 to vector<16xf32>
        %neg3A_482 = arith.subf %neg3A_481, %add3A_479 : vector<16xf32>
        %exp3A_483 = math.exp %neg3A_482 : vector<16xf32>
        %add3A_484 = arith.constant 1.000000e+00 : f32
        %add3A_485 = vector.broadcast %add3A_484 : f32 to vector<16xf32>
        %add3A_486 = arith.addf %add3A_485, %exp3A_483 : vector<16xf32>
        %div3A_487 = arith.divf %add3A_479, %add3A_486 : vector<16xf32>
        %swap3A_488 = arith.index_cast %rem3A_324 : i32 to index
        %swap3A_489 = arith.index_cast %scan3A_348 : i32 to index
        %swap3A_490 = arith.constant 64 : index
        %swap3A_491 = tpu.vector_load %arg17[%swap3A_488, %swap3A_489, %swap3A_490] {strides = array<i32>} : memref<3x40x144xf32, #tpu.memory_space<vmem>>, vector<16xf32>,
        tpu.vector_store %arg17[%swap3A_488, %swap3A_489, %swap3A_490], %div3A_487 {strides = array<i32>} : memref<3x40x144xf32, #tpu.memory_space<vmem>>, vector<16xf32>,
        %get3A_492 = arith.index_cast %rem3A_324 : i32 to index
        %get3A_493 = arith.index_cast %scan3A_348 : i32 to index
        %get3A_494 = arith.constant 80 : index
        %get3A_495 = tpu.vector_load %arg17[%get3A_492, %get3A_493, %get3A_494] {strides = array<i32>} : memref<3x40x144xf32, #tpu.memory_space<vmem>>, vector<16xf32>,
        %add3A_496 = arith.addf %get3A_495, %add3A_474 : vector<16xf32>
        %neg3A_497 = arith.constant 0.000000e+00 : f32
        %neg3A_498 = vector.broadcast %neg3A_497 : f32 to vector<16xf32>
        %neg3A_499 = arith.subf %neg3A_498, %add3A_496 : vector<16xf32>
        %exp3A_500 = math.exp %neg3A_499 : vector<16xf32>
        %add3A_501 = arith.constant 1.000000e+00 : f32
        %add3A_502 = vector.broadcast %add3A_501 : f32 to vector<16xf32>
        %add3A_503 = arith.addf %add3A_502, %exp3A_500 : vector<16xf32>
        %div3A_504 = arith.divf %add3A_496, %add3A_503 : vector<16xf32>
        %swap3A_505 = arith.index_cast %rem3A_324 : i32 to index
        %swap3A_506 = arith.index_cast %scan3A_348 : i32 to index
        %swap3A_507 = arith.constant 80 : index
        %swap3A_508 = tpu.vector_load %arg17[%swap3A_505, %swap3A_506, %swap3A_507] {strides = array<i32>} : memref<3x40x144xf32, #tpu.memory_space<vmem>>, vector<16xf32>,
        tpu.vector_store %arg17[%swap3A_505, %swap3A_506, %swap3A_507], %div3A_504 {strides = array<i32>} : memref<3x40x144xf32, #tpu.memory_space<vmem>>, vector<16xf32>,
        %get3A_509 = arith.index_cast %rem3A_326 : i32 to index
        %get3A_510 = arith.index_cast %scan3A_348 : i32 to index
        %get3A_511 = arith.constant 48 : index
        %get3A_512 = tpu.vector_load %arg15[%get3A_509, %get3A_510, %get3A_511] {strides = array<i32>} : memref<2x40x64xi32, #tpu.memory_space<vmem>>, vector<16xi32>,
        %shift_left3A_513 = arith.constant 16 : i32
        %shift_left3A_514 = vector.broadcast %shift_left3A_513 : i32 to vector<16xi32>
        %shift_left3A_515 = arith.shli %get3A_512, %shift_left3A_514 : vector<16xi32>
        %bitcast3A_516 = vector.bitcast %shift_left3A_515 : vector<16xi32> to vector<16xf32>
        %and3A_517 = arith.andi %get3A_512, %broadcast_in_dim3A_327 : vector<16xi32>
        %bitcast3A_518 = vector.bitcast %and3A_517 : vector<16xi32> to vector<16xf32>
        %get3A_519 = arith.index_cast %rem3A_326 : i32 to index
        %get3A_520 = arith.index_cast %scan3A_348 : i32 to index
        %get3A_521 = arith.constant 48 : index
        %get3A_522 = tpu.vector_load %arg16[%get3A_519, %get3A_520, %get3A_521] {strides = array<i32>} : memref<2x40x64xi32, #tpu.memory_space<vmem>>, vector<16xi32>,
        %shift_left3A_523 = arith.constant 16 : i32
        %shift_left3A_524 = vector.broadcast %shift_left3A_523 : i32 to vector<16xi32>
        %shift_left3A_525 = arith.shli %get3A_522, %shift_left3A_524 : vector<16xi32>
        %bitcast3A_526 = vector.bitcast %shift_left3A_525 : vector<16xi32> to vector<16xf32>
        %add3A_527 = arith.addf %bitcast3A_516, %bitcast3A_526 : vector<16xf32>
        %and3A_528 = arith.andi %get3A_522, %broadcast_in_dim3A_327 : vector<16xi32>
        %bitcast3A_529 = vector.bitcast %and3A_528 : vector<16xi32> to vector<16xf32>
        %add3A_530 = arith.addf %bitcast3A_518, %bitcast3A_529 : vector<16xf32>
        %get3A_531 = arith.index_cast %rem3A_324 : i32 to index
        %get3A_532 = arith.index_cast %scan3A_348 : i32 to index
        %get3A_533 = arith.constant 96 : index
        %get3A_534 = tpu.vector_load %arg17[%get3A_531, %get3A_532, %get3A_533] {strides = array<i32>} : memref<3x40x144xf32, #tpu.memory_space<vmem>>, vector<16xf32>,
        %add3A_535 = arith.addf %get3A_534, %add3A_527 : vector<16xf32>
        %neg3A_536 = arith.constant 0.000000e+00 : f32
        %neg3A_537 = vector.broadcast %neg3A_536 : f32 to vector<16xf32>
        %neg3A_538 = arith.subf %neg3A_537, %add3A_535 : vector<16xf32>
        %exp3A_539 = math.exp %neg3A_538 : vector<16xf32>
        %add3A_540 = arith.constant 1.000000e+00 : f32
        %add3A_541 = vector.broadcast %add3A_540 : f32 to vector<16xf32>
        %add3A_542 = arith.addf %add3A_541, %exp3A_539 : vector<16xf32>
        %div3A_543 = arith.divf %add3A_535, %add3A_542 : vector<16xf32>
        %swap3A_544 = arith.index_cast %rem3A_324 : i32 to index
        %swap3A_545 = arith.index_cast %scan3A_348 : i32 to index
        %swap3A_546 = arith.constant 96 : index
        %swap3A_547 = tpu.vector_load %arg17[%swap3A_544, %swap3A_545, %swap3A_546] {strides = array<i32>} : memref<3x40x144xf32, #tpu.memory_space<vmem>>, vector<16xf32>,
        tpu.vector_store %arg17[%swap3A_544, %swap3A_545, %swap3A_546], %div3A_543 {strides = array<i32>} : memref<3x40x144xf32, #tpu.memory_space<vmem>>, vector<16xf32>,
        %get3A_548 = arith.index_cast %rem3A_324 : i32 to index
        %get3A_549 = arith.index_cast %scan3A_348 : i32 to index
        %get3A_550 = arith.constant 112 : index
        %get3A_551 = tpu.vector_load %arg17[%get3A_548, %get3A_549, %get3A_550] {strides = array<i32>} : memref<3x40x144xf32, #tpu.memory_space<vmem>>, vector<16xf32>,
        %add3A_552 = arith.addf %get3A_551, %add3A_530 : vector<16xf32>
        %neg3A_553 = arith.constant 0.000000e+00 : f32
        %neg3A_554 = vector.broadcast %neg3A_553 : f32 to vector<16xf32>
        %neg3A_555 = arith.subf %neg3A_554, %add3A_552 : vector<16xf32>
        %exp3A_556 = math.exp %neg3A_555 : vector<16xf32>
        %add3A_557 = arith.constant 1.000000e+00 : f32
        %add3A_558 = vector.broadcast %add3A_557 : f32 to vector<16xf32>
        %add3A_559 = arith.addf %add3A_558, %exp3A_556 : vector<16xf32>
        %div3A_560 = arith.divf %add3A_552, %add3A_559 : vector<16xf32>
        %swap3A_561 = arith.index_cast %rem3A_324 : i32 to index
        %swap3A_562 = arith.index_cast %scan3A_348 : i32 to index
        %swap3A_563 = arith.constant 112 : index
        %swap3A_564 = tpu.vector_load %arg17[%swap3A_561, %swap3A_562, %swap3A_563] {strides = array<i32>} : memref<3x40x144xf32, #tpu.memory_space<vmem>>, vector<16xf32>,
        tpu.vector_store %arg17[%swap3A_561, %swap3A_562, %swap3A_563], %div3A_560 {strides = array<i32>} : memref<3x40x144xf32, #tpu.memory_space<vmem>>, vector<16xf32>,
        %scan3A_565 = arith.constant 1 : i32
        %scan3A_566 = arith.addi %scan3A_348, %scan3A_565 : i32
        %get3A_567 = arith.index_cast %rem3A_326 : i32 to index
        %get3A_568 = arith.index_cast %scan3A_566 : i32 to index
        %get3A_569 = arith.constant 0 : index
        %get3A_570 = tpu.vector_load %arg15[%get3A_567, %get3A_568, %get3A_569] {strides = array<i32>} : memref<2x40x64xi32, #tpu.memory_space<vmem>>, vector<16xi32>,
        %shift_left3A_571 = arith.constant 16 : i32
        %shift_left3A_572 = vector.broadcast %shift_left3A_571 : i32 to vector<16xi32>
        %shift_left3A_573 = arith.shli %get3A_570, %shift_left3A_572 : vector<16xi32>
        %bitcast3A_574 = vector.bitcast %shift_left3A_573 : vector<16xi32> to vector<16xf32>
        %and3A_575 = arith.andi %get3A_570, %broadcast_in_dim3A_327 : vector<16xi32>
        %bitcast3A_576 = vector.bitcast %and3A_575 : vector<16xi32> to vector<16xf32>
        %get3A_577 = arith.index_cast %rem3A_326 : i32 to index
        %get3A_578 = arith.index_cast %scan3A_566 : i32 to index
        %get3A_579 = arith.constant 0 : index
        %get3A_580 = tpu.vector_load %arg16[%get3A_577, %get3A_578, %get3A_579] {strides = array<i32>} : memref<2x40x64xi32, #tpu.memory_space<vmem>>, vector<16xi32>,
        %shift_left3A_581 = arith.constant 16 : i32
        %shift_left3A_582 = vector.broadcast %shift_left3A_581 : i32 to vector<16xi32>
        %shift_left3A_583 = arith.shli %get3A_580, %shift_left3A_582 : vector<16xi32>
        %bitcast3A_584 = vector.bitcast %shift_left3A_583 : vector<16xi32> to vector<16xf32>
        %add3A_585 = arith.addf %bitcast3A_574, %bitcast3A_584 : vector<16xf32>
        %and3A_586 = arith.andi %get3A_580, %broadcast_in_dim3A_327 : vector<16xi32>
        %bitcast3A_587 = vector.bitcast %and3A_586 : vector<16xi32> to vector<16xf32>
        %add3A_588 = arith.addf %bitcast3A_576, %bitcast3A_587 : vector<16xf32>
        %get3A_589 = arith.index_cast %rem3A_324 : i32 to index
        %get3A_590 = arith.index_cast %scan3A_566 : i32 to index
        %get3A_591 = arith.constant 0 : index
        %get3A_592 = tpu.vector_load %arg17[%get3A_589, %get3A_590, %get3A_591] {strides = array<i32>} : memref<3x40x144xf32, #tpu.memory_space<vmem>>, vector<16xf32>,
        %add3A_593 = arith.addf %get3A_592, %add3A_585 : vector<16xf32>
        %neg3A_594 = arith.constant 0.000000e+00 : f32
        %neg3A_595 = vector.broadcast %neg3A_594 : f32 to vector<16xf32>
        %neg3A_596 = arith.subf %neg3A_595, %add3A_593 : vector<16xf32>
        %exp3A_597 = math.exp %neg3A_596 : vector<16xf32>
        %add3A_598 = arith.constant 1.000000e+00 : f32
        %add3A_599 = vector.broadcast %add3A_598 : f32 to vector<16xf32>
        %add3A_600 = arith.addf %add3A_599, %exp3A_597 : vector<16xf32>
        %div3A_601 = arith.divf %add3A_593, %add3A_600 : vector<16xf32>
        %swap3A_602 = arith.index_cast %rem3A_324 : i32 to index
        %swap3A_603 = arith.index_cast %scan3A_566 : i32 to index
        %swap3A_604 = arith.constant 0 : index
        %swap3A_605 = tpu.vector_load %arg17[%swap3A_602, %swap3A_603, %swap3A_604] {strides = array<i32>} : memref<3x40x144xf32, #tpu.memory_space<vmem>>, vector<16xf32>,
        tpu.vector_store %arg17[%swap3A_602, %swap3A_603, %swap3A_604], %div3A_601 {strides = array<i32>} : memref<3x40x144xf32, #tpu.memory_space<vmem>>, vector<16xf32>,
        %get3A_606 = arith.index_cast %rem3A_324 : i32 to index
        %get3A_607 = arith.index_cast %scan3A_566 : i32 to index
        %get3A_608 = arith.constant 16 : index
        %get3A_609 = tpu.vector_load %arg17[%get3A_606, %get3A_607, %get3A_608] {strides = array<i32>} : memref<3x40x144xf32, #tpu.memory_space<vmem>>, vector<16xf32>,
        %add3A_610 = arith.addf %get3A_609, %add3A_588 : vector<16xf32>
        %neg3A_611 = arith.constant 0.000000e+00 : f32
        %neg3A_612 = vector.broadcast %neg3A_611 : f32 to vector<16xf32>
        %neg3A_613 = arith.subf %neg3A_612, %add3A_610 : vector<16xf32>
        %exp3A_614 = math.exp %neg3A_613 : vector<16xf32>
        %add3A_615 = arith.constant 1.000000e+00 : f32
        %add3A_616 = vector.broadcast %add3A_615 : f32 to vector<16xf32>
        %add3A_617 = arith.addf %add3A_616, %exp3A_614 : vector<16xf32>
        %div3A_618 = arith.divf %add3A_610, %add3A_617 : vector<16xf32>
        %swap3A_619 = arith.index_cast %rem3A_324 : i32 to index
        %swap3A_620 = arith.index_cast %scan3A_566 : i32 to index
        %swap3A_621 = arith.constant 16 : index
        %swap3A_622 = tpu.vector_load %arg17[%swap3A_619, %swap3A_620, %swap3A_621] {strides = array<i32>} : memref<3x40x144xf32, #tpu.memory_space<vmem>>, vector<16xf32>,
        tpu.vector_store %arg17[%swap3A_619, %swap3A_620, %swap3A_621], %div3A_618 {strides = array<i32>} : memref<3x40x144xf32, #tpu.memory_space<vmem>>, vector<16xf32>,
        %get3A_623 = arith.index_cast %rem3A_326 : i32 to index
        %get3A_624 = arith.index_cast %scan3A_566 : i32 to index
        %get3A_625 = arith.constant 16 : index
        %get3A_626 = tpu.vector_load %arg15[%get3A_623, %get3A_624, %get3A_625] {strides = array<i32>} : memref<2x40x64xi32, #tpu.memory_space<vmem>>, vector<16xi32>,
        %shift_left3A_627 = arith.constant 16 : i32
        %shift_left3A_628 = vector.broadcast %shift_left3A_627 : i32 to vector<16xi32>
        %shift_left3A_629 = arith.shli %get3A_626, %shift_left3A_628 : vector<16xi32>
        %bitcast3A_630 = vector.bitcast %shift_left3A_629 : vector<16xi32> to vector<16xf32>
        %and3A_631 = arith.andi %get3A_626, %broadcast_in_dim3A_327 : vector<16xi32>
        %bitcast3A_632 = vector.bitcast %and3A_631 : vector<16xi32> to vector<16xf32>
        %get3A_633 = arith.index_cast %rem3A_326 : i32 to index
        %get3A_634 = arith.index_cast %scan3A_566 : i32 to index
        %get3A_635 = arith.constant 16 : index
        %get3A_636 = tpu.vector_load %arg16[%get3A_633, %get3A_634, %get3A_635] {strides = array<i32>} : memref<2x40x64xi32, #tpu.memory_space<vmem>>, vector<16xi32>,
        %shift_left3A_637 = arith.constant 16 : i32
        %shift_left3A_638 = vector.broadcast %shift_left3A_637 : i32 to vector<16xi32>
        %shift_left3A_639 = arith.shli %get3A_636, %shift_left3A_638 : vector<16xi32>
        %bitcast3A_640 = vector.bitcast %shift_left3A_639 : vector<16xi32> to vector<16xf32>
        %add3A_641 = arith.addf %bitcast3A_630, %bitcast3A_640 : vector<16xf32>
        %and3A_642 = arith.andi %get3A_636, %broadcast_in_dim3A_327 : vector<16xi32>
        %bitcast3A_643 = vector.bitcast %and3A_642 : vector<16xi32> to vector<16xf32>
        %add3A_644 = arith.addf %bitcast3A_632, %bitcast3A_643 : vector<16xf32>
        %get3A_645 = arith.index_cast %rem3A_324 : i32 to index
        %get3A_646 = arith.index_cast %scan3A_566 : i32 to index
        %get3A_647 = arith.constant 32 : index
        %get3A_648 = tpu.vector_load %arg17[%get3A_645, %get3A_646, %get3A_647] {strides = array<i32>} : memref<3x40x144xf32, #tpu.memory_space<vmem>>, vector<16xf32>,
        %add3A_649 = arith.addf %get3A_648, %add3A_641 : vector<16xf32>
        %neg3A_650 = arith.constant 0.000000e+00 : f32
        %neg3A_651 = vector.broadcast %neg3A_650 : f32 to vector<16xf32>
        %neg3A_652 = arith.subf %neg3A_651, %add3A_649 : vector<16xf32>
        %exp3A_653 = math.exp %neg3A_652 : vector<16xf32>
        %add3A_654 = arith.constant 1.000000e+00 : f32
        %add3A_655 = vector.broadcast %add3A_654 : f32 to vector<16xf32>
        %add3A_656 = arith.addf %add3A_655, %exp3A_653 : vector<16xf32>
        %div3A_657 = arith.divf %add3A_649, %add3A_656 : vector<16xf32>
        %swap3A_658 = arith.index_cast %rem3A_324 : i32 to index
        %swap3A_659 = arith.index_cast %scan3A_566 : i32 to index
        %swap3A_660 = arith.constant 32 : index
        %swap3A_661 = tpu.vector_load %arg17[%swap3A_658, %swap3A_659, %swap3A_660] {strides = array<i32>} : memref<3x40x144xf32, #tpu.memory_space<vmem>>, vector<16xf32>,
        tpu.vector_store %arg17[%swap3A_658, %swap3A_659, %swap3A_660], %div3A_657 {strides = array<i32>} : memref<3x40x144xf32, #tpu.memory_space<vmem>>, vector<16xf32>,
        %get3A_662 = arith.index_cast %rem3A_324 : i32 to index
        %get3A_663 = arith.index_cast %scan3A_566 : i32 to index
        %get3A_664 = arith.constant 48 : index
        %get3A_665 = tpu.vector_load %arg17[%get3A_662, %get3A_663, %get3A_664] {strides = array<i32>} : memref<3x40x144xf32, #tpu.memory_space<vmem>>, vector<16xf32>,
        %add3A_666 = arith.addf %get3A_665, %add3A_644 : vector<16xf32>
        %neg3A_667 = arith.constant 0.000000e+00 : f32
        %neg3A_668 = vector.broadcast %neg3A_667 : f32 to vector<16xf32>
        %neg3A_669 = arith.subf %neg3A_668, %add3A_666 : vector<16xf32>
        %exp3A_670 = math.exp %neg3A_669 : vector<16xf32>
        %add3A_671 = arith.constant 1.000000e+00 : f32
        %add3A_672 = vector.broadcast %add3A_671 : f32 to vector<16xf32>
        %add3A_673 = arith.addf %add3A_672, %exp3A_670 : vector<16xf32>
        %div3A_674 = arith.divf %add3A_666, %add3A_673 : vector<16xf32>
        %swap3A_675 = arith.index_cast %rem3A_324 : i32 to index
        %swap3A_676 = arith.index_cast %scan3A_566 : i32 to index
        %swap3A_677 = arith.constant 48 : index
        %swap3A_678 = tpu.vector_load %arg17[%swap3A_675, %swap3A_676, %swap3A_677] {strides = array<i32>} : memref<3x40x144xf32, #tpu.memory_space<vmem>>, vector<16xf32>,
        tpu.vector_store %arg17[%swap3A_675, %swap3A_676, %swap3A_677], %div3A_674 {strides = array<i32>} : memref<3x40x144xf32, #tpu.memory_space<vmem>>, vector<16xf32>,
        %get3A_679 = arith.index_cast %rem3A_326 : i32 to index
        %get3A_680 = arith.index_cast %scan3A_566 : i32 to index
        %get3A_681 = arith.constant 32 : index
        %get3A_682 = tpu.vector_load %arg15[%get3A_679, %get3A_680, %get3A_681] {strides = array<i32>} : memref<2x40x64xi32, #tpu.memory_space<vmem>>, vector<16xi32>,
        %shift_left3A_683 = arith.constant 16 : i32
        %shift_left3A_684 = vector.broadcast %shift_left3A_683 : i32 to vector<16xi32>
        %shift_left3A_685 = arith.shli %get3A_682, %shift_left3A_684 : vector<16xi32>
        %bitcast3A_686 = vector.bitcast %shift_left3A_685 : vector<16xi32> to vector<16xf32>
        %and3A_687 = arith.andi %get3A_682, %broadcast_in_dim3A_327 : vector<16xi32>
        %bitcast3A_688 = vector.bitcast %and3A_687 : vector<16xi32> to vector<16xf32>
        %get3A_689 = arith.index_cast %rem3A_326 : i32 to index
        %get3A_690 = arith.index_cast %scan3A_566 : i32 to index
        %get3A_691 = arith.constant 32 : index
        %get3A_692 = tpu.vector_load %arg16[%get3A_689, %get3A_690, %get3A_691] {strides = array<i32>} : memref<2x40x64xi32, #tpu.memory_space<vmem>>, vector<16xi32>,
        %shift_left3A_693 = arith.constant 16 : i32
        %shift_left3A_694 = vector.broadcast %shift_left3A_693 : i32 to vector<16xi32>
        %shift_left3A_695 = arith.shli %get3A_692, %shift_left3A_694 : vector<16xi32>
        %bitcast3A_696 = vector.bitcast %shift_left3A_695 : vector<16xi32> to vector<16xf32>
        %add3A_697 = arith.addf %bitcast3A_686, %bitcast3A_696 : vector<16xf32>
        %and3A_698 = arith.andi %get3A_692, %broadcast_in_dim3A_327 : vector<16xi32>
        %bitcast3A_699 = vector.bitcast %and3A_698 : vector<16xi32> to vector<16xf32>
        %add3A_700 = arith.addf %bitcast3A_688, %bitcast3A_699 : vector<16xf32>
        %get3A_701 = arith.index_cast %rem3A_324 : i32 to index
        %get3A_702 = arith.index_cast %scan3A_566 : i32 to index
        %get3A_703 = arith.constant 64 : index
        %get3A_704 = tpu.vector_load %arg17[%get3A_701, %get3A_702, %get3A_703] {strides = array<i32>} : memref<3x40x144xf32, #tpu.memory_space<vmem>>, vector<16xf32>,
        %add3A_705 = arith.addf %get3A_704, %add3A_697 : vector<16xf32>
        %neg3A_706 = arith.constant 0.000000e+00 : f32
        %neg3A_707 = vector.broadcast %neg3A_706 : f32 to vector<16xf32>
        %neg3A_708 = arith.subf %neg3A_707, %add3A_705 : vector<16xf32>
        %exp3A_709 = math.exp %neg3A_708 : vector<16xf32>
        %add3A_710 = arith.constant 1.000000e+00 : f32
        %add3A_711 = vector.broadcast %add3A_710 : f32 to vector<16xf32>
        %add3A_712 = arith.addf %add3A_711, %exp3A_709 : vector<16xf32>
        %div3A_713 = arith.divf %add3A_705, %add3A_712 : vector<16xf32>
        %swap3A_714 = arith.index_cast %rem3A_324 : i32 to index
        %swap3A_715 = arith.index_cast %scan3A_566 : i32 to index
        %swap3A_716 = arith.constant 64 : index
        %swap3A_717 = tpu.vector_load %arg17[%swap3A_714, %swap3A_715, %swap3A_716] {strides = array<i32>} : memref<3x40x144xf32, #tpu.memory_space<vmem>>, vector<16xf32>,
        tpu.vector_store %arg17[%swap3A_714, %swap3A_715, %swap3A_716], %div3A_713 {strides = array<i32>} : memref<3x40x144xf32, #tpu.memory_space<vmem>>, vector<16xf32>,
        %get3A_718 = arith.index_cast %rem3A_324 : i32 to index
        %get3A_719 = arith.index_cast %scan3A_566 : i32 to index
        %get3A_720 = arith.constant 80 : index
        %get3A_721 = tpu.vector_load %arg17[%get3A_718, %get3A_719, %get3A_720] {strides = array<i32>} : memref<3x40x144xf32, #tpu.memory_space<vmem>>, vector<16xf32>,
        %add3A_722 = arith.addf %get3A_721, %add3A_700 : vector<16xf32>
        %neg3A_723 = arith.constant 0.000000e+00 : f32
        %neg3A_724 = vector.broadcast %neg3A_723 : f32 to vector<16xf32>
        %neg3A_725 = arith.subf %neg3A_724, %add3A_722 : vector<16xf32>
        %exp3A_726 = math.exp %neg3A_725 : vector<16xf32>
        %add3A_727 = arith.constant 1.000000e+00 : f32
        %add3A_728 = vector.broadcast %add3A_727 : f32 to vector<16xf32>
        %add3A_729 = arith.addf %add3A_728, %exp3A_726 : vector<16xf32>
        %div3A_730 = arith.divf %add3A_722, %add3A_729 : vector<16xf32>
        %swap3A_731 = arith.index_cast %rem3A_324 : i32 to index
        %swap3A_732 = arith.index_cast %scan3A_566 : i32 to index
        %swap3A_733 = arith.constant 80 : index
        %swap3A_734 = tpu.vector_load %arg17[%swap3A_731, %swap3A_732, %swap3A_733] {strides = array<i32>} : memref<3x40x144xf32, #tpu.memory_space<vmem>>, vector<16xf32>,
        tpu.vector_store %arg17[%swap3A_731, %swap3A_732, %swap3A_733], %div3A_730 {strides = array<i32>} : memref<3x40x144xf32, #tpu.memory_space<vmem>>, vector<16xf32>,
        %get3A_735 = arith.index_cast %rem3A_326 : i32 to index
        %get3A_736 = arith.index_cast %scan3A_566 : i32 to index
        %get3A_737 = arith.constant 48 : index
        %get3A_738 = tpu.vector_load %arg15[%get3A_735, %get3A_736, %get3A_737] {strides = array<i32>} : memref<2x40x64xi32, #tpu.memory_space<vmem>>, vector<16xi32>,
        %shift_left3A_739 = arith.constant 16 : i32
        %shift_left3A_740 = vector.broadcast %shift_left3A_739 : i32 to vector<16xi32>
        %shift_left3A_741 = arith.shli %get3A_738, %shift_left3A_740 : vector<16xi32>
        %bitcast3A_742 = vector.bitcast %shift_left3A_741 : vector<16xi32> to vector<16xf32>
        %and3A_743 = arith.andi %get3A_738, %broadcast_in_dim3A_327 : vector<16xi32>
        %bitcast3A_744 = vector.bitcast %and3A_743 : vector<16xi32> to vector<16xf32>
        %get3A_745 = arith.index_cast %rem3A_326 : i32 to index
        %get3A_746 = arith.index_cast %scan3A_566 : i32 to index
        %get3A_747 = arith.constant 48 : index
        %get3A_748 = tpu.vector_load %arg16[%get3A_745, %get3A_746, %get3A_747] {strides = array<i32>} : memref<2x40x64xi32, #tpu.memory_space<vmem>>, vector<16xi32>,
        %shift_left3A_749 = arith.constant 16 : i32
        %shift_left3A_750 = vector.broadcast %shift_left3A_749 : i32 to vector<16xi32>
        %shift_left3A_751 = arith.shli %get3A_748, %shift_left3A_750 : vector<16xi32>
        %bitcast3A_752 = vector.bitcast %shift_left3A_751 : vector<16xi32> to vector<16xf32>
        %add3A_753 = arith.addf %bitcast3A_742, %bitcast3A_752 : vector<16xf32>
        %and3A_754 = arith.andi %get3A_748, %broadcast_in_dim3A_327 : vector<16xi32>
        %bitcast3A_755 = vector.bitcast %and3A_754 : vector<16xi32> to vector<16xf32>
        %add3A_756 = arith.addf %bitcast3A_744, %bitcast3A_755 : vector<16xf32>
        %get3A_757 = arith.index_cast %rem3A_324 : i32 to index
        %get3A_758 = arith.index_cast %scan3A_566 : i32 to index
        %get3A_759 = arith.constant 96 : index
        %get3A_760 = tpu.vector_load %arg17[%get3A_757, %get3A_758, %get3A_759] {strides = array<i32>} : memref<3x40x144xf32, #tpu.memory_space<vmem>>, vector<16xf32>,
        %add3A_761 = arith.addf %get3A_760, %add3A_753 : vector<16xf32>
        %neg3A_762 = arith.constant 0.000000e+00 : f32
        %neg3A_763 = vector.broadcast %neg3A_762 : f32 to vector<16xf32>
        %neg3A_764 = arith.subf %neg3A_763, %add3A_761 : vector<16xf32>
        %exp3A_765 = math.exp %neg3A_764 : vector<16xf32>
        %add3A_766 = arith.constant 1.000000e+00 : f32
        %add3A_767 = vector.broadcast %add3A_766 : f32 to vector<16xf32>
        %add3A_768 = arith.addf %add3A_767, %exp3A_765 : vector<16xf32>
        %div3A_769 = arith.divf %add3A_761, %add3A_768 : vector<16xf32>
        %swap3A_770 = arith.index_cast %rem3A_324 : i32 to index
        %swap3A_771 = arith.index_cast %scan3A_566 : i32 to index
        %swap3A_772 = arith.constant 96 : index
        %swap3A_773 = tpu.vector_load %arg17[%swap3A_770, %swap3A_771, %swap3A_772] {strides = array<i32>} : memref<3x40x144xf32, #tpu.memory_space<vmem>>, vector<16xf32>,
        tpu.vector_store %arg17[%swap3A_770, %swap3A_771, %swap3A_772], %div3A_769 {strides = array<i32>} : memref<3x40x144xf32, #tpu.memory_space<vmem>>, vector<16xf32>,
        %get3A_774 = arith.index_cast %rem3A_324 : i32 to index
        %get3A_775 = arith.index_cast %scan3A_566 : i32 to index
        %get3A_776 = arith.constant 112 : index
        %get3A_777 = tpu.vector_load %arg17[%get3A_774, %get3A_775, %get3A_776] {strides = array<i32>} : memref<3x40x144xf32, #tpu.memory_space<vmem>>, vector<16xf32>,
        %add3A_778 = arith.addf %get3A_777, %add3A_756 : vector<16xf32>
        %neg3A_779 = arith.constant 0.000000e+00 : f32
        %neg3A_780 = vector.broadcast %neg3A_779 : f32 to vector<16xf32>
        %neg3A_781 = arith.subf %neg3A_780, %add3A_778 : vector<16xf32>
        %exp3A_782 = math.exp %neg3A_781 : vector<16xf32>
        %add3A_783 = arith.constant 1.000000e+00 : f32
        %add3A_784 = vector.broadcast %add3A_783 : f32 to vector<16xf32>
        %add3A_785 = arith.addf %add3A_784, %exp3A_782 : vector<16xf32>
        %div3A_786 = arith.divf %add3A_778, %add3A_785 : vector<16xf32>
        %swap3A_787 = arith.index_cast %rem3A_324 : i32 to index
        %swap3A_788 = arith.index_cast %scan3A_566 : i32 to index
        %swap3A_789 = arith.constant 112 : index
        %swap3A_790 = tpu.vector_load %arg17[%swap3A_787, %swap3A_788, %swap3A_789] {strides = array<i32>} : memref<3x40x144xf32, #tpu.memory_space<vmem>>, vector<16xf32>,
        tpu.vector_store %arg17[%swap3A_787, %swap3A_788, %swap3A_789], %div3A_786 {strides = array<i32>} : memref<3x40x144xf32, #tpu.memory_space<vmem>>, vector<16xf32>,
        %scan3A_791 = arith.constant 2 : i32
        %scan3A_792 = arith.addi %scan3A_348, %scan3A_791 : i32
        %get3A_793 = arith.index_cast %rem3A_326 : i32 to index
        %get3A_794 = arith.index_cast %scan3A_792 : i32 to index
        %get3A_795 = arith.constant 0 : index
        %get3A_796 = tpu.vector_load %arg15[%get3A_793, %get3A_794, %get3A_795] {strides = array<i32>} : memref<2x40x64xi32, #tpu.memory_space<vmem>>, vector<16xi32>,
        %shift_left3A_797 = arith.constant 16 : i32
        %shift_left3A_798 = vector.broadcast %shift_left3A_797 : i32 to vector<16xi32>
        %shift_left3A_799 = arith.shli %get3A_796, %shift_left3A_798 : vector<16xi32>
        %bitcast3A_800 = vector.bitcast %shift_left3A_799 : vector<16xi32> to vector<16xf32>
        %and3A_801 = arith.andi %get3A_796, %broadcast_in_dim3A_327 : vector<16xi32>
        %bitcast3A_802 = vector.bitcast %and3A_801 : vector<16xi32> to vector<16xf32>
        %get3A_803 = arith.index_cast %rem3A_326 : i32 to index
        %get3A_804 = arith.index_cast %scan3A_792 : i32 to index
        %get3A_805 = arith.constant 0 : index
        %get3A_806 = tpu.vector_load %arg16[%get3A_803, %get3A_804, %get3A_805] {strides = array<i32>} : memref<2x40x64xi32, #tpu.memory_space<vmem>>, vector<16xi32>,
        %shift_left3A_807 = arith.constant 16 : i32
        %shift_left3A_808 = vector.broadcast %shift_left3A_807 : i32 to vector<16xi32>
        %shift_left3A_809 = arith.shli %get3A_806, %shift_left3A_808 : vector<16xi32>
        %bitcast3A_810 = vector.bitcast %shift_left3A_809 : vector<16xi32> to vector<16xf32>
        %add3A_811 = arith.addf %bitcast3A_800, %bitcast3A_810 : vector<16xf32>
        %and3A_812 = arith.andi %get3A_806, %broadcast_in_dim3A_327 : vector<16xi32>
        %bitcast3A_813 = vector.bitcast %and3A_812 : vector<16xi32> to vector<16xf32>
        %add3A_814 = arith.addf %bitcast3A_802, %bitcast3A_813 : vector<16xf32>
        %get3A_815 = arith.index_cast %rem3A_324 : i32 to index
        %get3A_816 = arith.index_cast %scan3A_792 : i32 to index
        %get3A_817 = arith.constant 0 : index
        %get3A_818 = tpu.vector_load %arg17[%get3A_815, %get3A_816, %get3A_817] {strides = array<i32>} : memref<3x40x144xf32, #tpu.memory_space<vmem>>, vector<16xf32>,
        %add3A_819 = arith.addf %get3A_818, %add3A_811 : vector<16xf32>
        %neg3A_820 = arith.constant 0.000000e+00 : f32
        %neg3A_821 = vector.broadcast %neg3A_820 : f32 to vector<16xf32>
        %neg3A_822 = arith.subf %neg3A_821, %add3A_819 : vector<16xf32>
        %exp3A_823 = math.exp %neg3A_822 : vector<16xf32>
        %add3A_824 = arith.constant 1.000000e+00 : f32
        %add3A_825 = vector.broadcast %add3A_824 : f32 to vector<16xf32>
        %add3A_826 = arith.addf %add3A_825, %exp3A_823 : vector<16xf32>
        %div3A_827 = arith.divf %add3A_819, %add3A_826 : vector<16xf32>
        %swap3A_828 = arith.index_cast %rem3A_324 : i32 to index
        %swap3A_829 = arith.index_cast %scan3A_792 : i32 to index
        %swap3A_830 = arith.constant 0 : index
        %swap3A_831 = tpu.vector_load %arg17[%swap3A_828, %swap3A_829, %swap3A_830] {strides = array<i32>} : memref<3x40x144xf32, #tpu.memory_space<vmem>>, vector<16xf32>,
        tpu.vector_store %arg17[%swap3A_828, %swap3A_829, %swap3A_830], %div3A_827 {strides = array<i32>} : memref<3x40x144xf32, #tpu.memory_space<vmem>>, vector<16xf32>,
        %get3A_832 = arith.index_cast %rem3A_324 : i32 to index
        %get3A_833 = arith.index_cast %scan3A_792 : i32 to index
        %get3A_834 = arith.constant 16 : index
        %get3A_835 = tpu.vector_load %arg17[%get3A_832, %get3A_833, %get3A_834] {strides = array<i32>} : memref<3x40x144xf32, #tpu.memory_space<vmem>>, vector<16xf32>,
        %add3A_836 = arith.addf %get3A_835, %add3A_814 : vector<16xf32>
        %neg3A_837 = arith.constant 0.000000e+00 : f32
        %neg3A_838 = vector.broadcast %neg3A_837 : f32 to vector<16xf32>
        %neg3A_839 = arith.subf %neg3A_838, %add3A_836 : vector<16xf32>
        %exp3A_840 = math.exp %neg3A_839 : vector<16xf32>
        %add3A_841 = arith.constant 1.000000e+00 : f32
        %add3A_842 = vector.broadcast %add3A_841 : f32 to vector<16xf32>
        %add3A_843 = arith.addf %add3A_842, %exp3A_840 : vector<16xf32>
        %div3A_844 = arith.divf %add3A_836, %add3A_843 : vector<16xf32>
        %swap3A_845 = arith.index_cast %rem3A_324 : i32 to index
        %swap3A_846 = arith.index_cast %scan3A_792 : i32 to index
        %swap3A_847 = arith.constant 16 : index
        %swap3A_848 = tpu.vector_load %arg17[%swap3A_845, %swap3A_846, %swap3A_847] {strides = array<i32>} : memref<3x40x144xf32, #tpu.memory_space<vmem>>, vector<16xf32>,
        tpu.vector_store %arg17[%swap3A_845, %swap3A_846, %swap3A_847], %div3A_844 {strides = array<i32>} : memref<3x40x144xf32, #tpu.memory_space<vmem>>, vector<16xf32>,
        %get3A_849 = arith.index_cast %rem3A_326 : i32 to index
        %get3A_850 = arith.index_cast %scan3A_792 : i32 to index
        %get3A_851 = arith.constant 16 : index
        %get3A_852 = tpu.vector_load %arg15[%get3A_849, %get3A_850, %get3A_851] {strides = array<i32>} : memref<2x40x64xi32, #tpu.memory_space<vmem>>, vector<16xi32>,
        %shift_left3A_853 = arith.constant 16 : i32
        %shift_left3A_854 = vector.broadcast %shift_left3A_853 : i32 to vector<16xi32>
        %shift_left3A_855 = arith.shli %get3A_852, %shift_left3A_854 : vector<16xi32>
        %bitcast3A_856 = vector.bitcast %shift_left3A_855 : vector<16xi32> to vector<16xf32>
        %and3A_857 = arith.andi %get3A_852, %broadcast_in_dim3A_327 : vector<16xi32>
        %bitcast3A_858 = vector.bitcast %and3A_857 : vector<16xi32> to vector<16xf32>
        %get3A_859 = arith.index_cast %rem3A_326 : i32 to index
        %get3A_860 = arith.index_cast %scan3A_792 : i32 to index
        %get3A_861 = arith.constant 16 : index
        %get3A_862 = tpu.vector_load %arg16[%get3A_859, %get3A_860, %get3A_861] {strides = array<i32>} : memref<2x40x64xi32, #tpu.memory_space<vmem>>, vector<16xi32>,
        %shift_left3A_863 = arith.constant 16 : i32
        %shift_left3A_864 = vector.broadcast %shift_left3A_863 : i32 to vector<16xi32>
        %shift_left3A_865 = arith.shli %get3A_862, %shift_left3A_864 : vector<16xi32>
        %bitcast3A_866 = vector.bitcast %shift_left3A_865 : vector<16xi32> to vector<16xf32>
        %add3A_867 = arith.addf %bitcast3A_856, %bitcast3A_866 : vector<16xf32>
        %and3A_868 = arith.andi %get3A_862, %broadcast_in_dim3A_327 : vector<16xi32>
        %bitcast3A_869 = vector.bitcast %and3A_868 : vector<16xi32> to vector<16xf32>
        %add3A_870 = arith.addf %bitcast3A_858, %bitcast3A_869 : vector<16xf32>
        %get3A_871 = arith.index_cast %rem3A_324 : i32 to index
        %get3A_872 = arith.index_cast %scan3A_792 : i32 to index
        %get3A_873 = arith.constant 32 : index
        %get3A_874 = tpu.vector_load %arg17[%get3A_871, %get3A_872, %get3A_873] {strides = array<i32>} : memref<3x40x144xf32, #tpu.memory_space<vmem>>, vector<16xf32>,
        %add3A_875 = arith.addf %get3A_874, %add3A_867 : vector<16xf32>
        %neg3A_876 = arith.constant 0.000000e+00 : f32
        %neg3A_877 = vector.broadcast %neg3A_876 : f32 to vector<16xf32>
        %neg3A_878 = arith.subf %neg3A_877, %add3A_875 : vector<16xf32>
        %exp3A_879 = math.exp %neg3A_878 : vector<16xf32>
        %add3A_880 = arith.constant 1.000000e+00 : f32
        %add3A_881 = vector.broadcast %add3A_880 : f32 to vector<16xf32>
        %add3A_882 = arith.addf %add3A_881, %exp3A_879 : vector<16xf32>
        %div3A_883 = arith.divf %add3A_875, %add3A_882 : vector<16xf32>
        %swap3A_884 = arith.index_cast %rem3A_324 : i32 to index
        %swap3A_885 = arith.index_cast %scan3A_792 : i32 to index
        %swap3A_886 = arith.constant 32 : index
        %swap3A_887 = tpu.vector_load %arg17[%swap3A_884, %swap3A_885, %swap3A_886] {strides = array<i32>} : memref<3x40x144xf32, #tpu.memory_space<vmem>>, vector<16xf32>,
        tpu.vector_store %arg17[%swap3A_884, %swap3A_885, %swap3A_886], %div3A_883 {strides = array<i32>} : memref<3x40x144xf32, #tpu.memory_space<vmem>>, vector<16xf32>,
        %get3A_888 = arith.index_cast %rem3A_324 : i32 to index
        %get3A_889 = arith.index_cast %scan3A_792 : i32 to index
        %get3A_890 = arith.constant 48 : index
        %get3A_891 = tpu.vector_load %arg17[%get3A_888, %get3A_889, %get3A_890] {strides = array<i32>} : memref<3x40x144xf32, #tpu.memory_space<vmem>>, vector<16xf32>,
        %add3A_892 = arith.addf %get3A_891, %add3A_870 : vector<16xf32>
        %neg3A_893 = arith.constant 0.000000e+00 : f32
        %neg3A_894 = vector.broadcast %neg3A_893 : f32 to vector<16xf32>
        %neg3A_895 = arith.subf %neg3A_894, %add3A_892 : vector<16xf32>
        %exp3A_896 = math.exp %neg3A_895 : vector<16xf32>
        %add3A_897 = arith.constant 1.000000e+00 : f32
        %add3A_898 = vector.broadcast %add3A_897 : f32 to vector<16xf32>
        %add3A_899 = arith.addf %add3A_898, %exp3A_896 : vector<16xf32>
        %div3A_900 = arith.divf %add3A_892, %add3A_899 : vector<16xf32>
        %swap3A_901 = arith.index_cast %rem3A_324 : i32 to index
        %swap3A_902 = arith.index_cast %scan3A_792 : i32 to index
        %swap3A_903 = arith.constant 48 : index
        %swap3A_904 = tpu.vector_load %arg17[%swap3A_901, %swap3A_902, %swap3A_903] {strides = array<i32>} : memref<3x40x144xf32, #tpu.memory_space<vmem>>, vector<16xf32>,
        tpu.vector_store %arg17[%swap3A_901, %swap3A_902, %swap3A_903], %div3A_900 {strides = array<i32>} : memref<3x40x144xf32, #tpu.memory_space<vmem>>, vector<16xf32>,
        %get3A_905 = arith.index_cast %rem3A_326 : i32 to index
        %get3A_906 = arith.index_cast %scan3A_792 : i32 to index
        %get3A_907 = arith.constant 32 : index
        %get3A_908 = tpu.vector_load %arg15[%get3A_905, %get3A_906, %get3A_907] {strides = array<i32>} : memref<2x40x64xi32, #tpu.memory_space<vmem>>, vector<16xi32>,
        %shift_left3A_909 = arith.constant 16 : i32
        %shift_left3A_910 = vector.broadcast %shift_left3A_909 : i32 to vector<16xi32>
        %shift_left3A_911 = arith.shli %get3A_908, %shift_left3A_910 : vector<16xi32>
        %bitcast3A_912 = vector.bitcast %shift_left3A_911 : vector<16xi32> to vector<16xf32>
        %and3A_913 = arith.andi %get3A_908, %broadcast_in_dim3A_327 : vector<16xi32>
        %bitcast3A_914 = vector.bitcast %and3A_913 : vector<16xi32> to vector<16xf32>
        %get3A_915 = arith.index_cast %rem3A_326 : i32 to index
        %get3A_916 = arith.index_cast %scan3A_792 : i32 to index
        %get3A_917 = arith.constant 32 : index
        %get3A_918 = tpu.vector_load %arg16[%get3A_915, %get3A_916, %get3A_917] {strides = array<i32>} : memref<2x40x64xi32, #tpu.memory_space<vmem>>, vector<16xi32>,
        %shift_left3A_919 = arith.constant 16 : i32
        %shift_left3A_920 = vector.broadcast %shift_left3A_919 : i32 to vector<16xi32>
        %shift_left3A_921 = arith.shli %get3A_918, %shift_left3A_920 : vector<16xi32>
        %bitcast3A_922 = vector.bitcast %shift_left3A_921 : vector<16xi32> to vector<16xf32>
        %add3A_923 = arith.addf %bitcast3A_912, %bitcast3A_922 : vector<16xf32>
        %and3A_924 = arith.andi %get3A_918, %broadcast_in_dim3A_327 : vector<16xi32>
        %bitcast3A_925 = vector.bitcast %and3A_924 : vector<16xi32> to vector<16xf32>
        %add3A_926 = arith.addf %bitcast3A_914, %bitcast3A_925 : vector<16xf32>
        %get3A_927 = arith.index_cast %rem3A_324 : i32 to index
        %get3A_928 = arith.index_cast %scan3A_792 : i32 to index
        %get3A_929 = arith.constant 64 : index
        %get3A_930 = tpu.vector_load %arg17[%get3A_927, %get3A_928, %get3A_929] {strides = array<i32>} : memref<3x40x144xf32, #tpu.memory_space<vmem>>, vector<16xf32>,
        %add3A_931 = arith.addf %get3A_930, %add3A_923 : vector<16xf32>
        %neg3A_932 = arith.constant 0.000000e+00 : f32
        %neg3A_933 = vector.broadcast %neg3A_932 : f32 to vector<16xf32>
        %neg3A_934 = arith.subf %neg3A_933, %add3A_931 : vector<16xf32>
        %exp3A_935 = math.exp %neg3A_934 : vector<16xf32>
        %add3A_936 = arith.constant 1.000000e+00 : f32
        %add3A_937 = vector.broadcast %add3A_936 : f32 to vector<16xf32>
        %add3A_938 = arith.addf %add3A_937, %exp3A_935 : vector<16xf32>
        %div3A_939 = arith.divf %add3A_931, %add3A_938 : vector<16xf32>
        %swap3A_940 = arith.index_cast %rem3A_324 : i32 to index
        %swap3A_941 = arith.index_cast %scan3A_792 : i32 to index
        %swap3A_942 = arith.constant 64 : index
        %swap3A_943 = tpu.vector_load %arg17[%swap3A_940, %swap3A_941, %swap3A_942] {strides = array<i32>} : memref<3x40x144xf32, #tpu.memory_space<vmem>>, vector<16xf32>,
        tpu.vector_store %arg17[%swap3A_940, %swap3A_941, %swap3A_942], %div3A_939 {strides = array<i32>} : memref<3x40x144xf32, #tpu.memory_space<vmem>>, vector<16xf32>,
        %get3A_944 = arith.index_cast %rem3A_324 : i32 to index
        %get3A_945 = arith.index_cast %scan3A_792 : i32 to index
        %get3A_946 = arith.constant 80 : index
        %get3A_947 = tpu.vector_load %arg17[%get3A_944, %get3A_945, %get3A_946] {strides = array<i32>} : memref<3x40x144xf32, #tpu.memory_space<vmem>>, vector<16xf32>,
        %add3A_948 = arith.addf %get3A_947, %add3A_926 : vector<16xf32>
        %neg3A_949 = arith.constant 0.000000e+00 : f32
        %neg3A_950 = vector.broadcast %neg3A_949 : f32 to vector<16xf32>
        %neg3A_951 = arith.subf %neg3A_950, %add3A_948 : vector<16xf32>
        %exp3A_952 = math.exp %neg3A_951 : vector<16xf32>
        %add3A_953 = arith.constant 1.000000e+00 : f32
        %add3A_954 = vector.broadcast %add3A_953 : f32 to vector<16xf32>
        %add3A_955 = arith.addf %add3A_954, %exp3A_952 : vector<16xf32>
        %div3A_956 = arith.divf %add3A_948, %add3A_955 : vector<16xf32>
        %swap3A_957 = arith.index_cast %rem3A_324 : i32 to index
        %swap3A_958 = arith.index_cast %scan3A_792 : i32 to index
        %swap3A_959 = arith.constant 80 : index
        %swap3A_960 = tpu.vector_load %arg17[%swap3A_957, %swap3A_958, %swap3A_959] {strides = array<i32>} : memref<3x40x144xf32, #tpu.memory_space<vmem>>, vector<16xf32>,
        tpu.vector_store %arg17[%swap3A_957, %swap3A_958, %swap3A_959], %div3A_956 {strides = array<i32>} : memref<3x40x144xf32, #tpu.memory_space<vmem>>, vector<16xf32>,
        %get3A_961 = arith.index_cast %rem3A_326 : i32 to index
        %get3A_962 = arith.index_cast %scan3A_792 : i32 to index
        %get3A_963 = arith.constant 48 : index
        %get3A_964 = tpu.vector_load %arg15[%get3A_961, %get3A_962, %get3A_963] {strides = array<i32>} : memref<2x40x64xi32, #tpu.memory_space<vmem>>, vector<16xi32>,
        %shift_left3A_965 = arith.constant 16 : i32
        %shift_left3A_966 = vector.broadcast %shift_left3A_965 : i32 to vector<16xi32>
        %shift_left3A_967 = arith.shli %get3A_964, %shift_left3A_966 : vector<16xi32>
        %bitcast3A_968 = vector.bitcast %shift_left3A_967 : vector<16xi32> to vector<16xf32>
        %and3A_969 = arith.andi %get3A_964, %broadcast_in_dim3A_327 : vector<16xi32>
        %bitcast3A_970 = vector.bitcast %and3A_969 : vector<16xi32> to vector<16xf32>
        %get3A_971 = arith.index_cast %rem3A_326 : i32 to index
        %get3A_972 = arith.index_cast %scan3A_792 : i32 to index
        %get3A_973 = arith.constant 48 : index
        %get3A_974 = tpu.vector_load %arg16[%get3A_971, %get3A_972, %get3A_973] {strides = array<i32>} : memref<2x40x64xi32, #tpu.memory_space<vmem>>, vector<16xi32>,
        %shift_left3A_975 = arith.constant 16 : i32
        %shift_left3A_976 = vector.broadcast %shift_left3A_975 : i32 to vector<16xi32>
        %shift_left3A_977 = arith.shli %get3A_974, %shift_left3A_976 : vector<16xi32>
        %bitcast3A_978 = vector.bitcast %shift_left3A_977 : vector<16xi32> to vector<16xf32>
        %add3A_979 = arith.addf %bitcast3A_968, %bitcast3A_978 : vector<16xf32>
        %and3A_980 = arith.andi %get3A_974, %broadcast_in_dim3A_327 : vector<16xi32>
        %bitcast3A_981 = vector.bitcast %and3A_980 : vector<16xi32> to vector<16xf32>
        %add3A_982 = arith.addf %bitcast3A_970, %bitcast3A_981 : vector<16xf32>
        %get3A_983 = arith.index_cast %rem3A_324 : i32 to index
        %get3A_984 = arith.index_cast %scan3A_792 : i32 to index
        %get3A_985 = arith.constant 96 : index
        %get3A_986 = tpu.vector_load %arg17[%get3A_983, %get3A_984, %get3A_985] {strides = array<i32>} : memref<3x40x144xf32, #tpu.memory_space<vmem>>, vector<16xf32>,
        %add3A_987 = arith.addf %get3A_986, %add3A_979 : vector<16xf32>
        %neg3A_988 = arith.constant 0.000000e+00 : f32
        %neg3A_989 = vector.broadcast %neg3A_988 : f32 to vector<16xf32>
        %neg3A_990 = arith.subf %neg3A_989, %add3A_987 : vector<16xf32>
        %exp3A_991 = math.exp %neg3A_990 : vector<16xf32>
        %add3A_992 = arith.constant 1.000000e+00 : f32
        %add3A_993 = vector.broadcast %add3A_992 : f32 to vector<16xf32>
        %add3A_994 = arith.addf %add3A_993, %exp3A_991 : vector<16xf32>
        %div3A_995 = arith.divf %add3A_987, %add3A_994 : vector<16xf32>
        %swap3A_996 = arith.index_cast %rem3A_324 : i32 to index
        %swap3A_997 = arith.index_cast %scan3A_792 : i32 to index
        %swap3A_998 = arith.constant 96 : index
        %swap3A_999 = tpu.vector_load %arg17[%swap3A_996, %swap3A_997, %swap3A_998] {strides = array<i32>} : memref<3x40x144xf32, #tpu.memory_space<vmem>>, vector<16xf32>,
        tpu.vector_store %arg17[%swap3A_996, %swap3A_997, %swap3A_998], %div3A_995 {strides = array<i32>} : memref<3x40x144xf32, #tpu.memory_space<vmem>>, vector<16xf32>,
        %get3A_1000 = arith.index_cast %rem3A_324 : i32 to index
        %get3A_1001 = arith.index_cast %scan3A_792 : i32 to index
        %get3A_1002 = arith.constant 112 : index
        %get3A_1003 = tpu.vector_load %arg17[%get3A_1000, %get3A_1001, %get3A_1002] {strides = array<i32>} : memref<3x40x144xf32, #tpu.memory_space<vmem>>, vector<16xf32>,
        %add3A_1004 = arith.addf %get3A_1003, %add3A_982 : vector<16xf32>
        %neg3A_1005 = arith.constant 0.000000e+00 : f32
        %neg3A_1006 = vector.broadcast %neg3A_1005 : f32 to vector<16xf32>
        %neg3A_1007 = arith.subf %neg3A_1006, %add3A_1004 : vector<16xf32>
        %exp3A_1008 = math.exp %neg3A_1007 : vector<16xf32>
        %add3A_1009 = arith.constant 1.000000e+00 : f32
        %add3A_1010 = vector.broadcast %add3A_1009 : f32 to vector<16xf32>
        %add3A_1011 = arith.addf %add3A_1010, %exp3A_1008 : vector<16xf32>
        %div3A_1012 = arith.divf %add3A_1004, %add3A_1011 : vector<16xf32>
        %swap3A_1013 = arith.index_cast %rem3A_324 : i32 to index
        %swap3A_1014 = arith.index_cast %scan3A_792 : i32 to index
        %swap3A_1015 = arith.constant 112 : index
        %swap3A_1016 = tpu.vector_load %arg17[%swap3A_1013, %swap3A_1014, %swap3A_1015] {strides = array<i32>} : memref<3x40x144xf32, #tpu.memory_space<vmem>>, vector<16xf32>,
        tpu.vector_store %arg17[%swap3A_1013, %swap3A_1014, %swap3A_1015], %div3A_1012 {strides = array<i32>} : memref<3x40x144xf32, #tpu.memory_space<vmem>>, vector<16xf32>,
        %scan3A_1017 = arith.constant 3 : i32
        %scan3A_1018 = arith.addi %scan3A_348, %scan3A_1017 : i32
        %get3A_1019 = arith.index_cast %rem3A_326 : i32 to index
        %get3A_1020 = arith.index_cast %scan3A_1018 : i32 to index
        %get3A_1021 = arith.constant 0 : index
        %get3A_1022 = tpu.vector_load %arg15[%get3A_1019, %get3A_1020, %get3A_1021] {strides = array<i32>} : memref<2x40x64xi32, #tpu.memory_space<vmem>>, vector<16xi32>,
        %shift_left3A_1023 = arith.constant 16 : i32
        %shift_left3A_1024 = vector.broadcast %shift_left3A_1023 : i32 to vector<16xi32>
        %shift_left3A_1025 = arith.shli %get3A_1022, %shift_left3A_1024 : vector<16xi32>
        %bitcast3A_1026 = vector.bitcast %shift_left3A_1025 : vector<16xi32> to vector<16xf32>
        %and3A_1027 = arith.andi %get3A_1022, %broadcast_in_dim3A_327 : vector<16xi32>
        %bitcast3A_1028 = vector.bitcast %and3A_1027 : vector<16xi32> to vector<16xf32>
        %get3A_1029 = arith.index_cast %rem3A_326 : i32 to index
        %get3A_1030 = arith.index_cast %scan3A_1018 : i32 to index
        %get3A_1031 = arith.constant 0 : index
        %get3A_1032 = tpu.vector_load %arg16[%get3A_1029, %get3A_1030, %get3A_1031] {strides = array<i32>} : memref<2x40x64xi32, #tpu.memory_space<vmem>>, vector<16xi32>,
        %shift_left3A_1033 = arith.constant 16 : i32
        %shift_left3A_1034 = vector.broadcast %shift_left3A_1033 : i32 to vector<16xi32>
        %shift_left3A_1035 = arith.shli %get3A_1032, %shift_left3A_1034 : vector<16xi32>
        %bitcast3A_1036 = vector.bitcast %shift_left3A_1035 : vector<16xi32> to vector<16xf32>
        %add3A_1037 = arith.addf %bitcast3A_1026, %bitcast3A_1036 : vector<16xf32>
        %and3A_1038 = arith.andi %get3A_1032, %broadcast_in_dim3A_327 : vector<16xi32>
        %bitcast3A_1039 = vector.bitcast %and3A_1038 : vector<16xi32> to vector<16xf32>
        %add3A_1040 = arith.addf %bitcast3A_1028, %bitcast3A_1039 : vector<16xf32>
        %get3A_1041 = arith.index_cast %rem3A_324 : i32 to index
        %get3A_1042 = arith.index_cast %scan3A_1018 : i32 to index
        %get3A_1043 = arith.constant 0 : index
        %get3A_1044 = tpu.vector_load %arg17[%get3A_1041, %get3A_1042, %get3A_1043] {strides = array<i32>} : memref<3x40x144xf32, #tpu.memory_space<vmem>>, vector<16xf32>,
        %add3A_1045 = arith.addf %get3A_1044, %add3A_1037 : vector<16xf32>
        %neg3A_1046 = arith.constant 0.000000e+00 : f32
        %neg3A_1047 = vector.broadcast %neg3A_1046 : f32 to vector<16xf32>
        %neg3A_1048 = arith.subf %neg3A_1047, %add3A_1045 : vector<16xf32>
        %exp3A_1049 = math.exp %neg3A_1048 : vector<16xf32>
        %add3A_1050 = arith.constant 1.000000e+00 : f32
        %add3A_1051 = vector.broadcast %add3A_1050 : f32 to vector<16xf32>
        %add3A_1052 = arith.addf %add3A_1051, %exp3A_1049 : vector<16xf32>
        %div3A_1053 = arith.divf %add3A_1045, %add3A_1052 : vector<16xf32>
        %swap3A_1054 = arith.index_cast %rem3A_324 : i32 to index
        %swap3A_1055 = arith.index_cast %scan3A_1018 : i32 to index
        %swap3A_1056 = arith.constant 0 : index
        %swap3A_1057 = tpu.vector_load %arg17[%swap3A_1054, %swap3A_1055, %swap3A_1056] {strides = array<i32>} : memref<3x40x144xf32, #tpu.memory_space<vmem>>, vector<16xf32>,
        tpu.vector_store %arg17[%swap3A_1054, %swap3A_1055, %swap3A_1056], %div3A_1053 {strides = array<i32>} : memref<3x40x144xf32, #tpu.memory_space<vmem>>, vector<16xf32>,
        %get3A_1058 = arith.index_cast %rem3A_324 : i32 to index
        %get3A_1059 = arith.index_cast %scan3A_1018 : i32 to index
        %get3A_1060 = arith.constant 16 : index
        %get3A_1061 = tpu.vector_load %arg17[%get3A_1058, %get3A_1059, %get3A_1060] {strides = array<i32>} : memref<3x40x144xf32, #tpu.memory_space<vmem>>, vector<16xf32>,
        %add3A_1062 = arith.addf %get3A_1061, %add3A_1040 : vector<16xf32>
        %neg3A_1063 = arith.constant 0.000000e+00 : f32
        %neg3A_1064 = vector.broadcast %neg3A_1063 : f32 to vector<16xf32>
        %neg3A_1065 = arith.subf %neg3A_1064, %add3A_1062 : vector<16xf32>
        %exp3A_1066 = math.exp %neg3A_1065 : vector<16xf32>
        %add3A_1067 = arith.constant 1.000000e+00 : f32
        %add3A_1068 = vector.broadcast %add3A_1067 : f32 to vector<16xf32>
        %add3A_1069 = arith.addf %add3A_1068, %exp3A_1066 : vector<16xf32>
        %div3A_1070 = arith.divf %add3A_1062, %add3A_1069 : vector<16xf32>
        %swap3A_1071 = arith.index_cast %rem3A_324 : i32 to index
        %swap3A_1072 = arith.index_cast %scan3A_1018 : i32 to index
        %swap3A_1073 = arith.constant 16 : index
        %swap3A_1074 = tpu.vector_load %arg17[%swap3A_1071, %swap3A_1072, %swap3A_1073] {strides = array<i32>} : memref<3x40x144xf32, #tpu.memory_space<vmem>>, vector<16xf32>,
        tpu.vector_store %arg17[%swap3A_1071, %swap3A_1072, %swap3A_1073], %div3A_1070 {strides = array<i32>} : memref<3x40x144xf32, #tpu.memory_space<vmem>>, vector<16xf32>,
        %get3A_1075 = arith.index_cast %rem3A_326 : i32 to index
        %get3A_1076 = arith.index_cast %scan3A_1018 : i32 to index
        %get3A_1077 = arith.constant 16 : index
        %get3A_1078 = tpu.vector_load %arg15[%get3A_1075, %get3A_1076, %get3A_1077] {strides = array<i32>} : memref<2x40x64xi32, #tpu.memory_space<vmem>>, vector<16xi32>,
        %shift_left3A_1079 = arith.constant 16 : i32
        %shift_left3A_1080 = vector.broadcast %shift_left3A_1079 : i32 to vector<16xi32>
        %shift_left3A_1081 = arith.shli %get3A_1078, %shift_left3A_1080 : vector<16xi32>
        %bitcast3A_1082 = vector.bitcast %shift_left3A_1081 : vector<16xi32> to vector<16xf32>
        %and3A_1083 = arith.andi %get3A_1078, %broadcast_in_dim3A_327 : vector<16xi32>
        %bitcast3A_1084 = vector.bitcast %and3A_1083 : vector<16xi32> to vector<16xf32>
        %get3A_1085 = arith.index_cast %rem3A_326 : i32 to index
        %get3A_1086 = arith.index_cast %scan3A_1018 : i32 to index
        %get3A_1087 = arith.constant 16 : index
        %get3A_1088 = tpu.vector_load %arg16[%get3A_1085, %get3A_1086, %get3A_1087] {strides = array<i32>} : memref<2x40x64xi32, #tpu.memory_space<vmem>>, vector<16xi32>,
        %shift_left3A_1089 = arith.constant 16 : i32
        %shift_left3A_1090 = vector.broadcast %shift_left3A_1089 : i32 to vector<16xi32>
        %shift_left3A_1091 = arith.shli %get3A_1088, %shift_left3A_1090 : vector<16xi32>
        %bitcast3A_1092 = vector.bitcast %shift_left3A_1091 : vector<16xi32> to vector<16xf32>
        %add3A_1093 = arith.addf %bitcast3A_1082, %bitcast3A_1092 : vector<16xf32>
        %and3A_1094 = arith.andi %get3A_1088, %broadcast_in_dim3A_327 : vector<16xi32>
        %bitcast3A_1095 = vector.bitcast %and3A_1094 : vector<16xi32> to vector<16xf32>
        %add3A_1096 = arith.addf %bitcast3A_1084, %bitcast3A_1095 : vector<16xf32>
        %get3A_1097 = arith.index_cast %rem3A_324 : i32 to index
        %get3A_1098 = arith.index_cast %scan3A_1018 : i32 to index
        %get3A_1099 = arith.constant 32 : index
        %get3A_1100 = tpu.vector_load %arg17[%get3A_1097, %get3A_1098, %get3A_1099] {strides = array<i32>} : memref<3x40x144xf32, #tpu.memory_space<vmem>>, vector<16xf32>,
        %add3A_1101 = arith.addf %get3A_1100, %add3A_1093 : vector<16xf32>
        %neg3A_1102 = arith.constant 0.000000e+00 : f32
        %neg3A_1103 = vector.broadcast %neg3A_1102 : f32 to vector<16xf32>
        %neg3A_1104 = arith.subf %neg3A_1103, %add3A_1101 : vector<16xf32>
        %exp3A_1105 = math.exp %neg3A_1104 : vector<16xf32>
        %add3A_1106 = arith.constant 1.000000e+00 : f32
        %add3A_1107 = vector.broadcast %add3A_1106 : f32 to vector<16xf32>
        %add3A_1108 = arith.addf %add3A_1107, %exp3A_1105 : vector<16xf32>
        %div3A_1109 = arith.divf %add3A_1101, %add3A_1108 : vector<16xf32>
        %swap3A_1110 = arith.index_cast %rem3A_324 : i32 to index
        %swap3A_1111 = arith.index_cast %scan3A_1018 : i32 to index
        %swap3A_1112 = arith.constant 32 : index
        %swap3A_1113 = tpu.vector_load %arg17[%swap3A_1110, %swap3A_1111, %swap3A_1112] {strides = array<i32>} : memref<3x40x144xf32, #tpu.memory_space<vmem>>, vector<16xf32>,
        tpu.vector_store %arg17[%swap3A_1110, %swap3A_1111, %swap3A_1112], %div3A_1109 {strides = array<i32>} : memref<3x40x144xf32, #tpu.memory_space<vmem>>, vector<16xf32>,
        %get3A_1114 = arith.index_cast %rem3A_324 : i32 to index
        %get3A_1115 = arith.index_cast %scan3A_1018 : i32 to index
        %get3A_1116 = arith.constant 48 : index
        %get3A_1117 = tpu.vector_load %arg17[%get3A_1114, %get3A_1115, %get3A_1116] {strides = array<i32>} : memref<3x40x144xf32, #tpu.memory_space<vmem>>, vector<16xf32>,
        %add3A_1118 = arith.addf %get3A_1117, %add3A_1096 : vector<16xf32>
        %neg3A_1119 = arith.constant 0.000000e+00 : f32
        %neg3A_1120 = vector.broadcast %neg3A_1119 : f32 to vector<16xf32>
        %neg3A_1121 = arith.subf %neg3A_1120, %add3A_1118 : vector<16xf32>
        %exp3A_1122 = math.exp %neg3A_1121 : vector<16xf32>
        %add3A_1123 = arith.constant 1.000000e+00 : f32
        %add3A_1124 = vector.broadcast %add3A_1123 : f32 to vector<16xf32>
        %add3A_1125 = arith.addf %add3A_1124, %exp3A_1122 : vector<16xf32>
        %div3A_1126 = arith.divf %add3A_1118, %add3A_1125 : vector<16xf32>
        %swap3A_1127 = arith.index_cast %rem3A_324 : i32 to index
        %swap3A_1128 = arith.index_cast %scan3A_1018 : i32 to index
        %swap3A_1129 = arith.constant 48 : index
        %swap3A_1130 = tpu.vector_load %arg17[%swap3A_1127, %swap3A_1128, %swap3A_1129] {strides = array<i32>} : memref<3x40x144xf32, #tpu.memory_space<vmem>>, vector<16xf32>,
        tpu.vector_store %arg17[%swap3A_1127, %swap3A_1128, %swap3A_1129], %div3A_1126 {strides = array<i32>} : memref<3x40x144xf32, #tpu.memory_space<vmem>>, vector<16xf32>,
        %get3A_1131 = arith.index_cast %rem3A_326 : i32 to index
        %get3A_1132 = arith.index_cast %scan3A_1018 : i32 to index
        %get3A_1133 = arith.constant 32 : index
        %get3A_1134 = tpu.vector_load %arg15[%get3A_1131, %get3A_1132, %get3A_1133] {strides = array<i32>} : memref<2x40x64xi32, #tpu.memory_space<vmem>>, vector<16xi32>,
        %shift_left3A_1135 = arith.constant 16 : i32
        %shift_left3A_1136 = vector.broadcast %shift_left3A_1135 : i32 to vector<16xi32>
        %shift_left3A_1137 = arith.shli %get3A_1134, %shift_left3A_1136 : vector<16xi32>
        %bitcast3A_1138 = vector.bitcast %shift_left3A_1137 : vector<16xi32> to vector<16xf32>
        %and3A_1139 = arith.andi %get3A_1134, %broadcast_in_dim3A_327 : vector<16xi32>
        %bitcast3A_1140 = vector.bitcast %and3A_1139 : vector<16xi32> to vector<16xf32>
        %get3A_1141 = arith.index_cast %rem3A_326 : i32 to index
        %get3A_1142 = arith.index_cast %scan3A_1018 : i32 to index
        %get3A_1143 = arith.constant 32 : index
        %get3A_1144 = tpu.vector_load %arg16[%get3A_1141, %get3A_1142, %get3A_1143] {strides = array<i32>} : memref<2x40x64xi32, #tpu.memory_space<vmem>>, vector<16xi32>,
        %shift_left3A_1145 = arith.constant 16 : i32
        %shift_left3A_1146 = vector.broadcast %shift_left3A_1145 : i32 to vector<16xi32>
        %shift_left3A_1147 = arith.shli %get3A_1144, %shift_left3A_1146 : vector<16xi32>
        %bitcast3A_1148 = vector.bitcast %shift_left3A_1147 : vector<16xi32> to vector<16xf32>
        %add3A_1149 = arith.addf %bitcast3A_1138, %bitcast3A_1148 : vector<16xf32>
        %and3A_1150 = arith.andi %get3A_1144, %broadcast_in_dim3A_327 : vector<16xi32>
        %bitcast3A_1151 = vector.bitcast %and3A_1150 : vector<16xi32> to vector<16xf32>
        %add3A_1152 = arith.addf %bitcast3A_1140, %bitcast3A_1151 : vector<16xf32>
        %get3A_1153 = arith.index_cast %rem3A_324 : i32 to index
        %get3A_1154 = arith.index_cast %scan3A_1018 : i32 to index
        %get3A_1155 = arith.constant 64 : index
        %get3A_1156 = tpu.vector_load %arg17[%get3A_1153, %get3A_1154, %get3A_1155] {strides = array<i32>} : memref<3x40x144xf32, #tpu.memory_space<vmem>>, vector<16xf32>,
        %add3A_1157 = arith.addf %get3A_1156, %add3A_1149 : vector<16xf32>
        %neg3A_1158 = arith.constant 0.000000e+00 : f32
        %neg3A_1159 = vector.broadcast %neg3A_1158 : f32 to vector<16xf32>
        %neg3A_1160 = arith.subf %neg3A_1159, %add3A_1157 : vector<16xf32>
        %exp3A_1161 = math.exp %neg3A_1160 : vector<16xf32>
        %add3A_1162 = arith.constant 1.000000e+00 : f32
        %add3A_1163 = vector.broadcast %add3A_1162 : f32 to vector<16xf32>
        %add3A_1164 = arith.addf %add3A_1163, %exp3A_1161 : vector<16xf32>
        %div3A_1165 = arith.divf %add3A_1157, %add3A_1164 : vector<16xf32>
        %swap3A_1166 = arith.index_cast %rem3A_324 : i32 to index
        %swap3A_1167 = arith.index_cast %scan3A_1018 : i32 to index
        %swap3A_1168 = arith.constant 64 : index
        %swap3A_1169 = tpu.vector_load %arg17[%swap3A_1166, %swap3A_1167, %swap3A_1168] {strides = array<i32>} : memref<3x40x144xf32, #tpu.memory_space<vmem>>, vector<16xf32>,
        tpu.vector_store %arg17[%swap3A_1166, %swap3A_1167, %swap3A_1168], %div3A_1165 {strides = array<i32>} : memref<3x40x144xf32, #tpu.memory_space<vmem>>, vector<16xf32>,
        %get3A_1170 = arith.index_cast %rem3A_324 : i32 to index
        %get3A_1171 = arith.index_cast %scan3A_1018 : i32 to index
        %get3A_1172 = arith.constant 80 : index
        %get3A_1173 = tpu.vector_load %arg17[%get3A_1170, %get3A_1171, %get3A_1172] {strides = array<i32>} : memref<3x40x144xf32, #tpu.memory_space<vmem>>, vector<16xf32>,
        %add3A_1174 = arith.addf %get3A_1173, %add3A_1152 : vector<16xf32>
        %neg3A_1175 = arith.constant 0.000000e+00 : f32
        %neg3A_1176 = vector.broadcast %neg3A_1175 : f32 to vector<16xf32>
        %neg3A_1177 = arith.subf %neg3A_1176, %add3A_1174 : vector<16xf32>
        %exp3A_1178 = math.exp %neg3A_1177 : vector<16xf32>
        %add3A_1179 = arith.constant 1.000000e+00 : f32
        %add3A_1180 = vector.broadcast %add3A_1179 : f32 to vector<16xf32>
        %add3A_1181 = arith.addf %add3A_1180, %exp3A_1178 : vector<16xf32>
        %div3A_1182 = arith.divf %add3A_1174, %add3A_1181 : vector<16xf32>
        %swap3A_1183 = arith.index_cast %rem3A_324 : i32 to index
        %swap3A_1184 = arith.index_cast %scan3A_1018 : i32 to index
        %swap3A_1185 = arith.constant 80 : index
        %swap3A_1186 = tpu.vector_load %arg17[%swap3A_1183, %swap3A_1184, %swap3A_1185] {strides = array<i32>} : memref<3x40x144xf32, #tpu.memory_space<vmem>>, vector<16xf32>,
        tpu.vector_store %arg17[%swap3A_1183, %swap3A_1184, %swap3A_1185], %div3A_1182 {strides = array<i32>} : memref<3x40x144xf32, #tpu.memory_space<vmem>>, vector<16xf32>,
        %get3A_1187 = arith.index_cast %rem3A_326 : i32 to index
        %get3A_1188 = arith.index_cast %scan3A_1018 : i32 to index
        %get3A_1189 = arith.constant 48 : index
        %get3A_1190 = tpu.vector_load %arg15[%get3A_1187, %get3A_1188, %get3A_1189] {strides = array<i32>} : memref<2x40x64xi32, #tpu.memory_space<vmem>>, vector<16xi32>,
        %shift_left3A_1191 = arith.constant 16 : i32
        %shift_left3A_1192 = vector.broadcast %shift_left3A_1191 : i32 to vector<16xi32>
        %shift_left3A_1193 = arith.shli %get3A_1190, %shift_left3A_1192 : vector<16xi32>
        %bitcast3A_1194 = vector.bitcast %shift_left3A_1193 : vector<16xi32> to vector<16xf32>
        %and3A_1195 = arith.andi %get3A_1190, %broadcast_in_dim3A_327 : vector<16xi32>
        %bitcast3A_1196 = vector.bitcast %and3A_1195 : vector<16xi32> to vector<16xf32>
        %get3A_1197 = arith.index_cast %rem3A_326 : i32 to index
        %get3A_1198 = arith.index_cast %scan3A_1018 : i32 to index
        %get3A_1199 = arith.constant 48 : index
        %get3A_1200 = tpu.vector_load %arg16[%get3A_1197, %get3A_1198, %get3A_1199] {strides = array<i32>} : memref<2x40x64xi32, #tpu.memory_space<vmem>>, vector<16xi32>,
        %shift_left3A_1201 = arith.constant 16 : i32
        %shift_left3A_1202 = vector.broadcast %shift_left3A_1201 : i32 to vector<16xi32>
        %shift_left3A_1203 = arith.shli %get3A_1200, %shift_left3A_1202 : vector<16xi32>
        %bitcast3A_1204 = vector.bitcast %shift_left3A_1203 : vector<16xi32> to vector<16xf32>
        %add3A_1205 = arith.addf %bitcast3A_1194, %bitcast3A_1204 : vector<16xf32>
        %and3A_1206 = arith.andi %get3A_1200, %broadcast_in_dim3A_327 : vector<16xi32>
        %bitcast3A_1207 = vector.bitcast %and3A_1206 : vector<16xi32> to vector<16xf32>
        %add3A_1208 = arith.addf %bitcast3A_1196, %bitcast3A_1207 : vector<16xf32>
        %get3A_1209 = arith.index_cast %rem3A_324 : i32 to index
        %get3A_1210 = arith.index_cast %scan3A_1018 : i32 to index
        %get3A_1211 = arith.constant 96 : index
        %get3A_1212 = tpu.vector_load %arg17[%get3A_1209, %get3A_1210, %get3A_1211] {strides = array<i32>} : memref<3x40x144xf32, #tpu.memory_space<vmem>>, vector<16xf32>,
        %add3A_1213 = arith.addf %get3A_1212, %add3A_1205 : vector<16xf32>
        %neg3A_1214 = arith.constant 0.000000e+00 : f32
        %neg3A_1215 = vector.broadcast %neg3A_1214 : f32 to vector<16xf32>
        %neg3A_1216 = arith.subf %neg3A_1215, %add3A_1213 : vector<16xf32>
        %exp3A_1217 = math.exp %neg3A_1216 : vector<16xf32>
        %add3A_1218 = arith.constant 1.000000e+00 : f32
        %add3A_1219 = vector.broadcast %add3A_1218 : f32 to vector<16xf32>
        %add3A_1220 = arith.addf %add3A_1219, %exp3A_1217 : vector<16xf32>
        %div3A_1221 = arith.divf %add3A_1213, %add3A_1220 : vector<16xf32>
        %swap3A_1222 = arith.index_cast %rem3A_324 : i32 to index
        %swap3A_1223 = arith.index_cast %scan3A_1018 : i32 to index
        %swap3A_1224 = arith.constant 96 : index
        %swap3A_1225 = tpu.vector_load %arg17[%swap3A_1222, %swap3A_1223, %swap3A_1224] {strides = array<i32>} : memref<3x40x144xf32, #tpu.memory_space<vmem>>, vector<16xf32>,
        tpu.vector_store %arg17[%swap3A_1222, %swap3A_1223, %swap3A_1224], %div3A_1221 {strides = array<i32>} : memref<3x40x144xf32, #tpu.memory_space<vmem>>, vector<16xf32>,
        %get3A_1226 = arith.index_cast %rem3A_324 : i32 to index
        %get3A_1227 = arith.index_cast %scan3A_1018 : i32 to index
        %get3A_1228 = arith.constant 112 : index
        %get3A_1229 = tpu.vector_load %arg17[%get3A_1226, %get3A_1227, %get3A_1228] {strides = array<i32>} : memref<3x40x144xf32, #tpu.memory_space<vmem>>, vector<16xf32>,
        %add3A_1230 = arith.addf %get3A_1229, %add3A_1208 : vector<16xf32>
        %neg3A_1231 = arith.constant 0.000000e+00 : f32
        %neg3A_1232 = vector.broadcast %neg3A_1231 : f32 to vector<16xf32>
        %neg3A_1233 = arith.subf %neg3A_1232, %add3A_1230 : vector<16xf32>
        %exp3A_1234 = math.exp %neg3A_1233 : vector<16xf32>
        %add3A_1235 = arith.constant 1.000000e+00 : f32
        %add3A_1236 = vector.broadcast %add3A_1235 : f32 to vector<16xf32>
        %add3A_1237 = arith.addf %add3A_1236, %exp3A_1234 : vector<16xf32>
        %div3A_1238 = arith.divf %add3A_1230, %add3A_1237 : vector<16xf32>
        %swap3A_1239 = arith.index_cast %rem3A_324 : i32 to index
        %swap3A_1240 = arith.index_cast %scan3A_1018 : i32 to index
        %swap3A_1241 = arith.constant 112 : index
        %swap3A_1242 = tpu.vector_load %arg17[%swap3A_1239, %swap3A_1240, %swap3A_1241] {strides = array<i32>} : memref<3x40x144xf32, #tpu.memory_space<vmem>>, vector<16xf32>,
        tpu.vector_store %arg17[%swap3A_1239, %swap3A_1240, %swap3A_1241], %div3A_1238 {strides = array<i32>} : memref<3x40x144xf32, #tpu.memory_space<vmem>>, vector<16xf32>,
        %scan3A_1243 = arith.constant 4 : i32
        %scan3A_1244 = arith.addi %scan3A_348, %scan3A_1243 : i32
        %get3A_1245 = arith.index_cast %rem3A_326 : i32 to index
        %get3A_1246 = arith.index_cast %scan3A_1244 : i32 to index
        %get3A_1247 = arith.constant 0 : index
        %get3A_1248 = tpu.vector_load %arg15[%get3A_1245, %get3A_1246, %get3A_1247] {strides = array<i32>} : memref<2x40x64xi32, #tpu.memory_space<vmem>>, vector<16xi32>,
        %shift_left3A_1249 = arith.constant 16 : i32
        %shift_left3A_1250 = vector.broadcast %shift_left3A_1249 : i32 to vector<16xi32>
        %shift_left3A_1251 = arith.shli %get3A_1248, %shift_left3A_1250 : vector<16xi32>
        %bitcast3A_1252 = vector.bitcast %shift_left3A_1251 : vector<16xi32> to vector<16xf32>
        %and3A_1253 = arith.andi %get3A_1248, %broadcast_in_dim3A_327 : vector<16xi32>
        %bitcast3A_1254 = vector.bitcast %and3A_1253 : vector<16xi32> to vector<16xf32>
        %get3A_1255 = arith.index_cast %rem3A_326 : i32 to index
        %get3A_1256 = arith.index_cast %scan3A_1244 : i32 to index
        %get3A_1257 = arith.constant 0 : index
        %get3A_1258 = tpu.vector_load %arg16[%get3A_1255, %get3A_1256, %get3A_1257] {strides = array<i32>} : memref<2x40x64xi32, #tpu.memory_space<vmem>>, vector<16xi32>,
        %shift_left3A_1259 = arith.constant 16 : i32
        %shift_left3A_1260 = vector.broadcast %shift_left3A_1259 : i32 to vector<16xi32>
        %shift_left3A_1261 = arith.shli %get3A_1258, %shift_left3A_1260 : vector<16xi32>
        %bitcast3A_1262 = vector.bitcast %shift_left3A_1261 : vector<16xi32> to vector<16xf32>
        %add3A_1263 = arith.addf %bitcast3A_1252, %bitcast3A_1262 : vector<16xf32>
        %and3A_1264 = arith.andi %get3A_1258, %broadcast_in_dim3A_327 : vector<16xi32>
        %bitcast3A_1265 = vector.bitcast %and3A_1264 : vector<16xi32> to vector<16xf32>
        %add3A_1266 = arith.addf %bitcast3A_1254, %bitcast3A_1265 : vector<16xf32>
        %get3A_1267 = arith.index_cast %rem3A_324 : i32 to index
        %get3A_1268 = arith.index_cast %scan3A_1244 : i32 to index
        %get3A_1269 = arith.constant 0 : index
        %get3A_1270 = tpu.vector_load %arg17[%get3A_1267, %get3A_1268, %get3A_1269] {strides = array<i32>} : memref<3x40x144xf32, #tpu.memory_space<vmem>>, vector<16xf32>,
        %add3A_1271 = arith.addf %get3A_1270, %add3A_1263 : vector<16xf32>
        %neg3A_1272 = arith.constant 0.000000e+00 : f32
        %neg3A_1273 = vector.broadcast %neg3A_1272 : f32 to vector<16xf32>
        %neg3A_1274 = arith.subf %neg3A_1273, %add3A_1271 : vector<16xf32>
        %exp3A_1275 = math.exp %neg3A_1274 : vector<16xf32>
        %add3A_1276 = arith.constant 1.000000e+00 : f32
        %add3A_1277 = vector.broadcast %add3A_1276 : f32 to vector<16xf32>
        %add3A_1278 = arith.addf %add3A_1277, %exp3A_1275 : vector<16xf32>
        %div3A_1279 = arith.divf %add3A_1271, %add3A_1278 : vector<16xf32>
        %swap3A_1280 = arith.index_cast %rem3A_324 : i32 to index
        %swap3A_1281 = arith.index_cast %scan3A_1244 : i32 to index
        %swap3A_1282 = arith.constant 0 : index
        %swap3A_1283 = tpu.vector_load %arg17[%swap3A_1280, %swap3A_1281, %swap3A_1282] {strides = array<i32>} : memref<3x40x144xf32, #tpu.memory_space<vmem>>, vector<16xf32>,
        tpu.vector_store %arg17[%swap3A_1280, %swap3A_1281, %swap3A_1282], %div3A_1279 {strides = array<i32>} : memref<3x40x144xf32, #tpu.memory_space<vmem>>, vector<16xf32>,
        %get3A_1284 = arith.index_cast %rem3A_324 : i32 to index
        %get3A_1285 = arith.index_cast %scan3A_1244 : i32 to index
        %get3A_1286 = arith.constant 16 : index
        %get3A_1287 = tpu.vector_load %arg17[%get3A_1284, %get3A_1285, %get3A_1286] {strides = array<i32>} : memref<3x40x144xf32, #tpu.memory_space<vmem>>, vector<16xf32>,
        %add3A_1288 = arith.addf %get3A_1287, %add3A_1266 : vector<16xf32>
        %neg3A_1289 = arith.constant 0.000000e+00 : f32
        %neg3A_1290 = vector.broadcast %neg3A_1289 : f32 to vector<16xf32>
        %neg3A_1291 = arith.subf %neg3A_1290, %add3A_1288 : vector<16xf32>
        %exp3A_1292 = math.exp %neg3A_1291 : vector<16xf32>
        %add3A_1293 = arith.constant 1.000000e+00 : f32
        %add3A_1294 = vector.broadcast %add3A_1293 : f32 to vector<16xf32>
        %add3A_1295 = arith.addf %add3A_1294, %exp3A_1292 : vector<16xf32>
        %div3A_1296 = arith.divf %add3A_1288, %add3A_1295 : vector<16xf32>
        %swap3A_1297 = arith.index_cast %rem3A_324 : i32 to index
        %swap3A_1298 = arith.index_cast %scan3A_1244 : i32 to index
        %swap3A_1299 = arith.constant 16 : index
        %swap3A_1300 = tpu.vector_load %arg17[%swap3A_1297, %swap3A_1298, %swap3A_1299] {strides = array<i32>} : memref<3x40x144xf32, #tpu.memory_space<vmem>>, vector<16xf32>,
        tpu.vector_store %arg17[%swap3A_1297, %swap3A_1298, %swap3A_1299], %div3A_1296 {strides = array<i32>} : memref<3x40x144xf32, #tpu.memory_space<vmem>>, vector<16xf32>,
        %get3A_1301 = arith.index_cast %rem3A_326 : i32 to index
        %get3A_1302 = arith.index_cast %scan3A_1244 : i32 to index
        %get3A_1303 = arith.constant 16 : index
        %get3A_1304 = tpu.vector_load %arg15[%get3A_1301, %get3A_1302, %get3A_1303] {strides = array<i32>} : memref<2x40x64xi32, #tpu.memory_space<vmem>>, vector<16xi32>,
        %shift_left3A_1305 = arith.constant 16 : i32
        %shift_left3A_1306 = vector.broadcast %shift_left3A_1305 : i32 to vector<16xi32>
        %shift_left3A_1307 = arith.shli %get3A_1304, %shift_left3A_1306 : vector<16xi32>
        %bitcast3A_1308 = vector.bitcast %shift_left3A_1307 : vector<16xi32> to vector<16xf32>
        %and3A_1309 = arith.andi %get3A_1304, %broadcast_in_dim3A_327 : vector<16xi32>
        %bitcast3A_1310 = vector.bitcast %and3A_1309 : vector<16xi32> to vector<16xf32>
        %get3A_1311 = arith.index_cast %rem3A_326 : i32 to index
        %get3A_1312 = arith.index_cast %scan3A_1244 : i32 to index
        %get3A_1313 = arith.constant 16 : index
        %get3A_1314 = tpu.vector_load %arg16[%get3A_1311, %get3A_1312, %get3A_1313] {strides = array<i32>} : memref<2x40x64xi32, #tpu.memory_space<vmem>>, vector<16xi32>,
        %shift_left3A_1315 = arith.constant 16 : i32
        %shift_left3A_1316 = vector.broadcast %shift_left3A_1315 : i32 to vector<16xi32>
        %shift_left3A_1317 = arith.shli %get3A_1314, %shift_left3A_1316 : vector<16xi32>
        %bitcast3A_1318 = vector.bitcast %shift_left3A_1317 : vector<16xi32> to vector<16xf32>
        %add3A_1319 = arith.addf %bitcast3A_1308, %bitcast3A_1318 : vector<16xf32>
        %and3A_1320 = arith.andi %get3A_1314, %broadcast_in_dim3A_327 : vector<16xi32>
        %bitcast3A_1321 = vector.bitcast %and3A_1320 : vector<16xi32> to vector<16xf32>
        %add3A_1322 = arith.addf %bitcast3A_1310, %bitcast3A_1321 : vector<16xf32>
        %get3A_1323 = arith.index_cast %rem3A_324 : i32 to index
        %get3A_1324 = arith.index_cast %scan3A_1244 : i32 to index
        %get3A_1325 = arith.constant 32 : index
        %get3A_1326 = tpu.vector_load %arg17[%get3A_1323, %get3A_1324, %get3A_1325] {strides = array<i32>} : memref<3x40x144xf32, #tpu.memory_space<vmem>>, vector<16xf32>,
        %add3A_1327 = arith.addf %get3A_1326, %add3A_1319 : vector<16xf32>
        %neg3A_1328 = arith.constant 0.000000e+00 : f32
        %neg3A_1329 = vector.broadcast %neg3A_1328 : f32 to vector<16xf32>
        %neg3A_1330 = arith.subf %neg3A_1329, %add3A_1327 : vector<16xf32>
        %exp3A_1331 = math.exp %neg3A_1330 : vector<16xf32>
        %add3A_1332 = arith.constant 1.000000e+00 : f32
        %add3A_1333 = vector.broadcast %add3A_1332 : f32 to vector<16xf32>
        %add3A_1334 = arith.addf %add3A_1333, %exp3A_1331 : vector<16xf32>
        %div3A_1335 = arith.divf %add3A_1327, %add3A_1334 : vector<16xf32>
        %swap3A_1336 = arith.index_cast %rem3A_324 : i32 to index
        %swap3A_1337 = arith.index_cast %scan3A_1244 : i32 to index
        %swap3A_1338 = arith.constant 32 : index
        %swap3A_1339 = tpu.vector_load %arg17[%swap3A_1336, %swap3A_1337, %swap3A_1338] {strides = array<i32>} : memref<3x40x144xf32, #tpu.memory_space<vmem>>, vector<16xf32>,
        tpu.vector_store %arg17[%swap3A_1336, %swap3A_1337, %swap3A_1338], %div3A_1335 {strides = array<i32>} : memref<3x40x144xf32, #tpu.memory_space<vmem>>, vector<16xf32>,
        %get3A_1340 = arith.index_cast %rem3A_324 : i32 to index
        %get3A_1341 = arith.index_cast %scan3A_1244 : i32 to index
        %get3A_1342 = arith.constant 48 : index
        %get3A_1343 = tpu.vector_load %arg17[%get3A_1340, %get3A_1341, %get3A_1342] {strides = array<i32>} : memref<3x40x144xf32, #tpu.memory_space<vmem>>, vector<16xf32>,
        %add3A_1344 = arith.addf %get3A_1343, %add3A_1322 : vector<16xf32>
        %neg3A_1345 = arith.constant 0.000000e+00 : f32
        %neg3A_1346 = vector.broadcast %neg3A_1345 : f32 to vector<16xf32>
        %neg3A_1347 = arith.subf %neg3A_1346, %add3A_1344 : vector<16xf32>
        %exp3A_1348 = math.exp %neg3A_1347 : vector<16xf32>
        %add3A_1349 = arith.constant 1.000000e+00 : f32
        %add3A_1350 = vector.broadcast %add3A_1349 : f32 to vector<16xf32>
        %add3A_1351 = arith.addf %add3A_1350, %exp3A_1348 : vector<16xf32>
        %div3A_1352 = arith.divf %add3A_1344, %add3A_1351 : vector<16xf32>
        %swap3A_1353 = arith.index_cast %rem3A_324 : i32 to index
        %swap3A_1354 = arith.index_cast %scan3A_1244 : i32 to index
        %swap3A_1355 = arith.constant 48 : index
        %swap3A_1356 = tpu.vector_load %arg17[%swap3A_1353, %swap3A_1354, %swap3A_1355] {strides = array<i32>} : memref<3x40x144xf32, #tpu.memory_space<vmem>>, vector<16xf32>,
        tpu.vector_store %arg17[%swap3A_1353, %swap3A_1354, %swap3A_1355], %div3A_1352 {strides = array<i32>} : memref<3x40x144xf32, #tpu.memory_space<vmem>>, vector<16xf32>,
        %get3A_1357 = arith.index_cast %rem3A_326 : i32 to index
        %get3A_1358 = arith.index_cast %scan3A_1244 : i32 to index
        %get3A_1359 = arith.constant 32 : index
        %get3A_1360 = tpu.vector_load %arg15[%get3A_1357, %get3A_1358, %get3A_1359] {strides = array<i32>} : memref<2x40x64xi32, #tpu.memory_space<vmem>>, vector<16xi32>,
        %shift_left3A_1361 = arith.constant 16 : i32
        %shift_left3A_1362 = vector.broadcast %shift_left3A_1361 : i32 to vector<16xi32>
        %shift_left3A_1363 = arith.shli %get3A_1360, %shift_left3A_1362 : vector<16xi32>
        %bitcast3A_1364 = vector.bitcast %shift_left3A_1363 : vector<16xi32> to vector<16xf32>
        %and3A_1365 = arith.andi %get3A_1360, %broadcast_in_dim3A_327 : vector<16xi32>
        %bitcast3A_1366 = vector.bitcast %and3A_1365 : vector<16xi32> to vector<16xf32>
        %get3A_1367 = arith.index_cast %rem3A_326 : i32 to index
        %get3A_1368 = arith.index_cast %scan3A_1244 : i32 to index
        %get3A_1369 = arith.constant 32 : index
        %get3A_1370 = tpu.vector_load %arg16[%get3A_1367, %get3A_1368, %get3A_1369] {strides = array<i32>} : memref<2x40x64xi32, #tpu.memory_space<vmem>>, vector<16xi32>,
        %shift_left3A_1371 = arith.constant 16 : i32
        %shift_left3A_1372 = vector.broadcast %shift_left3A_1371 : i32 to vector<16xi32>
        %shift_left3A_1373 = arith.shli %get3A_1370, %shift_left3A_1372 : vector<16xi32>
        %bitcast3A_1374 = vector.bitcast %shift_left3A_1373 : vector<16xi32> to vector<16xf32>
        %add3A_1375 = arith.addf %bitcast3A_1364, %bitcast3A_1374 : vector<16xf32>
        %and3A_1376 = arith.andi %get3A_1370, %broadcast_in_dim3A_327 : vector<16xi32>
        %bitcast3A_1377 = vector.bitcast %and3A_1376 : vector<16xi32> to vector<16xf32>
        %add3A_1378 = arith.addf %bitcast3A_1366, %bitcast3A_1377 : vector<16xf32>
        %get3A_1379 = arith.index_cast %rem3A_324 : i32 to index
        %get3A_1380 = arith.index_cast %scan3A_1244 : i32 to index
        %get3A_1381 = arith.constant 64 : index
        %get3A_1382 = tpu.vector_load %arg17[%get3A_1379, %get3A_1380, %get3A_1381] {strides = array<i32>} : memref<3x40x144xf32, #tpu.memory_space<vmem>>, vector<16xf32>,
        %add3A_1383 = arith.addf %get3A_1382, %add3A_1375 : vector<16xf32>
        %neg3A_1384 = arith.constant 0.000000e+00 : f32
        %neg3A_1385 = vector.broadcast %neg3A_1384 : f32 to vector<16xf32>
        %neg3A_1386 = arith.subf %neg3A_1385, %add3A_1383 : vector<16xf32>
        %exp3A_1387 = math.exp %neg3A_1386 : vector<16xf32>
        %add3A_1388 = arith.constant 1.000000e+00 : f32
        %add3A_1389 = vector.broadcast %add3A_1388 : f32 to vector<16xf32>
        %add3A_1390 = arith.addf %add3A_1389, %exp3A_1387 : vector<16xf32>
        %div3A_1391 = arith.divf %add3A_1383, %add3A_1390 : vector<16xf32>
        %swap3A_1392 = arith.index_cast %rem3A_324 : i32 to index
        %swap3A_1393 = arith.index_cast %scan3A_1244 : i32 to index
        %swap3A_1394 = arith.constant 64 : index
        %swap3A_1395 = tpu.vector_load %arg17[%swap3A_1392, %swap3A_1393, %swap3A_1394] {strides = array<i32>} : memref<3x40x144xf32, #tpu.memory_space<vmem>>, vector<16xf32>,
        tpu.vector_store %arg17[%swap3A_1392, %swap3A_1393, %swap3A_1394], %div3A_1391 {strides = array<i32>} : memref<3x40x144xf32, #tpu.memory_space<vmem>>, vector<16xf32>,
        %get3A_1396 = arith.index_cast %rem3A_324 : i32 to index
        %get3A_1397 = arith.index_cast %scan3A_1244 : i32 to index
        %get3A_1398 = arith.constant 80 : index
        %get3A_1399 = tpu.vector_load %arg17[%get3A_1396, %get3A_1397, %get3A_1398] {strides = array<i32>} : memref<3x40x144xf32, #tpu.memory_space<vmem>>, vector<16xf32>,
        %add3A_1400 = arith.addf %get3A_1399, %add3A_1378 : vector<16xf32>
        %neg3A_1401 = arith.constant 0.000000e+00 : f32
        %neg3A_1402 = vector.broadcast %neg3A_1401 : f32 to vector<16xf32>
        %neg3A_1403 = arith.subf %neg3A_1402, %add3A_1400 : vector<16xf32>
        %exp3A_1404 = math.exp %neg3A_1403 : vector<16xf32>
        %add3A_1405 = arith.constant 1.000000e+00 : f32
        %add3A_1406 = vector.broadcast %add3A_1405 : f32 to vector<16xf32>
        %add3A_1407 = arith.addf %add3A_1406, %exp3A_1404 : vector<16xf32>
        %div3A_1408 = arith.divf %add3A_1400, %add3A_1407 : vector<16xf32>
        %swap3A_1409 = arith.index_cast %rem3A_324 : i32 to index
        %swap3A_1410 = arith.index_cast %scan3A_1244 : i32 to index
        %swap3A_1411 = arith.constant 80 : index
        %swap3A_1412 = tpu.vector_load %arg17[%swap3A_1409, %swap3A_1410, %swap3A_1411] {strides = array<i32>} : memref<3x40x144xf32, #tpu.memory_space<vmem>>, vector<16xf32>,
        tpu.vector_store %arg17[%swap3A_1409, %swap3A_1410, %swap3A_1411], %div3A_1408 {strides = array<i32>} : memref<3x40x144xf32, #tpu.memory_space<vmem>>, vector<16xf32>,
        %get3A_1413 = arith.index_cast %rem3A_326 : i32 to index
        %get3A_1414 = arith.index_cast %scan3A_1244 : i32 to index
        %get3A_1415 = arith.constant 48 : index
        %get3A_1416 = tpu.vector_load %arg15[%get3A_1413, %get3A_1414, %get3A_1415] {strides = array<i32>} : memref<2x40x64xi32, #tpu.memory_space<vmem>>, vector<16xi32>,
        %shift_left3A_1417 = arith.constant 16 : i32
        %shift_left3A_1418 = vector.broadcast %shift_left3A_1417 : i32 to vector<16xi32>
        %shift_left3A_1419 = arith.shli %get3A_1416, %shift_left3A_1418 : vector<16xi32>
        %bitcast3A_1420 = vector.bitcast %shift_left3A_1419 : vector<16xi32> to vector<16xf32>
        %and3A_1421 = arith.andi %get3A_1416, %broadcast_in_dim3A_327 : vector<16xi32>
        %bitcast3A_1422 = vector.bitcast %and3A_1421 : vector<16xi32> to vector<16xf32>
        %get3A_1423 = arith.index_cast %rem3A_326 : i32 to index
        %get3A_1424 = arith.index_cast %scan3A_1244 : i32 to index
        %get3A_1425 = arith.constant 48 : index
        %get3A_1426 = tpu.vector_load %arg16[%get3A_1423, %get3A_1424, %get3A_1425] {strides = array<i32>} : memref<2x40x64xi32, #tpu.memory_space<vmem>>, vector<16xi32>,
        %shift_left3A_1427 = arith.constant 16 : i32
        %shift_left3A_1428 = vector.broadcast %shift_left3A_1427 : i32 to vector<16xi32>
        %shift_left3A_1429 = arith.shli %get3A_1426, %shift_left3A_1428 : vector<16xi32>
        %bitcast3A_1430 = vector.bitcast %shift_left3A_1429 : vector<16xi32> to vector<16xf32>
        %add3A_1431 = arith.addf %bitcast3A_1420, %bitcast3A_1430 : vector<16xf32>
        %and3A_1432 = arith.andi %get3A_1426, %broadcast_in_dim3A_327 : vector<16xi32>
        %bitcast3A_1433 = vector.bitcast %and3A_1432 : vector<16xi32> to vector<16xf32>
        %add3A_1434 = arith.addf %bitcast3A_1422, %bitcast3A_1433 : vector<16xf32>
        %get3A_1435 = arith.index_cast %rem3A_324 : i32 to index
        %get3A_1436 = arith.index_cast %scan3A_1244 : i32 to index
        %get3A_1437 = arith.constant 96 : index
        %get3A_1438 = tpu.vector_load %arg17[%get3A_1435, %get3A_1436, %get3A_1437] {strides = array<i32>} : memref<3x40x144xf32, #tpu.memory_space<vmem>>, vector<16xf32>,
        %add3A_1439 = arith.addf %get3A_1438, %add3A_1431 : vector<16xf32>
        %neg3A_1440 = arith.constant 0.000000e+00 : f32
        %neg3A_1441 = vector.broadcast %neg3A_1440 : f32 to vector<16xf32>
        %neg3A_1442 = arith.subf %neg3A_1441, %add3A_1439 : vector<16xf32>
        %exp3A_1443 = math.exp %neg3A_1442 : vector<16xf32>
        %add3A_1444 = arith.constant 1.000000e+00 : f32
        %add3A_1445 = vector.broadcast %add3A_1444 : f32 to vector<16xf32>
        %add3A_1446 = arith.addf %add3A_1445, %exp3A_1443 : vector<16xf32>
        %div3A_1447 = arith.divf %add3A_1439, %add3A_1446 : vector<16xf32>
        %swap3A_1448 = arith.index_cast %rem3A_324 : i32 to index
        %swap3A_1449 = arith.index_cast %scan3A_1244 : i32 to index
        %swap3A_1450 = arith.constant 96 : index
        %swap3A_1451 = tpu.vector_load %arg17[%swap3A_1448, %swap3A_1449, %swap3A_1450] {strides = array<i32>} : memref<3x40x144xf32, #tpu.memory_space<vmem>>, vector<16xf32>,
        tpu.vector_store %arg17[%swap3A_1448, %swap3A_1449, %swap3A_1450], %div3A_1447 {strides = array<i32>} : memref<3x40x144xf32, #tpu.memory_space<vmem>>, vector<16xf32>,
        %get3A_1452 = arith.index_cast %rem3A_324 : i32 to index
        %get3A_1453 = arith.index_cast %scan3A_1244 : i32 to index
        %get3A_1454 = arith.constant 112 : index
        %get3A_1455 = tpu.vector_load %arg17[%get3A_1452, %get3A_1453, %get3A_1454] {strides = array<i32>} : memref<3x40x144xf32, #tpu.memory_space<vmem>>, vector<16xf32>,
        %add3A_1456 = arith.addf %get3A_1455, %add3A_1434 : vector<16xf32>
        %neg3A_1457 = arith.constant 0.000000e+00 : f32
        %neg3A_1458 = vector.broadcast %neg3A_1457 : f32 to vector<16xf32>
        %neg3A_1459 = arith.subf %neg3A_1458, %add3A_1456 : vector<16xf32>
        %exp3A_1460 = math.exp %neg3A_1459 : vector<16xf32>
        %add3A_1461 = arith.constant 1.000000e+00 : f32
        %add3A_1462 = vector.broadcast %add3A_1461 : f32 to vector<16xf32>
        %add3A_1463 = arith.addf %add3A_1462, %exp3A_1460 : vector<16xf32>
        %div3A_1464 = arith.divf %add3A_1456, %add3A_1463 : vector<16xf32>
        %swap3A_1465 = arith.index_cast %rem3A_324 : i32 to index
        %swap3A_1466 = arith.index_cast %scan3A_1244 : i32 to index
        %swap3A_1467 = arith.constant 112 : index
        %swap3A_1468 = tpu.vector_load %arg17[%swap3A_1465, %swap3A_1466, %swap3A_1467] {strides = array<i32>} : memref<3x40x144xf32, #tpu.memory_space<vmem>>, vector<16xf32>,
        tpu.vector_store %arg17[%swap3A_1465, %swap3A_1466, %swap3A_1467], %div3A_1464 {strides = array<i32>} : memref<3x40x144xf32, #tpu.memory_space<vmem>>, vector<16xf32>,
        %scan3A_1469 = arith.constant 5 : i32
        %scan3A_1470 = arith.addi %scan3A_348, %scan3A_1469 : i32
        %get3A_1471 = arith.index_cast %rem3A_326 : i32 to index
        %get3A_1472 = arith.index_cast %scan3A_1470 : i32 to index
        %get3A_1473 = arith.constant 0 : index
        %get3A_1474 = tpu.vector_load %arg15[%get3A_1471, %get3A_1472, %get3A_1473] {strides = array<i32>} : memref<2x40x64xi32, #tpu.memory_space<vmem>>, vector<16xi32>,
        %shift_left3A_1475 = arith.constant 16 : i32
        %shift_left3A_1476 = vector.broadcast %shift_left3A_1475 : i32 to vector<16xi32>
        %shift_left3A_1477 = arith.shli %get3A_1474, %shift_left3A_1476 : vector<16xi32>
        %bitcast3A_1478 = vector.bitcast %shift_left3A_1477 : vector<16xi32> to vector<16xf32>
        %and3A_1479 = arith.andi %get3A_1474, %broadcast_in_dim3A_327 : vector<16xi32>
        %bitcast3A_1480 = vector.bitcast %and3A_1479 : vector<16xi32> to vector<16xf32>
        %get3A_1481 = arith.index_cast %rem3A_326 : i32 to index
        %get3A_1482 = arith.index_cast %scan3A_1470 : i32 to index
        %get3A_1483 = arith.constant 0 : index
        %get3A_1484 = tpu.vector_load %arg16[%get3A_1481, %get3A_1482, %get3A_1483] {strides = array<i32>} : memref<2x40x64xi32, #tpu.memory_space<vmem>>, vector<16xi32>,
        %shift_left3A_1485 = arith.constant 16 : i32
        %shift_left3A_1486 = vector.broadcast %shift_left3A_1485 : i32 to vector<16xi32>
        %shift_left3A_1487 = arith.shli %get3A_1484, %shift_left3A_1486 : vector<16xi32>
        %bitcast3A_1488 = vector.bitcast %shift_left3A_1487 : vector<16xi32> to vector<16xf32>
        %add3A_1489 = arith.addf %bitcast3A_1478, %bitcast3A_1488 : vector<16xf32>
        %and3A_1490 = arith.andi %get3A_1484, %broadcast_in_dim3A_327 : vector<16xi32>
        %bitcast3A_1491 = vector.bitcast %and3A_1490 : vector<16xi32> to vector<16xf32>
        %add3A_1492 = arith.addf %bitcast3A_1480, %bitcast3A_1491 : vector<16xf32>
        %get3A_1493 = arith.index_cast %rem3A_324 : i32 to index
        %get3A_1494 = arith.index_cast %scan3A_1470 : i32 to index
        %get3A_1495 = arith.constant 0 : index
        %get3A_1496 = tpu.vector_load %arg17[%get3A_1493, %get3A_1494, %get3A_1495] {strides = array<i32>} : memref<3x40x144xf32, #tpu.memory_space<vmem>>, vector<16xf32>,
        %add3A_1497 = arith.addf %get3A_1496, %add3A_1489 : vector<16xf32>
        %neg3A_1498 = arith.constant 0.000000e+00 : f32
        %neg3A_1499 = vector.broadcast %neg3A_1498 : f32 to vector<16xf32>
        %neg3A_1500 = arith.subf %neg3A_1499, %add3A_1497 : vector<16xf32>
        %exp3A_1501 = math.exp %neg3A_1500 : vector<16xf32>
        %add3A_1502 = arith.constant 1.000000e+00 : f32
        %add3A_1503 = vector.broadcast %add3A_1502 : f32 to vector<16xf32>
        %add3A_1504 = arith.addf %add3A_1503, %exp3A_1501 : vector<16xf32>
        %div3A_1505 = arith.divf %add3A_1497, %add3A_1504 : vector<16xf32>
        %swap3A_1506 = arith.index_cast %rem3A_324 : i32 to index
        %swap3A_1507 = arith.index_cast %scan3A_1470 : i32 to index
        %swap3A_1508 = arith.constant 0 : index
        %swap3A_1509 = tpu.vector_load %arg17[%swap3A_1506, %swap3A_1507, %swap3A_1508] {strides = array<i32>} : memref<3x40x144xf32, #tpu.memory_space<vmem>>, vector<16xf32>,
        tpu.vector_store %arg17[%swap3A_1506, %swap3A_1507, %swap3A_1508], %div3A_1505 {strides = array<i32>} : memref<3x40x144xf32, #tpu.memory_space<vmem>>, vector<16xf32>,
        %get3A_1510 = arith.index_cast %rem3A_324 : i32 to index
        %get3A_1511 = arith.index_cast %scan3A_1470 : i32 to index
        %get3A_1512 = arith.constant 16 : index
        %get3A_1513 = tpu.vector_load %arg17[%get3A_1510, %get3A_1511, %get3A_1512] {strides = array<i32>} : memref<3x40x144xf32, #tpu.memory_space<vmem>>, vector<16xf32>,
        %add3A_1514 = arith.addf %get3A_1513, %add3A_1492 : vector<16xf32>
        %neg3A_1515 = arith.constant 0.000000e+00 : f32
        %neg3A_1516 = vector.broadcast %neg3A_1515 : f32 to vector<16xf32>
        %neg3A_1517 = arith.subf %neg3A_1516, %add3A_1514 : vector<16xf32>
        %exp3A_1518 = math.exp %neg3A_1517 : vector<16xf32>
        %add3A_1519 = arith.constant 1.000000e+00 : f32
        %add3A_1520 = vector.broadcast %add3A_1519 : f32 to vector<16xf32>
        %add3A_1521 = arith.addf %add3A_1520, %exp3A_1518 : vector<16xf32>
        %div3A_1522 = arith.divf %add3A_1514, %add3A_1521 : vector<16xf32>
        %swap3A_1523 = arith.index_cast %rem3A_324 : i32 to index
        %swap3A_1524 = arith.index_cast %scan3A_1470 : i32 to index
        %swap3A_1525 = arith.constant 16 : index
        %swap3A_1526 = tpu.vector_load %arg17[%swap3A_1523, %swap3A_1524, %swap3A_1525] {strides = array<i32>} : memref<3x40x144xf32, #tpu.memory_space<vmem>>, vector<16xf32>,
        tpu.vector_store %arg17[%swap3A_1523, %swap3A_1524, %swap3A_1525], %div3A_1522 {strides = array<i32>} : memref<3x40x144xf32, #tpu.memory_space<vmem>>, vector<16xf32>,
        %get3A_1527 = arith.index_cast %rem3A_326 : i32 to index
        %get3A_1528 = arith.index_cast %scan3A_1470 : i32 to index
        %get3A_1529 = arith.constant 16 : index
        %get3A_1530 = tpu.vector_load %arg15[%get3A_1527, %get3A_1528, %get3A_1529] {strides = array<i32>} : memref<2x40x64xi32, #tpu.memory_space<vmem>>, vector<16xi32>,
        %shift_left3A_1531 = arith.constant 16 : i32
        %shift_left3A_1532 = vector.broadcast %shift_left3A_1531 : i32 to vector<16xi32>
        %shift_left3A_1533 = arith.shli %get3A_1530, %shift_left3A_1532 : vector<16xi32>
        %bitcast3A_1534 = vector.bitcast %shift_left3A_1533 : vector<16xi32> to vector<16xf32>
        %and3A_1535 = arith.andi %get3A_1530, %broadcast_in_dim3A_327 : vector<16xi32>
        %bitcast3A_1536 = vector.bitcast %and3A_1535 : vector<16xi32> to vector<16xf32>
        %get3A_1537 = arith.index_cast %rem3A_326 : i32 to index
        %get3A_1538 = arith.index_cast %scan3A_1470 : i32 to index
        %get3A_1539 = arith.constant 16 : index
        %get3A_1540 = tpu.vector_load %arg16[%get3A_1537, %get3A_1538, %get3A_1539] {strides = array<i32>} : memref<2x40x64xi32, #tpu.memory_space<vmem>>, vector<16xi32>,
        %shift_left3A_1541 = arith.constant 16 : i32
        %shift_left3A_1542 = vector.broadcast %shift_left3A_1541 : i32 to vector<16xi32>
        %shift_left3A_1543 = arith.shli %get3A_1540, %shift_left3A_1542 : vector<16xi32>
        %bitcast3A_1544 = vector.bitcast %shift_left3A_1543 : vector<16xi32> to vector<16xf32>
        %add3A_1545 = arith.addf %bitcast3A_1534, %bitcast3A_1544 : vector<16xf32>
        %and3A_1546 = arith.andi %get3A_1540, %broadcast_in_dim3A_327 : vector<16xi32>
        %bitcast3A_1547 = vector.bitcast %and3A_1546 : vector<16xi32> to vector<16xf32>
        %add3A_1548 = arith.addf %bitcast3A_1536, %bitcast3A_1547 : vector<16xf32>
        %get3A_1549 = arith.index_cast %rem3A_324 : i32 to index
        %get3A_1550 = arith.index_cast %scan3A_1470 : i32 to index
        %get3A_1551 = arith.constant 32 : index
        %get3A_1552 = tpu.vector_load %arg17[%get3A_1549, %get3A_1550, %get3A_1551] {strides = array<i32>} : memref<3x40x144xf32, #tpu.memory_space<vmem>>, vector<16xf32>,
        %add3A_1553 = arith.addf %get3A_1552, %add3A_1545 : vector<16xf32>
        %neg3A_1554 = arith.constant 0.000000e+00 : f32
        %neg3A_1555 = vector.broadcast %neg3A_1554 : f32 to vector<16xf32>
        %neg3A_1556 = arith.subf %neg3A_1555, %add3A_1553 : vector<16xf32>
        %exp3A_1557 = math.exp %neg3A_1556 : vector<16xf32>
        %add3A_1558 = arith.constant 1.000000e+00 : f32
        %add3A_1559 = vector.broadcast %add3A_1558 : f32 to vector<16xf32>
        %add3A_1560 = arith.addf %add3A_1559, %exp3A_1557 : vector<16xf32>
        %div3A_1561 = arith.divf %add3A_1553, %add3A_1560 : vector<16xf32>
        %swap3A_1562 = arith.index_cast %rem3A_324 : i32 to index
        %swap3A_1563 = arith.index_cast %scan3A_1470 : i32 to index
        %swap3A_1564 = arith.constant 32 : index
        %swap3A_1565 = tpu.vector_load %arg17[%swap3A_1562, %swap3A_1563, %swap3A_1564] {strides = array<i32>} : memref<3x40x144xf32, #tpu.memory_space<vmem>>, vector<16xf32>,
        tpu.vector_store %arg17[%swap3A_1562, %swap3A_1563, %swap3A_1564], %div3A_1561 {strides = array<i32>} : memref<3x40x144xf32, #tpu.memory_space<vmem>>, vector<16xf32>,
        %get3A_1566 = arith.index_cast %rem3A_324 : i32 to index
        %get3A_1567 = arith.index_cast %scan3A_1470 : i32 to index
        %get3A_1568 = arith.constant 48 : index
        %get3A_1569 = tpu.vector_load %arg17[%get3A_1566, %get3A_1567, %get3A_1568] {strides = array<i32>} : memref<3x40x144xf32, #tpu.memory_space<vmem>>, vector<16xf32>,
        %add3A_1570 = arith.addf %get3A_1569, %add3A_1548 : vector<16xf32>
        %neg3A_1571 = arith.constant 0.000000e+00 : f32
        %neg3A_1572 = vector.broadcast %neg3A_1571 : f32 to vector<16xf32>
        %neg3A_1573 = arith.subf %neg3A_1572, %add3A_1570 : vector<16xf32>
        %exp3A_1574 = math.exp %neg3A_1573 : vector<16xf32>
        %add3A_1575 = arith.constant 1.000000e+00 : f32
        %add3A_1576 = vector.broadcast %add3A_1575 : f32 to vector<16xf32>
        %add3A_1577 = arith.addf %add3A_1576, %exp3A_1574 : vector<16xf32>
        %div3A_1578 = arith.divf %add3A_1570, %add3A_1577 : vector<16xf32>
        %swap3A_1579 = arith.index_cast %rem3A_324 : i32 to index
        %swap3A_1580 = arith.index_cast %scan3A_1470 : i32 to index
        %swap3A_1581 = arith.constant 48 : index
        %swap3A_1582 = tpu.vector_load %arg17[%swap3A_1579, %swap3A_1580, %swap3A_1581] {strides = array<i32>} : memref<3x40x144xf32, #tpu.memory_space<vmem>>, vector<16xf32>,
        tpu.vector_store %arg17[%swap3A_1579, %swap3A_1580, %swap3A_1581], %div3A_1578 {strides = array<i32>} : memref<3x40x144xf32, #tpu.memory_space<vmem>>, vector<16xf32>,
        %get3A_1583 = arith.index_cast %rem3A_326 : i32 to index
        %get3A_1584 = arith.index_cast %scan3A_1470 : i32 to index
        %get3A_1585 = arith.constant 32 : index
        %get3A_1586 = tpu.vector_load %arg15[%get3A_1583, %get3A_1584, %get3A_1585] {strides = array<i32>} : memref<2x40x64xi32, #tpu.memory_space<vmem>>, vector<16xi32>,
        %shift_left3A_1587 = arith.constant 16 : i32
        %shift_left3A_1588 = vector.broadcast %shift_left3A_1587 : i32 to vector<16xi32>
        %shift_left3A_1589 = arith.shli %get3A_1586, %shift_left3A_1588 : vector<16xi32>
        %bitcast3A_1590 = vector.bitcast %shift_left3A_1589 : vector<16xi32> to vector<16xf32>
        %and3A_1591 = arith.andi %get3A_1586, %broadcast_in_dim3A_327 : vector<16xi32>
        %bitcast3A_1592 = vector.bitcast %and3A_1591 : vector<16xi32> to vector<16xf32>
        %get3A_1593 = arith.index_cast %rem3A_326 : i32 to index
        %get3A_1594 = arith.index_cast %scan3A_1470 : i32 to index
        %get3A_1595 = arith.constant 32 : index
        %get3A_1596 = tpu.vector_load %arg16[%get3A_1593, %get3A_1594, %get3A_1595] {strides = array<i32>} : memref<2x40x64xi32, #tpu.memory_space<vmem>>, vector<16xi32>,
        %shift_left3A_1597 = arith.constant 16 : i32
        %shift_left3A_1598 = vector.broadcast %shift_left3A_1597 : i32 to vector<16xi32>
        %shift_left3A_1599 = arith.shli %get3A_1596, %shift_left3A_1598 : vector<16xi32>
        %bitcast3A_1600 = vector.bitcast %shift_left3A_1599 : vector<16xi32> to vector<16xf32>
        %add3A_1601 = arith.addf %bitcast3A_1590, %bitcast3A_1600 : vector<16xf32>
        %and3A_1602 = arith.andi %get3A_1596, %broadcast_in_dim3A_327 : vector<16xi32>
        %bitcast3A_1603 = vector.bitcast %and3A_1602 : vector<16xi32> to vector<16xf32>
        %add3A_1604 = arith.addf %bitcast3A_1592, %bitcast3A_1603 : vector<16xf32>
        %get3A_1605 = arith.index_cast %rem3A_324 : i32 to index
        %get3A_1606 = arith.index_cast %scan3A_1470 : i32 to index
        %get3A_1607 = arith.constant 64 : index
        %get3A_1608 = tpu.vector_load %arg17[%get3A_1605, %get3A_1606, %get3A_1607] {strides = array<i32>} : memref<3x40x144xf32, #tpu.memory_space<vmem>>, vector<16xf32>,
        %add3A_1609 = arith.addf %get3A_1608, %add3A_1601 : vector<16xf32>
        %neg3A_1610 = arith.constant 0.000000e+00 : f32
        %neg3A_1611 = vector.broadcast %neg3A_1610 : f32 to vector<16xf32>
        %neg3A_1612 = arith.subf %neg3A_1611, %add3A_1609 : vector<16xf32>
        %exp3A_1613 = math.exp %neg3A_1612 : vector<16xf32>
        %add3A_1614 = arith.constant 1.000000e+00 : f32
        %add3A_1615 = vector.broadcast %add3A_1614 : f32 to vector<16xf32>
        %add3A_1616 = arith.addf %add3A_1615, %exp3A_1613 : vector<16xf32>
        %div3A_1617 = arith.divf %add3A_1609, %add3A_1616 : vector<16xf32>
        %swap3A_1618 = arith.index_cast %rem3A_324 : i32 to index
        %swap3A_1619 = arith.index_cast %scan3A_1470 : i32 to index
        %swap3A_1620 = arith.constant 64 : index
        %swap3A_1621 = tpu.vector_load %arg17[%swap3A_1618, %swap3A_1619, %swap3A_1620] {strides = array<i32>} : memref<3x40x144xf32, #tpu.memory_space<vmem>>, vector<16xf32>,
        tpu.vector_store %arg17[%swap3A_1618, %swap3A_1619, %swap3A_1620], %div3A_1617 {strides = array<i32>} : memref<3x40x144xf32, #tpu.memory_space<vmem>>, vector<16xf32>,
        %get3A_1622 = arith.index_cast %rem3A_324 : i32 to index
        %get3A_1623 = arith.index_cast %scan3A_1470 : i32 to index
        %get3A_1624 = arith.constant 80 : index
        %get3A_1625 = tpu.vector_load %arg17[%get3A_1622, %get3A_1623, %get3A_1624] {strides = array<i32>} : memref<3x40x144xf32, #tpu.memory_space<vmem>>, vector<16xf32>,
        %add3A_1626 = arith.addf %get3A_1625, %add3A_1604 : vector<16xf32>
        %neg3A_1627 = arith.constant 0.000000e+00 : f32
        %neg3A_1628 = vector.broadcast %neg3A_1627 : f32 to vector<16xf32>
        %neg3A_1629 = arith.subf %neg3A_1628, %add3A_1626 : vector<16xf32>
        %exp3A_1630 = math.exp %neg3A_1629 : vector<16xf32>
        %add3A_1631 = arith.constant 1.000000e+00 : f32
        %add3A_1632 = vector.broadcast %add3A_1631 : f32 to vector<16xf32>
        %add3A_1633 = arith.addf %add3A_1632, %exp3A_1630 : vector<16xf32>
        %div3A_1634 = arith.divf %add3A_1626, %add3A_1633 : vector<16xf32>
        %swap3A_1635 = arith.index_cast %rem3A_324 : i32 to index
        %swap3A_1636 = arith.index_cast %scan3A_1470 : i32 to index
        %swap3A_1637 = arith.constant 80 : index
        %swap3A_1638 = tpu.vector_load %arg17[%swap3A_1635, %swap3A_1636, %swap3A_1637] {strides = array<i32>} : memref<3x40x144xf32, #tpu.memory_space<vmem>>, vector<16xf32>,
        tpu.vector_store %arg17[%swap3A_1635, %swap3A_1636, %swap3A_1637], %div3A_1634 {strides = array<i32>} : memref<3x40x144xf32, #tpu.memory_space<vmem>>, vector<16xf32>,
        %get3A_1639 = arith.index_cast %rem3A_326 : i32 to index
        %get3A_1640 = arith.index_cast %scan3A_1470 : i32 to index
        %get3A_1641 = arith.constant 48 : index
        %get3A_1642 = tpu.vector_load %arg15[%get3A_1639, %get3A_1640, %get3A_1641] {strides = array<i32>} : memref<2x40x64xi32, #tpu.memory_space<vmem>>, vector<16xi32>,
        %shift_left3A_1643 = arith.constant 16 : i32
        %shift_left3A_1644 = vector.broadcast %shift_left3A_1643 : i32 to vector<16xi32>
        %shift_left3A_1645 = arith.shli %get3A_1642, %shift_left3A_1644 : vector<16xi32>
        %bitcast3A_1646 = vector.bitcast %shift_left3A_1645 : vector<16xi32> to vector<16xf32>
        %and3A_1647 = arith.andi %get3A_1642, %broadcast_in_dim3A_327 : vector<16xi32>
        %bitcast3A_1648 = vector.bitcast %and3A_1647 : vector<16xi32> to vector<16xf32>
        %get3A_1649 = arith.index_cast %rem3A_326 : i32 to index
        %get3A_1650 = arith.index_cast %scan3A_1470 : i32 to index
        %get3A_1651 = arith.constant 48 : index
        %get3A_1652 = tpu.vector_load %arg16[%get3A_1649, %get3A_1650, %get3A_1651] {strides = array<i32>} : memref<2x40x64xi32, #tpu.memory_space<vmem>>, vector<16xi32>,
        %shift_left3A_1653 = arith.constant 16 : i32
        %shift_left3A_1654 = vector.broadcast %shift_left3A_1653 : i32 to vector<16xi32>
        %shift_left3A_1655 = arith.shli %get3A_1652, %shift_left3A_1654 : vector<16xi32>
        %bitcast3A_1656 = vector.bitcast %shift_left3A_1655 : vector<16xi32> to vector<16xf32>
        %add3A_1657 = arith.addf %bitcast3A_1646, %bitcast3A_1656 : vector<16xf32>
        %and3A_1658 = arith.andi %get3A_1652, %broadcast_in_dim3A_327 : vector<16xi32>
        %bitcast3A_1659 = vector.bitcast %and3A_1658 : vector<16xi32> to vector<16xf32>
        %add3A_1660 = arith.addf %bitcast3A_1648, %bitcast3A_1659 : vector<16xf32>
        %get3A_1661 = arith.index_cast %rem3A_324 : i32 to index
        %get3A_1662 = arith.index_cast %scan3A_1470 : i32 to index
        %get3A_1663 = arith.constant 96 : index
        %get3A_1664 = tpu.vector_load %arg17[%get3A_1661, %get3A_1662, %get3A_1663] {strides = array<i32>} : memref<3x40x144xf32, #tpu.memory_space<vmem>>, vector<16xf32>,
        %add3A_1665 = arith.addf %get3A_1664, %add3A_1657 : vector<16xf32>
        %neg3A_1666 = arith.constant 0.000000e+00 : f32
        %neg3A_1667 = vector.broadcast %neg3A_1666 : f32 to vector<16xf32>
        %neg3A_1668 = arith.subf %neg3A_1667, %add3A_1665 : vector<16xf32>
        %exp3A_1669 = math.exp %neg3A_1668 : vector<16xf32>
        %add3A_1670 = arith.constant 1.000000e+00 : f32
        %add3A_1671 = vector.broadcast %add3A_1670 : f32 to vector<16xf32>
        %add3A_1672 = arith.addf %add3A_1671, %exp3A_1669 : vector<16xf32>
        %div3A_1673 = arith.divf %add3A_1665, %add3A_1672 : vector<16xf32>
        %swap3A_1674 = arith.index_cast %rem3A_324 : i32 to index
        %swap3A_1675 = arith.index_cast %scan3A_1470 : i32 to index
        %swap3A_1676 = arith.constant 96 : index
        %swap3A_1677 = tpu.vector_load %arg17[%swap3A_1674, %swap3A_1675, %swap3A_1676] {strides = array<i32>} : memref<3x40x144xf32, #tpu.memory_space<vmem>>, vector<16xf32>,
        tpu.vector_store %arg17[%swap3A_1674, %swap3A_1675, %swap3A_1676], %div3A_1673 {strides = array<i32>} : memref<3x40x144xf32, #tpu.memory_space<vmem>>, vector<16xf32>,
        %get3A_1678 = arith.index_cast %rem3A_324 : i32 to index
        %get3A_1679 = arith.index_cast %scan3A_1470 : i32 to index
        %get3A_1680 = arith.constant 112 : index
        %get3A_1681 = tpu.vector_load %arg17[%get3A_1678, %get3A_1679, %get3A_1680] {strides = array<i32>} : memref<3x40x144xf32, #tpu.memory_space<vmem>>, vector<16xf32>,
        %add3A_1682 = arith.addf %get3A_1681, %add3A_1660 : vector<16xf32>
        %neg3A_1683 = arith.constant 0.000000e+00 : f32
        %neg3A_1684 = vector.broadcast %neg3A_1683 : f32 to vector<16xf32>
        %neg3A_1685 = arith.subf %neg3A_1684, %add3A_1682 : vector<16xf32>
        %exp3A_1686 = math.exp %neg3A_1685 : vector<16xf32>
        %add3A_1687 = arith.constant 1.000000e+00 : f32
        %add3A_1688 = vector.broadcast %add3A_1687 : f32 to vector<16xf32>
        %add3A_1689 = arith.addf %add3A_1688, %exp3A_1686 : vector<16xf32>
        %div3A_1690 = arith.divf %add3A_1682, %add3A_1689 : vector<16xf32>
        %swap3A_1691 = arith.index_cast %rem3A_324 : i32 to index
        %swap3A_1692 = arith.index_cast %scan3A_1470 : i32 to index
        %swap3A_1693 = arith.constant 112 : index
        %swap3A_1694 = tpu.vector_load %arg17[%swap3A_1691, %swap3A_1692, %swap3A_1693] {strides = array<i32>} : memref<3x40x144xf32, #tpu.memory_space<vmem>>, vector<16xf32>,
        tpu.vector_store %arg17[%swap3A_1691, %swap3A_1692, %swap3A_1693], %div3A_1690 {strides = array<i32>} : memref<3x40x144xf32, #tpu.memory_space<vmem>>, vector<16xf32>,
        %scan3A_1695 = arith.constant 6 : i32
        %scan3A_1696 = arith.addi %scan3A_348, %scan3A_1695 : i32
        %get3A_1697 = arith.index_cast %rem3A_326 : i32 to index
        %get3A_1698 = arith.index_cast %scan3A_1696 : i32 to index
        %get3A_1699 = arith.constant 0 : index
        %get3A_1700 = tpu.vector_load %arg15[%get3A_1697, %get3A_1698, %get3A_1699] {strides = array<i32>} : memref<2x40x64xi32, #tpu.memory_space<vmem>>, vector<16xi32>,
        %shift_left3A_1701 = arith.constant 16 : i32
        %shift_left3A_1702 = vector.broadcast %shift_left3A_1701 : i32 to vector<16xi32>
        %shift_left3A_1703 = arith.shli %get3A_1700, %shift_left3A_1702 : vector<16xi32>
        %bitcast3A_1704 = vector.bitcast %shift_left3A_1703 : vector<16xi32> to vector<16xf32>
        %and3A_1705 = arith.andi %get3A_1700, %broadcast_in_dim3A_327 : vector<16xi32>
        %bitcast3A_1706 = vector.bitcast %and3A_1705 : vector<16xi32> to vector<16xf32>
        %get3A_1707 = arith.index_cast %rem3A_326 : i32 to index
        %get3A_1708 = arith.index_cast %scan3A_1696 : i32 to index
        %get3A_1709 = arith.constant 0 : index
        %get3A_1710 = tpu.vector_load %arg16[%get3A_1707, %get3A_1708, %get3A_1709] {strides = array<i32>} : memref<2x40x64xi32, #tpu.memory_space<vmem>>, vector<16xi32>,
        %shift_left3A_1711 = arith.constant 16 : i32
        %shift_left3A_1712 = vector.broadcast %shift_left3A_1711 : i32 to vector<16xi32>
        %shift_left3A_1713 = arith.shli %get3A_1710, %shift_left3A_1712 : vector<16xi32>
        %bitcast3A_1714 = vector.bitcast %shift_left3A_1713 : vector<16xi32> to vector<16xf32>
        %add3A_1715 = arith.addf %bitcast3A_1704, %bitcast3A_1714 : vector<16xf32>
        %and3A_1716 = arith.andi %get3A_1710, %broadcast_in_dim3A_327 : vector<16xi32>
        %bitcast3A_1717 = vector.bitcast %and3A_1716 : vector<16xi32> to vector<16xf32>
        %add3A_1718 = arith.addf %bitcast3A_1706, %bitcast3A_1717 : vector<16xf32>
        %get3A_1719 = arith.index_cast %rem3A_324 : i32 to index
        %get3A_1720 = arith.index_cast %scan3A_1696 : i32 to index
        %get3A_1721 = arith.constant 0 : index
        %get3A_1722 = tpu.vector_load %arg17[%get3A_1719, %get3A_1720, %get3A_1721] {strides = array<i32>} : memref<3x40x144xf32, #tpu.memory_space<vmem>>, vector<16xf32>,
        %add3A_1723 = arith.addf %get3A_1722, %add3A_1715 : vector<16xf32>
        %neg3A_1724 = arith.constant 0.000000e+00 : f32
        %neg3A_1725 = vector.broadcast %neg3A_1724 : f32 to vector<16xf32>
        %neg3A_1726 = arith.subf %neg3A_1725, %add3A_1723 : vector<16xf32>
        %exp3A_1727 = math.exp %neg3A_1726 : vector<16xf32>
        %add3A_1728 = arith.constant 1.000000e+00 : f32
        %add3A_1729 = vector.broadcast %add3A_1728 : f32 to vector<16xf32>
        %add3A_1730 = arith.addf %add3A_1729, %exp3A_1727 : vector<16xf32>
        %div3A_1731 = arith.divf %add3A_1723, %add3A_1730 : vector<16xf32>
        %swap3A_1732 = arith.index_cast %rem3A_324 : i32 to index
        %swap3A_1733 = arith.index_cast %scan3A_1696 : i32 to index
        %swap3A_1734 = arith.constant 0 : index
        %swap3A_1735 = tpu.vector_load %arg17[%swap3A_1732, %swap3A_1733, %swap3A_1734] {strides = array<i32>} : memref<3x40x144xf32, #tpu.memory_space<vmem>>, vector<16xf32>,
        tpu.vector_store %arg17[%swap3A_1732, %swap3A_1733, %swap3A_1734], %div3A_1731 {strides = array<i32>} : memref<3x40x144xf32, #tpu.memory_space<vmem>>, vector<16xf32>,
        %get3A_1736 = arith.index_cast %rem3A_324 : i32 to index
        %get3A_1737 = arith.index_cast %scan3A_1696 : i32 to index
        %get3A_1738 = arith.constant 16 : index
        %get3A_1739 = tpu.vector_load %arg17[%get3A_1736, %get3A_1737, %get3A_1738] {strides = array<i32>} : memref<3x40x144xf32, #tpu.memory_space<vmem>>, vector<16xf32>,
        %add3A_1740 = arith.addf %get3A_1739, %add3A_1718 : vector<16xf32>
        %neg3A_1741 = arith.constant 0.000000e+00 : f32
        %neg3A_1742 = vector.broadcast %neg3A_1741 : f32 to vector<16xf32>
        %neg3A_1743 = arith.subf %neg3A_1742, %add3A_1740 : vector<16xf32>
        %exp3A_1744 = math.exp %neg3A_1743 : vector<16xf32>
        %add3A_1745 = arith.constant 1.000000e+00 : f32
        %add3A_1746 = vector.broadcast %add3A_1745 : f32 to vector<16xf32>
        %add3A_1747 = arith.addf %add3A_1746, %exp3A_1744 : vector<16xf32>
        %div3A_1748 = arith.divf %add3A_1740, %add3A_1747 : vector<16xf32>
        %swap3A_1749 = arith.index_cast %rem3A_324 : i32 to index
        %swap3A_1750 = arith.index_cast %scan3A_1696 : i32 to index
        %swap3A_1751 = arith.constant 16 : index
        %swap3A_1752 = tpu.vector_load %arg17[%swap3A_1749, %swap3A_1750, %swap3A_1751] {strides = array<i32>} : memref<3x40x144xf32, #tpu.memory_space<vmem>>, vector<16xf32>,
        tpu.vector_store %arg17[%swap3A_1749, %swap3A_1750, %swap3A_1751], %div3A_1748 {strides = array<i32>} : memref<3x40x144xf32, #tpu.memory_space<vmem>>, vector<16xf32>,
        %get3A_1753 = arith.index_cast %rem3A_326 : i32 to index
        %get3A_1754 = arith.index_cast %scan3A_1696 : i32 to index
        %get3A_1755 = arith.constant 16 : index
        %get3A_1756 = tpu.vector_load %arg15[%get3A_1753, %get3A_1754, %get3A_1755] {strides = array<i32>} : memref<2x40x64xi32, #tpu.memory_space<vmem>>, vector<16xi32>,
        %shift_left3A_1757 = arith.constant 16 : i32
        %shift_left3A_1758 = vector.broadcast %shift_left3A_1757 : i32 to vector<16xi32>
        %shift_left3A_1759 = arith.shli %get3A_1756, %shift_left3A_1758 : vector<16xi32>
        %bitcast3A_1760 = vector.bitcast %shift_left3A_1759 : vector<16xi32> to vector<16xf32>
        %and3A_1761 = arith.andi %get3A_1756, %broadcast_in_dim3A_327 : vector<16xi32>
        %bitcast3A_1762 = vector.bitcast %and3A_1761 : vector<16xi32> to vector<16xf32>
        %get3A_1763 = arith.index_cast %rem3A_326 : i32 to index
        %get3A_1764 = arith.index_cast %scan3A_1696 : i32 to index
        %get3A_1765 = arith.constant 16 : index
        %get3A_1766 = tpu.vector_load %arg16[%get3A_1763, %get3A_1764, %get3A_1765] {strides = array<i32>} : memref<2x40x64xi32, #tpu.memory_space<vmem>>, vector<16xi32>,
        %shift_left3A_1767 = arith.constant 16 : i32
        %shift_left3A_1768 = vector.broadcast %shift_left3A_1767 : i32 to vector<16xi32>
        %shift_left3A_1769 = arith.shli %get3A_1766, %shift_left3A_1768 : vector<16xi32>
        %bitcast3A_1770 = vector.bitcast %shift_left3A_1769 : vector<16xi32> to vector<16xf32>
        %add3A_1771 = arith.addf %bitcast3A_1760, %bitcast3A_1770 : vector<16xf32>
        %and3A_1772 = arith.andi %get3A_1766, %broadcast_in_dim3A_327 : vector<16xi32>
        %bitcast3A_1773 = vector.bitcast %and3A_1772 : vector<16xi32> to vector<16xf32>
        %add3A_1774 = arith.addf %bitcast3A_1762, %bitcast3A_1773 : vector<16xf32>
        %get3A_1775 = arith.index_cast %rem3A_324 : i32 to index
        %get3A_1776 = arith.index_cast %scan3A_1696 : i32 to index
        %get3A_1777 = arith.constant 32 : index
        %get3A_1778 = tpu.vector_load %arg17[%get3A_1775, %get3A_1776, %get3A_1777] {strides = array<i32>} : memref<3x40x144xf32, #tpu.memory_space<vmem>>, vector<16xf32>,
        %add3A_1779 = arith.addf %get3A_1778, %add3A_1771 : vector<16xf32>
        %neg3A_1780 = arith.constant 0.000000e+00 : f32
        %neg3A_1781 = vector.broadcast %neg3A_1780 : f32 to vector<16xf32>
        %neg3A_1782 = arith.subf %neg3A_1781, %add3A_1779 : vector<16xf32>
        %exp3A_1783 = math.exp %neg3A_1782 : vector<16xf32>
        %add3A_1784 = arith.constant 1.000000e+00 : f32
        %add3A_1785 = vector.broadcast %add3A_1784 : f32 to vector<16xf32>
        %add3A_1786 = arith.addf %add3A_1785, %exp3A_1783 : vector<16xf32>
        %div3A_1787 = arith.divf %add3A_1779, %add3A_1786 : vector<16xf32>
        %swap3A_1788 = arith.index_cast %rem3A_324 : i32 to index
        %swap3A_1789 = arith.index_cast %scan3A_1696 : i32 to index
        %swap3A_1790 = arith.constant 32 : index
        %swap3A_1791 = tpu.vector_load %arg17[%swap3A_1788, %swap3A_1789, %swap3A_1790] {strides = array<i32>} : memref<3x40x144xf32, #tpu.memory_space<vmem>>, vector<16xf32>,
        tpu.vector_store %arg17[%swap3A_1788, %swap3A_1789, %swap3A_1790], %div3A_1787 {strides = array<i32>} : memref<3x40x144xf32, #tpu.memory_space<vmem>>, vector<16xf32>,
        %get3A_1792 = arith.index_cast %rem3A_324 : i32 to index
        %get3A_1793 = arith.index_cast %scan3A_1696 : i32 to index
        %get3A_1794 = arith.constant 48 : index
        %get3A_1795 = tpu.vector_load %arg17[%get3A_1792, %get3A_1793, %get3A_1794] {strides = array<i32>} : memref<3x40x144xf32, #tpu.memory_space<vmem>>, vector<16xf32>,
        %add3A_1796 = arith.addf %get3A_1795, %add3A_1774 : vector<16xf32>
        %neg3A_1797 = arith.constant 0.000000e+00 : f32
        %neg3A_1798 = vector.broadcast %neg3A_1797 : f32 to vector<16xf32>
        %neg3A_1799 = arith.subf %neg3A_1798, %add3A_1796 : vector<16xf32>
        %exp3A_1800 = math.exp %neg3A_1799 : vector<16xf32>
        %add3A_1801 = arith.constant 1.000000e+00 : f32
        %add3A_1802 = vector.broadcast %add3A_1801 : f32 to vector<16xf32>
        %add3A_1803 = arith.addf %add3A_1802, %exp3A_1800 : vector<16xf32>
        %div3A_1804 = arith.divf %add3A_1796, %add3A_1803 : vector<16xf32>
        %swap3A_1805 = arith.index_cast %rem3A_324 : i32 to index
        %swap3A_1806 = arith.index_cast %scan3A_1696 : i32 to index
        %swap3A_1807 = arith.constant 48 : index
        %swap3A_1808 = tpu.vector_load %arg17[%swap3A_1805, %swap3A_1806, %swap3A_1807] {strides = array<i32>} : memref<3x40x144xf32, #tpu.memory_space<vmem>>, vector<16xf32>,
        tpu.vector_store %arg17[%swap3A_1805, %swap3A_1806, %swap3A_1807], %div3A_1804 {strides = array<i32>} : memref<3x40x144xf32, #tpu.memory_space<vmem>>, vector<16xf32>,
        %get3A_1809 = arith.index_cast %rem3A_326 : i32 to index
        %get3A_1810 = arith.index_cast %scan3A_1696 : i32 to index
        %get3A_1811 = arith.constant 32 : index
        %get3A_1812 = tpu.vector_load %arg15[%get3A_1809, %get3A_1810, %get3A_1811] {strides = array<i32>} : memref<2x40x64xi32, #tpu.memory_space<vmem>>, vector<16xi32>,
        %shift_left3A_1813 = arith.constant 16 : i32
        %shift_left3A_1814 = vector.broadcast %shift_left3A_1813 : i32 to vector<16xi32>
        %shift_left3A_1815 = arith.shli %get3A_1812, %shift_left3A_1814 : vector<16xi32>
        %bitcast3A_1816 = vector.bitcast %shift_left3A_1815 : vector<16xi32> to vector<16xf32>
        %and3A_1817 = arith.andi %get3A_1812, %broadcast_in_dim3A_327 : vector<16xi32>
        %bitcast3A_1818 = vector.bitcast %and3A_1817 : vector<16xi32> to vector<16xf32>
        %get3A_1819 = arith.index_cast %rem3A_326 : i32 to index
        %get3A_1820 = arith.index_cast %scan3A_1696 : i32 to index
        %get3A_1821 = arith.constant 32 : index
        %get3A_1822 = tpu.vector_load %arg16[%get3A_1819, %get3A_1820, %get3A_1821] {strides = array<i32>} : memref<2x40x64xi32, #tpu.memory_space<vmem>>, vector<16xi32>,
        %shift_left3A_1823 = arith.constant 16 : i32
        %shift_left3A_1824 = vector.broadcast %shift_left3A_1823 : i32 to vector<16xi32>
        %shift_left3A_1825 = arith.shli %get3A_1822, %shift_left3A_1824 : vector<16xi32>
        %bitcast3A_1826 = vector.bitcast %shift_left3A_1825 : vector<16xi32> to vector<16xf32>
        %add3A_1827 = arith.addf %bitcast3A_1816, %bitcast3A_1826 : vector<16xf32>
        %and3A_1828 = arith.andi %get3A_1822, %broadcast_in_dim3A_327 : vector<16xi32>
        %bitcast3A_1829 = vector.bitcast %and3A_1828 : vector<16xi32> to vector<16xf32>
        %add3A_1830 = arith.addf %bitcast3A_1818, %bitcast3A_1829 : vector<16xf32>
        %get3A_1831 = arith.index_cast %rem3A_324 : i32 to index
        %get3A_1832 = arith.index_cast %scan3A_1696 : i32 to index
        %get3A_1833 = arith.constant 64 : index
        %get3A_1834 = tpu.vector_load %arg17[%get3A_1831, %get3A_1832, %get3A_1833] {strides = array<i32>} : memref<3x40x144xf32, #tpu.memory_space<vmem>>, vector<16xf32>,
        %add3A_1835 = arith.addf %get3A_1834, %add3A_1827 : vector<16xf32>
        %neg3A_1836 = arith.constant 0.000000e+00 : f32
        %neg3A_1837 = vector.broadcast %neg3A_1836 : f32 to vector<16xf32>
        %neg3A_1838 = arith.subf %neg3A_1837, %add3A_1835 : vector<16xf32>
        %exp3A_1839 = math.exp %neg3A_1838 : vector<16xf32>
        %add3A_1840 = arith.constant 1.000000e+00 : f32
        %add3A_1841 = vector.broadcast %add3A_1840 : f32 to vector<16xf32>
        %add3A_1842 = arith.addf %add3A_1841, %exp3A_1839 : vector<16xf32>
        %div3A_1843 = arith.divf %add3A_1835, %add3A_1842 : vector<16xf32>
        %swap3A_1844 = arith.index_cast %rem3A_324 : i32 to index
        %swap3A_1845 = arith.index_cast %scan3A_1696 : i32 to index
        %swap3A_1846 = arith.constant 64 : index
        %swap3A_1847 = tpu.vector_load %arg17[%swap3A_1844, %swap3A_1845, %swap3A_1846] {strides = array<i32>} : memref<3x40x144xf32, #tpu.memory_space<vmem>>, vector<16xf32>,
        tpu.vector_store %arg17[%swap3A_1844, %swap3A_1845, %swap3A_1846], %div3A_1843 {strides = array<i32>} : memref<3x40x144xf32, #tpu.memory_space<vmem>>, vector<16xf32>,
        %get3A_1848 = arith.index_cast %rem3A_324 : i32 to index
        %get3A_1849 = arith.index_cast %scan3A_1696 : i32 to index
        %get3A_1850 = arith.constant 80 : index
        %get3A_1851 = tpu.vector_load %arg17[%get3A_1848, %get3A_1849, %get3A_1850] {strides = array<i32>} : memref<3x40x144xf32, #tpu.memory_space<vmem>>, vector<16xf32>,
        %add3A_1852 = arith.addf %get3A_1851, %add3A_1830 : vector<16xf32>
        %neg3A_1853 = arith.constant 0.000000e+00 : f32
        %neg3A_1854 = vector.broadcast %neg3A_1853 : f32 to vector<16xf32>
        %neg3A_1855 = arith.subf %neg3A_1854, %add3A_1852 : vector<16xf32>
        %exp3A_1856 = math.exp %neg3A_1855 : vector<16xf32>
        %add3A_1857 = arith.constant 1.000000e+00 : f32
        %add3A_1858 = vector.broadcast %add3A_1857 : f32 to vector<16xf32>
        %add3A_1859 = arith.addf %add3A_1858, %exp3A_1856 : vector<16xf32>
        %div3A_1860 = arith.divf %add3A_1852, %add3A_1859 : vector<16xf32>
        %swap3A_1861 = arith.index_cast %rem3A_324 : i32 to index
        %swap3A_1862 = arith.index_cast %scan3A_1696 : i32 to index
        %swap3A_1863 = arith.constant 80 : index
        %swap3A_1864 = tpu.vector_load %arg17[%swap3A_1861, %swap3A_1862, %swap3A_1863] {strides = array<i32>} : memref<3x40x144xf32, #tpu.memory_space<vmem>>, vector<16xf32>,
        tpu.vector_store %arg17[%swap3A_1861, %swap3A_1862, %swap3A_1863], %div3A_1860 {strides = array<i32>} : memref<3x40x144xf32, #tpu.memory_space<vmem>>, vector<16xf32>,
        %get3A_1865 = arith.index_cast %rem3A_326 : i32 to index
        %get3A_1866 = arith.index_cast %scan3A_1696 : i32 to index
        %get3A_1867 = arith.constant 48 : index
        %get3A_1868 = tpu.vector_load %arg15[%get3A_1865, %get3A_1866, %get3A_1867] {strides = array<i32>} : memref<2x40x64xi32, #tpu.memory_space<vmem>>, vector<16xi32>,
        %shift_left3A_1869 = arith.constant 16 : i32
        %shift_left3A_1870 = vector.broadcast %shift_left3A_1869 : i32 to vector<16xi32>
        %shift_left3A_1871 = arith.shli %get3A_1868, %shift_left3A_1870 : vector<16xi32>
        %bitcast3A_1872 = vector.bitcast %shift_left3A_1871 : vector<16xi32> to vector<16xf32>
        %and3A_1873 = arith.andi %get3A_1868, %broadcast_in_dim3A_327 : vector<16xi32>
        %bitcast3A_1874 = vector.bitcast %and3A_1873 : vector<16xi32> to vector<16xf32>
        %get3A_1875 = arith.index_cast %rem3A_326 : i32 to index
        %get3A_1876 = arith.index_cast %scan3A_1696 : i32 to index
        %get3A_1877 = arith.constant 48 : index
        %get3A_1878 = tpu.vector_load %arg16[%get3A_1875, %get3A_1876, %get3A_1877] {strides = array<i32>} : memref<2x40x64xi32, #tpu.memory_space<vmem>>, vector<16xi32>,
        %shift_left3A_1879 = arith.constant 16 : i32
        %shift_left3A_1880 = vector.broadcast %shift_left3A_1879 : i32 to vector<16xi32>
        %shift_left3A_1881 = arith.shli %get3A_1878, %shift_left3A_1880 : vector<16xi32>
        %bitcast3A_1882 = vector.bitcast %shift_left3A_1881 : vector<16xi32> to vector<16xf32>
        %add3A_1883 = arith.addf %bitcast3A_1872, %bitcast3A_1882 : vector<16xf32>
        %and3A_1884 = arith.andi %get3A_1878, %broadcast_in_dim3A_327 : vector<16xi32>
        %bitcast3A_1885 = vector.bitcast %and3A_1884 : vector<16xi32> to vector<16xf32>
        %add3A_1886 = arith.addf %bitcast3A_1874, %bitcast3A_1885 : vector<16xf32>
        %get3A_1887 = arith.index_cast %rem3A_324 : i32 to index
        %get3A_1888 = arith.index_cast %scan3A_1696 : i32 to index
        %get3A_1889 = arith.constant 96 : index
        %get3A_1890 = tpu.vector_load %arg17[%get3A_1887, %get3A_1888, %get3A_1889] {strides = array<i32>} : memref<3x40x144xf32, #tpu.memory_space<vmem>>, vector<16xf32>,
        %add3A_1891 = arith.addf %get3A_1890, %add3A_1883 : vector<16xf32>
        %neg3A_1892 = arith.constant 0.000000e+00 : f32
        %neg3A_1893 = vector.broadcast %neg3A_1892 : f32 to vector<16xf32>
        %neg3A_1894 = arith.subf %neg3A_1893, %add3A_1891 : vector<16xf32>
        %exp3A_1895 = math.exp %neg3A_1894 : vector<16xf32>
        %add3A_1896 = arith.constant 1.000000e+00 : f32
        %add3A_1897 = vector.broadcast %add3A_1896 : f32 to vector<16xf32>
        %add3A_1898 = arith.addf %add3A_1897, %exp3A_1895 : vector<16xf32>
        %div3A_1899 = arith.divf %add3A_1891, %add3A_1898 : vector<16xf32>
        %swap3A_1900 = arith.index_cast %rem3A_324 : i32 to index
        %swap3A_1901 = arith.index_cast %scan3A_1696 : i32 to index
        %swap3A_1902 = arith.constant 96 : index
        %swap3A_1903 = tpu.vector_load %arg17[%swap3A_1900, %swap3A_1901, %swap3A_1902] {strides = array<i32>} : memref<3x40x144xf32, #tpu.memory_space<vmem>>, vector<16xf32>,
        tpu.vector_store %arg17[%swap3A_1900, %swap3A_1901, %swap3A_1902], %div3A_1899 {strides = array<i32>} : memref<3x40x144xf32, #tpu.memory_space<vmem>>, vector<16xf32>,
        %get3A_1904 = arith.index_cast %rem3A_324 : i32 to index
        %get3A_1905 = arith.index_cast %scan3A_1696 : i32 to index
        %get3A_1906 = arith.constant 112 : index
        %get3A_1907 = tpu.vector_load %arg17[%get3A_1904, %get3A_1905, %get3A_1906] {strides = array<i32>} : memref<3x40x144xf32, #tpu.memory_space<vmem>>, vector<16xf32>,
        %add3A_1908 = arith.addf %get3A_1907, %add3A_1886 : vector<16xf32>
        %neg3A_1909 = arith.constant 0.000000e+00 : f32
        %neg3A_1910 = vector.broadcast %neg3A_1909 : f32 to vector<16xf32>
        %neg3A_1911 = arith.subf %neg3A_1910, %add3A_1908 : vector<16xf32>
        %exp3A_1912 = math.exp %neg3A_1911 : vector<16xf32>
        %add3A_1913 = arith.constant 1.000000e+00 : f32
        %add3A_1914 = vector.broadcast %add3A_1913 : f32 to vector<16xf32>
        %add3A_1915 = arith.addf %add3A_1914, %exp3A_1912 : vector<16xf32>
        %div3A_1916 = arith.divf %add3A_1908, %add3A_1915 : vector<16xf32>
        %swap3A_1917 = arith.index_cast %rem3A_324 : i32 to index
        %swap3A_1918 = arith.index_cast %scan3A_1696 : i32 to index
        %swap3A_1919 = arith.constant 112 : index
        %swap3A_1920 = tpu.vector_load %arg17[%swap3A_1917, %swap3A_1918, %swap3A_1919] {strides = array<i32>} : memref<3x40x144xf32, #tpu.memory_space<vmem>>, vector<16xf32>,
        tpu.vector_store %arg17[%swap3A_1917, %swap3A_1918, %swap3A_1919], %div3A_1916 {strides = array<i32>} : memref<3x40x144xf32, #tpu.memory_space<vmem>>, vector<16xf32>,
        %scan3A_1921 = arith.constant 7 : i32
        %scan3A_1922 = arith.addi %scan3A_348, %scan3A_1921 : i32
        %get3A_1923 = arith.index_cast %rem3A_326 : i32 to index
        %get3A_1924 = arith.index_cast %scan3A_1922 : i32 to index
        %get3A_1925 = arith.constant 0 : index
        %get3A_1926 = tpu.vector_load %arg15[%get3A_1923, %get3A_1924, %get3A_1925] {strides = array<i32>} : memref<2x40x64xi32, #tpu.memory_space<vmem>>, vector<16xi32>,
        %shift_left3A_1927 = arith.constant 16 : i32
        %shift_left3A_1928 = vector.broadcast %shift_left3A_1927 : i32 to vector<16xi32>
        %shift_left3A_1929 = arith.shli %get3A_1926, %shift_left3A_1928 : vector<16xi32>
        %bitcast3A_1930 = vector.bitcast %shift_left3A_1929 : vector<16xi32> to vector<16xf32>
        %and3A_1931 = arith.andi %get3A_1926, %broadcast_in_dim3A_327 : vector<16xi32>
        %bitcast3A_1932 = vector.bitcast %and3A_1931 : vector<16xi32> to vector<16xf32>
        %get3A_1933 = arith.index_cast %rem3A_326 : i32 to index
        %get3A_1934 = arith.index_cast %scan3A_1922 : i32 to index
        %get3A_1935 = arith.constant 0 : index
        %get3A_1936 = tpu.vector_load %arg16[%get3A_1933, %get3A_1934, %get3A_1935] {strides = array<i32>} : memref<2x40x64xi32, #tpu.memory_space<vmem>>, vector<16xi32>,
        %shift_left3A_1937 = arith.constant 16 : i32
        %shift_left3A_1938 = vector.broadcast %shift_left3A_1937 : i32 to vector<16xi32>
        %shift_left3A_1939 = arith.shli %get3A_1936, %shift_left3A_1938 : vector<16xi32>
        %bitcast3A_1940 = vector.bitcast %shift_left3A_1939 : vector<16xi32> to vector<16xf32>
        %add3A_1941 = arith.addf %bitcast3A_1930, %bitcast3A_1940 : vector<16xf32>
        %and3A_1942 = arith.andi %get3A_1936, %broadcast_in_dim3A_327 : vector<16xi32>
        %bitcast3A_1943 = vector.bitcast %and3A_1942 : vector<16xi32> to vector<16xf32>
        %add3A_1944 = arith.addf %bitcast3A_1932, %bitcast3A_1943 : vector<16xf32>
        %get3A_1945 = arith.index_cast %rem3A_324 : i32 to index
        %get3A_1946 = arith.index_cast %scan3A_1922 : i32 to index
        %get3A_1947 = arith.constant 0 : index
        %get3A_1948 = tpu.vector_load %arg17[%get3A_1945, %get3A_1946, %get3A_1947] {strides = array<i32>} : memref<3x40x144xf32, #tpu.memory_space<vmem>>, vector<16xf32>,
        %add3A_1949 = arith.addf %get3A_1948, %add3A_1941 : vector<16xf32>
        %neg3A_1950 = arith.constant 0.000000e+00 : f32
        %neg3A_1951 = vector.broadcast %neg3A_1950 : f32 to vector<16xf32>
        %neg3A_1952 = arith.subf %neg3A_1951, %add3A_1949 : vector<16xf32>
        %exp3A_1953 = math.exp %neg3A_1952 : vector<16xf32>
        %add3A_1954 = arith.constant 1.000000e+00 : f32
        %add3A_1955 = vector.broadcast %add3A_1954 : f32 to vector<16xf32>
        %add3A_1956 = arith.addf %add3A_1955, %exp3A_1953 : vector<16xf32>
        %div3A_1957 = arith.divf %add3A_1949, %add3A_1956 : vector<16xf32>
        %swap3A_1958 = arith.index_cast %rem3A_324 : i32 to index
        %swap3A_1959 = arith.index_cast %scan3A_1922 : i32 to index
        %swap3A_1960 = arith.constant 0 : index
        %swap3A_1961 = tpu.vector_load %arg17[%swap3A_1958, %swap3A_1959, %swap3A_1960] {strides = array<i32>} : memref<3x40x144xf32, #tpu.memory_space<vmem>>, vector<16xf32>,
        tpu.vector_store %arg17[%swap3A_1958, %swap3A_1959, %swap3A_1960], %div3A_1957 {strides = array<i32>} : memref<3x40x144xf32, #tpu.memory_space<vmem>>, vector<16xf32>,
        %get3A_1962 = arith.index_cast %rem3A_324 : i32 to index
        %get3A_1963 = arith.index_cast %scan3A_1922 : i32 to index
        %get3A_1964 = arith.constant 16 : index
        %get3A_1965 = tpu.vector_load %arg17[%get3A_1962, %get3A_1963, %get3A_1964] {strides = array<i32>} : memref<3x40x144xf32, #tpu.memory_space<vmem>>, vector<16xf32>,
        %add3A_1966 = arith.addf %get3A_1965, %add3A_1944 : vector<16xf32>
        %neg3A_1967 = arith.constant 0.000000e+00 : f32
        %neg3A_1968 = vector.broadcast %neg3A_1967 : f32 to vector<16xf32>
        %neg3A_1969 = arith.subf %neg3A_1968, %add3A_1966 : vector<16xf32>
        %exp3A_1970 = math.exp %neg3A_1969 : vector<16xf32>
        %add3A_1971 = arith.constant 1.000000e+00 : f32
        %add3A_1972 = vector.broadcast %add3A_1971 : f32 to vector<16xf32>
        %add3A_1973 = arith.addf %add3A_1972, %exp3A_1970 : vector<16xf32>
        %div3A_1974 = arith.divf %add3A_1966, %add3A_1973 : vector<16xf32>
        %swap3A_1975 = arith.index_cast %rem3A_324 : i32 to index
        %swap3A_1976 = arith.index_cast %scan3A_1922 : i32 to index
        %swap3A_1977 = arith.constant 16 : index
        %swap3A_1978 = tpu.vector_load %arg17[%swap3A_1975, %swap3A_1976, %swap3A_1977] {strides = array<i32>} : memref<3x40x144xf32, #tpu.memory_space<vmem>>, vector<16xf32>,
        tpu.vector_store %arg17[%swap3A_1975, %swap3A_1976, %swap3A_1977], %div3A_1974 {strides = array<i32>} : memref<3x40x144xf32, #tpu.memory_space<vmem>>, vector<16xf32>,
        %get3A_1979 = arith.index_cast %rem3A_326 : i32 to index
        %get3A_1980 = arith.index_cast %scan3A_1922 : i32 to index
        %get3A_1981 = arith.constant 16 : index
        %get3A_1982 = tpu.vector_load %arg15[%get3A_1979, %get3A_1980, %get3A_1981] {strides = array<i32>} : memref<2x40x64xi32, #tpu.memory_space<vmem>>, vector<16xi32>,
        %shift_left3A_1983 = arith.constant 16 : i32
        %shift_left3A_1984 = vector.broadcast %shift_left3A_1983 : i32 to vector<16xi32>
        %shift_left3A_1985 = arith.shli %get3A_1982, %shift_left3A_1984 : vector<16xi32>
        %bitcast3A_1986 = vector.bitcast %shift_left3A_1985 : vector<16xi32> to vector<16xf32>
        %and3A_1987 = arith.andi %get3A_1982, %broadcast_in_dim3A_327 : vector<16xi32>
        %bitcast3A_1988 = vector.bitcast %and3A_1987 : vector<16xi32> to vector<16xf32>
        %get3A_1989 = arith.index_cast %rem3A_326 : i32 to index
        %get3A_1990 = arith.index_cast %scan3A_1922 : i32 to index
        %get3A_1991 = arith.constant 16 : index
        %get3A_1992 = tpu.vector_load %arg16[%get3A_1989, %get3A_1990, %get3A_1991] {strides = array<i32>} : memref<2x40x64xi32, #tpu.memory_space<vmem>>, vector<16xi32>,
        %shift_left3A_1993 = arith.constant 16 : i32
        %shift_left3A_1994 = vector.broadcast %shift_left3A_1993 : i32 to vector<16xi32>
        %shift_left3A_1995 = arith.shli %get3A_1992, %shift_left3A_1994 : vector<16xi32>
        %bitcast3A_1996 = vector.bitcast %shift_left3A_1995 : vector<16xi32> to vector<16xf32>
        %add3A_1997 = arith.addf %bitcast3A_1986, %bitcast3A_1996 : vector<16xf32>
        %and3A_1998 = arith.andi %get3A_1992, %broadcast_in_dim3A_327 : vector<16xi32>
        %bitcast3A_1999 = vector.bitcast %and3A_1998 : vector<16xi32> to vector<16xf32>
        %add3A_2000 = arith.addf %bitcast3A_1988, %bitcast3A_1999 : vector<16xf32>
        %get3A_2001 = arith.index_cast %rem3A_324 : i32 to index
        %get3A_2002 = arith.index_cast %scan3A_1922 : i32 to index
        %get3A_2003 = arith.constant 32 : index
        %get3A_2004 = tpu.vector_load %arg17[%get3A_2001, %get3A_2002, %get3A_2003] {strides = array<i32>} : memref<3x40x144xf32, #tpu.memory_space<vmem>>, vector<16xf32>,
        %add3A_2005 = arith.addf %get3A_2004, %add3A_1997 : vector<16xf32>
        %neg3A_2006 = arith.constant 0.000000e+00 : f32
        %neg3A_2007 = vector.broadcast %neg3A_2006 : f32 to vector<16xf32>
        %neg3A_2008 = arith.subf %neg3A_2007, %add3A_2005 : vector<16xf32>
        %exp3A_2009 = math.exp %neg3A_2008 : vector<16xf32>
        %add3A_2010 = arith.constant 1.000000e+00 : f32
        %add3A_2011 = vector.broadcast %add3A_2010 : f32 to vector<16xf32>
        %add3A_2012 = arith.addf %add3A_2011, %exp3A_2009 : vector<16xf32>
        %div3A_2013 = arith.divf %add3A_2005, %add3A_2012 : vector<16xf32>
        %swap3A_2014 = arith.index_cast %rem3A_324 : i32 to index
        %swap3A_2015 = arith.index_cast %scan3A_1922 : i32 to index
        %swap3A_2016 = arith.constant 32 : index
        %swap3A_2017 = tpu.vector_load %arg17[%swap3A_2014, %swap3A_2015, %swap3A_2016] {strides = array<i32>} : memref<3x40x144xf32, #tpu.memory_space<vmem>>, vector<16xf32>,
        tpu.vector_store %arg17[%swap3A_2014, %swap3A_2015, %swap3A_2016], %div3A_2013 {strides = array<i32>} : memref<3x40x144xf32, #tpu.memory_space<vmem>>, vector<16xf32>,
        %get3A_2018 = arith.index_cast %rem3A_324 : i32 to index
        %get3A_2019 = arith.index_cast %scan3A_1922 : i32 to index
        %get3A_2020 = arith.constant 48 : index
        %get3A_2021 = tpu.vector_load %arg17[%get3A_2018, %get3A_2019, %get3A_2020] {strides = array<i32>} : memref<3x40x144xf32, #tpu.memory_space<vmem>>, vector<16xf32>,
        %add3A_2022 = arith.addf %get3A_2021, %add3A_2000 : vector<16xf32>
        %neg3A_2023 = arith.constant 0.000000e+00 : f32
        %neg3A_2024 = vector.broadcast %neg3A_2023 : f32 to vector<16xf32>
        %neg3A_2025 = arith.subf %neg3A_2024, %add3A_2022 : vector<16xf32>
        %exp3A_2026 = math.exp %neg3A_2025 : vector<16xf32>
        %add3A_2027 = arith.constant 1.000000e+00 : f32
        %add3A_2028 = vector.broadcast %add3A_2027 : f32 to vector<16xf32>
        %add3A_2029 = arith.addf %add3A_2028, %exp3A_2026 : vector<16xf32>
        %div3A_2030 = arith.divf %add3A_2022, %add3A_2029 : vector<16xf32>
        %swap3A_2031 = arith.index_cast %rem3A_324 : i32 to index
        %swap3A_2032 = arith.index_cast %scan3A_1922 : i32 to index
        %swap3A_2033 = arith.constant 48 : index
        %swap3A_2034 = tpu.vector_load %arg17[%swap3A_2031, %swap3A_2032, %swap3A_2033] {strides = array<i32>} : memref<3x40x144xf32, #tpu.memory_space<vmem>>, vector<16xf32>,
        tpu.vector_store %arg17[%swap3A_2031, %swap3A_2032, %swap3A_2033], %div3A_2030 {strides = array<i32>} : memref<3x40x144xf32, #tpu.memory_space<vmem>>, vector<16xf32>,
        %get3A_2035 = arith.index_cast %rem3A_326 : i32 to index
        %get3A_2036 = arith.index_cast %scan3A_1922 : i32 to index
        %get3A_2037 = arith.constant 32 : index
        %get3A_2038 = tpu.vector_load %arg15[%get3A_2035, %get3A_2036, %get3A_2037] {strides = array<i32>} : memref<2x40x64xi32, #tpu.memory_space<vmem>>, vector<16xi32>,
        %shift_left3A_2039 = arith.constant 16 : i32
        %shift_left3A_2040 = vector.broadcast %shift_left3A_2039 : i32 to vector<16xi32>
        %shift_left3A_2041 = arith.shli %get3A_2038, %shift_left3A_2040 : vector<16xi32>
        %bitcast3A_2042 = vector.bitcast %shift_left3A_2041 : vector<16xi32> to vector<16xf32>
        %and3A_2043 = arith.andi %get3A_2038, %broadcast_in_dim3A_327 : vector<16xi32>
        %bitcast3A_2044 = vector.bitcast %and3A_2043 : vector<16xi32> to vector<16xf32>
        %get3A_2045 = arith.index_cast %rem3A_326 : i32 to index
        %get3A_2046 = arith.index_cast %scan3A_1922 : i32 to index
        %get3A_2047 = arith.constant 32 : index
        %get3A_2048 = tpu.vector_load %arg16[%get3A_2045, %get3A_2046, %get3A_2047] {strides = array<i32>} : memref<2x40x64xi32, #tpu.memory_space<vmem>>, vector<16xi32>,
        %shift_left3A_2049 = arith.constant 16 : i32
        %shift_left3A_2050 = vector.broadcast %shift_left3A_2049 : i32 to vector<16xi32>
        %shift_left3A_2051 = arith.shli %get3A_2048, %shift_left3A_2050 : vector<16xi32>
        %bitcast3A_2052 = vector.bitcast %shift_left3A_2051 : vector<16xi32> to vector<16xf32>
        %add3A_2053 = arith.addf %bitcast3A_2042, %bitcast3A_2052 : vector<16xf32>
        %and3A_2054 = arith.andi %get3A_2048, %broadcast_in_dim3A_327 : vector<16xi32>
        %bitcast3A_2055 = vector.bitcast %and3A_2054 : vector<16xi32> to vector<16xf32>
        %add3A_2056 = arith.addf %bitcast3A_2044, %bitcast3A_2055 : vector<16xf32>
        %get3A_2057 = arith.index_cast %rem3A_324 : i32 to index
        %get3A_2058 = arith.index_cast %scan3A_1922 : i32 to index
        %get3A_2059 = arith.constant 64 : index
        %get3A_2060 = tpu.vector_load %arg17[%get3A_2057, %get3A_2058, %get3A_2059] {strides = array<i32>} : memref<3x40x144xf32, #tpu.memory_space<vmem>>, vector<16xf32>,
        %add3A_2061 = arith.addf %get3A_2060, %add3A_2053 : vector<16xf32>
        %neg3A_2062 = arith.constant 0.000000e+00 : f32
        %neg3A_2063 = vector.broadcast %neg3A_2062 : f32 to vector<16xf32>
        %neg3A_2064 = arith.subf %neg3A_2063, %add3A_2061 : vector<16xf32>
        %exp3A_2065 = math.exp %neg3A_2064 : vector<16xf32>
        %add3A_2066 = arith.constant 1.000000e+00 : f32
        %add3A_2067 = vector.broadcast %add3A_2066 : f32 to vector<16xf32>
        %add3A_2068 = arith.addf %add3A_2067, %exp3A_2065 : vector<16xf32>
        %div3A_2069 = arith.divf %add3A_2061, %add3A_2068 : vector<16xf32>
        %swap3A_2070 = arith.index_cast %rem3A_324 : i32 to index
        %swap3A_2071 = arith.index_cast %scan3A_1922 : i32 to index
        %swap3A_2072 = arith.constant 64 : index
        %swap3A_2073 = tpu.vector_load %arg17[%swap3A_2070, %swap3A_2071, %swap3A_2072] {strides = array<i32>} : memref<3x40x144xf32, #tpu.memory_space<vmem>>, vector<16xf32>,
        tpu.vector_store %arg17[%swap3A_2070, %swap3A_2071, %swap3A_2072], %div3A_2069 {strides = array<i32>} : memref<3x40x144xf32, #tpu.memory_space<vmem>>, vector<16xf32>,
        %get3A_2074 = arith.index_cast %rem3A_324 : i32 to index
        %get3A_2075 = arith.index_cast %scan3A_1922 : i32 to index
        %get3A_2076 = arith.constant 80 : index
        %get3A_2077 = tpu.vector_load %arg17[%get3A_2074, %get3A_2075, %get3A_2076] {strides = array<i32>} : memref<3x40x144xf32, #tpu.memory_space<vmem>>, vector<16xf32>,
        %add3A_2078 = arith.addf %get3A_2077, %add3A_2056 : vector<16xf32>
        %neg3A_2079 = arith.constant 0.000000e+00 : f32
        %neg3A_2080 = vector.broadcast %neg3A_2079 : f32 to vector<16xf32>
        %neg3A_2081 = arith.subf %neg3A_2080, %add3A_2078 : vector<16xf32>
        %exp3A_2082 = math.exp %neg3A_2081 : vector<16xf32>
        %add3A_2083 = arith.constant 1.000000e+00 : f32
        %add3A_2084 = vector.broadcast %add3A_2083 : f32 to vector<16xf32>
        %add3A_2085 = arith.addf %add3A_2084, %exp3A_2082 : vector<16xf32>
        %div3A_2086 = arith.divf %add3A_2078, %add3A_2085 : vector<16xf32>
        %swap3A_2087 = arith.index_cast %rem3A_324 : i32 to index
        %swap3A_2088 = arith.index_cast %scan3A_1922 : i32 to index
        %swap3A_2089 = arith.constant 80 : index
        %swap3A_2090 = tpu.vector_load %arg17[%swap3A_2087, %swap3A_2088, %swap3A_2089] {strides = array<i32>} : memref<3x40x144xf32, #tpu.memory_space<vmem>>, vector<16xf32>,
        tpu.vector_store %arg17[%swap3A_2087, %swap3A_2088, %swap3A_2089], %div3A_2086 {strides = array<i32>} : memref<3x40x144xf32, #tpu.memory_space<vmem>>, vector<16xf32>,
        %get3A_2091 = arith.index_cast %rem3A_326 : i32 to index
        %get3A_2092 = arith.index_cast %scan3A_1922 : i32 to index
        %get3A_2093 = arith.constant 48 : index
        %get3A_2094 = tpu.vector_load %arg15[%get3A_2091, %get3A_2092, %get3A_2093] {strides = array<i32>} : memref<2x40x64xi32, #tpu.memory_space<vmem>>, vector<16xi32>,
        %shift_left3A_2095 = arith.constant 16 : i32
        %shift_left3A_2096 = vector.broadcast %shift_left3A_2095 : i32 to vector<16xi32>
        %shift_left3A_2097 = arith.shli %get3A_2094, %shift_left3A_2096 : vector<16xi32>
        %bitcast3A_2098 = vector.bitcast %shift_left3A_2097 : vector<16xi32> to vector<16xf32>
        %and3A_2099 = arith.andi %get3A_2094, %broadcast_in_dim3A_327 : vector<16xi32>
        %bitcast3A_2100 = vector.bitcast %and3A_2099 : vector<16xi32> to vector<16xf32>
        %get3A_2101 = arith.index_cast %rem3A_326 : i32 to index
        %get3A_2102 = arith.index_cast %scan3A_1922 : i32 to index
        %get3A_2103 = arith.constant 48 : index
        %get3A_2104 = tpu.vector_load %arg16[%get3A_2101, %get3A_2102, %get3A_2103] {strides = array<i32>} : memref<2x40x64xi32, #tpu.memory_space<vmem>>, vector<16xi32>,
        %shift_left3A_2105 = arith.constant 16 : i32
        %shift_left3A_2106 = vector.broadcast %shift_left3A_2105 : i32 to vector<16xi32>
        %shift_left3A_2107 = arith.shli %get3A_2104, %shift_left3A_2106 : vector<16xi32>
        %bitcast3A_2108 = vector.bitcast %shift_left3A_2107 : vector<16xi32> to vector<16xf32>
        %add3A_2109 = arith.addf %bitcast3A_2098, %bitcast3A_2108 : vector<16xf32>
        %and3A_2110 = arith.andi %get3A_2104, %broadcast_in_dim3A_327 : vector<16xi32>
        %bitcast3A_2111 = vector.bitcast %and3A_2110 : vector<16xi32> to vector<16xf32>
        %add3A_2112 = arith.addf %bitcast3A_2100, %bitcast3A_2111 : vector<16xf32>
        %get3A_2113 = arith.index_cast %rem3A_324 : i32 to index
        %get3A_2114 = arith.index_cast %scan3A_1922 : i32 to index
        %get3A_2115 = arith.constant 96 : index
        %get3A_2116 = tpu.vector_load %arg17[%get3A_2113, %get3A_2114, %get3A_2115] {strides = array<i32>} : memref<3x40x144xf32, #tpu.memory_space<vmem>>, vector<16xf32>,
        %add3A_2117 = arith.addf %get3A_2116, %add3A_2109 : vector<16xf32>
        %neg3A_2118 = arith.constant 0.000000e+00 : f32
        %neg3A_2119 = vector.broadcast %neg3A_2118 : f32 to vector<16xf32>
        %neg3A_2120 = arith.subf %neg3A_2119, %add3A_2117 : vector<16xf32>
        %exp3A_2121 = math.exp %neg3A_2120 : vector<16xf32>
        %add3A_2122 = arith.constant 1.000000e+00 : f32
        %add3A_2123 = vector.broadcast %add3A_2122 : f32 to vector<16xf32>
        %add3A_2124 = arith.addf %add3A_2123, %exp3A_2121 : vector<16xf32>
        %div3A_2125 = arith.divf %add3A_2117, %add3A_2124 : vector<16xf32>
        %swap3A_2126 = arith.index_cast %rem3A_324 : i32 to index
        %swap3A_2127 = arith.index_cast %scan3A_1922 : i32 to index
        %swap3A_2128 = arith.constant 96 : index
        %swap3A_2129 = tpu.vector_load %arg17[%swap3A_2126, %swap3A_2127, %swap3A_2128] {strides = array<i32>} : memref<3x40x144xf32, #tpu.memory_space<vmem>>, vector<16xf32>,
        tpu.vector_store %arg17[%swap3A_2126, %swap3A_2127, %swap3A_2128], %div3A_2125 {strides = array<i32>} : memref<3x40x144xf32, #tpu.memory_space<vmem>>, vector<16xf32>,
        %get3A_2130 = arith.index_cast %rem3A_324 : i32 to index
        %get3A_2131 = arith.index_cast %scan3A_1922 : i32 to index
        %get3A_2132 = arith.constant 112 : index
        %get3A_2133 = tpu.vector_load %arg17[%get3A_2130, %get3A_2131, %get3A_2132] {strides = array<i32>} : memref<3x40x144xf32, #tpu.memory_space<vmem>>, vector<16xf32>,
        %add3A_2134 = arith.addf %get3A_2133, %add3A_2112 : vector<16xf32>
        %neg3A_2135 = arith.constant 0.000000e+00 : f32
        %neg3A_2136 = vector.broadcast %neg3A_2135 : f32 to vector<16xf32>
        %neg3A_2137 = arith.subf %neg3A_2136, %add3A_2134 : vector<16xf32>
        %exp3A_2138 = math.exp %neg3A_2137 : vector<16xf32>
        %add3A_2139 = arith.constant 1.000000e+00 : f32
        %add3A_2140 = vector.broadcast %add3A_2139 : f32 to vector<16xf32>
        %add3A_2141 = arith.addf %add3A_2140, %exp3A_2138 : vector<16xf32>
        %div3A_2142 = arith.divf %add3A_2134, %add3A_2141 : vector<16xf32>
        %swap3A_2143 = arith.index_cast %rem3A_324 : i32 to index
        %swap3A_2144 = arith.index_cast %scan3A_1922 : i32 to index
        %swap3A_2145 = arith.constant 112 : index
        %swap3A_2146 = tpu.vector_load %arg17[%swap3A_2143, %swap3A_2144, %swap3A_2145] {strides = array<i32>} : memref<3x40x144xf32, #tpu.memory_space<vmem>>, vector<16xf32>,
        tpu.vector_store %arg17[%swap3A_2143, %swap3A_2144, %swap3A_2145], %div3A_2142 {strides = array<i32>} : memref<3x40x144xf32, #tpu.memory_space<vmem>>, vector<16xf32>,
      }
      %scan3A_333 = arith.constant 40 : i32
      %rem3A_334 = arith.constant 3 : i32
      %rem3A_335 = arith.remsi %scan3A_266, %rem3A_334 : i32
      %rem3A_336 = arith.constant 4 : i32
      %rem3A_337 = arith.remsi %scan3A_266, %rem3A_336 : i32
      %dma_start3A_338 = arith.constant 0 : i32
      %dma_start3A_339 = arith.constant 0 : i32
      %dma_start3A_340 = tpu.memref_slice %arg17[%rem3A_335, %dma_start3A_338, %dma_start3A_339] : memref<3x40x144xf32, #tpu.memory_space<vmem>> -> memref<1x40x144xf32, #tpu.memory_space<vmem>>
      %dma_start3A_341 = tpu.memref_squeeze %dma_start3A_340 : memref<1x40x144xf32, #tpu.memory_space<vmem>> -> memref<40x144xf32, #tpu.memory_space<vmem>>
      %dma_start3A_342 = arith.constant 0 : i32
      %dma_start3A_343 = tpu.memref_slice %arg13[%rem3A_337, %dma_start3A_342] : memref<4x40xi32, #tpu.memory_space<vmem>> -> memref<1x40xi32, #tpu.memory_space<vmem>>
      %dma_start3A_344 = tpu.memref_squeeze %dma_start3A_343 : memref<1x40xi32, #tpu.memory_space<vmem>> -> memref<40xi32, #tpu.memory_space<vmem>>
      %dma_start3A_345 = arith.constant 0 : i32
      %dma_start3A_346 = arith.constant 0 : i32
      %dma_start3A_347 = tpu.memref_slice %arg18[%dma_start3A_345, %dma_start3A_346] : memref<10240x144xf32, #tpu.memory_space<vmem_shared>> -> memref<10240x144xf32, #tpu.memory_space<vmem_shared>>
      tpu.enqueue_indirect_dma source(%dma_start3A_341 : memref<40x144xf32, #tpu.memory_space<vmem>>) target(%dma_start3A_347 : memref<10240x144xf32, #tpu.memory_space<vmem_shared>>) offsets(%dma_start3A_344 : memref<40xi32, #tpu.memory_space<vmem>>) semaphore(%arg21 : memref<!tpu.dma_semaphore, #tpu.memory_space<semaphore_mem>>) {add = true}
    }
    %scan3A_112 = arith.constant 250 : i32
    %rem3A_113 = arith.constant 248 : i32
    %rem3A_114 = arith.constant 3 : i32
    %rem3A_115 = arith.remsi %rem3A_113, %rem3A_114 : i32
    %rem3A_116 = arith.constant 248 : i32
    %rem3A_117 = arith.constant 4 : i32
    %rem3A_118 = arith.remsi %rem3A_116, %rem3A_117 : i32
    %dma_wait3A_119 = arith.constant 0 : i32
    %dma_wait3A_120 = arith.constant 0 : i32
    %dma_wait3A_121 = tpu.memref_slice %arg17[%rem3A_115, %dma_wait3A_119, %dma_wait3A_120] : memref<3x40x144xf32, #tpu.memory_space<vmem>> -> memref<1x40x144xf32, #tpu.memory_space<vmem>>
    %dma_wait3A_122 = tpu.memref_squeeze %dma_wait3A_121 : memref<1x40x144xf32, #tpu.memory_space<vmem>> -> memref<40x144xf32, #tpu.memory_space<vmem>>
    %dma_wait3A_123 = arith.constant 0 : i32
    %dma_wait3A_124 = tpu.memref_slice %arg13[%rem3A_118, %dma_wait3A_123] : memref<4x40xi32, #tpu.memory_space<vmem>> -> memref<1x40xi32, #tpu.memory_space<vmem>>
    %dma_wait3A_125 = tpu.memref_squeeze %dma_wait3A_124 : memref<1x40xi32, #tpu.memory_space<vmem>> -> memref<40xi32, #tpu.memory_space<vmem>>
    %dma_wait3A_126 = arith.constant 0 : i32
    %dma_wait3A_127 = arith.constant 0 : i32
    %dma_wait3A_128 = tpu.memref_slice %arg18[%dma_wait3A_126, %dma_wait3A_127] : memref<10240x144xf32, #tpu.memory_space<vmem_shared>> -> memref<10240x144xf32, #tpu.memory_space<vmem_shared>>
    tpu.wait_indirect_dma semaphore(%arg21 : memref<!tpu.dma_semaphore, #tpu.memory_space<semaphore_mem>>) src(%dma_wait3A_122 : memref<40x144xf32, #tpu.memory_space<vmem>>) dst(%dma_wait3A_128 : memref<10240x144xf32, #tpu.memory_space<vmem_shared>>)
    %rem3A_129 = arith.constant 249 : i32
    %rem3A_130 = arith.constant 3 : i32
    %rem3A_131 = arith.remsi %rem3A_129, %rem3A_130 : i32
    %rem3A_132 = arith.constant 249 : i32
    %rem3A_133 = arith.constant 4 : i32
    %rem3A_134 = arith.remsi %rem3A_132, %rem3A_133 : i32
    %dma_wait3A_135 = arith.constant 0 : i32
    %dma_wait3A_136 = arith.constant 0 : i32
    %dma_wait3A_137 = tpu.memref_slice %arg17[%rem3A_131, %dma_wait3A_135, %dma_wait3A_136] : memref<3x40x144xf32, #tpu.memory_space<vmem>> -> memref<1x40x144xf32, #tpu.memory_space<vmem>>
    %dma_wait3A_138 = tpu.memref_squeeze %dma_wait3A_137 : memref<1x40x144xf32, #tpu.memory_space<vmem>> -> memref<40x144xf32, #tpu.memory_space<vmem>>
    %dma_wait3A_139 = arith.constant 0 : i32
    %dma_wait3A_140 = tpu.memref_slice %arg13[%rem3A_134, %dma_wait3A_139] : memref<4x40xi32, #tpu.memory_space<vmem>> -> memref<1x40xi32, #tpu.memory_space<vmem>>
    %dma_wait3A_141 = tpu.memref_squeeze %dma_wait3A_140 : memref<1x40xi32, #tpu.memory_space<vmem>> -> memref<40xi32, #tpu.memory_space<vmem>>
    %dma_wait3A_142 = arith.constant 0 : i32
    %dma_wait3A_143 = arith.constant 0 : i32
    %dma_wait3A_144 = tpu.memref_slice %arg18[%dma_wait3A_142, %dma_wait3A_143] : memref<10240x144xf32, #tpu.memory_space<vmem_shared>> -> memref<10240x144xf32, #tpu.memory_space<vmem_shared>>
    tpu.wait_indirect_dma semaphore(%arg21 : memref<!tpu.dma_semaphore, #tpu.memory_space<semaphore_mem>>) src(%dma_wait3A_138 : memref<40x144xf32, #tpu.memory_space<vmem>>) dst(%dma_wait3A_144 : memref<10240x144xf32, #tpu.memory_space<vmem_shared>>)
    %barrier3A_145 = arith.constant 0 : index
    tpu.barrier barrier_id(%barrier3A_145)
    %mul3A_146 = arith.constant 640 : i32
    %mul3A_147 = arith.muli %arg1, %mul3A_146 : i32
    "tpu.region"() ({
      %run_scoped3A = tpu.sem_alloc : memref<!tpu.dma_semaphore, #tpu.memory_space<semaphore_mem>>
      %dma_start3A_266 = arith.constant 0 : i32
      %dma_start3A_267 = tpu.memref_slice %arg11[%arg0, %mul3A_147, %dma_start3A_266] : memref<2x10240x144xf32, #tpu.memory_space<hbm>> -> memref<1x640x144xf32, #tpu.memory_space<hbm>>
      %dma_start3A_268 = tpu.memref_squeeze %dma_start3A_267 : memref<1x640x144xf32, #tpu.memory_space<hbm>> -> memref<640x144xf32, #tpu.memory_space<hbm>>
      %dma_start3A_269 = arith.constant 0 : i32
      %dma_start3A_270 = tpu.memref_slice %arg18[%mul3A_147, %dma_start3A_269] : memref<10240x144xf32, #tpu.memory_space<vmem_shared>> -> memref<640x144xf32, #tpu.memory_space<vmem_shared>>
      tpu.enqueue_dma source(%dma_start3A_270 : memref<640x144xf32, #tpu.memory_space<vmem_shared>>) target(%dma_start3A_268 : memref<640x144xf32, #tpu.memory_space<hbm>>) target_semaphore(%run_scoped3A : memref<!tpu.dma_semaphore, #tpu.memory_space<semaphore_mem>>)
      %dma_wait3A_271 = arith.constant 0 : i32
      %dma_wait3A_272 = tpu.memref_slice %arg11[%arg0, %mul3A_147, %dma_wait3A_271] : memref<2x10240x144xf32, #tpu.memory_space<hbm>> -> memref<1x640x144xf32, #tpu.memory_space<hbm>>
      %dma_wait3A_273 = tpu.memref_squeeze %dma_wait3A_272 : memref<1x640x144xf32, #tpu.memory_space<hbm>> -> memref<640x144xf32, #tpu.memory_space<hbm>>
      %dma_wait3A_274 = arith.constant 0 : i32
      %dma_wait3A_275 = tpu.memref_slice %arg18[%mul3A_147, %dma_wait3A_274] : memref<10240x144xf32, #tpu.memory_space<vmem_shared>> -> memref<640x144xf32, #tpu.memory_space<vmem_shared>>
      tpu.wait_dma2 semaphore(%run_scoped3A : memref<!tpu.dma_semaphore, #tpu.memory_space<semaphore_mem>>) src(%dma_wait3A_275 : memref<640x144xf32, #tpu.memory_space<vmem_shared>>) dst(%dma_wait3A_273 : memref<640x144xf32, #tpu.memory_space<hbm>>)
      tpu.yield
    }) : () -> ()
    %mul3A_148 = arith.constant 640 : i32
    %mul3A_149 = arith.muli %arg1, %mul3A_148 : i32
    "tpu.region"() ({
      %run_scoped3A = tpu.sem_alloc : memref<!tpu.dma_semaphore, #tpu.memory_space<semaphore_mem>>
      %dma_start3A_266 = arith.constant 0 : i32
      %dma_start3A_267 = tpu.memref_slice %arg18[%mul3A_149, %dma_start3A_266] : memref<10240x144xf32, #tpu.memory_space<vmem_shared>> -> memref<640x144xf32, #tpu.memory_space<vmem_shared>>
      tpu.enqueue_dma source(%arg10 : memref<640x144xf32, #tpu.memory_space<hbm>>) target(%dma_start3A_267 : memref<640x144xf32, #tpu.memory_space<vmem_shared>>) target_semaphore(%run_scoped3A : memref<!tpu.dma_semaphore, #tpu.memory_space<semaphore_mem>>)
      %dma_wait3A_268 = arith.constant 0 : i32
      %dma_wait3A_269 = tpu.memref_slice %arg18[%mul3A_149, %dma_wait3A_268] : memref<10240x144xf32, #tpu.memory_space<vmem_shared>> -> memref<640x144xf32, #tpu.memory_space<vmem_shared>>
      tpu.wait_dma2 semaphore(%run_scoped3A : memref<!tpu.dma_semaphore, #tpu.memory_space<semaphore_mem>>) src(%arg10 : memref<640x144xf32, #tpu.memory_space<hbm>>) dst(%dma_wait3A_269 : memref<640x144xf32, #tpu.memory_space<vmem_shared>>)
      tpu.yield
    }) : () -> ()
    %barrier3A_150 = arith.constant 0 : index
    tpu.barrier barrier_id(%barrier3A_150)
    %mul3A_151 = arith.constant 20000 : i32
    %mul3A_152 = arith.muli %add3A, %mul3A_151 : i32
    %add3A_153 = arith.constant 0 : i32
    %add3A_154 = arith.addi %mul3A_152, %add3A_153 : i32
    %rem3A_155 = arith.constant 0 : i32
    %rem3A_156 = arith.constant 4 : i32
    %rem3A_157 = arith.remsi %rem3A_155, %rem3A_156 : i32
    %dma_start3A_158 = arith.constant 0 : i32
    %dma_start3A_159 = tpu.memref_slice %arg13[%rem3A_157, %dma_start3A_158] : memref<4x40xi32, #tpu.memory_space<vmem>> -> memref<1x40xi32, #tpu.memory_space<vmem>>
    %dma_start3A_160 = tpu.memref_squeeze %dma_start3A_159 : memref<1x40xi32, #tpu.memory_space<vmem>> -> memref<40xi32, #tpu.memory_space<vmem>>
    %dma_start3A_161 = tpu.memref_slice %arg4[%add3A_154] : memref<640000xi32, #tpu.memory_space<hbm>> -> memref<40xi32, #tpu.memory_space<hbm>>
    %dma_start3A_162 = arith.constant 0 : i32
    %dma_start3A_163 = tpu.memref_slice %arg13[%rem3A_157, %dma_start3A_162] : memref<4x40xi32, #tpu.memory_space<vmem>> -> memref<1x40xi32, #tpu.memory_space<vmem>>
    %dma_start3A_164 = tpu.memref_squeeze %dma_start3A_163 : memref<1x40xi32, #tpu.memory_space<vmem>> -> memref<40xi32, #tpu.memory_space<vmem>>
    %dma_start3A_165 = tpu.memref_slice %arg4[%add3A_154] : memref<640000xi32, #tpu.memory_space<hbm>> -> memref<40xi32, #tpu.memory_space<hbm>>
    tpu.enqueue_dma source(%dma_start3A_165 : memref<40xi32, #tpu.memory_space<hbm>>) target(%dma_start3A_164 : memref<40xi32, #tpu.memory_space<vmem>>) target_semaphore(%arg19 : memref<!tpu.dma_semaphore, #tpu.memory_space<semaphore_mem>>)
    %add3A_166 = arith.constant 0 : i32
    %add3A_167 = arith.addi %mul3A_152, %add3A_166 : i32
    %rem3A_168 = arith.constant 0 : i32
    %rem3A_169 = arith.constant 4 : i32
    %rem3A_170 = arith.remsi %rem3A_168, %rem3A_169 : i32
    %dma_wait3A_171 = arith.constant 0 : i32
    %dma_wait3A_172 = tpu.memref_slice %arg13[%rem3A_170, %dma_wait3A_171] : memref<4x40xi32, #tpu.memory_space<vmem>> -> memref<1x40xi32, #tpu.memory_space<vmem>>
    %dma_wait3A_173 = tpu.memref_squeeze %dma_wait3A_172 : memref<1x40xi32, #tpu.memory_space<vmem>> -> memref<40xi32, #tpu.memory_space<vmem>>
    %dma_wait3A_174 = tpu.memref_slice %arg4[%add3A_167] : memref<640000xi32, #tpu.memory_space<hbm>> -> memref<40xi32, #tpu.memory_space<hbm>>
    %dma_wait3A_175 = arith.constant 0 : i32
    %dma_wait3A_176 = tpu.memref_slice %arg13[%rem3A_170, %dma_wait3A_175] : memref<4x40xi32, #tpu.memory_space<vmem>> -> memref<1x40xi32, #tpu.memory_space<vmem>>
    %dma_wait3A_177 = tpu.memref_squeeze %dma_wait3A_176 : memref<1x40xi32, #tpu.memory_space<vmem>> -> memref<40xi32, #tpu.memory_space<vmem>>
    %dma_wait3A_178 = tpu.memref_slice %arg4[%add3A_167] : memref<640000xi32, #tpu.memory_space<hbm>> -> memref<40xi32, #tpu.memory_space<hbm>>
    tpu.wait_dma2 semaphore(%arg19 : memref<!tpu.dma_semaphore, #tpu.memory_space<semaphore_mem>>) src(%dma_wait3A_178 : memref<40xi32, #tpu.memory_space<hbm>>) dst(%dma_wait3A_177 : memref<40xi32, #tpu.memory_space<vmem>>)
    %add3A_179 = arith.constant 40 : i32
    %add3A_180 = arith.addi %mul3A_152, %add3A_179 : i32
    %rem3A_181 = arith.constant 1 : i32
    %rem3A_182 = arith.constant 4 : i32
    %rem3A_183 = arith.remsi %rem3A_181, %rem3A_182 : i32
    %dma_start3A_184 = arith.constant 0 : i32
    %dma_start3A_185 = tpu.memref_slice %arg13[%rem3A_183, %dma_start3A_184] : memref<4x40xi32, #tpu.memory_space<vmem>> -> memref<1x40xi32, #tpu.memory_space<vmem>>
    %dma_start3A_186 = tpu.memref_squeeze %dma_start3A_185 : memref<1x40xi32, #tpu.memory_space<vmem>> -> memref<40xi32, #tpu.memory_space<vmem>>
    %dma_start3A_187 = tpu.memref_slice %arg4[%add3A_180] : memref<640000xi32, #tpu.memory_space<hbm>> -> memref<40xi32, #tpu.memory_space<hbm>>
    %dma_start3A_188 = arith.constant 0 : i32
    %dma_start3A_189 = tpu.memref_slice %arg13[%rem3A_183, %dma_start3A_188] : memref<4x40xi32, #tpu.memory_space<vmem>> -> memref<1x40xi32, #tpu.memory_space<vmem>>
    %dma_start3A_190 = tpu.memref_squeeze %dma_start3A_189 : memref<1x40xi32, #tpu.memory_space<vmem>> -> memref<40xi32, #tpu.memory_space<vmem>>
    %dma_start3A_191 = tpu.memref_slice %arg4[%add3A_180] : memref<640000xi32, #tpu.memory_space<hbm>> -> memref<40xi32, #tpu.memory_space<hbm>>
    tpu.enqueue_dma source(%dma_start3A_191 : memref<40xi32, #tpu.memory_space<hbm>>) target(%dma_start3A_190 : memref<40xi32, #tpu.memory_space<vmem>>) target_semaphore(%arg19 : memref<!tpu.dma_semaphore, #tpu.memory_space<semaphore_mem>>)
    %add3A_192 = arith.constant 0 : i32
    %add3A_193 = arith.addi %mul3A_152, %add3A_192 : i32
    %rem3A_194 = arith.constant 0 : i32
    %rem3A_195 = arith.constant 4 : i32
    %rem3A_196 = arith.remsi %rem3A_194, %rem3A_195 : i32
    %rem3A_197 = arith.constant 0 : i32
    %rem3A_198 = arith.constant 3 : i32
    %rem3A_199 = arith.remsi %rem3A_197, %rem3A_198 : i32
    %rem3A_200 = arith.constant 0 : i32
    %rem3A_201 = arith.constant 2 : i32
    %rem3A_202 = arith.remsi %rem3A_200, %rem3A_201 : i32
    %dma_start3A_203 = arith.constant 0 : i32
    %dma_start3A_204 = arith.constant 0 : i32
    %dma_start3A_205 = tpu.memref_slice %arg17[%rem3A_199, %dma_start3A_203, %dma_start3A_204] : memref<3x40x144xf32, #tpu.memory_space<vmem>> -> memref<1x40x144xf32, #tpu.memory_space<vmem>>
    %dma_start3A_206 = tpu.memref_squeeze %dma_start3A_205 : memref<1x40x144xf32, #tpu.memory_space<vmem>> -> memref<40x144xf32, #tpu.memory_space<vmem>>
    %dma_start3A_207 = arith.constant 0 : i32
    %dma_start3A_208 = tpu.memref_slice %arg6[%add3A_193, %dma_start3A_207] : memref<640000x144xf32, #tpu.memory_space<hbm>> -> memref<40x144xf32, #tpu.memory_space<hbm>>
    %dma_start3A_209 = arith.constant 0 : i32
    %dma_start3A_210 = arith.constant 0 : i32
    %dma_start3A_211 = tpu.memref_slice %arg17[%rem3A_199, %dma_start3A_209, %dma_start3A_210] : memref<3x40x144xf32, #tpu.memory_space<vmem>> -> memref<1x40x144xf32, #tpu.memory_space<vmem>>
    %dma_start3A_212 = tpu.memref_squeeze %dma_start3A_211 : memref<1x40x144xf32, #tpu.memory_space<vmem>> -> memref<40x144xf32, #tpu.memory_space<vmem>>
    %dma_start3A_213 = arith.constant 0 : i32
    %dma_start3A_214 = tpu.memref_slice %arg6[%add3A_193, %dma_start3A_213] : memref<640000x144xf32, #tpu.memory_space<hbm>> -> memref<40x144xf32, #tpu.memory_space<hbm>>
    tpu.enqueue_dma source(%dma_start3A_214 : memref<40x144xf32, #tpu.memory_space<hbm>>) target(%dma_start3A_212 : memref<40x144xf32, #tpu.memory_space<vmem>>) target_semaphore(%arg20 : memref<!tpu.dma_semaphore, #tpu.memory_space<semaphore_mem>>)
    %dma_start3A_215 = arith.constant 0 : i32
    %dma_start3A_216 = arith.constant 0 : i32
    %dma_start3A_217 = tpu.memref_slice %arg15[%rem3A_202, %dma_start3A_215, %dma_start3A_216] : memref<2x40x64xi32, #tpu.memory_space<vmem>> -> memref<1x40x64xi32, #tpu.memory_space<vmem>>
    %dma_start3A_218 = tpu.memref_squeeze %dma_start3A_217 : memref<1x40x64xi32, #tpu.memory_space<vmem>> -> memref<40x64xi32, #tpu.memory_space<vmem>>
    %dma_start3A_219 = arith.constant 0 : i32
    %dma_start3A_220 = tpu.memref_slice %arg13[%rem3A_196, %dma_start3A_219] : memref<4x40xi32, #tpu.memory_space<vmem>> -> memref<1x40xi32, #tpu.memory_space<vmem>>
    %dma_start3A_221 = tpu.memref_squeeze %dma_start3A_220 : memref<1x40xi32, #tpu.memory_space<vmem>> -> memref<40xi32, #tpu.memory_space<vmem>>
    %dma_start3A_222 = arith.constant 0 : i32
    %dma_start3A_223 = arith.constant 0 : i32
    %dma_start3A_224 = tpu.memref_slice %arg9[%dma_start3A_222, %dma_start3A_223] : memref<10000x64xi32, #tpu.memory_space<hbm>> -> memref<10000x64xi32, #tpu.memory_space<hbm>>
    tpu.enqueue_indirect_dma source(%dma_start3A_224 : memref<10000x64xi32, #tpu.memory_space<hbm>>) target(%dma_start3A_218 : memref<40x64xi32, #tpu.memory_space<vmem>>) offsets(%dma_start3A_221 : memref<40xi32, #tpu.memory_space<vmem>>) semaphore(%arg20 : memref<!tpu.dma_semaphore, #tpu.memory_space<semaphore_mem>>)
    %scan3A_225 = arith.constant 0 : i32
    %scan3A_226 = arith.constant 0 : i32
    %scan3A_227 = arith.constant 500 : i32
    %scan3A_228 = arith.addi %scan3A_226, %scan3A_227 : i32
    %scan3A_229 = arith.constant 1 : i32
    scf.for %scan3A_266 = %scan3A_226 to %scan3A_228 step %scan3A_229  : i32 {
      %ge3A = arith.constant 2 : i32
      %ge3A_267 = arith.cmpi sge, %scan3A_266, %ge3A : i32
      %convert_element_type3A = arith.extui %ge3A_267 : i1 to i32
      %cond3A = arith.constant 0 : i32
      %cond3A_268 = arith.cmpi ne, %convert_element_type3A, %cond3A : i32
      scf.if %cond3A_268 {
        %sub3A = arith.constant 2 : i32
        %sub3A_338 = arith.subi %scan3A_266, %sub3A : i32
        %rem3A_339 = arith.constant 3 : i32
        %rem3A_340 = arith.remsi %sub3A_338, %rem3A_339 : i32
        %rem3A_341 = arith.constant 4 : i32
        %rem3A_342 = arith.remsi %sub3A_338, %rem3A_341 : i32
        %dma_wait3A_343 = arith.constant 0 : i32
        %dma_wait3A_344 = arith.constant 0 : i32
        %dma_wait3A_345 = tpu.memref_slice %arg17[%rem3A_340, %dma_wait3A_343, %dma_wait3A_344] : memref<3x40x144xf32, #tpu.memory_space<vmem>> -> memref<1x40x144xf32, #tpu.memory_space<vmem>>
        %dma_wait3A_346 = tpu.memref_squeeze %dma_wait3A_345 : memref<1x40x144xf32, #tpu.memory_space<vmem>> -> memref<40x144xf32, #tpu.memory_space<vmem>>
        %dma_wait3A_347 = arith.constant 0 : i32
        %dma_wait3A_348 = tpu.memref_slice %arg13[%rem3A_342, %dma_wait3A_347] : memref<4x40xi32, #tpu.memory_space<vmem>> -> memref<1x40xi32, #tpu.memory_space<vmem>>
        %dma_wait3A_349 = tpu.memref_squeeze %dma_wait3A_348 : memref<1x40xi32, #tpu.memory_space<vmem>> -> memref<40xi32, #tpu.memory_space<vmem>>
        %dma_wait3A_350 = arith.constant 0 : i32
        %dma_wait3A_351 = arith.constant 0 : i32
        %dma_wait3A_352 = tpu.memref_slice %arg18[%dma_wait3A_350, %dma_wait3A_351] : memref<10240x144xf32, #tpu.memory_space<vmem_shared>> -> memref<10240x144xf32, #tpu.memory_space<vmem_shared>>
        tpu.wait_indirect_dma semaphore(%arg21 : memref<!tpu.dma_semaphore, #tpu.memory_space<semaphore_mem>>) src(%dma_wait3A_346 : memref<40x144xf32, #tpu.memory_space<vmem>>) dst(%dma_wait3A_352 : memref<10240x144xf32, #tpu.memory_space<vmem_shared>>)
      } else {
      }
      %add3A_269 = arith.constant 2 : i32
      %add3A_270 = arith.addi %scan3A_266, %add3A_269 : i32
      %lt3A = arith.constant 500 : i32
      %lt3A_271 = arith.cmpi slt, %add3A_270, %lt3A : i32
      %convert_element_type3A_272 = arith.extui %lt3A_271 : i1 to i32
      %cond3A_273 = arith.constant 0 : i32
      %cond3A_274 = arith.cmpi ne, %convert_element_type3A_272, %cond3A_273 : i32
      scf.if %cond3A_274 {
        %add3A_338 = arith.constant 2 : i32
        %add3A_339 = arith.addi %scan3A_266, %add3A_338 : i32
        %mul3A_340 = arith.constant 40 : i32
        %mul3A_341 = arith.muli %add3A_339, %mul3A_340 : i32
        %add3A_342 = arith.addi %mul3A_152, %mul3A_341 : i32
        %rem3A_343 = arith.constant 4 : i32
        %rem3A_344 = arith.remsi %add3A_339, %rem3A_343 : i32
        %dma_start3A_345 = arith.constant 0 : i32
        %dma_start3A_346 = tpu.memref_slice %arg13[%rem3A_344, %dma_start3A_345] : memref<4x40xi32, #tpu.memory_space<vmem>> -> memref<1x40xi32, #tpu.memory_space<vmem>>
        %dma_start3A_347 = tpu.memref_squeeze %dma_start3A_346 : memref<1x40xi32, #tpu.memory_space<vmem>> -> memref<40xi32, #tpu.memory_space<vmem>>
        %dma_start3A_348 = tpu.memref_slice %arg4[%add3A_342] : memref<640000xi32, #tpu.memory_space<hbm>> -> memref<40xi32, #tpu.memory_space<hbm>>
        %dma_start3A_349 = arith.constant 0 : i32
        %dma_start3A_350 = tpu.memref_slice %arg13[%rem3A_344, %dma_start3A_349] : memref<4x40xi32, #tpu.memory_space<vmem>> -> memref<1x40xi32, #tpu.memory_space<vmem>>
        %dma_start3A_351 = tpu.memref_squeeze %dma_start3A_350 : memref<1x40xi32, #tpu.memory_space<vmem>> -> memref<40xi32, #tpu.memory_space<vmem>>
        %dma_start3A_352 = tpu.memref_slice %arg4[%add3A_342] : memref<640000xi32, #tpu.memory_space<hbm>> -> memref<40xi32, #tpu.memory_space<hbm>>
        tpu.enqueue_dma source(%dma_start3A_352 : memref<40xi32, #tpu.memory_space<hbm>>) target(%dma_start3A_351 : memref<40xi32, #tpu.memory_space<vmem>>) target_semaphore(%arg19 : memref<!tpu.dma_semaphore, #tpu.memory_space<semaphore_mem>>)
      } else {
      }
      %add3A_275 = arith.constant 1 : i32
      %add3A_276 = arith.addi %scan3A_266, %add3A_275 : i32
      %lt3A_277 = arith.constant 500 : i32
      %lt3A_278 = arith.cmpi slt, %add3A_276, %lt3A_277 : i32
      %convert_element_type3A_279 = arith.extui %lt3A_278 : i1 to i32
      %cond3A_280 = arith.constant 0 : i32
      %cond3A_281 = arith.cmpi ne, %convert_element_type3A_279, %cond3A_280 : i32
      scf.if %cond3A_281 {
        %add3A_338 = arith.constant 1 : i32
        %add3A_339 = arith.addi %scan3A_266, %add3A_338 : i32
        %mul3A_340 = arith.constant 40 : i32
        %mul3A_341 = arith.muli %add3A_339, %mul3A_340 : i32
        %add3A_342 = arith.addi %mul3A_152, %mul3A_341 : i32
        %rem3A_343 = arith.constant 4 : i32
        %rem3A_344 = arith.remsi %add3A_339, %rem3A_343 : i32
        %dma_wait3A_345 = arith.constant 0 : i32
        %dma_wait3A_346 = tpu.memref_slice %arg13[%rem3A_344, %dma_wait3A_345] : memref<4x40xi32, #tpu.memory_space<vmem>> -> memref<1x40xi32, #tpu.memory_space<vmem>>
        %dma_wait3A_347 = tpu.memref_squeeze %dma_wait3A_346 : memref<1x40xi32, #tpu.memory_space<vmem>> -> memref<40xi32, #tpu.memory_space<vmem>>
        %dma_wait3A_348 = tpu.memref_slice %arg4[%add3A_342] : memref<640000xi32, #tpu.memory_space<hbm>> -> memref<40xi32, #tpu.memory_space<hbm>>
        %dma_wait3A_349 = arith.constant 0 : i32
        %dma_wait3A_350 = tpu.memref_slice %arg13[%rem3A_344, %dma_wait3A_349] : memref<4x40xi32, #tpu.memory_space<vmem>> -> memref<1x40xi32, #tpu.memory_space<vmem>>
        %dma_wait3A_351 = tpu.memref_squeeze %dma_wait3A_350 : memref<1x40xi32, #tpu.memory_space<vmem>> -> memref<40xi32, #tpu.memory_space<vmem>>
        %dma_wait3A_352 = tpu.memref_slice %arg4[%add3A_342] : memref<640000xi32, #tpu.memory_space<hbm>> -> memref<40xi32, #tpu.memory_space<hbm>>
        tpu.wait_dma2 semaphore(%arg19 : memref<!tpu.dma_semaphore, #tpu.memory_space<semaphore_mem>>) src(%dma_wait3A_352 : memref<40xi32, #tpu.memory_space<hbm>>) dst(%dma_wait3A_351 : memref<40xi32, #tpu.memory_space<vmem>>)
        %add3A_353 = arith.constant 1 : i32
        %add3A_354 = arith.addi %scan3A_266, %add3A_353 : i32
        %mul3A_355 = arith.constant 40 : i32
        %mul3A_356 = arith.muli %add3A_354, %mul3A_355 : i32
        %add3A_357 = arith.addi %mul3A_152, %mul3A_356 : i32
        %rem3A_358 = arith.constant 4 : i32
        %rem3A_359 = arith.remsi %add3A_354, %rem3A_358 : i32
        %rem3A_360 = arith.constant 3 : i32
        %rem3A_361 = arith.remsi %add3A_354, %rem3A_360 : i32
        %rem3A_362 = arith.constant 2 : i32
        %rem3A_363 = arith.remsi %add3A_354, %rem3A_362 : i32
        %dma_start3A_364 = arith.constant 0 : i32
        %dma_start3A_365 = arith.constant 0 : i32
        %dma_start3A_366 = tpu.memref_slice %arg17[%rem3A_361, %dma_start3A_364, %dma_start3A_365] : memref<3x40x144xf32, #tpu.memory_space<vmem>> -> memref<1x40x144xf32, #tpu.memory_space<vmem>>
        %dma_start3A_367 = tpu.memref_squeeze %dma_start3A_366 : memref<1x40x144xf32, #tpu.memory_space<vmem>> -> memref<40x144xf32, #tpu.memory_space<vmem>>
        %dma_start3A_368 = arith.constant 0 : i32
        %dma_start3A_369 = tpu.memref_slice %arg6[%add3A_357, %dma_start3A_368] : memref<640000x144xf32, #tpu.memory_space<hbm>> -> memref<40x144xf32, #tpu.memory_space<hbm>>
        %dma_start3A_370 = arith.constant 0 : i32
        %dma_start3A_371 = arith.constant 0 : i32
        %dma_start3A_372 = tpu.memref_slice %arg17[%rem3A_361, %dma_start3A_370, %dma_start3A_371] : memref<3x40x144xf32, #tpu.memory_space<vmem>> -> memref<1x40x144xf32, #tpu.memory_space<vmem>>
        %dma_start3A_373 = tpu.memref_squeeze %dma_start3A_372 : memref<1x40x144xf32, #tpu.memory_space<vmem>> -> memref<40x144xf32, #tpu.memory_space<vmem>>
        %dma_start3A_374 = arith.constant 0 : i32
        %dma_start3A_375 = tpu.memref_slice %arg6[%add3A_357, %dma_start3A_374] : memref<640000x144xf32, #tpu.memory_space<hbm>> -> memref<40x144xf32, #tpu.memory_space<hbm>>
        tpu.enqueue_dma source(%dma_start3A_375 : memref<40x144xf32, #tpu.memory_space<hbm>>) target(%dma_start3A_373 : memref<40x144xf32, #tpu.memory_space<vmem>>) target_semaphore(%arg20 : memref<!tpu.dma_semaphore, #tpu.memory_space<semaphore_mem>>)
        %dma_start3A_376 = arith.constant 0 : i32
        %dma_start3A_377 = arith.constant 0 : i32
        %dma_start3A_378 = tpu.memref_slice %arg15[%rem3A_363, %dma_start3A_376, %dma_start3A_377] : memref<2x40x64xi32, #tpu.memory_space<vmem>> -> memref<1x40x64xi32, #tpu.memory_space<vmem>>
        %dma_start3A_379 = tpu.memref_squeeze %dma_start3A_378 : memref<1x40x64xi32, #tpu.memory_space<vmem>> -> memref<40x64xi32, #tpu.memory_space<vmem>>
        %dma_start3A_380 = arith.constant 0 : i32
        %dma_start3A_381 = tpu.memref_slice %arg13[%rem3A_359, %dma_start3A_380] : memref<4x40xi32, #tpu.memory_space<vmem>> -> memref<1x40xi32, #tpu.memory_space<vmem>>
        %dma_start3A_382 = tpu.memref_squeeze %dma_start3A_381 : memref<1x40xi32, #tpu.memory_space<vmem>> -> memref<40xi32, #tpu.memory_space<vmem>>
        %dma_start3A_383 = arith.constant 0 : i32
        %dma_start3A_384 = arith.constant 0 : i32
        %dma_start3A_385 = tpu.memref_slice %arg9[%dma_start3A_383, %dma_start3A_384] : memref<10000x64xi32, #tpu.memory_space<hbm>> -> memref<10000x64xi32, #tpu.memory_space<hbm>>
        tpu.enqueue_indirect_dma source(%dma_start3A_385 : memref<10000x64xi32, #tpu.memory_space<hbm>>) target(%dma_start3A_379 : memref<40x64xi32, #tpu.memory_space<vmem>>) offsets(%dma_start3A_382 : memref<40xi32, #tpu.memory_space<vmem>>) semaphore(%arg20 : memref<!tpu.dma_semaphore, #tpu.memory_space<semaphore_mem>>)
      } else {
      }
      %mul3A_282 = arith.constant 40 : i32
      %mul3A_283 = arith.muli %scan3A_266, %mul3A_282 : i32
      %add3A_284 = arith.addi %mul3A_152, %mul3A_283 : i32
      %rem3A_285 = arith.constant 4 : i32
      %rem3A_286 = arith.remsi %scan3A_266, %rem3A_285 : i32
      %rem3A_287 = arith.constant 3 : i32
      %rem3A_288 = arith.remsi %scan3A_266, %rem3A_287 : i32
      %rem3A_289 = arith.constant 2 : i32
      %rem3A_290 = arith.remsi %scan3A_266, %rem3A_289 : i32
      %dma_wait3A_291 = arith.constant 0 : i32
      %dma_wait3A_292 = arith.constant 0 : i32
      %dma_wait3A_293 = tpu.memref_slice %arg17[%rem3A_288, %dma_wait3A_291, %dma_wait3A_292] : memref<3x40x144xf32, #tpu.memory_space<vmem>> -> memref<1x40x144xf32, #tpu.memory_space<vmem>>
      %dma_wait3A_294 = tpu.memref_squeeze %dma_wait3A_293 : memref<1x40x144xf32, #tpu.memory_space<vmem>> -> memref<40x144xf32, #tpu.memory_space<vmem>>
      %dma_wait3A_295 = arith.constant 0 : i32
      %dma_wait3A_296 = tpu.memref_slice %arg6[%add3A_284, %dma_wait3A_295] : memref<640000x144xf32, #tpu.memory_space<hbm>> -> memref<40x144xf32, #tpu.memory_space<hbm>>
      %dma_wait3A_297 = arith.constant 0 : i32
      %dma_wait3A_298 = arith.constant 0 : i32
      %dma_wait3A_299 = tpu.memref_slice %arg17[%rem3A_288, %dma_wait3A_297, %dma_wait3A_298] : memref<3x40x144xf32, #tpu.memory_space<vmem>> -> memref<1x40x144xf32, #tpu.memory_space<vmem>>
      %dma_wait3A_300 = tpu.memref_squeeze %dma_wait3A_299 : memref<1x40x144xf32, #tpu.memory_space<vmem>> -> memref<40x144xf32, #tpu.memory_space<vmem>>
      %dma_wait3A_301 = arith.constant 0 : i32
      %dma_wait3A_302 = tpu.memref_slice %arg6[%add3A_284, %dma_wait3A_301] : memref<640000x144xf32, #tpu.memory_space<hbm>> -> memref<40x144xf32, #tpu.memory_space<hbm>>
      tpu.wait_dma2 semaphore(%arg20 : memref<!tpu.dma_semaphore, #tpu.memory_space<semaphore_mem>>) src(%dma_wait3A_302 : memref<40x144xf32, #tpu.memory_space<hbm>>) dst(%dma_wait3A_300 : memref<40x144xf32, #tpu.memory_space<vmem>>)
      %dma_wait3A_303 = arith.constant 0 : i32
      %dma_wait3A_304 = arith.constant 0 : i32
      %dma_wait3A_305 = tpu.memref_slice %arg15[%rem3A_290, %dma_wait3A_303, %dma_wait3A_304] : memref<2x40x64xi32, #tpu.memory_space<vmem>> -> memref<1x40x64xi32, #tpu.memory_space<vmem>>
      %dma_wait3A_306 = tpu.memref_squeeze %dma_wait3A_305 : memref<1x40x64xi32, #tpu.memory_space<vmem>> -> memref<40x64xi32, #tpu.memory_space<vmem>>
      %dma_wait3A_307 = arith.constant 0 : i32
      %dma_wait3A_308 = tpu.memref_slice %arg13[%rem3A_286, %dma_wait3A_307] : memref<4x40xi32, #tpu.memory_space<vmem>> -> memref<1x40xi32, #tpu.memory_space<vmem>>
      %dma_wait3A_309 = tpu.memref_squeeze %dma_wait3A_308 : memref<1x40xi32, #tpu.memory_space<vmem>> -> memref<40xi32, #tpu.memory_space<vmem>>
      %dma_wait3A_310 = arith.constant 0 : i32
      %dma_wait3A_311 = arith.constant 0 : i32
      %dma_wait3A_312 = tpu.memref_slice %arg9[%dma_wait3A_310, %dma_wait3A_311] : memref<10000x64xi32, #tpu.memory_space<hbm>> -> memref<10000x64xi32, #tpu.memory_space<hbm>>
      tpu.wait_indirect_dma semaphore(%arg20 : memref<!tpu.dma_semaphore, #tpu.memory_space<semaphore_mem>>) src(%dma_wait3A_312 : memref<10000x64xi32, #tpu.memory_space<hbm>>) dst(%dma_wait3A_306 : memref<40x64xi32, #tpu.memory_space<vmem>>)
      %rem3A_313 = arith.constant 3 : i32
      %rem3A_314 = arith.remsi %scan3A_266, %rem3A_313 : i32
      %rem3A_315 = arith.constant 2 : i32
      %rem3A_316 = arith.remsi %scan3A_266, %rem3A_315 : i32
      %broadcast_in_dim3A = arith.constant -65536 : i32
      %broadcast_in_dim3A_317 = vector.broadcast %broadcast_in_dim3A : i32 to vector<16xi32>
      %scan3A_318 = arith.constant 0 : i32
      %scan3A_319 = arith.constant 0 : i32
      %scan3A_320 = arith.constant 40 : i32
      %scan3A_321 = arith.addi %scan3A_319, %scan3A_320 : i32
      %scan3A_322 = arith.constant 8 : i32
      scf.for %scan3A_338 = %scan3A_319 to %scan3A_321 step %scan3A_322  : i32 {
        %get3A = arith.index_cast %rem3A_316 : i32 to index
        %get3A_339 = arith.index_cast %scan3A_338 : i32 to index
        %get3A_340 = arith.constant 0 : index
        %get3A_341 = tpu.vector_load %arg15[%get3A, %get3A_339, %get3A_340] {strides = array<i32>} : memref<2x40x64xi32, #tpu.memory_space<vmem>>, vector<16xi32>,
        %shift_left3A = arith.constant 16 : i32
        %shift_left3A_342 = vector.broadcast %shift_left3A : i32 to vector<16xi32>
        %shift_left3A_343 = arith.shli %get3A_341, %shift_left3A_342 : vector<16xi32>
        %bitcast3A = vector.bitcast %shift_left3A_343 : vector<16xi32> to vector<16xf32>
        %and3A = arith.andi %get3A_341, %broadcast_in_dim3A_317 : vector<16xi32>
        %bitcast3A_344 = vector.bitcast %and3A : vector<16xi32> to vector<16xf32>
        %get3A_345 = arith.index_cast %rem3A_314 : i32 to index
        %get3A_346 = arith.index_cast %scan3A_338 : i32 to index
        %get3A_347 = arith.constant 0 : index
        %get3A_348 = tpu.vector_load %arg17[%get3A_345, %get3A_346, %get3A_347] {strides = array<i32>} : memref<3x40x144xf32, #tpu.memory_space<vmem>>, vector<16xf32>,
        %add3A_349 = arith.addf %get3A_348, %bitcast3A : vector<16xf32>
        %neg3A = arith.constant 0.000000e+00 : f32
        %neg3A_350 = vector.broadcast %neg3A : f32 to vector<16xf32>
        %neg3A_351 = arith.subf %neg3A_350, %add3A_349 : vector<16xf32>
        %exp3A = math.exp %neg3A_351 : vector<16xf32>
        %add3A_352 = arith.constant 1.000000e+00 : f32
        %add3A_353 = vector.broadcast %add3A_352 : f32 to vector<16xf32>
        %add3A_354 = arith.addf %add3A_353, %exp3A : vector<16xf32>
        %div3A = arith.divf %add3A_349, %add3A_354 : vector<16xf32>
        %swap3A = arith.index_cast %rem3A_314 : i32 to index
        %swap3A_355 = arith.index_cast %scan3A_338 : i32 to index
        %swap3A_356 = arith.constant 0 : index
        %swap3A_357 = tpu.vector_load %arg17[%swap3A, %swap3A_355, %swap3A_356] {strides = array<i32>} : memref<3x40x144xf32, #tpu.memory_space<vmem>>, vector<16xf32>,
        tpu.vector_store %arg17[%swap3A, %swap3A_355, %swap3A_356], %div3A {strides = array<i32>} : memref<3x40x144xf32, #tpu.memory_space<vmem>>, vector<16xf32>,
        %get3A_358 = arith.index_cast %rem3A_314 : i32 to index
        %get3A_359 = arith.index_cast %scan3A_338 : i32 to index
        %get3A_360 = arith.constant 16 : index
        %get3A_361 = tpu.vector_load %arg17[%get3A_358, %get3A_359, %get3A_360] {strides = array<i32>} : memref<3x40x144xf32, #tpu.memory_space<vmem>>, vector<16xf32>,
        %add3A_362 = arith.addf %get3A_361, %bitcast3A_344 : vector<16xf32>
        %neg3A_363 = arith.constant 0.000000e+00 : f32
        %neg3A_364 = vector.broadcast %neg3A_363 : f32 to vector<16xf32>
        %neg3A_365 = arith.subf %neg3A_364, %add3A_362 : vector<16xf32>
        %exp3A_366 = math.exp %neg3A_365 : vector<16xf32>
        %add3A_367 = arith.constant 1.000000e+00 : f32
        %add3A_368 = vector.broadcast %add3A_367 : f32 to vector<16xf32>
        %add3A_369 = arith.addf %add3A_368, %exp3A_366 : vector<16xf32>
        %div3A_370 = arith.divf %add3A_362, %add3A_369 : vector<16xf32>
        %swap3A_371 = arith.index_cast %rem3A_314 : i32 to index
        %swap3A_372 = arith.index_cast %scan3A_338 : i32 to index
        %swap3A_373 = arith.constant 16 : index
        %swap3A_374 = tpu.vector_load %arg17[%swap3A_371, %swap3A_372, %swap3A_373] {strides = array<i32>} : memref<3x40x144xf32, #tpu.memory_space<vmem>>, vector<16xf32>,
        tpu.vector_store %arg17[%swap3A_371, %swap3A_372, %swap3A_373], %div3A_370 {strides = array<i32>} : memref<3x40x144xf32, #tpu.memory_space<vmem>>, vector<16xf32>,
        %get3A_375 = arith.index_cast %rem3A_316 : i32 to index
        %get3A_376 = arith.index_cast %scan3A_338 : i32 to index
        %get3A_377 = arith.constant 16 : index
        %get3A_378 = tpu.vector_load %arg15[%get3A_375, %get3A_376, %get3A_377] {strides = array<i32>} : memref<2x40x64xi32, #tpu.memory_space<vmem>>, vector<16xi32>,
        %shift_left3A_379 = arith.constant 16 : i32
        %shift_left3A_380 = vector.broadcast %shift_left3A_379 : i32 to vector<16xi32>
        %shift_left3A_381 = arith.shli %get3A_378, %shift_left3A_380 : vector<16xi32>
        %bitcast3A_382 = vector.bitcast %shift_left3A_381 : vector<16xi32> to vector<16xf32>
        %and3A_383 = arith.andi %get3A_378, %broadcast_in_dim3A_317 : vector<16xi32>
        %bitcast3A_384 = vector.bitcast %and3A_383 : vector<16xi32> to vector<16xf32>
        %get3A_385 = arith.index_cast %rem3A_314 : i32 to index
        %get3A_386 = arith.index_cast %scan3A_338 : i32 to index
        %get3A_387 = arith.constant 32 : index
        %get3A_388 = tpu.vector_load %arg17[%get3A_385, %get3A_386, %get3A_387] {strides = array<i32>} : memref<3x40x144xf32, #tpu.memory_space<vmem>>, vector<16xf32>,
        %add3A_389 = arith.addf %get3A_388, %bitcast3A_382 : vector<16xf32>
        %neg3A_390 = arith.constant 0.000000e+00 : f32
        %neg3A_391 = vector.broadcast %neg3A_390 : f32 to vector<16xf32>
        %neg3A_392 = arith.subf %neg3A_391, %add3A_389 : vector<16xf32>
        %exp3A_393 = math.exp %neg3A_392 : vector<16xf32>
        %add3A_394 = arith.constant 1.000000e+00 : f32
        %add3A_395 = vector.broadcast %add3A_394 : f32 to vector<16xf32>
        %add3A_396 = arith.addf %add3A_395, %exp3A_393 : vector<16xf32>
        %div3A_397 = arith.divf %add3A_389, %add3A_396 : vector<16xf32>
        %swap3A_398 = arith.index_cast %rem3A_314 : i32 to index
        %swap3A_399 = arith.index_cast %scan3A_338 : i32 to index
        %swap3A_400 = arith.constant 32 : index
        %swap3A_401 = tpu.vector_load %arg17[%swap3A_398, %swap3A_399, %swap3A_400] {strides = array<i32>} : memref<3x40x144xf32, #tpu.memory_space<vmem>>, vector<16xf32>,
        tpu.vector_store %arg17[%swap3A_398, %swap3A_399, %swap3A_400], %div3A_397 {strides = array<i32>} : memref<3x40x144xf32, #tpu.memory_space<vmem>>, vector<16xf32>,
        %get3A_402 = arith.index_cast %rem3A_314 : i32 to index
        %get3A_403 = arith.index_cast %scan3A_338 : i32 to index
        %get3A_404 = arith.constant 48 : index
        %get3A_405 = tpu.vector_load %arg17[%get3A_402, %get3A_403, %get3A_404] {strides = array<i32>} : memref<3x40x144xf32, #tpu.memory_space<vmem>>, vector<16xf32>,
        %add3A_406 = arith.addf %get3A_405, %bitcast3A_384 : vector<16xf32>
        %neg3A_407 = arith.constant 0.000000e+00 : f32
        %neg3A_408 = vector.broadcast %neg3A_407 : f32 to vector<16xf32>
        %neg3A_409 = arith.subf %neg3A_408, %add3A_406 : vector<16xf32>
        %exp3A_410 = math.exp %neg3A_409 : vector<16xf32>
        %add3A_411 = arith.constant 1.000000e+00 : f32
        %add3A_412 = vector.broadcast %add3A_411 : f32 to vector<16xf32>
        %add3A_413 = arith.addf %add3A_412, %exp3A_410 : vector<16xf32>
        %div3A_414 = arith.divf %add3A_406, %add3A_413 : vector<16xf32>
        %swap3A_415 = arith.index_cast %rem3A_314 : i32 to index
        %swap3A_416 = arith.index_cast %scan3A_338 : i32 to index
        %swap3A_417 = arith.constant 48 : index
        %swap3A_418 = tpu.vector_load %arg17[%swap3A_415, %swap3A_416, %swap3A_417] {strides = array<i32>} : memref<3x40x144xf32, #tpu.memory_space<vmem>>, vector<16xf32>,
        tpu.vector_store %arg17[%swap3A_415, %swap3A_416, %swap3A_417], %div3A_414 {strides = array<i32>} : memref<3x40x144xf32, #tpu.memory_space<vmem>>, vector<16xf32>,
        %get3A_419 = arith.index_cast %rem3A_316 : i32 to index
        %get3A_420 = arith.index_cast %scan3A_338 : i32 to index
        %get3A_421 = arith.constant 32 : index
        %get3A_422 = tpu.vector_load %arg15[%get3A_419, %get3A_420, %get3A_421] {strides = array<i32>} : memref<2x40x64xi32, #tpu.memory_space<vmem>>, vector<16xi32>,
        %shift_left3A_423 = arith.constant 16 : i32
        %shift_left3A_424 = vector.broadcast %shift_left3A_423 : i32 to vector<16xi32>
        %shift_left3A_425 = arith.shli %get3A_422, %shift_left3A_424 : vector<16xi32>
        %bitcast3A_426 = vector.bitcast %shift_left3A_425 : vector<16xi32> to vector<16xf32>
        %and3A_427 = arith.andi %get3A_422, %broadcast_in_dim3A_317 : vector<16xi32>
        %bitcast3A_428 = vector.bitcast %and3A_427 : vector<16xi32> to vector<16xf32>
        %get3A_429 = arith.index_cast %rem3A_314 : i32 to index
        %get3A_430 = arith.index_cast %scan3A_338 : i32 to index
        %get3A_431 = arith.constant 64 : index
        %get3A_432 = tpu.vector_load %arg17[%get3A_429, %get3A_430, %get3A_431] {strides = array<i32>} : memref<3x40x144xf32, #tpu.memory_space<vmem>>, vector<16xf32>,
        %add3A_433 = arith.addf %get3A_432, %bitcast3A_426 : vector<16xf32>
        %neg3A_434 = arith.constant 0.000000e+00 : f32
        %neg3A_435 = vector.broadcast %neg3A_434 : f32 to vector<16xf32>
        %neg3A_436 = arith.subf %neg3A_435, %add3A_433 : vector<16xf32>
        %exp3A_437 = math.exp %neg3A_436 : vector<16xf32>
        %add3A_438 = arith.constant 1.000000e+00 : f32
        %add3A_439 = vector.broadcast %add3A_438 : f32 to vector<16xf32>
        %add3A_440 = arith.addf %add3A_439, %exp3A_437 : vector<16xf32>
        %div3A_441 = arith.divf %add3A_433, %add3A_440 : vector<16xf32>
        %swap3A_442 = arith.index_cast %rem3A_314 : i32 to index
        %swap3A_443 = arith.index_cast %scan3A_338 : i32 to index
        %swap3A_444 = arith.constant 64 : index
        %swap3A_445 = tpu.vector_load %arg17[%swap3A_442, %swap3A_443, %swap3A_444] {strides = array<i32>} : memref<3x40x144xf32, #tpu.memory_space<vmem>>, vector<16xf32>,
        tpu.vector_store %arg17[%swap3A_442, %swap3A_443, %swap3A_444], %div3A_441 {strides = array<i32>} : memref<3x40x144xf32, #tpu.memory_space<vmem>>, vector<16xf32>,
        %get3A_446 = arith.index_cast %rem3A_314 : i32 to index
        %get3A_447 = arith.index_cast %scan3A_338 : i32 to index
        %get3A_448 = arith.constant 80 : index
        %get3A_449 = tpu.vector_load %arg17[%get3A_446, %get3A_447, %get3A_448] {strides = array<i32>} : memref<3x40x144xf32, #tpu.memory_space<vmem>>, vector<16xf32>,
        %add3A_450 = arith.addf %get3A_449, %bitcast3A_428 : vector<16xf32>
        %neg3A_451 = arith.constant 0.000000e+00 : f32
        %neg3A_452 = vector.broadcast %neg3A_451 : f32 to vector<16xf32>
        %neg3A_453 = arith.subf %neg3A_452, %add3A_450 : vector<16xf32>
        %exp3A_454 = math.exp %neg3A_453 : vector<16xf32>
        %add3A_455 = arith.constant 1.000000e+00 : f32
        %add3A_456 = vector.broadcast %add3A_455 : f32 to vector<16xf32>
        %add3A_457 = arith.addf %add3A_456, %exp3A_454 : vector<16xf32>
        %div3A_458 = arith.divf %add3A_450, %add3A_457 : vector<16xf32>
        %swap3A_459 = arith.index_cast %rem3A_314 : i32 to index
        %swap3A_460 = arith.index_cast %scan3A_338 : i32 to index
        %swap3A_461 = arith.constant 80 : index
        %swap3A_462 = tpu.vector_load %arg17[%swap3A_459, %swap3A_460, %swap3A_461] {strides = array<i32>} : memref<3x40x144xf32, #tpu.memory_space<vmem>>, vector<16xf32>,
        tpu.vector_store %arg17[%swap3A_459, %swap3A_460, %swap3A_461], %div3A_458 {strides = array<i32>} : memref<3x40x144xf32, #tpu.memory_space<vmem>>, vector<16xf32>,
        %get3A_463 = arith.index_cast %rem3A_316 : i32 to index
        %get3A_464 = arith.index_cast %scan3A_338 : i32 to index
        %get3A_465 = arith.constant 48 : index
        %get3A_466 = tpu.vector_load %arg15[%get3A_463, %get3A_464, %get3A_465] {strides = array<i32>} : memref<2x40x64xi32, #tpu.memory_space<vmem>>, vector<16xi32>,
        %shift_left3A_467 = arith.constant 16 : i32
        %shift_left3A_468 = vector.broadcast %shift_left3A_467 : i32 to vector<16xi32>
        %shift_left3A_469 = arith.shli %get3A_466, %shift_left3A_468 : vector<16xi32>
        %bitcast3A_470 = vector.bitcast %shift_left3A_469 : vector<16xi32> to vector<16xf32>
        %and3A_471 = arith.andi %get3A_466, %broadcast_in_dim3A_317 : vector<16xi32>
        %bitcast3A_472 = vector.bitcast %and3A_471 : vector<16xi32> to vector<16xf32>
        %get3A_473 = arith.index_cast %rem3A_314 : i32 to index
        %get3A_474 = arith.index_cast %scan3A_338 : i32 to index
        %get3A_475 = arith.constant 96 : index
        %get3A_476 = tpu.vector_load %arg17[%get3A_473, %get3A_474, %get3A_475] {strides = array<i32>} : memref<3x40x144xf32, #tpu.memory_space<vmem>>, vector<16xf32>,
        %add3A_477 = arith.addf %get3A_476, %bitcast3A_470 : vector<16xf32>
        %neg3A_478 = arith.constant 0.000000e+00 : f32
        %neg3A_479 = vector.broadcast %neg3A_478 : f32 to vector<16xf32>
        %neg3A_480 = arith.subf %neg3A_479, %add3A_477 : vector<16xf32>
        %exp3A_481 = math.exp %neg3A_480 : vector<16xf32>
        %add3A_482 = arith.constant 1.000000e+00 : f32
        %add3A_483 = vector.broadcast %add3A_482 : f32 to vector<16xf32>
        %add3A_484 = arith.addf %add3A_483, %exp3A_481 : vector<16xf32>
        %div3A_485 = arith.divf %add3A_477, %add3A_484 : vector<16xf32>
        %swap3A_486 = arith.index_cast %rem3A_314 : i32 to index
        %swap3A_487 = arith.index_cast %scan3A_338 : i32 to index
        %swap3A_488 = arith.constant 96 : index
        %swap3A_489 = tpu.vector_load %arg17[%swap3A_486, %swap3A_487, %swap3A_488] {strides = array<i32>} : memref<3x40x144xf32, #tpu.memory_space<vmem>>, vector<16xf32>,
        tpu.vector_store %arg17[%swap3A_486, %swap3A_487, %swap3A_488], %div3A_485 {strides = array<i32>} : memref<3x40x144xf32, #tpu.memory_space<vmem>>, vector<16xf32>,
        %get3A_490 = arith.index_cast %rem3A_314 : i32 to index
        %get3A_491 = arith.index_cast %scan3A_338 : i32 to index
        %get3A_492 = arith.constant 112 : index
        %get3A_493 = tpu.vector_load %arg17[%get3A_490, %get3A_491, %get3A_492] {strides = array<i32>} : memref<3x40x144xf32, #tpu.memory_space<vmem>>, vector<16xf32>,
        %add3A_494 = arith.addf %get3A_493, %bitcast3A_472 : vector<16xf32>
        %neg3A_495 = arith.constant 0.000000e+00 : f32
        %neg3A_496 = vector.broadcast %neg3A_495 : f32 to vector<16xf32>
        %neg3A_497 = arith.subf %neg3A_496, %add3A_494 : vector<16xf32>
        %exp3A_498 = math.exp %neg3A_497 : vector<16xf32>
        %add3A_499 = arith.constant 1.000000e+00 : f32
        %add3A_500 = vector.broadcast %add3A_499 : f32 to vector<16xf32>
        %add3A_501 = arith.addf %add3A_500, %exp3A_498 : vector<16xf32>
        %div3A_502 = arith.divf %add3A_494, %add3A_501 : vector<16xf32>
        %swap3A_503 = arith.index_cast %rem3A_314 : i32 to index
        %swap3A_504 = arith.index_cast %scan3A_338 : i32 to index
        %swap3A_505 = arith.constant 112 : index
        %swap3A_506 = tpu.vector_load %arg17[%swap3A_503, %swap3A_504, %swap3A_505] {strides = array<i32>} : memref<3x40x144xf32, #tpu.memory_space<vmem>>, vector<16xf32>,
        tpu.vector_store %arg17[%swap3A_503, %swap3A_504, %swap3A_505], %div3A_502 {strides = array<i32>} : memref<3x40x144xf32, #tpu.memory_space<vmem>>, vector<16xf32>,
        %scan3A_507 = arith.constant 1 : i32
        %scan3A_508 = arith.addi %scan3A_338, %scan3A_507 : i32
        %get3A_509 = arith.index_cast %rem3A_316 : i32 to index
        %get3A_510 = arith.index_cast %scan3A_508 : i32 to index
        %get3A_511 = arith.constant 0 : index
        %get3A_512 = tpu.vector_load %arg15[%get3A_509, %get3A_510, %get3A_511] {strides = array<i32>} : memref<2x40x64xi32, #tpu.memory_space<vmem>>, vector<16xi32>,
        %shift_left3A_513 = arith.constant 16 : i32
        %shift_left3A_514 = vector.broadcast %shift_left3A_513 : i32 to vector<16xi32>
        %shift_left3A_515 = arith.shli %get3A_512, %shift_left3A_514 : vector<16xi32>
        %bitcast3A_516 = vector.bitcast %shift_left3A_515 : vector<16xi32> to vector<16xf32>
        %and3A_517 = arith.andi %get3A_512, %broadcast_in_dim3A_317 : vector<16xi32>
        %bitcast3A_518 = vector.bitcast %and3A_517 : vector<16xi32> to vector<16xf32>
        %get3A_519 = arith.index_cast %rem3A_314 : i32 to index
        %get3A_520 = arith.index_cast %scan3A_508 : i32 to index
        %get3A_521 = arith.constant 0 : index
        %get3A_522 = tpu.vector_load %arg17[%get3A_519, %get3A_520, %get3A_521] {strides = array<i32>} : memref<3x40x144xf32, #tpu.memory_space<vmem>>, vector<16xf32>,
        %add3A_523 = arith.addf %get3A_522, %bitcast3A_516 : vector<16xf32>
        %neg3A_524 = arith.constant 0.000000e+00 : f32
        %neg3A_525 = vector.broadcast %neg3A_524 : f32 to vector<16xf32>
        %neg3A_526 = arith.subf %neg3A_525, %add3A_523 : vector<16xf32>
        %exp3A_527 = math.exp %neg3A_526 : vector<16xf32>
        %add3A_528 = arith.constant 1.000000e+00 : f32
        %add3A_529 = vector.broadcast %add3A_528 : f32 to vector<16xf32>
        %add3A_530 = arith.addf %add3A_529, %exp3A_527 : vector<16xf32>
        %div3A_531 = arith.divf %add3A_523, %add3A_530 : vector<16xf32>
        %swap3A_532 = arith.index_cast %rem3A_314 : i32 to index
        %swap3A_533 = arith.index_cast %scan3A_508 : i32 to index
        %swap3A_534 = arith.constant 0 : index
        %swap3A_535 = tpu.vector_load %arg17[%swap3A_532, %swap3A_533, %swap3A_534] {strides = array<i32>} : memref<3x40x144xf32, #tpu.memory_space<vmem>>, vector<16xf32>,
        tpu.vector_store %arg17[%swap3A_532, %swap3A_533, %swap3A_534], %div3A_531 {strides = array<i32>} : memref<3x40x144xf32, #tpu.memory_space<vmem>>, vector<16xf32>,
        %get3A_536 = arith.index_cast %rem3A_314 : i32 to index
        %get3A_537 = arith.index_cast %scan3A_508 : i32 to index
        %get3A_538 = arith.constant 16 : index
        %get3A_539 = tpu.vector_load %arg17[%get3A_536, %get3A_537, %get3A_538] {strides = array<i32>} : memref<3x40x144xf32, #tpu.memory_space<vmem>>, vector<16xf32>,
        %add3A_540 = arith.addf %get3A_539, %bitcast3A_518 : vector<16xf32>
        %neg3A_541 = arith.constant 0.000000e+00 : f32
        %neg3A_542 = vector.broadcast %neg3A_541 : f32 to vector<16xf32>
        %neg3A_543 = arith.subf %neg3A_542, %add3A_540 : vector<16xf32>
        %exp3A_544 = math.exp %neg3A_543 : vector<16xf32>
        %add3A_545 = arith.constant 1.000000e+00 : f32
        %add3A_546 = vector.broadcast %add3A_545 : f32 to vector<16xf32>
        %add3A_547 = arith.addf %add3A_546, %exp3A_544 : vector<16xf32>
        %div3A_548 = arith.divf %add3A_540, %add3A_547 : vector<16xf32>
        %swap3A_549 = arith.index_cast %rem3A_314 : i32 to index
        %swap3A_550 = arith.index_cast %scan3A_508 : i32 to index
        %swap3A_551 = arith.constant 16 : index
        %swap3A_552 = tpu.vector_load %arg17[%swap3A_549, %swap3A_550, %swap3A_551] {strides = array<i32>} : memref<3x40x144xf32, #tpu.memory_space<vmem>>, vector<16xf32>,
        tpu.vector_store %arg17[%swap3A_549, %swap3A_550, %swap3A_551], %div3A_548 {strides = array<i32>} : memref<3x40x144xf32, #tpu.memory_space<vmem>>, vector<16xf32>,
        %get3A_553 = arith.index_cast %rem3A_316 : i32 to index
        %get3A_554 = arith.index_cast %scan3A_508 : i32 to index
        %get3A_555 = arith.constant 16 : index
        %get3A_556 = tpu.vector_load %arg15[%get3A_553, %get3A_554, %get3A_555] {strides = array<i32>} : memref<2x40x64xi32, #tpu.memory_space<vmem>>, vector<16xi32>,
        %shift_left3A_557 = arith.constant 16 : i32
        %shift_left3A_558 = vector.broadcast %shift_left3A_557 : i32 to vector<16xi32>
        %shift_left3A_559 = arith.shli %get3A_556, %shift_left3A_558 : vector<16xi32>
        %bitcast3A_560 = vector.bitcast %shift_left3A_559 : vector<16xi32> to vector<16xf32>
        %and3A_561 = arith.andi %get3A_556, %broadcast_in_dim3A_317 : vector<16xi32>
        %bitcast3A_562 = vector.bitcast %and3A_561 : vector<16xi32> to vector<16xf32>
        %get3A_563 = arith.index_cast %rem3A_314 : i32 to index
        %get3A_564 = arith.index_cast %scan3A_508 : i32 to index
        %get3A_565 = arith.constant 32 : index
        %get3A_566 = tpu.vector_load %arg17[%get3A_563, %get3A_564, %get3A_565] {strides = array<i32>} : memref<3x40x144xf32, #tpu.memory_space<vmem>>, vector<16xf32>,
        %add3A_567 = arith.addf %get3A_566, %bitcast3A_560 : vector<16xf32>
        %neg3A_568 = arith.constant 0.000000e+00 : f32
        %neg3A_569 = vector.broadcast %neg3A_568 : f32 to vector<16xf32>
        %neg3A_570 = arith.subf %neg3A_569, %add3A_567 : vector<16xf32>
        %exp3A_571 = math.exp %neg3A_570 : vector<16xf32>
        %add3A_572 = arith.constant 1.000000e+00 : f32
        %add3A_573 = vector.broadcast %add3A_572 : f32 to vector<16xf32>
        %add3A_574 = arith.addf %add3A_573, %exp3A_571 : vector<16xf32>
        %div3A_575 = arith.divf %add3A_567, %add3A_574 : vector<16xf32>
        %swap3A_576 = arith.index_cast %rem3A_314 : i32 to index
        %swap3A_577 = arith.index_cast %scan3A_508 : i32 to index
        %swap3A_578 = arith.constant 32 : index
        %swap3A_579 = tpu.vector_load %arg17[%swap3A_576, %swap3A_577, %swap3A_578] {strides = array<i32>} : memref<3x40x144xf32, #tpu.memory_space<vmem>>, vector<16xf32>,
        tpu.vector_store %arg17[%swap3A_576, %swap3A_577, %swap3A_578], %div3A_575 {strides = array<i32>} : memref<3x40x144xf32, #tpu.memory_space<vmem>>, vector<16xf32>,
        %get3A_580 = arith.index_cast %rem3A_314 : i32 to index
        %get3A_581 = arith.index_cast %scan3A_508 : i32 to index
        %get3A_582 = arith.constant 48 : index
        %get3A_583 = tpu.vector_load %arg17[%get3A_580, %get3A_581, %get3A_582] {strides = array<i32>} : memref<3x40x144xf32, #tpu.memory_space<vmem>>, vector<16xf32>,
        %add3A_584 = arith.addf %get3A_583, %bitcast3A_562 : vector<16xf32>
        %neg3A_585 = arith.constant 0.000000e+00 : f32
        %neg3A_586 = vector.broadcast %neg3A_585 : f32 to vector<16xf32>
        %neg3A_587 = arith.subf %neg3A_586, %add3A_584 : vector<16xf32>
        %exp3A_588 = math.exp %neg3A_587 : vector<16xf32>
        %add3A_589 = arith.constant 1.000000e+00 : f32
        %add3A_590 = vector.broadcast %add3A_589 : f32 to vector<16xf32>
        %add3A_591 = arith.addf %add3A_590, %exp3A_588 : vector<16xf32>
        %div3A_592 = arith.divf %add3A_584, %add3A_591 : vector<16xf32>
        %swap3A_593 = arith.index_cast %rem3A_314 : i32 to index
        %swap3A_594 = arith.index_cast %scan3A_508 : i32 to index
        %swap3A_595 = arith.constant 48 : index
        %swap3A_596 = tpu.vector_load %arg17[%swap3A_593, %swap3A_594, %swap3A_595] {strides = array<i32>} : memref<3x40x144xf32, #tpu.memory_space<vmem>>, vector<16xf32>,
        tpu.vector_store %arg17[%swap3A_593, %swap3A_594, %swap3A_595], %div3A_592 {strides = array<i32>} : memref<3x40x144xf32, #tpu.memory_space<vmem>>, vector<16xf32>,
        %get3A_597 = arith.index_cast %rem3A_316 : i32 to index
        %get3A_598 = arith.index_cast %scan3A_508 : i32 to index
        %get3A_599 = arith.constant 32 : index
        %get3A_600 = tpu.vector_load %arg15[%get3A_597, %get3A_598, %get3A_599] {strides = array<i32>} : memref<2x40x64xi32, #tpu.memory_space<vmem>>, vector<16xi32>,
        %shift_left3A_601 = arith.constant 16 : i32
        %shift_left3A_602 = vector.broadcast %shift_left3A_601 : i32 to vector<16xi32>
        %shift_left3A_603 = arith.shli %get3A_600, %shift_left3A_602 : vector<16xi32>
        %bitcast3A_604 = vector.bitcast %shift_left3A_603 : vector<16xi32> to vector<16xf32>
        %and3A_605 = arith.andi %get3A_600, %broadcast_in_dim3A_317 : vector<16xi32>
        %bitcast3A_606 = vector.bitcast %and3A_605 : vector<16xi32> to vector<16xf32>
        %get3A_607 = arith.index_cast %rem3A_314 : i32 to index
        %get3A_608 = arith.index_cast %scan3A_508 : i32 to index
        %get3A_609 = arith.constant 64 : index
        %get3A_610 = tpu.vector_load %arg17[%get3A_607, %get3A_608, %get3A_609] {strides = array<i32>} : memref<3x40x144xf32, #tpu.memory_space<vmem>>, vector<16xf32>,
        %add3A_611 = arith.addf %get3A_610, %bitcast3A_604 : vector<16xf32>
        %neg3A_612 = arith.constant 0.000000e+00 : f32
        %neg3A_613 = vector.broadcast %neg3A_612 : f32 to vector<16xf32>
        %neg3A_614 = arith.subf %neg3A_613, %add3A_611 : vector<16xf32>
        %exp3A_615 = math.exp %neg3A_614 : vector<16xf32>
        %add3A_616 = arith.constant 1.000000e+00 : f32
        %add3A_617 = vector.broadcast %add3A_616 : f32 to vector<16xf32>
        %add3A_618 = arith.addf %add3A_617, %exp3A_615 : vector<16xf32>
        %div3A_619 = arith.divf %add3A_611, %add3A_618 : vector<16xf32>
        %swap3A_620 = arith.index_cast %rem3A_314 : i32 to index
        %swap3A_621 = arith.index_cast %scan3A_508 : i32 to index
        %swap3A_622 = arith.constant 64 : index
        %swap3A_623 = tpu.vector_load %arg17[%swap3A_620, %swap3A_621, %swap3A_622] {strides = array<i32>} : memref<3x40x144xf32, #tpu.memory_space<vmem>>, vector<16xf32>,
        tpu.vector_store %arg17[%swap3A_620, %swap3A_621, %swap3A_622], %div3A_619 {strides = array<i32>} : memref<3x40x144xf32, #tpu.memory_space<vmem>>, vector<16xf32>,
        %get3A_624 = arith.index_cast %rem3A_314 : i32 to index
        %get3A_625 = arith.index_cast %scan3A_508 : i32 to index
        %get3A_626 = arith.constant 80 : index
        %get3A_627 = tpu.vector_load %arg17[%get3A_624, %get3A_625, %get3A_626] {strides = array<i32>} : memref<3x40x144xf32, #tpu.memory_space<vmem>>, vector<16xf32>,
        %add3A_628 = arith.addf %get3A_627, %bitcast3A_606 : vector<16xf32>
        %neg3A_629 = arith.constant 0.000000e+00 : f32
        %neg3A_630 = vector.broadcast %neg3A_629 : f32 to vector<16xf32>
        %neg3A_631 = arith.subf %neg3A_630, %add3A_628 : vector<16xf32>
        %exp3A_632 = math.exp %neg3A_631 : vector<16xf32>
        %add3A_633 = arith.constant 1.000000e+00 : f32
        %add3A_634 = vector.broadcast %add3A_633 : f32 to vector<16xf32>
        %add3A_635 = arith.addf %add3A_634, %exp3A_632 : vector<16xf32>
        %div3A_636 = arith.divf %add3A_628, %add3A_635 : vector<16xf32>
        %swap3A_637 = arith.index_cast %rem3A_314 : i32 to index
        %swap3A_638 = arith.index_cast %scan3A_508 : i32 to index
        %swap3A_639 = arith.constant 80 : index
        %swap3A_640 = tpu.vector_load %arg17[%swap3A_637, %swap3A_638, %swap3A_639] {strides = array<i32>} : memref<3x40x144xf32, #tpu.memory_space<vmem>>, vector<16xf32>,
        tpu.vector_store %arg17[%swap3A_637, %swap3A_638, %swap3A_639], %div3A_636 {strides = array<i32>} : memref<3x40x144xf32, #tpu.memory_space<vmem>>, vector<16xf32>,
        %get3A_641 = arith.index_cast %rem3A_316 : i32 to index
        %get3A_642 = arith.index_cast %scan3A_508 : i32 to index
        %get3A_643 = arith.constant 48 : index
        %get3A_644 = tpu.vector_load %arg15[%get3A_641, %get3A_642, %get3A_643] {strides = array<i32>} : memref<2x40x64xi32, #tpu.memory_space<vmem>>, vector<16xi32>,
        %shift_left3A_645 = arith.constant 16 : i32
        %shift_left3A_646 = vector.broadcast %shift_left3A_645 : i32 to vector<16xi32>
        %shift_left3A_647 = arith.shli %get3A_644, %shift_left3A_646 : vector<16xi32>
        %bitcast3A_648 = vector.bitcast %shift_left3A_647 : vector<16xi32> to vector<16xf32>
        %and3A_649 = arith.andi %get3A_644, %broadcast_in_dim3A_317 : vector<16xi32>
        %bitcast3A_650 = vector.bitcast %and3A_649 : vector<16xi32> to vector<16xf32>
        %get3A_651 = arith.index_cast %rem3A_314 : i32 to index
        %get3A_652 = arith.index_cast %scan3A_508 : i32 to index
        %get3A_653 = arith.constant 96 : index
        %get3A_654 = tpu.vector_load %arg17[%get3A_651, %get3A_652, %get3A_653] {strides = array<i32>} : memref<3x40x144xf32, #tpu.memory_space<vmem>>, vector<16xf32>,
        %add3A_655 = arith.addf %get3A_654, %bitcast3A_648 : vector<16xf32>
        %neg3A_656 = arith.constant 0.000000e+00 : f32
        %neg3A_657 = vector.broadcast %neg3A_656 : f32 to vector<16xf32>
        %neg3A_658 = arith.subf %neg3A_657, %add3A_655 : vector<16xf32>
        %exp3A_659 = math.exp %neg3A_658 : vector<16xf32>
        %add3A_660 = arith.constant 1.000000e+00 : f32
        %add3A_661 = vector.broadcast %add3A_660 : f32 to vector<16xf32>
        %add3A_662 = arith.addf %add3A_661, %exp3A_659 : vector<16xf32>
        %div3A_663 = arith.divf %add3A_655, %add3A_662 : vector<16xf32>
        %swap3A_664 = arith.index_cast %rem3A_314 : i32 to index
        %swap3A_665 = arith.index_cast %scan3A_508 : i32 to index
        %swap3A_666 = arith.constant 96 : index
        %swap3A_667 = tpu.vector_load %arg17[%swap3A_664, %swap3A_665, %swap3A_666] {strides = array<i32>} : memref<3x40x144xf32, #tpu.memory_space<vmem>>, vector<16xf32>,
        tpu.vector_store %arg17[%swap3A_664, %swap3A_665, %swap3A_666], %div3A_663 {strides = array<i32>} : memref<3x40x144xf32, #tpu.memory_space<vmem>>, vector<16xf32>,
        %get3A_668 = arith.index_cast %rem3A_314 : i32 to index
        %get3A_669 = arith.index_cast %scan3A_508 : i32 to index
        %get3A_670 = arith.constant 112 : index
        %get3A_671 = tpu.vector_load %arg17[%get3A_668, %get3A_669, %get3A_670] {strides = array<i32>} : memref<3x40x144xf32, #tpu.memory_space<vmem>>, vector<16xf32>,
        %add3A_672 = arith.addf %get3A_671, %bitcast3A_650 : vector<16xf32>
        %neg3A_673 = arith.constant 0.000000e+00 : f32
        %neg3A_674 = vector.broadcast %neg3A_673 : f32 to vector<16xf32>
        %neg3A_675 = arith.subf %neg3A_674, %add3A_672 : vector<16xf32>
        %exp3A_676 = math.exp %neg3A_675 : vector<16xf32>
        %add3A_677 = arith.constant 1.000000e+00 : f32
        %add3A_678 = vector.broadcast %add3A_677 : f32 to vector<16xf32>
        %add3A_679 = arith.addf %add3A_678, %exp3A_676 : vector<16xf32>
        %div3A_680 = arith.divf %add3A_672, %add3A_679 : vector<16xf32>
        %swap3A_681 = arith.index_cast %rem3A_314 : i32 to index
        %swap3A_682 = arith.index_cast %scan3A_508 : i32 to index
        %swap3A_683 = arith.constant 112 : index
        %swap3A_684 = tpu.vector_load %arg17[%swap3A_681, %swap3A_682, %swap3A_683] {strides = array<i32>} : memref<3x40x144xf32, #tpu.memory_space<vmem>>, vector<16xf32>,
        tpu.vector_store %arg17[%swap3A_681, %swap3A_682, %swap3A_683], %div3A_680 {strides = array<i32>} : memref<3x40x144xf32, #tpu.memory_space<vmem>>, vector<16xf32>,
        %scan3A_685 = arith.constant 2 : i32
        %scan3A_686 = arith.addi %scan3A_338, %scan3A_685 : i32
        %get3A_687 = arith.index_cast %rem3A_316 : i32 to index
        %get3A_688 = arith.index_cast %scan3A_686 : i32 to index
        %get3A_689 = arith.constant 0 : index
        %get3A_690 = tpu.vector_load %arg15[%get3A_687, %get3A_688, %get3A_689] {strides = array<i32>} : memref<2x40x64xi32, #tpu.memory_space<vmem>>, vector<16xi32>,
        %shift_left3A_691 = arith.constant 16 : i32
        %shift_left3A_692 = vector.broadcast %shift_left3A_691 : i32 to vector<16xi32>
        %shift_left3A_693 = arith.shli %get3A_690, %shift_left3A_692 : vector<16xi32>
        %bitcast3A_694 = vector.bitcast %shift_left3A_693 : vector<16xi32> to vector<16xf32>
        %and3A_695 = arith.andi %get3A_690, %broadcast_in_dim3A_317 : vector<16xi32>
        %bitcast3A_696 = vector.bitcast %and3A_695 : vector<16xi32> to vector<16xf32>
        %get3A_697 = arith.index_cast %rem3A_314 : i32 to index
        %get3A_698 = arith.index_cast %scan3A_686 : i32 to index
        %get3A_699 = arith.constant 0 : index
        %get3A_700 = tpu.vector_load %arg17[%get3A_697, %get3A_698, %get3A_699] {strides = array<i32>} : memref<3x40x144xf32, #tpu.memory_space<vmem>>, vector<16xf32>,
        %add3A_701 = arith.addf %get3A_700, %bitcast3A_694 : vector<16xf32>
        %neg3A_702 = arith.constant 0.000000e+00 : f32
        %neg3A_703 = vector.broadcast %neg3A_702 : f32 to vector<16xf32>
        %neg3A_704 = arith.subf %neg3A_703, %add3A_701 : vector<16xf32>
        %exp3A_705 = math.exp %neg3A_704 : vector<16xf32>
        %add3A_706 = arith.constant 1.000000e+00 : f32
        %add3A_707 = vector.broadcast %add3A_706 : f32 to vector<16xf32>
        %add3A_708 = arith.addf %add3A_707, %exp3A_705 : vector<16xf32>
        %div3A_709 = arith.divf %add3A_701, %add3A_708 : vector<16xf32>
        %swap3A_710 = arith.index_cast %rem3A_314 : i32 to index
        %swap3A_711 = arith.index_cast %scan3A_686 : i32 to index
        %swap3A_712 = arith.constant 0 : index
        %swap3A_713 = tpu.vector_load %arg17[%swap3A_710, %swap3A_711, %swap3A_712] {strides = array<i32>} : memref<3x40x144xf32, #tpu.memory_space<vmem>>, vector<16xf32>,
        tpu.vector_store %arg17[%swap3A_710, %swap3A_711, %swap3A_712], %div3A_709 {strides = array<i32>} : memref<3x40x144xf32, #tpu.memory_space<vmem>>, vector<16xf32>,
        %get3A_714 = arith.index_cast %rem3A_314 : i32 to index
        %get3A_715 = arith.index_cast %scan3A_686 : i32 to index
        %get3A_716 = arith.constant 16 : index
        %get3A_717 = tpu.vector_load %arg17[%get3A_714, %get3A_715, %get3A_716] {strides = array<i32>} : memref<3x40x144xf32, #tpu.memory_space<vmem>>, vector<16xf32>,
        %add3A_718 = arith.addf %get3A_717, %bitcast3A_696 : vector<16xf32>
        %neg3A_719 = arith.constant 0.000000e+00 : f32
        %neg3A_720 = vector.broadcast %neg3A_719 : f32 to vector<16xf32>
        %neg3A_721 = arith.subf %neg3A_720, %add3A_718 : vector<16xf32>
        %exp3A_722 = math.exp %neg3A_721 : vector<16xf32>
        %add3A_723 = arith.constant 1.000000e+00 : f32
        %add3A_724 = vector.broadcast %add3A_723 : f32 to vector<16xf32>
        %add3A_725 = arith.addf %add3A_724, %exp3A_722 : vector<16xf32>
        %div3A_726 = arith.divf %add3A_718, %add3A_725 : vector<16xf32>
        %swap3A_727 = arith.index_cast %rem3A_314 : i32 to index
        %swap3A_728 = arith.index_cast %scan3A_686 : i32 to index
        %swap3A_729 = arith.constant 16 : index
        %swap3A_730 = tpu.vector_load %arg17[%swap3A_727, %swap3A_728, %swap3A_729] {strides = array<i32>} : memref<3x40x144xf32, #tpu.memory_space<vmem>>, vector<16xf32>,
        tpu.vector_store %arg17[%swap3A_727, %swap3A_728, %swap3A_729], %div3A_726 {strides = array<i32>} : memref<3x40x144xf32, #tpu.memory_space<vmem>>, vector<16xf32>,
        %get3A_731 = arith.index_cast %rem3A_316 : i32 to index
        %get3A_732 = arith.index_cast %scan3A_686 : i32 to index
        %get3A_733 = arith.constant 16 : index
        %get3A_734 = tpu.vector_load %arg15[%get3A_731, %get3A_732, %get3A_733] {strides = array<i32>} : memref<2x40x64xi32, #tpu.memory_space<vmem>>, vector<16xi32>,
        %shift_left3A_735 = arith.constant 16 : i32
        %shift_left3A_736 = vector.broadcast %shift_left3A_735 : i32 to vector<16xi32>
        %shift_left3A_737 = arith.shli %get3A_734, %shift_left3A_736 : vector<16xi32>
        %bitcast3A_738 = vector.bitcast %shift_left3A_737 : vector<16xi32> to vector<16xf32>
        %and3A_739 = arith.andi %get3A_734, %broadcast_in_dim3A_317 : vector<16xi32>
        %bitcast3A_740 = vector.bitcast %and3A_739 : vector<16xi32> to vector<16xf32>
        %get3A_741 = arith.index_cast %rem3A_314 : i32 to index
        %get3A_742 = arith.index_cast %scan3A_686 : i32 to index
        %get3A_743 = arith.constant 32 : index
        %get3A_744 = tpu.vector_load %arg17[%get3A_741, %get3A_742, %get3A_743] {strides = array<i32>} : memref<3x40x144xf32, #tpu.memory_space<vmem>>, vector<16xf32>,
        %add3A_745 = arith.addf %get3A_744, %bitcast3A_738 : vector<16xf32>
        %neg3A_746 = arith.constant 0.000000e+00 : f32
        %neg3A_747 = vector.broadcast %neg3A_746 : f32 to vector<16xf32>
        %neg3A_748 = arith.subf %neg3A_747, %add3A_745 : vector<16xf32>
        %exp3A_749 = math.exp %neg3A_748 : vector<16xf32>
        %add3A_750 = arith.constant 1.000000e+00 : f32
        %add3A_751 = vector.broadcast %add3A_750 : f32 to vector<16xf32>
        %add3A_752 = arith.addf %add3A_751, %exp3A_749 : vector<16xf32>
        %div3A_753 = arith.divf %add3A_745, %add3A_752 : vector<16xf32>
        %swap3A_754 = arith.index_cast %rem3A_314 : i32 to index
        %swap3A_755 = arith.index_cast %scan3A_686 : i32 to index
        %swap3A_756 = arith.constant 32 : index
        %swap3A_757 = tpu.vector_load %arg17[%swap3A_754, %swap3A_755, %swap3A_756] {strides = array<i32>} : memref<3x40x144xf32, #tpu.memory_space<vmem>>, vector<16xf32>,
        tpu.vector_store %arg17[%swap3A_754, %swap3A_755, %swap3A_756], %div3A_753 {strides = array<i32>} : memref<3x40x144xf32, #tpu.memory_space<vmem>>, vector<16xf32>,
        %get3A_758 = arith.index_cast %rem3A_314 : i32 to index
        %get3A_759 = arith.index_cast %scan3A_686 : i32 to index
        %get3A_760 = arith.constant 48 : index
        %get3A_761 = tpu.vector_load %arg17[%get3A_758, %get3A_759, %get3A_760] {strides = array<i32>} : memref<3x40x144xf32, #tpu.memory_space<vmem>>, vector<16xf32>,
        %add3A_762 = arith.addf %get3A_761, %bitcast3A_740 : vector<16xf32>
        %neg3A_763 = arith.constant 0.000000e+00 : f32
        %neg3A_764 = vector.broadcast %neg3A_763 : f32 to vector<16xf32>
        %neg3A_765 = arith.subf %neg3A_764, %add3A_762 : vector<16xf32>
        %exp3A_766 = math.exp %neg3A_765 : vector<16xf32>
        %add3A_767 = arith.constant 1.000000e+00 : f32
        %add3A_768 = vector.broadcast %add3A_767 : f32 to vector<16xf32>
        %add3A_769 = arith.addf %add3A_768, %exp3A_766 : vector<16xf32>
        %div3A_770 = arith.divf %add3A_762, %add3A_769 : vector<16xf32>
        %swap3A_771 = arith.index_cast %rem3A_314 : i32 to index
        %swap3A_772 = arith.index_cast %scan3A_686 : i32 to index
        %swap3A_773 = arith.constant 48 : index
        %swap3A_774 = tpu.vector_load %arg17[%swap3A_771, %swap3A_772, %swap3A_773] {strides = array<i32>} : memref<3x40x144xf32, #tpu.memory_space<vmem>>, vector<16xf32>,
        tpu.vector_store %arg17[%swap3A_771, %swap3A_772, %swap3A_773], %div3A_770 {strides = array<i32>} : memref<3x40x144xf32, #tpu.memory_space<vmem>>, vector<16xf32>,
        %get3A_775 = arith.index_cast %rem3A_316 : i32 to index
        %get3A_776 = arith.index_cast %scan3A_686 : i32 to index
        %get3A_777 = arith.constant 32 : index
        %get3A_778 = tpu.vector_load %arg15[%get3A_775, %get3A_776, %get3A_777] {strides = array<i32>} : memref<2x40x64xi32, #tpu.memory_space<vmem>>, vector<16xi32>,
        %shift_left3A_779 = arith.constant 16 : i32
        %shift_left3A_780 = vector.broadcast %shift_left3A_779 : i32 to vector<16xi32>
        %shift_left3A_781 = arith.shli %get3A_778, %shift_left3A_780 : vector<16xi32>
        %bitcast3A_782 = vector.bitcast %shift_left3A_781 : vector<16xi32> to vector<16xf32>
        %and3A_783 = arith.andi %get3A_778, %broadcast_in_dim3A_317 : vector<16xi32>
        %bitcast3A_784 = vector.bitcast %and3A_783 : vector<16xi32> to vector<16xf32>
        %get3A_785 = arith.index_cast %rem3A_314 : i32 to index
        %get3A_786 = arith.index_cast %scan3A_686 : i32 to index
        %get3A_787 = arith.constant 64 : index
        %get3A_788 = tpu.vector_load %arg17[%get3A_785, %get3A_786, %get3A_787] {strides = array<i32>} : memref<3x40x144xf32, #tpu.memory_space<vmem>>, vector<16xf32>,
        %add3A_789 = arith.addf %get3A_788, %bitcast3A_782 : vector<16xf32>
        %neg3A_790 = arith.constant 0.000000e+00 : f32
        %neg3A_791 = vector.broadcast %neg3A_790 : f32 to vector<16xf32>
        %neg3A_792 = arith.subf %neg3A_791, %add3A_789 : vector<16xf32>
        %exp3A_793 = math.exp %neg3A_792 : vector<16xf32>
        %add3A_794 = arith.constant 1.000000e+00 : f32
        %add3A_795 = vector.broadcast %add3A_794 : f32 to vector<16xf32>
        %add3A_796 = arith.addf %add3A_795, %exp3A_793 : vector<16xf32>
        %div3A_797 = arith.divf %add3A_789, %add3A_796 : vector<16xf32>
        %swap3A_798 = arith.index_cast %rem3A_314 : i32 to index
        %swap3A_799 = arith.index_cast %scan3A_686 : i32 to index
        %swap3A_800 = arith.constant 64 : index
        %swap3A_801 = tpu.vector_load %arg17[%swap3A_798, %swap3A_799, %swap3A_800] {strides = array<i32>} : memref<3x40x144xf32, #tpu.memory_space<vmem>>, vector<16xf32>,
        tpu.vector_store %arg17[%swap3A_798, %swap3A_799, %swap3A_800], %div3A_797 {strides = array<i32>} : memref<3x40x144xf32, #tpu.memory_space<vmem>>, vector<16xf32>,
        %get3A_802 = arith.index_cast %rem3A_314 : i32 to index
        %get3A_803 = arith.index_cast %scan3A_686 : i32 to index
        %get3A_804 = arith.constant 80 : index
        %get3A_805 = tpu.vector_load %arg17[%get3A_802, %get3A_803, %get3A_804] {strides = array<i32>} : memref<3x40x144xf32, #tpu.memory_space<vmem>>, vector<16xf32>,
        %add3A_806 = arith.addf %get3A_805, %bitcast3A_784 : vector<16xf32>
        %neg3A_807 = arith.constant 0.000000e+00 : f32
        %neg3A_808 = vector.broadcast %neg3A_807 : f32 to vector<16xf32>
        %neg3A_809 = arith.subf %neg3A_808, %add3A_806 : vector<16xf32>
        %exp3A_810 = math.exp %neg3A_809 : vector<16xf32>
        %add3A_811 = arith.constant 1.000000e+00 : f32
        %add3A_812 = vector.broadcast %add3A_811 : f32 to vector<16xf32>
        %add3A_813 = arith.addf %add3A_812, %exp3A_810 : vector<16xf32>
        %div3A_814 = arith.divf %add3A_806, %add3A_813 : vector<16xf32>
        %swap3A_815 = arith.index_cast %rem3A_314 : i32 to index
        %swap3A_816 = arith.index_cast %scan3A_686 : i32 to index
        %swap3A_817 = arith.constant 80 : index
        %swap3A_818 = tpu.vector_load %arg17[%swap3A_815, %swap3A_816, %swap3A_817] {strides = array<i32>} : memref<3x40x144xf32, #tpu.memory_space<vmem>>, vector<16xf32>,
        tpu.vector_store %arg17[%swap3A_815, %swap3A_816, %swap3A_817], %div3A_814 {strides = array<i32>} : memref<3x40x144xf32, #tpu.memory_space<vmem>>, vector<16xf32>,
        %get3A_819 = arith.index_cast %rem3A_316 : i32 to index
        %get3A_820 = arith.index_cast %scan3A_686 : i32 to index
        %get3A_821 = arith.constant 48 : index
        %get3A_822 = tpu.vector_load %arg15[%get3A_819, %get3A_820, %get3A_821] {strides = array<i32>} : memref<2x40x64xi32, #tpu.memory_space<vmem>>, vector<16xi32>,
        %shift_left3A_823 = arith.constant 16 : i32
        %shift_left3A_824 = vector.broadcast %shift_left3A_823 : i32 to vector<16xi32>
        %shift_left3A_825 = arith.shli %get3A_822, %shift_left3A_824 : vector<16xi32>
        %bitcast3A_826 = vector.bitcast %shift_left3A_825 : vector<16xi32> to vector<16xf32>
        %and3A_827 = arith.andi %get3A_822, %broadcast_in_dim3A_317 : vector<16xi32>
        %bitcast3A_828 = vector.bitcast %and3A_827 : vector<16xi32> to vector<16xf32>
        %get3A_829 = arith.index_cast %rem3A_314 : i32 to index
        %get3A_830 = arith.index_cast %scan3A_686 : i32 to index
        %get3A_831 = arith.constant 96 : index
        %get3A_832 = tpu.vector_load %arg17[%get3A_829, %get3A_830, %get3A_831] {strides = array<i32>} : memref<3x40x144xf32, #tpu.memory_space<vmem>>, vector<16xf32>,
        %add3A_833 = arith.addf %get3A_832, %bitcast3A_826 : vector<16xf32>
        %neg3A_834 = arith.constant 0.000000e+00 : f32
        %neg3A_835 = vector.broadcast %neg3A_834 : f32 to vector<16xf32>
        %neg3A_836 = arith.subf %neg3A_835, %add3A_833 : vector<16xf32>
        %exp3A_837 = math.exp %neg3A_836 : vector<16xf32>
        %add3A_838 = arith.constant 1.000000e+00 : f32
        %add3A_839 = vector.broadcast %add3A_838 : f32 to vector<16xf32>
        %add3A_840 = arith.addf %add3A_839, %exp3A_837 : vector<16xf32>
        %div3A_841 = arith.divf %add3A_833, %add3A_840 : vector<16xf32>
        %swap3A_842 = arith.index_cast %rem3A_314 : i32 to index
        %swap3A_843 = arith.index_cast %scan3A_686 : i32 to index
        %swap3A_844 = arith.constant 96 : index
        %swap3A_845 = tpu.vector_load %arg17[%swap3A_842, %swap3A_843, %swap3A_844] {strides = array<i32>} : memref<3x40x144xf32, #tpu.memory_space<vmem>>, vector<16xf32>,
        tpu.vector_store %arg17[%swap3A_842, %swap3A_843, %swap3A_844], %div3A_841 {strides = array<i32>} : memref<3x40x144xf32, #tpu.memory_space<vmem>>, vector<16xf32>,
        %get3A_846 = arith.index_cast %rem3A_314 : i32 to index
        %get3A_847 = arith.index_cast %scan3A_686 : i32 to index
        %get3A_848 = arith.constant 112 : index
        %get3A_849 = tpu.vector_load %arg17[%get3A_846, %get3A_847, %get3A_848] {strides = array<i32>} : memref<3x40x144xf32, #tpu.memory_space<vmem>>, vector<16xf32>,
        %add3A_850 = arith.addf %get3A_849, %bitcast3A_828 : vector<16xf32>
        %neg3A_851 = arith.constant 0.000000e+00 : f32
        %neg3A_852 = vector.broadcast %neg3A_851 : f32 to vector<16xf32>
        %neg3A_853 = arith.subf %neg3A_852, %add3A_850 : vector<16xf32>
        %exp3A_854 = math.exp %neg3A_853 : vector<16xf32>
        %add3A_855 = arith.constant 1.000000e+00 : f32
        %add3A_856 = vector.broadcast %add3A_855 : f32 to vector<16xf32>
        %add3A_857 = arith.addf %add3A_856, %exp3A_854 : vector<16xf32>
        %div3A_858 = arith.divf %add3A_850, %add3A_857 : vector<16xf32>
        %swap3A_859 = arith.index_cast %rem3A_314 : i32 to index
        %swap3A_860 = arith.index_cast %scan3A_686 : i32 to index
        %swap3A_861 = arith.constant 112 : index
        %swap3A_862 = tpu.vector_load %arg17[%swap3A_859, %swap3A_860, %swap3A_861] {strides = array<i32>} : memref<3x40x144xf32, #tpu.memory_space<vmem>>, vector<16xf32>,
        tpu.vector_store %arg17[%swap3A_859, %swap3A_860, %swap3A_861], %div3A_858 {strides = array<i32>} : memref<3x40x144xf32, #tpu.memory_space<vmem>>, vector<16xf32>,
        %scan3A_863 = arith.constant 3 : i32
        %scan3A_864 = arith.addi %scan3A_338, %scan3A_863 : i32
        %get3A_865 = arith.index_cast %rem3A_316 : i32 to index
        %get3A_866 = arith.index_cast %scan3A_864 : i32 to index
        %get3A_867 = arith.constant 0 : index
        %get3A_868 = tpu.vector_load %arg15[%get3A_865, %get3A_866, %get3A_867] {strides = array<i32>} : memref<2x40x64xi32, #tpu.memory_space<vmem>>, vector<16xi32>,
        %shift_left3A_869 = arith.constant 16 : i32
        %shift_left3A_870 = vector.broadcast %shift_left3A_869 : i32 to vector<16xi32>
        %shift_left3A_871 = arith.shli %get3A_868, %shift_left3A_870 : vector<16xi32>
        %bitcast3A_872 = vector.bitcast %shift_left3A_871 : vector<16xi32> to vector<16xf32>
        %and3A_873 = arith.andi %get3A_868, %broadcast_in_dim3A_317 : vector<16xi32>
        %bitcast3A_874 = vector.bitcast %and3A_873 : vector<16xi32> to vector<16xf32>
        %get3A_875 = arith.index_cast %rem3A_314 : i32 to index
        %get3A_876 = arith.index_cast %scan3A_864 : i32 to index
        %get3A_877 = arith.constant 0 : index
        %get3A_878 = tpu.vector_load %arg17[%get3A_875, %get3A_876, %get3A_877] {strides = array<i32>} : memref<3x40x144xf32, #tpu.memory_space<vmem>>, vector<16xf32>,
        %add3A_879 = arith.addf %get3A_878, %bitcast3A_872 : vector<16xf32>
        %neg3A_880 = arith.constant 0.000000e+00 : f32
        %neg3A_881 = vector.broadcast %neg3A_880 : f32 to vector<16xf32>
        %neg3A_882 = arith.subf %neg3A_881, %add3A_879 : vector<16xf32>
        %exp3A_883 = math.exp %neg3A_882 : vector<16xf32>
        %add3A_884 = arith.constant 1.000000e+00 : f32
        %add3A_885 = vector.broadcast %add3A_884 : f32 to vector<16xf32>
        %add3A_886 = arith.addf %add3A_885, %exp3A_883 : vector<16xf32>
        %div3A_887 = arith.divf %add3A_879, %add3A_886 : vector<16xf32>
        %swap3A_888 = arith.index_cast %rem3A_314 : i32 to index
        %swap3A_889 = arith.index_cast %scan3A_864 : i32 to index
        %swap3A_890 = arith.constant 0 : index
        %swap3A_891 = tpu.vector_load %arg17[%swap3A_888, %swap3A_889, %swap3A_890] {strides = array<i32>} : memref<3x40x144xf32, #tpu.memory_space<vmem>>, vector<16xf32>,
        tpu.vector_store %arg17[%swap3A_888, %swap3A_889, %swap3A_890], %div3A_887 {strides = array<i32>} : memref<3x40x144xf32, #tpu.memory_space<vmem>>, vector<16xf32>,
        %get3A_892 = arith.index_cast %rem3A_314 : i32 to index
        %get3A_893 = arith.index_cast %scan3A_864 : i32 to index
        %get3A_894 = arith.constant 16 : index
        %get3A_895 = tpu.vector_load %arg17[%get3A_892, %get3A_893, %get3A_894] {strides = array<i32>} : memref<3x40x144xf32, #tpu.memory_space<vmem>>, vector<16xf32>,
        %add3A_896 = arith.addf %get3A_895, %bitcast3A_874 : vector<16xf32>
        %neg3A_897 = arith.constant 0.000000e+00 : f32
        %neg3A_898 = vector.broadcast %neg3A_897 : f32 to vector<16xf32>
        %neg3A_899 = arith.subf %neg3A_898, %add3A_896 : vector<16xf32>
        %exp3A_900 = math.exp %neg3A_899 : vector<16xf32>
        %add3A_901 = arith.constant 1.000000e+00 : f32
        %add3A_902 = vector.broadcast %add3A_901 : f32 to vector<16xf32>
        %add3A_903 = arith.addf %add3A_902, %exp3A_900 : vector<16xf32>
        %div3A_904 = arith.divf %add3A_896, %add3A_903 : vector<16xf32>
        %swap3A_905 = arith.index_cast %rem3A_314 : i32 to index
        %swap3A_906 = arith.index_cast %scan3A_864 : i32 to index
        %swap3A_907 = arith.constant 16 : index
        %swap3A_908 = tpu.vector_load %arg17[%swap3A_905, %swap3A_906, %swap3A_907] {strides = array<i32>} : memref<3x40x144xf32, #tpu.memory_space<vmem>>, vector<16xf32>,
        tpu.vector_store %arg17[%swap3A_905, %swap3A_906, %swap3A_907], %div3A_904 {strides = array<i32>} : memref<3x40x144xf32, #tpu.memory_space<vmem>>, vector<16xf32>,
        %get3A_909 = arith.index_cast %rem3A_316 : i32 to index
        %get3A_910 = arith.index_cast %scan3A_864 : i32 to index
        %get3A_911 = arith.constant 16 : index
        %get3A_912 = tpu.vector_load %arg15[%get3A_909, %get3A_910, %get3A_911] {strides = array<i32>} : memref<2x40x64xi32, #tpu.memory_space<vmem>>, vector<16xi32>,
        %shift_left3A_913 = arith.constant 16 : i32
        %shift_left3A_914 = vector.broadcast %shift_left3A_913 : i32 to vector<16xi32>
        %shift_left3A_915 = arith.shli %get3A_912, %shift_left3A_914 : vector<16xi32>
        %bitcast3A_916 = vector.bitcast %shift_left3A_915 : vector<16xi32> to vector<16xf32>
        %and3A_917 = arith.andi %get3A_912, %broadcast_in_dim3A_317 : vector<16xi32>
        %bitcast3A_918 = vector.bitcast %and3A_917 : vector<16xi32> to vector<16xf32>
        %get3A_919 = arith.index_cast %rem3A_314 : i32 to index
        %get3A_920 = arith.index_cast %scan3A_864 : i32 to index
        %get3A_921 = arith.constant 32 : index
        %get3A_922 = tpu.vector_load %arg17[%get3A_919, %get3A_920, %get3A_921] {strides = array<i32>} : memref<3x40x144xf32, #tpu.memory_space<vmem>>, vector<16xf32>,
        %add3A_923 = arith.addf %get3A_922, %bitcast3A_916 : vector<16xf32>
        %neg3A_924 = arith.constant 0.000000e+00 : f32
        %neg3A_925 = vector.broadcast %neg3A_924 : f32 to vector<16xf32>
        %neg3A_926 = arith.subf %neg3A_925, %add3A_923 : vector<16xf32>
        %exp3A_927 = math.exp %neg3A_926 : vector<16xf32>
        %add3A_928 = arith.constant 1.000000e+00 : f32
        %add3A_929 = vector.broadcast %add3A_928 : f32 to vector<16xf32>
        %add3A_930 = arith.addf %add3A_929, %exp3A_927 : vector<16xf32>
        %div3A_931 = arith.divf %add3A_923, %add3A_930 : vector<16xf32>
        %swap3A_932 = arith.index_cast %rem3A_314 : i32 to index
        %swap3A_933 = arith.index_cast %scan3A_864 : i32 to index
        %swap3A_934 = arith.constant 32 : index
        %swap3A_935 = tpu.vector_load %arg17[%swap3A_932, %swap3A_933, %swap3A_934] {strides = array<i32>} : memref<3x40x144xf32, #tpu.memory_space<vmem>>, vector<16xf32>,
        tpu.vector_store %arg17[%swap3A_932, %swap3A_933, %swap3A_934], %div3A_931 {strides = array<i32>} : memref<3x40x144xf32, #tpu.memory_space<vmem>>, vector<16xf32>,
        %get3A_936 = arith.index_cast %rem3A_314 : i32 to index
        %get3A_937 = arith.index_cast %scan3A_864 : i32 to index
        %get3A_938 = arith.constant 48 : index
        %get3A_939 = tpu.vector_load %arg17[%get3A_936, %get3A_937, %get3A_938] {strides = array<i32>} : memref<3x40x144xf32, #tpu.memory_space<vmem>>, vector<16xf32>,
        %add3A_940 = arith.addf %get3A_939, %bitcast3A_918 : vector<16xf32>
        %neg3A_941 = arith.constant 0.000000e+00 : f32
        %neg3A_942 = vector.broadcast %neg3A_941 : f32 to vector<16xf32>
        %neg3A_943 = arith.subf %neg3A_942, %add3A_940 : vector<16xf32>
        %exp3A_944 = math.exp %neg3A_943 : vector<16xf32>
        %add3A_945 = arith.constant 1.000000e+00 : f32
        %add3A_946 = vector.broadcast %add3A_945 : f32 to vector<16xf32>
        %add3A_947 = arith.addf %add3A_946, %exp3A_944 : vector<16xf32>
        %div3A_948 = arith.divf %add3A_940, %add3A_947 : vector<16xf32>
        %swap3A_949 = arith.index_cast %rem3A_314 : i32 to index
        %swap3A_950 = arith.index_cast %scan3A_864 : i32 to index
        %swap3A_951 = arith.constant 48 : index
        %swap3A_952 = tpu.vector_load %arg17[%swap3A_949, %swap3A_950, %swap3A_951] {strides = array<i32>} : memref<3x40x144xf32, #tpu.memory_space<vmem>>, vector<16xf32>,
        tpu.vector_store %arg17[%swap3A_949, %swap3A_950, %swap3A_951], %div3A_948 {strides = array<i32>} : memref<3x40x144xf32, #tpu.memory_space<vmem>>, vector<16xf32>,
        %get3A_953 = arith.index_cast %rem3A_316 : i32 to index
        %get3A_954 = arith.index_cast %scan3A_864 : i32 to index
        %get3A_955 = arith.constant 32 : index
        %get3A_956 = tpu.vector_load %arg15[%get3A_953, %get3A_954, %get3A_955] {strides = array<i32>} : memref<2x40x64xi32, #tpu.memory_space<vmem>>, vector<16xi32>,
        %shift_left3A_957 = arith.constant 16 : i32
        %shift_left3A_958 = vector.broadcast %shift_left3A_957 : i32 to vector<16xi32>
        %shift_left3A_959 = arith.shli %get3A_956, %shift_left3A_958 : vector<16xi32>
        %bitcast3A_960 = vector.bitcast %shift_left3A_959 : vector<16xi32> to vector<16xf32>
        %and3A_961 = arith.andi %get3A_956, %broadcast_in_dim3A_317 : vector<16xi32>
        %bitcast3A_962 = vector.bitcast %and3A_961 : vector<16xi32> to vector<16xf32>
        %get3A_963 = arith.index_cast %rem3A_314 : i32 to index
        %get3A_964 = arith.index_cast %scan3A_864 : i32 to index
        %get3A_965 = arith.constant 64 : index
        %get3A_966 = tpu.vector_load %arg17[%get3A_963, %get3A_964, %get3A_965] {strides = array<i32>} : memref<3x40x144xf32, #tpu.memory_space<vmem>>, vector<16xf32>,
        %add3A_967 = arith.addf %get3A_966, %bitcast3A_960 : vector<16xf32>
        %neg3A_968 = arith.constant 0.000000e+00 : f32
        %neg3A_969 = vector.broadcast %neg3A_968 : f32 to vector<16xf32>
        %neg3A_970 = arith.subf %neg3A_969, %add3A_967 : vector<16xf32>
        %exp3A_971 = math.exp %neg3A_970 : vector<16xf32>
        %add3A_972 = arith.constant 1.000000e+00 : f32
        %add3A_973 = vector.broadcast %add3A_972 : f32 to vector<16xf32>
        %add3A_974 = arith.addf %add3A_973, %exp3A_971 : vector<16xf32>
        %div3A_975 = arith.divf %add3A_967, %add3A_974 : vector<16xf32>
        %swap3A_976 = arith.index_cast %rem3A_314 : i32 to index
        %swap3A_977 = arith.index_cast %scan3A_864 : i32 to index
        %swap3A_978 = arith.constant 64 : index
        %swap3A_979 = tpu.vector_load %arg17[%swap3A_976, %swap3A_977, %swap3A_978] {strides = array<i32>} : memref<3x40x144xf32, #tpu.memory_space<vmem>>, vector<16xf32>,
        tpu.vector_store %arg17[%swap3A_976, %swap3A_977, %swap3A_978], %div3A_975 {strides = array<i32>} : memref<3x40x144xf32, #tpu.memory_space<vmem>>, vector<16xf32>,
        %get3A_980 = arith.index_cast %rem3A_314 : i32 to index
        %get3A_981 = arith.index_cast %scan3A_864 : i32 to index
        %get3A_982 = arith.constant 80 : index
        %get3A_983 = tpu.vector_load %arg17[%get3A_980, %get3A_981, %get3A_982] {strides = array<i32>} : memref<3x40x144xf32, #tpu.memory_space<vmem>>, vector<16xf32>,
        %add3A_984 = arith.addf %get3A_983, %bitcast3A_962 : vector<16xf32>
        %neg3A_985 = arith.constant 0.000000e+00 : f32
        %neg3A_986 = vector.broadcast %neg3A_985 : f32 to vector<16xf32>
        %neg3A_987 = arith.subf %neg3A_986, %add3A_984 : vector<16xf32>
        %exp3A_988 = math.exp %neg3A_987 : vector<16xf32>
        %add3A_989 = arith.constant 1.000000e+00 : f32
        %add3A_990 = vector.broadcast %add3A_989 : f32 to vector<16xf32>
        %add3A_991 = arith.addf %add3A_990, %exp3A_988 : vector<16xf32>
        %div3A_992 = arith.divf %add3A_984, %add3A_991 : vector<16xf32>
        %swap3A_993 = arith.index_cast %rem3A_314 : i32 to index
        %swap3A_994 = arith.index_cast %scan3A_864 : i32 to index
        %swap3A_995 = arith.constant 80 : index
        %swap3A_996 = tpu.vector_load %arg17[%swap3A_993, %swap3A_994, %swap3A_995] {strides = array<i32>} : memref<3x40x144xf32, #tpu.memory_space<vmem>>, vector<16xf32>,
        tpu.vector_store %arg17[%swap3A_993, %swap3A_994, %swap3A_995], %div3A_992 {strides = array<i32>} : memref<3x40x144xf32, #tpu.memory_space<vmem>>, vector<16xf32>,
        %get3A_997 = arith.index_cast %rem3A_316 : i32 to index
        %get3A_998 = arith.index_cast %scan3A_864 : i32 to index
        %get3A_999 = arith.constant 48 : index
        %get3A_1000 = tpu.vector_load %arg15[%get3A_997, %get3A_998, %get3A_999] {strides = array<i32>} : memref<2x40x64xi32, #tpu.memory_space<vmem>>, vector<16xi32>,
        %shift_left3A_1001 = arith.constant 16 : i32
        %shift_left3A_1002 = vector.broadcast %shift_left3A_1001 : i32 to vector<16xi32>
        %shift_left3A_1003 = arith.shli %get3A_1000, %shift_left3A_1002 : vector<16xi32>
        %bitcast3A_1004 = vector.bitcast %shift_left3A_1003 : vector<16xi32> to vector<16xf32>
        %and3A_1005 = arith.andi %get3A_1000, %broadcast_in_dim3A_317 : vector<16xi32>
        %bitcast3A_1006 = vector.bitcast %and3A_1005 : vector<16xi32> to vector<16xf32>
        %get3A_1007 = arith.index_cast %rem3A_314 : i32 to index
        %get3A_1008 = arith.index_cast %scan3A_864 : i32 to index
        %get3A_1009 = arith.constant 96 : index
        %get3A_1010 = tpu.vector_load %arg17[%get3A_1007, %get3A_1008, %get3A_1009] {strides = array<i32>} : memref<3x40x144xf32, #tpu.memory_space<vmem>>, vector<16xf32>,
        %add3A_1011 = arith.addf %get3A_1010, %bitcast3A_1004 : vector<16xf32>
        %neg3A_1012 = arith.constant 0.000000e+00 : f32
        %neg3A_1013 = vector.broadcast %neg3A_1012 : f32 to vector<16xf32>
        %neg3A_1014 = arith.subf %neg3A_1013, %add3A_1011 : vector<16xf32>
        %exp3A_1015 = math.exp %neg3A_1014 : vector<16xf32>
        %add3A_1016 = arith.constant 1.000000e+00 : f32
        %add3A_1017 = vector.broadcast %add3A_1016 : f32 to vector<16xf32>
        %add3A_1018 = arith.addf %add3A_1017, %exp3A_1015 : vector<16xf32>
        %div3A_1019 = arith.divf %add3A_1011, %add3A_1018 : vector<16xf32>
        %swap3A_1020 = arith.index_cast %rem3A_314 : i32 to index
        %swap3A_1021 = arith.index_cast %scan3A_864 : i32 to index
        %swap3A_1022 = arith.constant 96 : index
        %swap3A_1023 = tpu.vector_load %arg17[%swap3A_1020, %swap3A_1021, %swap3A_1022] {strides = array<i32>} : memref<3x40x144xf32, #tpu.memory_space<vmem>>, vector<16xf32>,
        tpu.vector_store %arg17[%swap3A_1020, %swap3A_1021, %swap3A_1022], %div3A_1019 {strides = array<i32>} : memref<3x40x144xf32, #tpu.memory_space<vmem>>, vector<16xf32>,
        %get3A_1024 = arith.index_cast %rem3A_314 : i32 to index
        %get3A_1025 = arith.index_cast %scan3A_864 : i32 to index
        %get3A_1026 = arith.constant 112 : index
        %get3A_1027 = tpu.vector_load %arg17[%get3A_1024, %get3A_1025, %get3A_1026] {strides = array<i32>} : memref<3x40x144xf32, #tpu.memory_space<vmem>>, vector<16xf32>,
        %add3A_1028 = arith.addf %get3A_1027, %bitcast3A_1006 : vector<16xf32>
        %neg3A_1029 = arith.constant 0.000000e+00 : f32
        %neg3A_1030 = vector.broadcast %neg3A_1029 : f32 to vector<16xf32>
        %neg3A_1031 = arith.subf %neg3A_1030, %add3A_1028 : vector<16xf32>
        %exp3A_1032 = math.exp %neg3A_1031 : vector<16xf32>
        %add3A_1033 = arith.constant 1.000000e+00 : f32
        %add3A_1034 = vector.broadcast %add3A_1033 : f32 to vector<16xf32>
        %add3A_1035 = arith.addf %add3A_1034, %exp3A_1032 : vector<16xf32>
        %div3A_1036 = arith.divf %add3A_1028, %add3A_1035 : vector<16xf32>
        %swap3A_1037 = arith.index_cast %rem3A_314 : i32 to index
        %swap3A_1038 = arith.index_cast %scan3A_864 : i32 to index
        %swap3A_1039 = arith.constant 112 : index
        %swap3A_1040 = tpu.vector_load %arg17[%swap3A_1037, %swap3A_1038, %swap3A_1039] {strides = array<i32>} : memref<3x40x144xf32, #tpu.memory_space<vmem>>, vector<16xf32>,
        tpu.vector_store %arg17[%swap3A_1037, %swap3A_1038, %swap3A_1039], %div3A_1036 {strides = array<i32>} : memref<3x40x144xf32, #tpu.memory_space<vmem>>, vector<16xf32>,
        %scan3A_1041 = arith.constant 4 : i32
        %scan3A_1042 = arith.addi %scan3A_338, %scan3A_1041 : i32
        %get3A_1043 = arith.index_cast %rem3A_316 : i32 to index
        %get3A_1044 = arith.index_cast %scan3A_1042 : i32 to index
        %get3A_1045 = arith.constant 0 : index
        %get3A_1046 = tpu.vector_load %arg15[%get3A_1043, %get3A_1044, %get3A_1045] {strides = array<i32>} : memref<2x40x64xi32, #tpu.memory_space<vmem>>, vector<16xi32>,
        %shift_left3A_1047 = arith.constant 16 : i32
        %shift_left3A_1048 = vector.broadcast %shift_left3A_1047 : i32 to vector<16xi32>
        %shift_left3A_1049 = arith.shli %get3A_1046, %shift_left3A_1048 : vector<16xi32>
        %bitcast3A_1050 = vector.bitcast %shift_left3A_1049 : vector<16xi32> to vector<16xf32>
        %and3A_1051 = arith.andi %get3A_1046, %broadcast_in_dim3A_317 : vector<16xi32>
        %bitcast3A_1052 = vector.bitcast %and3A_1051 : vector<16xi32> to vector<16xf32>
        %get3A_1053 = arith.index_cast %rem3A_314 : i32 to index
        %get3A_1054 = arith.index_cast %scan3A_1042 : i32 to index
        %get3A_1055 = arith.constant 0 : index
        %get3A_1056 = tpu.vector_load %arg17[%get3A_1053, %get3A_1054, %get3A_1055] {strides = array<i32>} : memref<3x40x144xf32, #tpu.memory_space<vmem>>, vector<16xf32>,
        %add3A_1057 = arith.addf %get3A_1056, %bitcast3A_1050 : vector<16xf32>
        %neg3A_1058 = arith.constant 0.000000e+00 : f32
        %neg3A_1059 = vector.broadcast %neg3A_1058 : f32 to vector<16xf32>
        %neg3A_1060 = arith.subf %neg3A_1059, %add3A_1057 : vector<16xf32>
        %exp3A_1061 = math.exp %neg3A_1060 : vector<16xf32>
        %add3A_1062 = arith.constant 1.000000e+00 : f32
        %add3A_1063 = vector.broadcast %add3A_1062 : f32 to vector<16xf32>
        %add3A_1064 = arith.addf %add3A_1063, %exp3A_1061 : vector<16xf32>
        %div3A_1065 = arith.divf %add3A_1057, %add3A_1064 : vector<16xf32>
        %swap3A_1066 = arith.index_cast %rem3A_314 : i32 to index
        %swap3A_1067 = arith.index_cast %scan3A_1042 : i32 to index
        %swap3A_1068 = arith.constant 0 : index
        %swap3A_1069 = tpu.vector_load %arg17[%swap3A_1066, %swap3A_1067, %swap3A_1068] {strides = array<i32>} : memref<3x40x144xf32, #tpu.memory_space<vmem>>, vector<16xf32>,
        tpu.vector_store %arg17[%swap3A_1066, %swap3A_1067, %swap3A_1068], %div3A_1065 {strides = array<i32>} : memref<3x40x144xf32, #tpu.memory_space<vmem>>, vector<16xf32>,
        %get3A_1070 = arith.index_cast %rem3A_314 : i32 to index
        %get3A_1071 = arith.index_cast %scan3A_1042 : i32 to index
        %get3A_1072 = arith.constant 16 : index
        %get3A_1073 = tpu.vector_load %arg17[%get3A_1070, %get3A_1071, %get3A_1072] {strides = array<i32>} : memref<3x40x144xf32, #tpu.memory_space<vmem>>, vector<16xf32>,
        %add3A_1074 = arith.addf %get3A_1073, %bitcast3A_1052 : vector<16xf32>
        %neg3A_1075 = arith.constant 0.000000e+00 : f32
        %neg3A_1076 = vector.broadcast %neg3A_1075 : f32 to vector<16xf32>
        %neg3A_1077 = arith.subf %neg3A_1076, %add3A_1074 : vector<16xf32>
        %exp3A_1078 = math.exp %neg3A_1077 : vector<16xf32>
        %add3A_1079 = arith.constant 1.000000e+00 : f32
        %add3A_1080 = vector.broadcast %add3A_1079 : f32 to vector<16xf32>
        %add3A_1081 = arith.addf %add3A_1080, %exp3A_1078 : vector<16xf32>
        %div3A_1082 = arith.divf %add3A_1074, %add3A_1081 : vector<16xf32>
        %swap3A_1083 = arith.index_cast %rem3A_314 : i32 to index
        %swap3A_1084 = arith.index_cast %scan3A_1042 : i32 to index
        %swap3A_1085 = arith.constant 16 : index
        %swap3A_1086 = tpu.vector_load %arg17[%swap3A_1083, %swap3A_1084, %swap3A_1085] {strides = array<i32>} : memref<3x40x144xf32, #tpu.memory_space<vmem>>, vector<16xf32>,
        tpu.vector_store %arg17[%swap3A_1083, %swap3A_1084, %swap3A_1085], %div3A_1082 {strides = array<i32>} : memref<3x40x144xf32, #tpu.memory_space<vmem>>, vector<16xf32>,
        %get3A_1087 = arith.index_cast %rem3A_316 : i32 to index
        %get3A_1088 = arith.index_cast %scan3A_1042 : i32 to index
        %get3A_1089 = arith.constant 16 : index
        %get3A_1090 = tpu.vector_load %arg15[%get3A_1087, %get3A_1088, %get3A_1089] {strides = array<i32>} : memref<2x40x64xi32, #tpu.memory_space<vmem>>, vector<16xi32>,
        %shift_left3A_1091 = arith.constant 16 : i32
        %shift_left3A_1092 = vector.broadcast %shift_left3A_1091 : i32 to vector<16xi32>
        %shift_left3A_1093 = arith.shli %get3A_1090, %shift_left3A_1092 : vector<16xi32>
        %bitcast3A_1094 = vector.bitcast %shift_left3A_1093 : vector<16xi32> to vector<16xf32>
        %and3A_1095 = arith.andi %get3A_1090, %broadcast_in_dim3A_317 : vector<16xi32>
        %bitcast3A_1096 = vector.bitcast %and3A_1095 : vector<16xi32> to vector<16xf32>
        %get3A_1097 = arith.index_cast %rem3A_314 : i32 to index
        %get3A_1098 = arith.index_cast %scan3A_1042 : i32 to index
        %get3A_1099 = arith.constant 32 : index
        %get3A_1100 = tpu.vector_load %arg17[%get3A_1097, %get3A_1098, %get3A_1099] {strides = array<i32>} : memref<3x40x144xf32, #tpu.memory_space<vmem>>, vector<16xf32>,
        %add3A_1101 = arith.addf %get3A_1100, %bitcast3A_1094 : vector<16xf32>
        %neg3A_1102 = arith.constant 0.000000e+00 : f32
        %neg3A_1103 = vector.broadcast %neg3A_1102 : f32 to vector<16xf32>
        %neg3A_1104 = arith.subf %neg3A_1103, %add3A_1101 : vector<16xf32>
        %exp3A_1105 = math.exp %neg3A_1104 : vector<16xf32>
        %add3A_1106 = arith.constant 1.000000e+00 : f32
        %add3A_1107 = vector.broadcast %add3A_1106 : f32 to vector<16xf32>
        %add3A_1108 = arith.addf %add3A_1107, %exp3A_1105 : vector<16xf32>
        %div3A_1109 = arith.divf %add3A_1101, %add3A_1108 : vector<16xf32>
        %swap3A_1110 = arith.index_cast %rem3A_314 : i32 to index
        %swap3A_1111 = arith.index_cast %scan3A_1042 : i32 to index
        %swap3A_1112 = arith.constant 32 : index
        %swap3A_1113 = tpu.vector_load %arg17[%swap3A_1110, %swap3A_1111, %swap3A_1112] {strides = array<i32>} : memref<3x40x144xf32, #tpu.memory_space<vmem>>, vector<16xf32>,
        tpu.vector_store %arg17[%swap3A_1110, %swap3A_1111, %swap3A_1112], %div3A_1109 {strides = array<i32>} : memref<3x40x144xf32, #tpu.memory_space<vmem>>, vector<16xf32>,
        %get3A_1114 = arith.index_cast %rem3A_314 : i32 to index
        %get3A_1115 = arith.index_cast %scan3A_1042 : i32 to index
        %get3A_1116 = arith.constant 48 : index
        %get3A_1117 = tpu.vector_load %arg17[%get3A_1114, %get3A_1115, %get3A_1116] {strides = array<i32>} : memref<3x40x144xf32, #tpu.memory_space<vmem>>, vector<16xf32>,
        %add3A_1118 = arith.addf %get3A_1117, %bitcast3A_1096 : vector<16xf32>
        %neg3A_1119 = arith.constant 0.000000e+00 : f32
        %neg3A_1120 = vector.broadcast %neg3A_1119 : f32 to vector<16xf32>
        %neg3A_1121 = arith.subf %neg3A_1120, %add3A_1118 : vector<16xf32>
        %exp3A_1122 = math.exp %neg3A_1121 : vector<16xf32>
        %add3A_1123 = arith.constant 1.000000e+00 : f32
        %add3A_1124 = vector.broadcast %add3A_1123 : f32 to vector<16xf32>
        %add3A_1125 = arith.addf %add3A_1124, %exp3A_1122 : vector<16xf32>
        %div3A_1126 = arith.divf %add3A_1118, %add3A_1125 : vector<16xf32>
        %swap3A_1127 = arith.index_cast %rem3A_314 : i32 to index
        %swap3A_1128 = arith.index_cast %scan3A_1042 : i32 to index
        %swap3A_1129 = arith.constant 48 : index
        %swap3A_1130 = tpu.vector_load %arg17[%swap3A_1127, %swap3A_1128, %swap3A_1129] {strides = array<i32>} : memref<3x40x144xf32, #tpu.memory_space<vmem>>, vector<16xf32>,
        tpu.vector_store %arg17[%swap3A_1127, %swap3A_1128, %swap3A_1129], %div3A_1126 {strides = array<i32>} : memref<3x40x144xf32, #tpu.memory_space<vmem>>, vector<16xf32>,
        %get3A_1131 = arith.index_cast %rem3A_316 : i32 to index
        %get3A_1132 = arith.index_cast %scan3A_1042 : i32 to index
        %get3A_1133 = arith.constant 32 : index
        %get3A_1134 = tpu.vector_load %arg15[%get3A_1131, %get3A_1132, %get3A_1133] {strides = array<i32>} : memref<2x40x64xi32, #tpu.memory_space<vmem>>, vector<16xi32>,
        %shift_left3A_1135 = arith.constant 16 : i32
        %shift_left3A_1136 = vector.broadcast %shift_left3A_1135 : i32 to vector<16xi32>
        %shift_left3A_1137 = arith.shli %get3A_1134, %shift_left3A_1136 : vector<16xi32>
        %bitcast3A_1138 = vector.bitcast %shift_left3A_1137 : vector<16xi32> to vector<16xf32>
        %and3A_1139 = arith.andi %get3A_1134, %broadcast_in_dim3A_317 : vector<16xi32>
        %bitcast3A_1140 = vector.bitcast %and3A_1139 : vector<16xi32> to vector<16xf32>
        %get3A_1141 = arith.index_cast %rem3A_314 : i32 to index
        %get3A_1142 = arith.index_cast %scan3A_1042 : i32 to index
        %get3A_1143 = arith.constant 64 : index
        %get3A_1144 = tpu.vector_load %arg17[%get3A_1141, %get3A_1142, %get3A_1143] {strides = array<i32>} : memref<3x40x144xf32, #tpu.memory_space<vmem>>, vector<16xf32>,
        %add3A_1145 = arith.addf %get3A_1144, %bitcast3A_1138 : vector<16xf32>
        %neg3A_1146 = arith.constant 0.000000e+00 : f32
        %neg3A_1147 = vector.broadcast %neg3A_1146 : f32 to vector<16xf32>
        %neg3A_1148 = arith.subf %neg3A_1147, %add3A_1145 : vector<16xf32>
        %exp3A_1149 = math.exp %neg3A_1148 : vector<16xf32>
        %add3A_1150 = arith.constant 1.000000e+00 : f32
        %add3A_1151 = vector.broadcast %add3A_1150 : f32 to vector<16xf32>
        %add3A_1152 = arith.addf %add3A_1151, %exp3A_1149 : vector<16xf32>
        %div3A_1153 = arith.divf %add3A_1145, %add3A_1152 : vector<16xf32>
        %swap3A_1154 = arith.index_cast %rem3A_314 : i32 to index
        %swap3A_1155 = arith.index_cast %scan3A_1042 : i32 to index
        %swap3A_1156 = arith.constant 64 : index
        %swap3A_1157 = tpu.vector_load %arg17[%swap3A_1154, %swap3A_1155, %swap3A_1156] {strides = array<i32>} : memref<3x40x144xf32, #tpu.memory_space<vmem>>, vector<16xf32>,
        tpu.vector_store %arg17[%swap3A_1154, %swap3A_1155, %swap3A_1156], %div3A_1153 {strides = array<i32>} : memref<3x40x144xf32, #tpu.memory_space<vmem>>, vector<16xf32>,
        %get3A_1158 = arith.index_cast %rem3A_314 : i32 to index
        %get3A_1159 = arith.index_cast %scan3A_1042 : i32 to index
        %get3A_1160 = arith.constant 80 : index
        %get3A_1161 = tpu.vector_load %arg17[%get3A_1158, %get3A_1159, %get3A_1160] {strides = array<i32>} : memref<3x40x144xf32, #tpu.memory_space<vmem>>, vector<16xf32>,
        %add3A_1162 = arith.addf %get3A_1161, %bitcast3A_1140 : vector<16xf32>
        %neg3A_1163 = arith.constant 0.000000e+00 : f32
        %neg3A_1164 = vector.broadcast %neg3A_1163 : f32 to vector<16xf32>
        %neg3A_1165 = arith.subf %neg3A_1164, %add3A_1162 : vector<16xf32>
        %exp3A_1166 = math.exp %neg3A_1165 : vector<16xf32>
        %add3A_1167 = arith.constant 1.000000e+00 : f32
        %add3A_1168 = vector.broadcast %add3A_1167 : f32 to vector<16xf32>
        %add3A_1169 = arith.addf %add3A_1168, %exp3A_1166 : vector<16xf32>
        %div3A_1170 = arith.divf %add3A_1162, %add3A_1169 : vector<16xf32>
        %swap3A_1171 = arith.index_cast %rem3A_314 : i32 to index
        %swap3A_1172 = arith.index_cast %scan3A_1042 : i32 to index
        %swap3A_1173 = arith.constant 80 : index
        %swap3A_1174 = tpu.vector_load %arg17[%swap3A_1171, %swap3A_1172, %swap3A_1173] {strides = array<i32>} : memref<3x40x144xf32, #tpu.memory_space<vmem>>, vector<16xf32>,
        tpu.vector_store %arg17[%swap3A_1171, %swap3A_1172, %swap3A_1173], %div3A_1170 {strides = array<i32>} : memref<3x40x144xf32, #tpu.memory_space<vmem>>, vector<16xf32>,
        %get3A_1175 = arith.index_cast %rem3A_316 : i32 to index
        %get3A_1176 = arith.index_cast %scan3A_1042 : i32 to index
        %get3A_1177 = arith.constant 48 : index
        %get3A_1178 = tpu.vector_load %arg15[%get3A_1175, %get3A_1176, %get3A_1177] {strides = array<i32>} : memref<2x40x64xi32, #tpu.memory_space<vmem>>, vector<16xi32>,
        %shift_left3A_1179 = arith.constant 16 : i32
        %shift_left3A_1180 = vector.broadcast %shift_left3A_1179 : i32 to vector<16xi32>
        %shift_left3A_1181 = arith.shli %get3A_1178, %shift_left3A_1180 : vector<16xi32>
        %bitcast3A_1182 = vector.bitcast %shift_left3A_1181 : vector<16xi32> to vector<16xf32>
        %and3A_1183 = arith.andi %get3A_1178, %broadcast_in_dim3A_317 : vector<16xi32>
        %bitcast3A_1184 = vector.bitcast %and3A_1183 : vector<16xi32> to vector<16xf32>
        %get3A_1185 = arith.index_cast %rem3A_314 : i32 to index
        %get3A_1186 = arith.index_cast %scan3A_1042 : i32 to index
        %get3A_1187 = arith.constant 96 : index
        %get3A_1188 = tpu.vector_load %arg17[%get3A_1185, %get3A_1186, %get3A_1187] {strides = array<i32>} : memref<3x40x144xf32, #tpu.memory_space<vmem>>, vector<16xf32>,
        %add3A_1189 = arith.addf %get3A_1188, %bitcast3A_1182 : vector<16xf32>
        %neg3A_1190 = arith.constant 0.000000e+00 : f32
        %neg3A_1191 = vector.broadcast %neg3A_1190 : f32 to vector<16xf32>
        %neg3A_1192 = arith.subf %neg3A_1191, %add3A_1189 : vector<16xf32>
        %exp3A_1193 = math.exp %neg3A_1192 : vector<16xf32>
        %add3A_1194 = arith.constant 1.000000e+00 : f32
        %add3A_1195 = vector.broadcast %add3A_1194 : f32 to vector<16xf32>
        %add3A_1196 = arith.addf %add3A_1195, %exp3A_1193 : vector<16xf32>
        %div3A_1197 = arith.divf %add3A_1189, %add3A_1196 : vector<16xf32>
        %swap3A_1198 = arith.index_cast %rem3A_314 : i32 to index
        %swap3A_1199 = arith.index_cast %scan3A_1042 : i32 to index
        %swap3A_1200 = arith.constant 96 : index
        %swap3A_1201 = tpu.vector_load %arg17[%swap3A_1198, %swap3A_1199, %swap3A_1200] {strides = array<i32>} : memref<3x40x144xf32, #tpu.memory_space<vmem>>, vector<16xf32>,
        tpu.vector_store %arg17[%swap3A_1198, %swap3A_1199, %swap3A_1200], %div3A_1197 {strides = array<i32>} : memref<3x40x144xf32, #tpu.memory_space<vmem>>, vector<16xf32>,
        %get3A_1202 = arith.index_cast %rem3A_314 : i32 to index
        %get3A_1203 = arith.index_cast %scan3A_1042 : i32 to index
        %get3A_1204 = arith.constant 112 : index
        %get3A_1205 = tpu.vector_load %arg17[%get3A_1202, %get3A_1203, %get3A_1204] {strides = array<i32>} : memref<3x40x144xf32, #tpu.memory_space<vmem>>, vector<16xf32>,
        %add3A_1206 = arith.addf %get3A_1205, %bitcast3A_1184 : vector<16xf32>
        %neg3A_1207 = arith.constant 0.000000e+00 : f32
        %neg3A_1208 = vector.broadcast %neg3A_1207 : f32 to vector<16xf32>
        %neg3A_1209 = arith.subf %neg3A_1208, %add3A_1206 : vector<16xf32>
        %exp3A_1210 = math.exp %neg3A_1209 : vector<16xf32>
        %add3A_1211 = arith.constant 1.000000e+00 : f32
        %add3A_1212 = vector.broadcast %add3A_1211 : f32 to vector<16xf32>
        %add3A_1213 = arith.addf %add3A_1212, %exp3A_1210 : vector<16xf32>
        %div3A_1214 = arith.divf %add3A_1206, %add3A_1213 : vector<16xf32>
        %swap3A_1215 = arith.index_cast %rem3A_314 : i32 to index
        %swap3A_1216 = arith.index_cast %scan3A_1042 : i32 to index
        %swap3A_1217 = arith.constant 112 : index
        %swap3A_1218 = tpu.vector_load %arg17[%swap3A_1215, %swap3A_1216, %swap3A_1217] {strides = array<i32>} : memref<3x40x144xf32, #tpu.memory_space<vmem>>, vector<16xf32>,
        tpu.vector_store %arg17[%swap3A_1215, %swap3A_1216, %swap3A_1217], %div3A_1214 {strides = array<i32>} : memref<3x40x144xf32, #tpu.memory_space<vmem>>, vector<16xf32>,
        %scan3A_1219 = arith.constant 5 : i32
        %scan3A_1220 = arith.addi %scan3A_338, %scan3A_1219 : i32
        %get3A_1221 = arith.index_cast %rem3A_316 : i32 to index
        %get3A_1222 = arith.index_cast %scan3A_1220 : i32 to index
        %get3A_1223 = arith.constant 0 : index
        %get3A_1224 = tpu.vector_load %arg15[%get3A_1221, %get3A_1222, %get3A_1223] {strides = array<i32>} : memref<2x40x64xi32, #tpu.memory_space<vmem>>, vector<16xi32>,
        %shift_left3A_1225 = arith.constant 16 : i32
        %shift_left3A_1226 = vector.broadcast %shift_left3A_1225 : i32 to vector<16xi32>
        %shift_left3A_1227 = arith.shli %get3A_1224, %shift_left3A_1226 : vector<16xi32>
        %bitcast3A_1228 = vector.bitcast %shift_left3A_1227 : vector<16xi32> to vector<16xf32>
        %and3A_1229 = arith.andi %get3A_1224, %broadcast_in_dim3A_317 : vector<16xi32>
        %bitcast3A_1230 = vector.bitcast %and3A_1229 : vector<16xi32> to vector<16xf32>
        %get3A_1231 = arith.index_cast %rem3A_314 : i32 to index
        %get3A_1232 = arith.index_cast %scan3A_1220 : i32 to index
        %get3A_1233 = arith.constant 0 : index
        %get3A_1234 = tpu.vector_load %arg17[%get3A_1231, %get3A_1232, %get3A_1233] {strides = array<i32>} : memref<3x40x144xf32, #tpu.memory_space<vmem>>, vector<16xf32>,
        %add3A_1235 = arith.addf %get3A_1234, %bitcast3A_1228 : vector<16xf32>
        %neg3A_1236 = arith.constant 0.000000e+00 : f32
        %neg3A_1237 = vector.broadcast %neg3A_1236 : f32 to vector<16xf32>
        %neg3A_1238 = arith.subf %neg3A_1237, %add3A_1235 : vector<16xf32>
        %exp3A_1239 = math.exp %neg3A_1238 : vector<16xf32>
        %add3A_1240 = arith.constant 1.000000e+00 : f32
        %add3A_1241 = vector.broadcast %add3A_1240 : f32 to vector<16xf32>
        %add3A_1242 = arith.addf %add3A_1241, %exp3A_1239 : vector<16xf32>
        %div3A_1243 = arith.divf %add3A_1235, %add3A_1242 : vector<16xf32>
        %swap3A_1244 = arith.index_cast %rem3A_314 : i32 to index
        %swap3A_1245 = arith.index_cast %scan3A_1220 : i32 to index
        %swap3A_1246 = arith.constant 0 : index
        %swap3A_1247 = tpu.vector_load %arg17[%swap3A_1244, %swap3A_1245, %swap3A_1246] {strides = array<i32>} : memref<3x40x144xf32, #tpu.memory_space<vmem>>, vector<16xf32>,
        tpu.vector_store %arg17[%swap3A_1244, %swap3A_1245, %swap3A_1246], %div3A_1243 {strides = array<i32>} : memref<3x40x144xf32, #tpu.memory_space<vmem>>, vector<16xf32>,
        %get3A_1248 = arith.index_cast %rem3A_314 : i32 to index
        %get3A_1249 = arith.index_cast %scan3A_1220 : i32 to index
        %get3A_1250 = arith.constant 16 : index
        %get3A_1251 = tpu.vector_load %arg17[%get3A_1248, %get3A_1249, %get3A_1250] {strides = array<i32>} : memref<3x40x144xf32, #tpu.memory_space<vmem>>, vector<16xf32>,
        %add3A_1252 = arith.addf %get3A_1251, %bitcast3A_1230 : vector<16xf32>
        %neg3A_1253 = arith.constant 0.000000e+00 : f32
        %neg3A_1254 = vector.broadcast %neg3A_1253 : f32 to vector<16xf32>
        %neg3A_1255 = arith.subf %neg3A_1254, %add3A_1252 : vector<16xf32>
        %exp3A_1256 = math.exp %neg3A_1255 : vector<16xf32>
        %add3A_1257 = arith.constant 1.000000e+00 : f32
        %add3A_1258 = vector.broadcast %add3A_1257 : f32 to vector<16xf32>
        %add3A_1259 = arith.addf %add3A_1258, %exp3A_1256 : vector<16xf32>
        %div3A_1260 = arith.divf %add3A_1252, %add3A_1259 : vector<16xf32>
        %swap3A_1261 = arith.index_cast %rem3A_314 : i32 to index
        %swap3A_1262 = arith.index_cast %scan3A_1220 : i32 to index
        %swap3A_1263 = arith.constant 16 : index
        %swap3A_1264 = tpu.vector_load %arg17[%swap3A_1261, %swap3A_1262, %swap3A_1263] {strides = array<i32>} : memref<3x40x144xf32, #tpu.memory_space<vmem>>, vector<16xf32>,
        tpu.vector_store %arg17[%swap3A_1261, %swap3A_1262, %swap3A_1263], %div3A_1260 {strides = array<i32>} : memref<3x40x144xf32, #tpu.memory_space<vmem>>, vector<16xf32>,
        %get3A_1265 = arith.index_cast %rem3A_316 : i32 to index
        %get3A_1266 = arith.index_cast %scan3A_1220 : i32 to index
        %get3A_1267 = arith.constant 16 : index
        %get3A_1268 = tpu.vector_load %arg15[%get3A_1265, %get3A_1266, %get3A_1267] {strides = array<i32>} : memref<2x40x64xi32, #tpu.memory_space<vmem>>, vector<16xi32>,
        %shift_left3A_1269 = arith.constant 16 : i32
        %shift_left3A_1270 = vector.broadcast %shift_left3A_1269 : i32 to vector<16xi32>
        %shift_left3A_1271 = arith.shli %get3A_1268, %shift_left3A_1270 : vector<16xi32>
        %bitcast3A_1272 = vector.bitcast %shift_left3A_1271 : vector<16xi32> to vector<16xf32>
        %and3A_1273 = arith.andi %get3A_1268, %broadcast_in_dim3A_317 : vector<16xi32>
        %bitcast3A_1274 = vector.bitcast %and3A_1273 : vector<16xi32> to vector<16xf32>
        %get3A_1275 = arith.index_cast %rem3A_314 : i32 to index
        %get3A_1276 = arith.index_cast %scan3A_1220 : i32 to index
        %get3A_1277 = arith.constant 32 : index
        %get3A_1278 = tpu.vector_load %arg17[%get3A_1275, %get3A_1276, %get3A_1277] {strides = array<i32>} : memref<3x40x144xf32, #tpu.memory_space<vmem>>, vector<16xf32>,
        %add3A_1279 = arith.addf %get3A_1278, %bitcast3A_1272 : vector<16xf32>
        %neg3A_1280 = arith.constant 0.000000e+00 : f32
        %neg3A_1281 = vector.broadcast %neg3A_1280 : f32 to vector<16xf32>
        %neg3A_1282 = arith.subf %neg3A_1281, %add3A_1279 : vector<16xf32>
        %exp3A_1283 = math.exp %neg3A_1282 : vector<16xf32>
        %add3A_1284 = arith.constant 1.000000e+00 : f32
        %add3A_1285 = vector.broadcast %add3A_1284 : f32 to vector<16xf32>
        %add3A_1286 = arith.addf %add3A_1285, %exp3A_1283 : vector<16xf32>
        %div3A_1287 = arith.divf %add3A_1279, %add3A_1286 : vector<16xf32>
        %swap3A_1288 = arith.index_cast %rem3A_314 : i32 to index
        %swap3A_1289 = arith.index_cast %scan3A_1220 : i32 to index
        %swap3A_1290 = arith.constant 32 : index
        %swap3A_1291 = tpu.vector_load %arg17[%swap3A_1288, %swap3A_1289, %swap3A_1290] {strides = array<i32>} : memref<3x40x144xf32, #tpu.memory_space<vmem>>, vector<16xf32>,
        tpu.vector_store %arg17[%swap3A_1288, %swap3A_1289, %swap3A_1290], %div3A_1287 {strides = array<i32>} : memref<3x40x144xf32, #tpu.memory_space<vmem>>, vector<16xf32>,
        %get3A_1292 = arith.index_cast %rem3A_314 : i32 to index
        %get3A_1293 = arith.index_cast %scan3A_1220 : i32 to index
        %get3A_1294 = arith.constant 48 : index
        %get3A_1295 = tpu.vector_load %arg17[%get3A_1292, %get3A_1293, %get3A_1294] {strides = array<i32>} : memref<3x40x144xf32, #tpu.memory_space<vmem>>, vector<16xf32>,
        %add3A_1296 = arith.addf %get3A_1295, %bitcast3A_1274 : vector<16xf32>
        %neg3A_1297 = arith.constant 0.000000e+00 : f32
        %neg3A_1298 = vector.broadcast %neg3A_1297 : f32 to vector<16xf32>
        %neg3A_1299 = arith.subf %neg3A_1298, %add3A_1296 : vector<16xf32>
        %exp3A_1300 = math.exp %neg3A_1299 : vector<16xf32>
        %add3A_1301 = arith.constant 1.000000e+00 : f32
        %add3A_1302 = vector.broadcast %add3A_1301 : f32 to vector<16xf32>
        %add3A_1303 = arith.addf %add3A_1302, %exp3A_1300 : vector<16xf32>
        %div3A_1304 = arith.divf %add3A_1296, %add3A_1303 : vector<16xf32>
        %swap3A_1305 = arith.index_cast %rem3A_314 : i32 to index
        %swap3A_1306 = arith.index_cast %scan3A_1220 : i32 to index
        %swap3A_1307 = arith.constant 48 : index
        %swap3A_1308 = tpu.vector_load %arg17[%swap3A_1305, %swap3A_1306, %swap3A_1307] {strides = array<i32>} : memref<3x40x144xf32, #tpu.memory_space<vmem>>, vector<16xf32>,
        tpu.vector_store %arg17[%swap3A_1305, %swap3A_1306, %swap3A_1307], %div3A_1304 {strides = array<i32>} : memref<3x40x144xf32, #tpu.memory_space<vmem>>, vector<16xf32>,
        %get3A_1309 = arith.index_cast %rem3A_316 : i32 to index
        %get3A_1310 = arith.index_cast %scan3A_1220 : i32 to index
        %get3A_1311 = arith.constant 32 : index
        %get3A_1312 = tpu.vector_load %arg15[%get3A_1309, %get3A_1310, %get3A_1311] {strides = array<i32>} : memref<2x40x64xi32, #tpu.memory_space<vmem>>, vector<16xi32>,
        %shift_left3A_1313 = arith.constant 16 : i32
        %shift_left3A_1314 = vector.broadcast %shift_left3A_1313 : i32 to vector<16xi32>
        %shift_left3A_1315 = arith.shli %get3A_1312, %shift_left3A_1314 : vector<16xi32>
        %bitcast3A_1316 = vector.bitcast %shift_left3A_1315 : vector<16xi32> to vector<16xf32>
        %and3A_1317 = arith.andi %get3A_1312, %broadcast_in_dim3A_317 : vector<16xi32>
        %bitcast3A_1318 = vector.bitcast %and3A_1317 : vector<16xi32> to vector<16xf32>
        %get3A_1319 = arith.index_cast %rem3A_314 : i32 to index
        %get3A_1320 = arith.index_cast %scan3A_1220 : i32 to index
        %get3A_1321 = arith.constant 64 : index
        %get3A_1322 = tpu.vector_load %arg17[%get3A_1319, %get3A_1320, %get3A_1321] {strides = array<i32>} : memref<3x40x144xf32, #tpu.memory_space<vmem>>, vector<16xf32>,
        %add3A_1323 = arith.addf %get3A_1322, %bitcast3A_1316 : vector<16xf32>
        %neg3A_1324 = arith.constant 0.000000e+00 : f32
        %neg3A_1325 = vector.broadcast %neg3A_1324 : f32 to vector<16xf32>
        %neg3A_1326 = arith.subf %neg3A_1325, %add3A_1323 : vector<16xf32>
        %exp3A_1327 = math.exp %neg3A_1326 : vector<16xf32>
        %add3A_1328 = arith.constant 1.000000e+00 : f32
        %add3A_1329 = vector.broadcast %add3A_1328 : f32 to vector<16xf32>
        %add3A_1330 = arith.addf %add3A_1329, %exp3A_1327 : vector<16xf32>
        %div3A_1331 = arith.divf %add3A_1323, %add3A_1330 : vector<16xf32>
        %swap3A_1332 = arith.index_cast %rem3A_314 : i32 to index
        %swap3A_1333 = arith.index_cast %scan3A_1220 : i32 to index
        %swap3A_1334 = arith.constant 64 : index
        %swap3A_1335 = tpu.vector_load %arg17[%swap3A_1332, %swap3A_1333, %swap3A_1334] {strides = array<i32>} : memref<3x40x144xf32, #tpu.memory_space<vmem>>, vector<16xf32>,
        tpu.vector_store %arg17[%swap3A_1332, %swap3A_1333, %swap3A_1334], %div3A_1331 {strides = array<i32>} : memref<3x40x144xf32, #tpu.memory_space<vmem>>, vector<16xf32>,
        %get3A_1336 = arith.index_cast %rem3A_314 : i32 to index
        %get3A_1337 = arith.index_cast %scan3A_1220 : i32 to index
        %get3A_1338 = arith.constant 80 : index
        %get3A_1339 = tpu.vector_load %arg17[%get3A_1336, %get3A_1337, %get3A_1338] {strides = array<i32>} : memref<3x40x144xf32, #tpu.memory_space<vmem>>, vector<16xf32>,
        %add3A_1340 = arith.addf %get3A_1339, %bitcast3A_1318 : vector<16xf32>
        %neg3A_1341 = arith.constant 0.000000e+00 : f32
        %neg3A_1342 = vector.broadcast %neg3A_1341 : f32 to vector<16xf32>
        %neg3A_1343 = arith.subf %neg3A_1342, %add3A_1340 : vector<16xf32>
        %exp3A_1344 = math.exp %neg3A_1343 : vector<16xf32>
        %add3A_1345 = arith.constant 1.000000e+00 : f32
        %add3A_1346 = vector.broadcast %add3A_1345 : f32 to vector<16xf32>
        %add3A_1347 = arith.addf %add3A_1346, %exp3A_1344 : vector<16xf32>
        %div3A_1348 = arith.divf %add3A_1340, %add3A_1347 : vector<16xf32>
        %swap3A_1349 = arith.index_cast %rem3A_314 : i32 to index
        %swap3A_1350 = arith.index_cast %scan3A_1220 : i32 to index
        %swap3A_1351 = arith.constant 80 : index
        %swap3A_1352 = tpu.vector_load %arg17[%swap3A_1349, %swap3A_1350, %swap3A_1351] {strides = array<i32>} : memref<3x40x144xf32, #tpu.memory_space<vmem>>, vector<16xf32>,
        tpu.vector_store %arg17[%swap3A_1349, %swap3A_1350, %swap3A_1351], %div3A_1348 {strides = array<i32>} : memref<3x40x144xf32, #tpu.memory_space<vmem>>, vector<16xf32>,
        %get3A_1353 = arith.index_cast %rem3A_316 : i32 to index
        %get3A_1354 = arith.index_cast %scan3A_1220 : i32 to index
        %get3A_1355 = arith.constant 48 : index
        %get3A_1356 = tpu.vector_load %arg15[%get3A_1353, %get3A_1354, %get3A_1355] {strides = array<i32>} : memref<2x40x64xi32, #tpu.memory_space<vmem>>, vector<16xi32>,
        %shift_left3A_1357 = arith.constant 16 : i32
        %shift_left3A_1358 = vector.broadcast %shift_left3A_1357 : i32 to vector<16xi32>
        %shift_left3A_1359 = arith.shli %get3A_1356, %shift_left3A_1358 : vector<16xi32>
        %bitcast3A_1360 = vector.bitcast %shift_left3A_1359 : vector<16xi32> to vector<16xf32>
        %and3A_1361 = arith.andi %get3A_1356, %broadcast_in_dim3A_317 : vector<16xi32>
        %bitcast3A_1362 = vector.bitcast %and3A_1361 : vector<16xi32> to vector<16xf32>
        %get3A_1363 = arith.index_cast %rem3A_314 : i32 to index
        %get3A_1364 = arith.index_cast %scan3A_1220 : i32 to index
        %get3A_1365 = arith.constant 96 : index
        %get3A_1366 = tpu.vector_load %arg17[%get3A_1363, %get3A_1364, %get3A_1365] {strides = array<i32>} : memref<3x40x144xf32, #tpu.memory_space<vmem>>, vector<16xf32>,
        %add3A_1367 = arith.addf %get3A_1366, %bitcast3A_1360 : vector<16xf32>
        %neg3A_1368 = arith.constant 0.000000e+00 : f32
        %neg3A_1369 = vector.broadcast %neg3A_1368 : f32 to vector<16xf32>
        %neg3A_1370 = arith.subf %neg3A_1369, %add3A_1367 : vector<16xf32>
        %exp3A_1371 = math.exp %neg3A_1370 : vector<16xf32>
        %add3A_1372 = arith.constant 1.000000e+00 : f32
        %add3A_1373 = vector.broadcast %add3A_1372 : f32 to vector<16xf32>
        %add3A_1374 = arith.addf %add3A_1373, %exp3A_1371 : vector<16xf32>
        %div3A_1375 = arith.divf %add3A_1367, %add3A_1374 : vector<16xf32>
        %swap3A_1376 = arith.index_cast %rem3A_314 : i32 to index
        %swap3A_1377 = arith.index_cast %scan3A_1220 : i32 to index
        %swap3A_1378 = arith.constant 96 : index
        %swap3A_1379 = tpu.vector_load %arg17[%swap3A_1376, %swap3A_1377, %swap3A_1378] {strides = array<i32>} : memref<3x40x144xf32, #tpu.memory_space<vmem>>, vector<16xf32>,
        tpu.vector_store %arg17[%swap3A_1376, %swap3A_1377, %swap3A_1378], %div3A_1375 {strides = array<i32>} : memref<3x40x144xf32, #tpu.memory_space<vmem>>, vector<16xf32>,
        %get3A_1380 = arith.index_cast %rem3A_314 : i32 to index
        %get3A_1381 = arith.index_cast %scan3A_1220 : i32 to index
        %get3A_1382 = arith.constant 112 : index
        %get3A_1383 = tpu.vector_load %arg17[%get3A_1380, %get3A_1381, %get3A_1382] {strides = array<i32>} : memref<3x40x144xf32, #tpu.memory_space<vmem>>, vector<16xf32>,
        %add3A_1384 = arith.addf %get3A_1383, %bitcast3A_1362 : vector<16xf32>
        %neg3A_1385 = arith.constant 0.000000e+00 : f32
        %neg3A_1386 = vector.broadcast %neg3A_1385 : f32 to vector<16xf32>
        %neg3A_1387 = arith.subf %neg3A_1386, %add3A_1384 : vector<16xf32>
        %exp3A_1388 = math.exp %neg3A_1387 : vector<16xf32>
        %add3A_1389 = arith.constant 1.000000e+00 : f32
        %add3A_1390 = vector.broadcast %add3A_1389 : f32 to vector<16xf32>
        %add3A_1391 = arith.addf %add3A_1390, %exp3A_1388 : vector<16xf32>
        %div3A_1392 = arith.divf %add3A_1384, %add3A_1391 : vector<16xf32>
        %swap3A_1393 = arith.index_cast %rem3A_314 : i32 to index
        %swap3A_1394 = arith.index_cast %scan3A_1220 : i32 to index
        %swap3A_1395 = arith.constant 112 : index
        %swap3A_1396 = tpu.vector_load %arg17[%swap3A_1393, %swap3A_1394, %swap3A_1395] {strides = array<i32>} : memref<3x40x144xf32, #tpu.memory_space<vmem>>, vector<16xf32>,
        tpu.vector_store %arg17[%swap3A_1393, %swap3A_1394, %swap3A_1395], %div3A_1392 {strides = array<i32>} : memref<3x40x144xf32, #tpu.memory_space<vmem>>, vector<16xf32>,
        %scan3A_1397 = arith.constant 6 : i32
        %scan3A_1398 = arith.addi %scan3A_338, %scan3A_1397 : i32
        %get3A_1399 = arith.index_cast %rem3A_316 : i32 to index
        %get3A_1400 = arith.index_cast %scan3A_1398 : i32 to index
        %get3A_1401 = arith.constant 0 : index
        %get3A_1402 = tpu.vector_load %arg15[%get3A_1399, %get3A_1400, %get3A_1401] {strides = array<i32>} : memref<2x40x64xi32, #tpu.memory_space<vmem>>, vector<16xi32>,
        %shift_left3A_1403 = arith.constant 16 : i32
        %shift_left3A_1404 = vector.broadcast %shift_left3A_1403 : i32 to vector<16xi32>
        %shift_left3A_1405 = arith.shli %get3A_1402, %shift_left3A_1404 : vector<16xi32>
        %bitcast3A_1406 = vector.bitcast %shift_left3A_1405 : vector<16xi32> to vector<16xf32>
        %and3A_1407 = arith.andi %get3A_1402, %broadcast_in_dim3A_317 : vector<16xi32>
        %bitcast3A_1408 = vector.bitcast %and3A_1407 : vector<16xi32> to vector<16xf32>
        %get3A_1409 = arith.index_cast %rem3A_314 : i32 to index
        %get3A_1410 = arith.index_cast %scan3A_1398 : i32 to index
        %get3A_1411 = arith.constant 0 : index
        %get3A_1412 = tpu.vector_load %arg17[%get3A_1409, %get3A_1410, %get3A_1411] {strides = array<i32>} : memref<3x40x144xf32, #tpu.memory_space<vmem>>, vector<16xf32>,
        %add3A_1413 = arith.addf %get3A_1412, %bitcast3A_1406 : vector<16xf32>
        %neg3A_1414 = arith.constant 0.000000e+00 : f32
        %neg3A_1415 = vector.broadcast %neg3A_1414 : f32 to vector<16xf32>
        %neg3A_1416 = arith.subf %neg3A_1415, %add3A_1413 : vector<16xf32>
        %exp3A_1417 = math.exp %neg3A_1416 : vector<16xf32>
        %add3A_1418 = arith.constant 1.000000e+00 : f32
        %add3A_1419 = vector.broadcast %add3A_1418 : f32 to vector<16xf32>
        %add3A_1420 = arith.addf %add3A_1419, %exp3A_1417 : vector<16xf32>
        %div3A_1421 = arith.divf %add3A_1413, %add3A_1420 : vector<16xf32>
        %swap3A_1422 = arith.index_cast %rem3A_314 : i32 to index
        %swap3A_1423 = arith.index_cast %scan3A_1398 : i32 to index
        %swap3A_1424 = arith.constant 0 : index
        %swap3A_1425 = tpu.vector_load %arg17[%swap3A_1422, %swap3A_1423, %swap3A_1424] {strides = array<i32>} : memref<3x40x144xf32, #tpu.memory_space<vmem>>, vector<16xf32>,
        tpu.vector_store %arg17[%swap3A_1422, %swap3A_1423, %swap3A_1424], %div3A_1421 {strides = array<i32>} : memref<3x40x144xf32, #tpu.memory_space<vmem>>, vector<16xf32>,
        %get3A_1426 = arith.index_cast %rem3A_314 : i32 to index
        %get3A_1427 = arith.index_cast %scan3A_1398 : i32 to index
        %get3A_1428 = arith.constant 16 : index
        %get3A_1429 = tpu.vector_load %arg17[%get3A_1426, %get3A_1427, %get3A_1428] {strides = array<i32>} : memref<3x40x144xf32, #tpu.memory_space<vmem>>, vector<16xf32>,
        %add3A_1430 = arith.addf %get3A_1429, %bitcast3A_1408 : vector<16xf32>
        %neg3A_1431 = arith.constant 0.000000e+00 : f32
        %neg3A_1432 = vector.broadcast %neg3A_1431 : f32 to vector<16xf32>
        %neg3A_1433 = arith.subf %neg3A_1432, %add3A_1430 : vector<16xf32>
        %exp3A_1434 = math.exp %neg3A_1433 : vector<16xf32>
        %add3A_1435 = arith.constant 1.000000e+00 : f32
        %add3A_1436 = vector.broadcast %add3A_1435 : f32 to vector<16xf32>
        %add3A_1437 = arith.addf %add3A_1436, %exp3A_1434 : vector<16xf32>
        %div3A_1438 = arith.divf %add3A_1430, %add3A_1437 : vector<16xf32>
        %swap3A_1439 = arith.index_cast %rem3A_314 : i32 to index
        %swap3A_1440 = arith.index_cast %scan3A_1398 : i32 to index
        %swap3A_1441 = arith.constant 16 : index
        %swap3A_1442 = tpu.vector_load %arg17[%swap3A_1439, %swap3A_1440, %swap3A_1441] {strides = array<i32>} : memref<3x40x144xf32, #tpu.memory_space<vmem>>, vector<16xf32>,
        tpu.vector_store %arg17[%swap3A_1439, %swap3A_1440, %swap3A_1441], %div3A_1438 {strides = array<i32>} : memref<3x40x144xf32, #tpu.memory_space<vmem>>, vector<16xf32>,
        %get3A_1443 = arith.index_cast %rem3A_316 : i32 to index
        %get3A_1444 = arith.index_cast %scan3A_1398 : i32 to index
        %get3A_1445 = arith.constant 16 : index
        %get3A_1446 = tpu.vector_load %arg15[%get3A_1443, %get3A_1444, %get3A_1445] {strides = array<i32>} : memref<2x40x64xi32, #tpu.memory_space<vmem>>, vector<16xi32>,
        %shift_left3A_1447 = arith.constant 16 : i32
        %shift_left3A_1448 = vector.broadcast %shift_left3A_1447 : i32 to vector<16xi32>
        %shift_left3A_1449 = arith.shli %get3A_1446, %shift_left3A_1448 : vector<16xi32>
        %bitcast3A_1450 = vector.bitcast %shift_left3A_1449 : vector<16xi32> to vector<16xf32>
        %and3A_1451 = arith.andi %get3A_1446, %broadcast_in_dim3A_317 : vector<16xi32>
        %bitcast3A_1452 = vector.bitcast %and3A_1451 : vector<16xi32> to vector<16xf32>
        %get3A_1453 = arith.index_cast %rem3A_314 : i32 to index
        %get3A_1454 = arith.index_cast %scan3A_1398 : i32 to index
        %get3A_1455 = arith.constant 32 : index
        %get3A_1456 = tpu.vector_load %arg17[%get3A_1453, %get3A_1454, %get3A_1455] {strides = array<i32>} : memref<3x40x144xf32, #tpu.memory_space<vmem>>, vector<16xf32>,
        %add3A_1457 = arith.addf %get3A_1456, %bitcast3A_1450 : vector<16xf32>
        %neg3A_1458 = arith.constant 0.000000e+00 : f32
        %neg3A_1459 = vector.broadcast %neg3A_1458 : f32 to vector<16xf32>
        %neg3A_1460 = arith.subf %neg3A_1459, %add3A_1457 : vector<16xf32>
        %exp3A_1461 = math.exp %neg3A_1460 : vector<16xf32>
        %add3A_1462 = arith.constant 1.000000e+00 : f32
        %add3A_1463 = vector.broadcast %add3A_1462 : f32 to vector<16xf32>
        %add3A_1464 = arith.addf %add3A_1463, %exp3A_1461 : vector<16xf32>
        %div3A_1465 = arith.divf %add3A_1457, %add3A_1464 : vector<16xf32>
        %swap3A_1466 = arith.index_cast %rem3A_314 : i32 to index
        %swap3A_1467 = arith.index_cast %scan3A_1398 : i32 to index
        %swap3A_1468 = arith.constant 32 : index
        %swap3A_1469 = tpu.vector_load %arg17[%swap3A_1466, %swap3A_1467, %swap3A_1468] {strides = array<i32>} : memref<3x40x144xf32, #tpu.memory_space<vmem>>, vector<16xf32>,
        tpu.vector_store %arg17[%swap3A_1466, %swap3A_1467, %swap3A_1468], %div3A_1465 {strides = array<i32>} : memref<3x40x144xf32, #tpu.memory_space<vmem>>, vector<16xf32>,
        %get3A_1470 = arith.index_cast %rem3A_314 : i32 to index
        %get3A_1471 = arith.index_cast %scan3A_1398 : i32 to index
        %get3A_1472 = arith.constant 48 : index
        %get3A_1473 = tpu.vector_load %arg17[%get3A_1470, %get3A_1471, %get3A_1472] {strides = array<i32>} : memref<3x40x144xf32, #tpu.memory_space<vmem>>, vector<16xf32>,
        %add3A_1474 = arith.addf %get3A_1473, %bitcast3A_1452 : vector<16xf32>
        %neg3A_1475 = arith.constant 0.000000e+00 : f32
        %neg3A_1476 = vector.broadcast %neg3A_1475 : f32 to vector<16xf32>
        %neg3A_1477 = arith.subf %neg3A_1476, %add3A_1474 : vector<16xf32>
        %exp3A_1478 = math.exp %neg3A_1477 : vector<16xf32>
        %add3A_1479 = arith.constant 1.000000e+00 : f32
        %add3A_1480 = vector.broadcast %add3A_1479 : f32 to vector<16xf32>
        %add3A_1481 = arith.addf %add3A_1480, %exp3A_1478 : vector<16xf32>
        %div3A_1482 = arith.divf %add3A_1474, %add3A_1481 : vector<16xf32>
        %swap3A_1483 = arith.index_cast %rem3A_314 : i32 to index
        %swap3A_1484 = arith.index_cast %scan3A_1398 : i32 to index
        %swap3A_1485 = arith.constant 48 : index
        %swap3A_1486 = tpu.vector_load %arg17[%swap3A_1483, %swap3A_1484, %swap3A_1485] {strides = array<i32>} : memref<3x40x144xf32, #tpu.memory_space<vmem>>, vector<16xf32>,
        tpu.vector_store %arg17[%swap3A_1483, %swap3A_1484, %swap3A_1485], %div3A_1482 {strides = array<i32>} : memref<3x40x144xf32, #tpu.memory_space<vmem>>, vector<16xf32>,
        %get3A_1487 = arith.index_cast %rem3A_316 : i32 to index
        %get3A_1488 = arith.index_cast %scan3A_1398 : i32 to index
        %get3A_1489 = arith.constant 32 : index
        %get3A_1490 = tpu.vector_load %arg15[%get3A_1487, %get3A_1488, %get3A_1489] {strides = array<i32>} : memref<2x40x64xi32, #tpu.memory_space<vmem>>, vector<16xi32>,
        %shift_left3A_1491 = arith.constant 16 : i32
        %shift_left3A_1492 = vector.broadcast %shift_left3A_1491 : i32 to vector<16xi32>
        %shift_left3A_1493 = arith.shli %get3A_1490, %shift_left3A_1492 : vector<16xi32>
        %bitcast3A_1494 = vector.bitcast %shift_left3A_1493 : vector<16xi32> to vector<16xf32>
        %and3A_1495 = arith.andi %get3A_1490, %broadcast_in_dim3A_317 : vector<16xi32>
        %bitcast3A_1496 = vector.bitcast %and3A_1495 : vector<16xi32> to vector<16xf32>
        %get3A_1497 = arith.index_cast %rem3A_314 : i32 to index
        %get3A_1498 = arith.index_cast %scan3A_1398 : i32 to index
        %get3A_1499 = arith.constant 64 : index
        %get3A_1500 = tpu.vector_load %arg17[%get3A_1497, %get3A_1498, %get3A_1499] {strides = array<i32>} : memref<3x40x144xf32, #tpu.memory_space<vmem>>, vector<16xf32>,
        %add3A_1501 = arith.addf %get3A_1500, %bitcast3A_1494 : vector<16xf32>
        %neg3A_1502 = arith.constant 0.000000e+00 : f32
        %neg3A_1503 = vector.broadcast %neg3A_1502 : f32 to vector<16xf32>
        %neg3A_1504 = arith.subf %neg3A_1503, %add3A_1501 : vector<16xf32>
        %exp3A_1505 = math.exp %neg3A_1504 : vector<16xf32>
        %add3A_1506 = arith.constant 1.000000e+00 : f32
        %add3A_1507 = vector.broadcast %add3A_1506 : f32 to vector<16xf32>
        %add3A_1508 = arith.addf %add3A_1507, %exp3A_1505 : vector<16xf32>
        %div3A_1509 = arith.divf %add3A_1501, %add3A_1508 : vector<16xf32>
        %swap3A_1510 = arith.index_cast %rem3A_314 : i32 to index
        %swap3A_1511 = arith.index_cast %scan3A_1398 : i32 to index
        %swap3A_1512 = arith.constant 64 : index
        %swap3A_1513 = tpu.vector_load %arg17[%swap3A_1510, %swap3A_1511, %swap3A_1512] {strides = array<i32>} : memref<3x40x144xf32, #tpu.memory_space<vmem>>, vector<16xf32>,
        tpu.vector_store %arg17[%swap3A_1510, %swap3A_1511, %swap3A_1512], %div3A_1509 {strides = array<i32>} : memref<3x40x144xf32, #tpu.memory_space<vmem>>, vector<16xf32>,
        %get3A_1514 = arith.index_cast %rem3A_314 : i32 to index
        %get3A_1515 = arith.index_cast %scan3A_1398 : i32 to index
        %get3A_1516 = arith.constant 80 : index
        %get3A_1517 = tpu.vector_load %arg17[%get3A_1514, %get3A_1515, %get3A_1516] {strides = array<i32>} : memref<3x40x144xf32, #tpu.memory_space<vmem>>, vector<16xf32>,
        %add3A_1518 = arith.addf %get3A_1517, %bitcast3A_1496 : vector<16xf32>
        %neg3A_1519 = arith.constant 0.000000e+00 : f32
        %neg3A_1520 = vector.broadcast %neg3A_1519 : f32 to vector<16xf32>
        %neg3A_1521 = arith.subf %neg3A_1520, %add3A_1518 : vector<16xf32>
        %exp3A_1522 = math.exp %neg3A_1521 : vector<16xf32>
        %add3A_1523 = arith.constant 1.000000e+00 : f32
        %add3A_1524 = vector.broadcast %add3A_1523 : f32 to vector<16xf32>
        %add3A_1525 = arith.addf %add3A_1524, %exp3A_1522 : vector<16xf32>
        %div3A_1526 = arith.divf %add3A_1518, %add3A_1525 : vector<16xf32>
        %swap3A_1527 = arith.index_cast %rem3A_314 : i32 to index
        %swap3A_1528 = arith.index_cast %scan3A_1398 : i32 to index
        %swap3A_1529 = arith.constant 80 : index
        %swap3A_1530 = tpu.vector_load %arg17[%swap3A_1527, %swap3A_1528, %swap3A_1529] {strides = array<i32>} : memref<3x40x144xf32, #tpu.memory_space<vmem>>, vector<16xf32>,
        tpu.vector_store %arg17[%swap3A_1527, %swap3A_1528, %swap3A_1529], %div3A_1526 {strides = array<i32>} : memref<3x40x144xf32, #tpu.memory_space<vmem>>, vector<16xf32>,
        %get3A_1531 = arith.index_cast %rem3A_316 : i32 to index
        %get3A_1532 = arith.index_cast %scan3A_1398 : i32 to index
        %get3A_1533 = arith.constant 48 : index
        %get3A_1534 = tpu.vector_load %arg15[%get3A_1531, %get3A_1532, %get3A_1533] {strides = array<i32>} : memref<2x40x64xi32, #tpu.memory_space<vmem>>, vector<16xi32>,
        %shift_left3A_1535 = arith.constant 16 : i32
        %shift_left3A_1536 = vector.broadcast %shift_left3A_1535 : i32 to vector<16xi32>
        %shift_left3A_1537 = arith.shli %get3A_1534, %shift_left3A_1536 : vector<16xi32>
        %bitcast3A_1538 = vector.bitcast %shift_left3A_1537 : vector<16xi32> to vector<16xf32>
        %and3A_1539 = arith.andi %get3A_1534, %broadcast_in_dim3A_317 : vector<16xi32>
        %bitcast3A_1540 = vector.bitcast %and3A_1539 : vector<16xi32> to vector<16xf32>
        %get3A_1541 = arith.index_cast %rem3A_314 : i32 to index
        %get3A_1542 = arith.index_cast %scan3A_1398 : i32 to index
        %get3A_1543 = arith.constant 96 : index
        %get3A_1544 = tpu.vector_load %arg17[%get3A_1541, %get3A_1542, %get3A_1543] {strides = array<i32>} : memref<3x40x144xf32, #tpu.memory_space<vmem>>, vector<16xf32>,
        %add3A_1545 = arith.addf %get3A_1544, %bitcast3A_1538 : vector<16xf32>
        %neg3A_1546 = arith.constant 0.000000e+00 : f32
        %neg3A_1547 = vector.broadcast %neg3A_1546 : f32 to vector<16xf32>
        %neg3A_1548 = arith.subf %neg3A_1547, %add3A_1545 : vector<16xf32>
        %exp3A_1549 = math.exp %neg3A_1548 : vector<16xf32>
        %add3A_1550 = arith.constant 1.000000e+00 : f32
        %add3A_1551 = vector.broadcast %add3A_1550 : f32 to vector<16xf32>
        %add3A_1552 = arith.addf %add3A_1551, %exp3A_1549 : vector<16xf32>
        %div3A_1553 = arith.divf %add3A_1545, %add3A_1552 : vector<16xf32>
        %swap3A_1554 = arith.index_cast %rem3A_314 : i32 to index
        %swap3A_1555 = arith.index_cast %scan3A_1398 : i32 to index
        %swap3A_1556 = arith.constant 96 : index
        %swap3A_1557 = tpu.vector_load %arg17[%swap3A_1554, %swap3A_1555, %swap3A_1556] {strides = array<i32>} : memref<3x40x144xf32, #tpu.memory_space<vmem>>, vector<16xf32>,
        tpu.vector_store %arg17[%swap3A_1554, %swap3A_1555, %swap3A_1556], %div3A_1553 {strides = array<i32>} : memref<3x40x144xf32, #tpu.memory_space<vmem>>, vector<16xf32>,
        %get3A_1558 = arith.index_cast %rem3A_314 : i32 to index
        %get3A_1559 = arith.index_cast %scan3A_1398 : i32 to index
        %get3A_1560 = arith.constant 112 : index
        %get3A_1561 = tpu.vector_load %arg17[%get3A_1558, %get3A_1559, %get3A_1560] {strides = array<i32>} : memref<3x40x144xf32, #tpu.memory_space<vmem>>, vector<16xf32>,
        %add3A_1562 = arith.addf %get3A_1561, %bitcast3A_1540 : vector<16xf32>
        %neg3A_1563 = arith.constant 0.000000e+00 : f32
        %neg3A_1564 = vector.broadcast %neg3A_1563 : f32 to vector<16xf32>
        %neg3A_1565 = arith.subf %neg3A_1564, %add3A_1562 : vector<16xf32>
        %exp3A_1566 = math.exp %neg3A_1565 : vector<16xf32>
        %add3A_1567 = arith.constant 1.000000e+00 : f32
        %add3A_1568 = vector.broadcast %add3A_1567 : f32 to vector<16xf32>
        %add3A_1569 = arith.addf %add3A_1568, %exp3A_1566 : vector<16xf32>
        %div3A_1570 = arith.divf %add3A_1562, %add3A_1569 : vector<16xf32>
        %swap3A_1571 = arith.index_cast %rem3A_314 : i32 to index
        %swap3A_1572 = arith.index_cast %scan3A_1398 : i32 to index
        %swap3A_1573 = arith.constant 112 : index
        %swap3A_1574 = tpu.vector_load %arg17[%swap3A_1571, %swap3A_1572, %swap3A_1573] {strides = array<i32>} : memref<3x40x144xf32, #tpu.memory_space<vmem>>, vector<16xf32>,
        tpu.vector_store %arg17[%swap3A_1571, %swap3A_1572, %swap3A_1573], %div3A_1570 {strides = array<i32>} : memref<3x40x144xf32, #tpu.memory_space<vmem>>, vector<16xf32>,
        %scan3A_1575 = arith.constant 7 : i32
        %scan3A_1576 = arith.addi %scan3A_338, %scan3A_1575 : i32
        %get3A_1577 = arith.index_cast %rem3A_316 : i32 to index
        %get3A_1578 = arith.index_cast %scan3A_1576 : i32 to index
        %get3A_1579 = arith.constant 0 : index
        %get3A_1580 = tpu.vector_load %arg15[%get3A_1577, %get3A_1578, %get3A_1579] {strides = array<i32>} : memref<2x40x64xi32, #tpu.memory_space<vmem>>, vector<16xi32>,
        %shift_left3A_1581 = arith.constant 16 : i32
        %shift_left3A_1582 = vector.broadcast %shift_left3A_1581 : i32 to vector<16xi32>
        %shift_left3A_1583 = arith.shli %get3A_1580, %shift_left3A_1582 : vector<16xi32>
        %bitcast3A_1584 = vector.bitcast %shift_left3A_1583 : vector<16xi32> to vector<16xf32>
        %and3A_1585 = arith.andi %get3A_1580, %broadcast_in_dim3A_317 : vector<16xi32>
        %bitcast3A_1586 = vector.bitcast %and3A_1585 : vector<16xi32> to vector<16xf32>
        %get3A_1587 = arith.index_cast %rem3A_314 : i32 to index
        %get3A_1588 = arith.index_cast %scan3A_1576 : i32 to index
        %get3A_1589 = arith.constant 0 : index
        %get3A_1590 = tpu.vector_load %arg17[%get3A_1587, %get3A_1588, %get3A_1589] {strides = array<i32>} : memref<3x40x144xf32, #tpu.memory_space<vmem>>, vector<16xf32>,
        %add3A_1591 = arith.addf %get3A_1590, %bitcast3A_1584 : vector<16xf32>
        %neg3A_1592 = arith.constant 0.000000e+00 : f32
        %neg3A_1593 = vector.broadcast %neg3A_1592 : f32 to vector<16xf32>
        %neg3A_1594 = arith.subf %neg3A_1593, %add3A_1591 : vector<16xf32>
        %exp3A_1595 = math.exp %neg3A_1594 : vector<16xf32>
        %add3A_1596 = arith.constant 1.000000e+00 : f32
        %add3A_1597 = vector.broadcast %add3A_1596 : f32 to vector<16xf32>
        %add3A_1598 = arith.addf %add3A_1597, %exp3A_1595 : vector<16xf32>
        %div3A_1599 = arith.divf %add3A_1591, %add3A_1598 : vector<16xf32>
        %swap3A_1600 = arith.index_cast %rem3A_314 : i32 to index
        %swap3A_1601 = arith.index_cast %scan3A_1576 : i32 to index
        %swap3A_1602 = arith.constant 0 : index
        %swap3A_1603 = tpu.vector_load %arg17[%swap3A_1600, %swap3A_1601, %swap3A_1602] {strides = array<i32>} : memref<3x40x144xf32, #tpu.memory_space<vmem>>, vector<16xf32>,
        tpu.vector_store %arg17[%swap3A_1600, %swap3A_1601, %swap3A_1602], %div3A_1599 {strides = array<i32>} : memref<3x40x144xf32, #tpu.memory_space<vmem>>, vector<16xf32>,
        %get3A_1604 = arith.index_cast %rem3A_314 : i32 to index
        %get3A_1605 = arith.index_cast %scan3A_1576 : i32 to index
        %get3A_1606 = arith.constant 16 : index
        %get3A_1607 = tpu.vector_load %arg17[%get3A_1604, %get3A_1605, %get3A_1606] {strides = array<i32>} : memref<3x40x144xf32, #tpu.memory_space<vmem>>, vector<16xf32>,
        %add3A_1608 = arith.addf %get3A_1607, %bitcast3A_1586 : vector<16xf32>
        %neg3A_1609 = arith.constant 0.000000e+00 : f32
        %neg3A_1610 = vector.broadcast %neg3A_1609 : f32 to vector<16xf32>
        %neg3A_1611 = arith.subf %neg3A_1610, %add3A_1608 : vector<16xf32>
        %exp3A_1612 = math.exp %neg3A_1611 : vector<16xf32>
        %add3A_1613 = arith.constant 1.000000e+00 : f32
        %add3A_1614 = vector.broadcast %add3A_1613 : f32 to vector<16xf32>
        %add3A_1615 = arith.addf %add3A_1614, %exp3A_1612 : vector<16xf32>
        %div3A_1616 = arith.divf %add3A_1608, %add3A_1615 : vector<16xf32>
        %swap3A_1617 = arith.index_cast %rem3A_314 : i32 to index
        %swap3A_1618 = arith.index_cast %scan3A_1576 : i32 to index
        %swap3A_1619 = arith.constant 16 : index
        %swap3A_1620 = tpu.vector_load %arg17[%swap3A_1617, %swap3A_1618, %swap3A_1619] {strides = array<i32>} : memref<3x40x144xf32, #tpu.memory_space<vmem>>, vector<16xf32>,
        tpu.vector_store %arg17[%swap3A_1617, %swap3A_1618, %swap3A_1619], %div3A_1616 {strides = array<i32>} : memref<3x40x144xf32, #tpu.memory_space<vmem>>, vector<16xf32>,
        %get3A_1621 = arith.index_cast %rem3A_316 : i32 to index
        %get3A_1622 = arith.index_cast %scan3A_1576 : i32 to index
        %get3A_1623 = arith.constant 16 : index
        %get3A_1624 = tpu.vector_load %arg15[%get3A_1621, %get3A_1622, %get3A_1623] {strides = array<i32>} : memref<2x40x64xi32, #tpu.memory_space<vmem>>, vector<16xi32>,
        %shift_left3A_1625 = arith.constant 16 : i32
        %shift_left3A_1626 = vector.broadcast %shift_left3A_1625 : i32 to vector<16xi32>
        %shift_left3A_1627 = arith.shli %get3A_1624, %shift_left3A_1626 : vector<16xi32>
        %bitcast3A_1628 = vector.bitcast %shift_left3A_1627 : vector<16xi32> to vector<16xf32>
        %and3A_1629 = arith.andi %get3A_1624, %broadcast_in_dim3A_317 : vector<16xi32>
        %bitcast3A_1630 = vector.bitcast %and3A_1629 : vector<16xi32> to vector<16xf32>
        %get3A_1631 = arith.index_cast %rem3A_314 : i32 to index
        %get3A_1632 = arith.index_cast %scan3A_1576 : i32 to index
        %get3A_1633 = arith.constant 32 : index
        %get3A_1634 = tpu.vector_load %arg17[%get3A_1631, %get3A_1632, %get3A_1633] {strides = array<i32>} : memref<3x40x144xf32, #tpu.memory_space<vmem>>, vector<16xf32>,
        %add3A_1635 = arith.addf %get3A_1634, %bitcast3A_1628 : vector<16xf32>
        %neg3A_1636 = arith.constant 0.000000e+00 : f32
        %neg3A_1637 = vector.broadcast %neg3A_1636 : f32 to vector<16xf32>
        %neg3A_1638 = arith.subf %neg3A_1637, %add3A_1635 : vector<16xf32>
        %exp3A_1639 = math.exp %neg3A_1638 : vector<16xf32>
        %add3A_1640 = arith.constant 1.000000e+00 : f32
        %add3A_1641 = vector.broadcast %add3A_1640 : f32 to vector<16xf32>
        %add3A_1642 = arith.addf %add3A_1641, %exp3A_1639 : vector<16xf32>
        %div3A_1643 = arith.divf %add3A_1635, %add3A_1642 : vector<16xf32>
        %swap3A_1644 = arith.index_cast %rem3A_314 : i32 to index
        %swap3A_1645 = arith.index_cast %scan3A_1576 : i32 to index
        %swap3A_1646 = arith.constant 32 : index
        %swap3A_1647 = tpu.vector_load %arg17[%swap3A_1644, %swap3A_1645, %swap3A_1646] {strides = array<i32>} : memref<3x40x144xf32, #tpu.memory_space<vmem>>, vector<16xf32>,
        tpu.vector_store %arg17[%swap3A_1644, %swap3A_1645, %swap3A_1646], %div3A_1643 {strides = array<i32>} : memref<3x40x144xf32, #tpu.memory_space<vmem>>, vector<16xf32>,
        %get3A_1648 = arith.index_cast %rem3A_314 : i32 to index
        %get3A_1649 = arith.index_cast %scan3A_1576 : i32 to index
        %get3A_1650 = arith.constant 48 : index
        %get3A_1651 = tpu.vector_load %arg17[%get3A_1648, %get3A_1649, %get3A_1650] {strides = array<i32>} : memref<3x40x144xf32, #tpu.memory_space<vmem>>, vector<16xf32>,
        %add3A_1652 = arith.addf %get3A_1651, %bitcast3A_1630 : vector<16xf32>
        %neg3A_1653 = arith.constant 0.000000e+00 : f32
        %neg3A_1654 = vector.broadcast %neg3A_1653 : f32 to vector<16xf32>
        %neg3A_1655 = arith.subf %neg3A_1654, %add3A_1652 : vector<16xf32>
        %exp3A_1656 = math.exp %neg3A_1655 : vector<16xf32>
        %add3A_1657 = arith.constant 1.000000e+00 : f32
        %add3A_1658 = vector.broadcast %add3A_1657 : f32 to vector<16xf32>
        %add3A_1659 = arith.addf %add3A_1658, %exp3A_1656 : vector<16xf32>
        %div3A_1660 = arith.divf %add3A_1652, %add3A_1659 : vector<16xf32>
        %swap3A_1661 = arith.index_cast %rem3A_314 : i32 to index
        %swap3A_1662 = arith.index_cast %scan3A_1576 : i32 to index
        %swap3A_1663 = arith.constant 48 : index
        %swap3A_1664 = tpu.vector_load %arg17[%swap3A_1661, %swap3A_1662, %swap3A_1663] {strides = array<i32>} : memref<3x40x144xf32, #tpu.memory_space<vmem>>, vector<16xf32>,
        tpu.vector_store %arg17[%swap3A_1661, %swap3A_1662, %swap3A_1663], %div3A_1660 {strides = array<i32>} : memref<3x40x144xf32, #tpu.memory_space<vmem>>, vector<16xf32>,
        %get3A_1665 = arith.index_cast %rem3A_316 : i32 to index
        %get3A_1666 = arith.index_cast %scan3A_1576 : i32 to index
        %get3A_1667 = arith.constant 32 : index
        %get3A_1668 = tpu.vector_load %arg15[%get3A_1665, %get3A_1666, %get3A_1667] {strides = array<i32>} : memref<2x40x64xi32, #tpu.memory_space<vmem>>, vector<16xi32>,
        %shift_left3A_1669 = arith.constant 16 : i32
        %shift_left3A_1670 = vector.broadcast %shift_left3A_1669 : i32 to vector<16xi32>
        %shift_left3A_1671 = arith.shli %get3A_1668, %shift_left3A_1670 : vector<16xi32>
        %bitcast3A_1672 = vector.bitcast %shift_left3A_1671 : vector<16xi32> to vector<16xf32>
        %and3A_1673 = arith.andi %get3A_1668, %broadcast_in_dim3A_317 : vector<16xi32>
        %bitcast3A_1674 = vector.bitcast %and3A_1673 : vector<16xi32> to vector<16xf32>
        %get3A_1675 = arith.index_cast %rem3A_314 : i32 to index
        %get3A_1676 = arith.index_cast %scan3A_1576 : i32 to index
        %get3A_1677 = arith.constant 64 : index
        %get3A_1678 = tpu.vector_load %arg17[%get3A_1675, %get3A_1676, %get3A_1677] {strides = array<i32>} : memref<3x40x144xf32, #tpu.memory_space<vmem>>, vector<16xf32>,
        %add3A_1679 = arith.addf %get3A_1678, %bitcast3A_1672 : vector<16xf32>
        %neg3A_1680 = arith.constant 0.000000e+00 : f32
        %neg3A_1681 = vector.broadcast %neg3A_1680 : f32 to vector<16xf32>
        %neg3A_1682 = arith.subf %neg3A_1681, %add3A_1679 : vector<16xf32>
        %exp3A_1683 = math.exp %neg3A_1682 : vector<16xf32>
        %add3A_1684 = arith.constant 1.000000e+00 : f32
        %add3A_1685 = vector.broadcast %add3A_1684 : f32 to vector<16xf32>
        %add3A_1686 = arith.addf %add3A_1685, %exp3A_1683 : vector<16xf32>
        %div3A_1687 = arith.divf %add3A_1679, %add3A_1686 : vector<16xf32>
        %swap3A_1688 = arith.index_cast %rem3A_314 : i32 to index
        %swap3A_1689 = arith.index_cast %scan3A_1576 : i32 to index
        %swap3A_1690 = arith.constant 64 : index
        %swap3A_1691 = tpu.vector_load %arg17[%swap3A_1688, %swap3A_1689, %swap3A_1690] {strides = array<i32>} : memref<3x40x144xf32, #tpu.memory_space<vmem>>, vector<16xf32>,
        tpu.vector_store %arg17[%swap3A_1688, %swap3A_1689, %swap3A_1690], %div3A_1687 {strides = array<i32>} : memref<3x40x144xf32, #tpu.memory_space<vmem>>, vector<16xf32>,
        %get3A_1692 = arith.index_cast %rem3A_314 : i32 to index
        %get3A_1693 = arith.index_cast %scan3A_1576 : i32 to index
        %get3A_1694 = arith.constant 80 : index
        %get3A_1695 = tpu.vector_load %arg17[%get3A_1692, %get3A_1693, %get3A_1694] {strides = array<i32>} : memref<3x40x144xf32, #tpu.memory_space<vmem>>, vector<16xf32>,
        %add3A_1696 = arith.addf %get3A_1695, %bitcast3A_1674 : vector<16xf32>
        %neg3A_1697 = arith.constant 0.000000e+00 : f32
        %neg3A_1698 = vector.broadcast %neg3A_1697 : f32 to vector<16xf32>
        %neg3A_1699 = arith.subf %neg3A_1698, %add3A_1696 : vector<16xf32>
        %exp3A_1700 = math.exp %neg3A_1699 : vector<16xf32>
        %add3A_1701 = arith.constant 1.000000e+00 : f32
        %add3A_1702 = vector.broadcast %add3A_1701 : f32 to vector<16xf32>
        %add3A_1703 = arith.addf %add3A_1702, %exp3A_1700 : vector<16xf32>
        %div3A_1704 = arith.divf %add3A_1696, %add3A_1703 : vector<16xf32>
        %swap3A_1705 = arith.index_cast %rem3A_314 : i32 to index
        %swap3A_1706 = arith.index_cast %scan3A_1576 : i32 to index
        %swap3A_1707 = arith.constant 80 : index
        %swap3A_1708 = tpu.vector_load %arg17[%swap3A_1705, %swap3A_1706, %swap3A_1707] {strides = array<i32>} : memref<3x40x144xf32, #tpu.memory_space<vmem>>, vector<16xf32>,
        tpu.vector_store %arg17[%swap3A_1705, %swap3A_1706, %swap3A_1707], %div3A_1704 {strides = array<i32>} : memref<3x40x144xf32, #tpu.memory_space<vmem>>, vector<16xf32>,
        %get3A_1709 = arith.index_cast %rem3A_316 : i32 to index
        %get3A_1710 = arith.index_cast %scan3A_1576 : i32 to index
        %get3A_1711 = arith.constant 48 : index
        %get3A_1712 = tpu.vector_load %arg15[%get3A_1709, %get3A_1710, %get3A_1711] {strides = array<i32>} : memref<2x40x64xi32, #tpu.memory_space<vmem>>, vector<16xi32>,
        %shift_left3A_1713 = arith.constant 16 : i32
        %shift_left3A_1714 = vector.broadcast %shift_left3A_1713 : i32 to vector<16xi32>
        %shift_left3A_1715 = arith.shli %get3A_1712, %shift_left3A_1714 : vector<16xi32>
        %bitcast3A_1716 = vector.bitcast %shift_left3A_1715 : vector<16xi32> to vector<16xf32>
        %and3A_1717 = arith.andi %get3A_1712, %broadcast_in_dim3A_317 : vector<16xi32>
        %bitcast3A_1718 = vector.bitcast %and3A_1717 : vector<16xi32> to vector<16xf32>
        %get3A_1719 = arith.index_cast %rem3A_314 : i32 to index
        %get3A_1720 = arith.index_cast %scan3A_1576 : i32 to index
        %get3A_1721 = arith.constant 96 : index
        %get3A_1722 = tpu.vector_load %arg17[%get3A_1719, %get3A_1720, %get3A_1721] {strides = array<i32>} : memref<3x40x144xf32, #tpu.memory_space<vmem>>, vector<16xf32>,
        %add3A_1723 = arith.addf %get3A_1722, %bitcast3A_1716 : vector<16xf32>
        %neg3A_1724 = arith.constant 0.000000e+00 : f32
        %neg3A_1725 = vector.broadcast %neg3A_1724 : f32 to vector<16xf32>
        %neg3A_1726 = arith.subf %neg3A_1725, %add3A_1723 : vector<16xf32>
        %exp3A_1727 = math.exp %neg3A_1726 : vector<16xf32>
        %add3A_1728 = arith.constant 1.000000e+00 : f32
        %add3A_1729 = vector.broadcast %add3A_1728 : f32 to vector<16xf32>
        %add3A_1730 = arith.addf %add3A_1729, %exp3A_1727 : vector<16xf32>
        %div3A_1731 = arith.divf %add3A_1723, %add3A_1730 : vector<16xf32>
        %swap3A_1732 = arith.index_cast %rem3A_314 : i32 to index
        %swap3A_1733 = arith.index_cast %scan3A_1576 : i32 to index
        %swap3A_1734 = arith.constant 96 : index
        %swap3A_1735 = tpu.vector_load %arg17[%swap3A_1732, %swap3A_1733, %swap3A_1734] {strides = array<i32>} : memref<3x40x144xf32, #tpu.memory_space<vmem>>, vector<16xf32>,
        tpu.vector_store %arg17[%swap3A_1732, %swap3A_1733, %swap3A_1734], %div3A_1731 {strides = array<i32>} : memref<3x40x144xf32, #tpu.memory_space<vmem>>, vector<16xf32>,
        %get3A_1736 = arith.index_cast %rem3A_314 : i32 to index
        %get3A_1737 = arith.index_cast %scan3A_1576 : i32 to index
        %get3A_1738 = arith.constant 112 : index
        %get3A_1739 = tpu.vector_load %arg17[%get3A_1736, %get3A_1737, %get3A_1738] {strides = array<i32>} : memref<3x40x144xf32, #tpu.memory_space<vmem>>, vector<16xf32>,
        %add3A_1740 = arith.addf %get3A_1739, %bitcast3A_1718 : vector<16xf32>
        %neg3A_1741 = arith.constant 0.000000e+00 : f32
        %neg3A_1742 = vector.broadcast %neg3A_1741 : f32 to vector<16xf32>
        %neg3A_1743 = arith.subf %neg3A_1742, %add3A_1740 : vector<16xf32>
        %exp3A_1744 = math.exp %neg3A_1743 : vector<16xf32>
        %add3A_1745 = arith.constant 1.000000e+00 : f32
        %add3A_1746 = vector.broadcast %add3A_1745 : f32 to vector<16xf32>
        %add3A_1747 = arith.addf %add3A_1746, %exp3A_1744 : vector<16xf32>
        %div3A_1748 = arith.divf %add3A_1740, %add3A_1747 : vector<16xf32>
        %swap3A_1749 = arith.index_cast %rem3A_314 : i32 to index
        %swap3A_1750 = arith.index_cast %scan3A_1576 : i32 to index
        %swap3A_1751 = arith.constant 112 : index
        %swap3A_1752 = tpu.vector_load %arg17[%swap3A_1749, %swap3A_1750, %swap3A_1751] {strides = array<i32>} : memref<3x40x144xf32, #tpu.memory_space<vmem>>, vector<16xf32>,
        tpu.vector_store %arg17[%swap3A_1749, %swap3A_1750, %swap3A_1751], %div3A_1748 {strides = array<i32>} : memref<3x40x144xf32, #tpu.memory_space<vmem>>, vector<16xf32>,
      }
      %scan3A_323 = arith.constant 40 : i32
      %rem3A_324 = arith.constant 3 : i32
      %rem3A_325 = arith.remsi %scan3A_266, %rem3A_324 : i32
      %rem3A_326 = arith.constant 4 : i32
      %rem3A_327 = arith.remsi %scan3A_266, %rem3A_326 : i32
      %dma_start3A_328 = arith.constant 0 : i32
      %dma_start3A_329 = arith.constant 0 : i32
      %dma_start3A_330 = tpu.memref_slice %arg17[%rem3A_325, %dma_start3A_328, %dma_start3A_329] : memref<3x40x144xf32, #tpu.memory_space<vmem>> -> memref<1x40x144xf32, #tpu.memory_space<vmem>>
      %dma_start3A_331 = tpu.memref_squeeze %dma_start3A_330 : memref<1x40x144xf32, #tpu.memory_space<vmem>> -> memref<40x144xf32, #tpu.memory_space<vmem>>
      %dma_start3A_332 = arith.constant 0 : i32
      %dma_start3A_333 = tpu.memref_slice %arg13[%rem3A_327, %dma_start3A_332] : memref<4x40xi32, #tpu.memory_space<vmem>> -> memref<1x40xi32, #tpu.memory_space<vmem>>
      %dma_start3A_334 = tpu.memref_squeeze %dma_start3A_333 : memref<1x40xi32, #tpu.memory_space<vmem>> -> memref<40xi32, #tpu.memory_space<vmem>>
      %dma_start3A_335 = arith.constant 0 : i32
      %dma_start3A_336 = arith.constant 0 : i32
      %dma_start3A_337 = tpu.memref_slice %arg18[%dma_start3A_335, %dma_start3A_336] : memref<10240x144xf32, #tpu.memory_space<vmem_shared>> -> memref<10240x144xf32, #tpu.memory_space<vmem_shared>>
      tpu.enqueue_indirect_dma source(%dma_start3A_331 : memref<40x144xf32, #tpu.memory_space<vmem>>) target(%dma_start3A_337 : memref<10240x144xf32, #tpu.memory_space<vmem_shared>>) offsets(%dma_start3A_334 : memref<40xi32, #tpu.memory_space<vmem>>) semaphore(%arg21 : memref<!tpu.dma_semaphore, #tpu.memory_space<semaphore_mem>>) {add = true}
    }
    %scan3A_230 = arith.constant 500 : i32
    %rem3A_231 = arith.constant 498 : i32
    %rem3A_232 = arith.constant 3 : i32
    %rem3A_233 = arith.remsi %rem3A_231, %rem3A_232 : i32
    %rem3A_234 = arith.constant 498 : i32
    %rem3A_235 = arith.constant 4 : i32
    %rem3A_236 = arith.remsi %rem3A_234, %rem3A_235 : i32
    %dma_wait3A_237 = arith.constant 0 : i32
    %dma_wait3A_238 = arith.constant 0 : i32
    %dma_wait3A_239 = tpu.memref_slice %arg17[%rem3A_233, %dma_wait3A_237, %dma_wait3A_238] : memref<3x40x144xf32, #tpu.memory_space<vmem>> -> memref<1x40x144xf32, #tpu.memory_space<vmem>>
    %dma_wait3A_240 = tpu.memref_squeeze %dma_wait3A_239 : memref<1x40x144xf32, #tpu.memory_space<vmem>> -> memref<40x144xf32, #tpu.memory_space<vmem>>
    %dma_wait3A_241 = arith.constant 0 : i32
    %dma_wait3A_242 = tpu.memref_slice %arg13[%rem3A_236, %dma_wait3A_241] : memref<4x40xi32, #tpu.memory_space<vmem>> -> memref<1x40xi32, #tpu.memory_space<vmem>>
    %dma_wait3A_243 = tpu.memref_squeeze %dma_wait3A_242 : memref<1x40xi32, #tpu.memory_space<vmem>> -> memref<40xi32, #tpu.memory_space<vmem>>
    %dma_wait3A_244 = arith.constant 0 : i32
    %dma_wait3A_245 = arith.constant 0 : i32
    %dma_wait3A_246 = tpu.memref_slice %arg18[%dma_wait3A_244, %dma_wait3A_245] : memref<10240x144xf32, #tpu.memory_space<vmem_shared>> -> memref<10240x144xf32, #tpu.memory_space<vmem_shared>>
    tpu.wait_indirect_dma semaphore(%arg21 : memref<!tpu.dma_semaphore, #tpu.memory_space<semaphore_mem>>) src(%dma_wait3A_240 : memref<40x144xf32, #tpu.memory_space<vmem>>) dst(%dma_wait3A_246 : memref<10240x144xf32, #tpu.memory_space<vmem_shared>>)
    %rem3A_247 = arith.constant 499 : i32
    %rem3A_248 = arith.constant 3 : i32
    %rem3A_249 = arith.remsi %rem3A_247, %rem3A_248 : i32
    %rem3A_250 = arith.constant 499 : i32
    %rem3A_251 = arith.constant 4 : i32
    %rem3A_252 = arith.remsi %rem3A_250, %rem3A_251 : i32
    %dma_wait3A_253 = arith.constant 0 : i32
    %dma_wait3A_254 = arith.constant 0 : i32
    %dma_wait3A_255 = tpu.memref_slice %arg17[%rem3A_249, %dma_wait3A_253, %dma_wait3A_254] : memref<3x40x144xf32, #tpu.memory_space<vmem>> -> memref<1x40x144xf32, #tpu.memory_space<vmem>>
    %dma_wait3A_256 = tpu.memref_squeeze %dma_wait3A_255 : memref<1x40x144xf32, #tpu.memory_space<vmem>> -> memref<40x144xf32, #tpu.memory_space<vmem>>
    %dma_wait3A_257 = arith.constant 0 : i32
    %dma_wait3A_258 = tpu.memref_slice %arg13[%rem3A_252, %dma_wait3A_257] : memref<4x40xi32, #tpu.memory_space<vmem>> -> memref<1x40xi32, #tpu.memory_space<vmem>>
    %dma_wait3A_259 = tpu.memref_squeeze %dma_wait3A_258 : memref<1x40xi32, #tpu.memory_space<vmem>> -> memref<40xi32, #tpu.memory_space<vmem>>
    %dma_wait3A_260 = arith.constant 0 : i32
    %dma_wait3A_261 = arith.constant 0 : i32
    %dma_wait3A_262 = tpu.memref_slice %arg18[%dma_wait3A_260, %dma_wait3A_261] : memref<10240x144xf32, #tpu.memory_space<vmem_shared>> -> memref<10240x144xf32, #tpu.memory_space<vmem_shared>>
    tpu.wait_indirect_dma semaphore(%arg21 : memref<!tpu.dma_semaphore, #tpu.memory_space<semaphore_mem>>) src(%dma_wait3A_256 : memref<40x144xf32, #tpu.memory_space<vmem>>) dst(%dma_wait3A_262 : memref<10240x144xf32, #tpu.memory_space<vmem_shared>>)
    %barrier3A_263 = arith.constant 0 : index
    tpu.barrier barrier_id(%barrier3A_263)
    %mul3A_264 = arith.constant 640 : i32
    %mul3A_265 = arith.muli %arg1, %mul3A_264 : i32
    "tpu.region"() ({
      %run_scoped3A = tpu.sem_alloc : memref<!tpu.dma_semaphore, #tpu.memory_space<semaphore_mem>>
      %dma_start3A_266 = arith.constant 0 : i32
      %dma_start3A_267 = tpu.memref_slice %arg12[%arg0, %mul3A_265, %dma_start3A_266] : memref<2x10240x144xf32, #tpu.memory_space<hbm>> -> memref<1x640x144xf32, #tpu.memory_space<hbm>>
      %dma_start3A_268 = tpu.memref_squeeze %dma_start3A_267 : memref<1x640x144xf32, #tpu.memory_space<hbm>> -> memref<640x144xf32, #tpu.memory_space<hbm>>
      %dma_start3A_269 = arith.constant 0 : i32
      %dma_start3A_270 = tpu.memref_slice %arg18[%mul3A_265, %dma_start3A_269] : memref<10240x144xf32, #tpu.memory_space<vmem_shared>> -> memref<640x144xf32, #tpu.memory_space<vmem_shared>>
      tpu.enqueue_dma source(%dma_start3A_270 : memref<640x144xf32, #tpu.memory_space<vmem_shared>>) target(%dma_start3A_268 : memref<640x144xf32, #tpu.memory_space<hbm>>) target_semaphore(%run_scoped3A : memref<!tpu.dma_semaphore, #tpu.memory_space<semaphore_mem>>)
      %dma_wait3A_271 = arith.constant 0 : i32
      %dma_wait3A_272 = tpu.memref_slice %arg12[%arg0, %mul3A_265, %dma_wait3A_271] : memref<2x10240x144xf32, #tpu.memory_space<hbm>> -> memref<1x640x144xf32, #tpu.memory_space<hbm>>
      %dma_wait3A_273 = tpu.memref_squeeze %dma_wait3A_272 : memref<1x640x144xf32, #tpu.memory_space<hbm>> -> memref<640x144xf32, #tpu.memory_space<hbm>>
      %dma_wait3A_274 = arith.constant 0 : i32
      %dma_wait3A_275 = tpu.memref_slice %arg18[%mul3A_265, %dma_wait3A_274] : memref<10240x144xf32, #tpu.memory_space<vmem_shared>> -> memref<640x144xf32, #tpu.memory_space<vmem_shared>>
      tpu.wait_dma2 semaphore(%run_scoped3A : memref<!tpu.dma_semaphore, #tpu.memory_space<semaphore_mem>>) src(%dma_wait3A_275 : memref<640x144xf32, #tpu.memory_space<vmem_shared>>) dst(%dma_wait3A_273 : memref<640x144xf32, #tpu.memory_space<hbm>>)
      tpu.yield
    }) : () -> ()
    return
  }
}

module attributes {stable_mosaic.version = 14 : i64} {
  func.func @_proj3_body(%arg0: memref<10000x128xf32, #tpu.memory_space<vmem>>, %arg1: memref<128x128xf32, #tpu.memory_space<vmem>>, %arg2: memref<128x128xf32, #tpu.memory_space<vmem>>, %arg3: memref<128x128xf32, #tpu.memory_space<vmem>>, %arg4: memref<10000x128xbf16, #tpu.memory_space<vmem>>, %arg5: memref<10000x128xbf16, #tpu.memory_space<vmem>>, %arg6: memref<10000x128xbf16, #tpu.memory_space<vmem>>) attributes {dimension_semantics = [], scalar_prefetch = 0 : i64, scratch_operands = 0 : i64, tpu.core_type = #tpu.core_type<tc>} {
    %get3A = arith.constant 0 : index
    %get3A_0 = arith.constant 0 : index
    %get3A_1 = vector.load %arg0[%get3A, %get3A_0] : memref<10000x128xf32, #tpu.memory_space<vmem>>, vector<10000x128xf32>
    %get3A_2 = arith.constant 0 : index
    %get3A_3 = arith.constant 0 : index
    %get3A_4 = vector.load %arg1[%get3A_2, %get3A_3] : memref<128x128xf32, #tpu.memory_space<vmem>>, vector<128x128xf32>
    %dot_general3A = arith.constant dense<0.000000e+00> : vector<10000x128xf32>
    %dot_general3A_5 = tpu.matmul %get3A_1, %get3A_4, %dot_general3A {dimension_numbers = #tpu.dot_dimension_numbers<[1], [0], [0], [1], [0, 0, 1, 1], [], []>, transpose_lhs_hint = false} : vector<10000x128xf32>, vector<128x128xf32>, vector<10000x128xf32> -> vector<10000x128xf32>
    %convert_element_type3A = arith.truncf %dot_general3A_5 : vector<10000x128xf32> to vector<10000x128xbf16>
    %swap3A = arith.constant 0 : index
    %swap3A_6 = arith.constant 0 : index
    %swap3A_7 = vector.load %arg4[%swap3A, %swap3A_6] : memref<10000x128xbf16, #tpu.memory_space<vmem>>, vector<10000x128xbf16>
    tpu.vector_store %arg4[%swap3A, %swap3A_6], %convert_element_type3A {strides = array<i32>} : memref<10000x128xbf16, #tpu.memory_space<vmem>>, vector<10000x128xbf16>,
    %get3A_8 = arith.constant 0 : index
    %get3A_9 = arith.constant 0 : index
    %get3A_10 = vector.load %arg2[%get3A_8, %get3A_9] : memref<128x128xf32, #tpu.memory_space<vmem>>, vector<128x128xf32>
    %dot_general3A_11 = arith.constant dense<0.000000e+00> : vector<10000x128xf32>
    %dot_general3A_12 = tpu.matmul %get3A_1, %get3A_10, %dot_general3A_11 {dimension_numbers = #tpu.dot_dimension_numbers<[1], [0], [0], [1], [0, 0, 1, 1], [], []>, transpose_lhs_hint = false} : vector<10000x128xf32>, vector<128x128xf32>, vector<10000x128xf32> -> vector<10000x128xf32>
    %convert_element_type3A_13 = arith.truncf %dot_general3A_12 : vector<10000x128xf32> to vector<10000x128xbf16>
    %swap3A_14 = arith.constant 0 : index
    %swap3A_15 = arith.constant 0 : index
    %swap3A_16 = vector.load %arg5[%swap3A_14, %swap3A_15] : memref<10000x128xbf16, #tpu.memory_space<vmem>>, vector<10000x128xbf16>
    tpu.vector_store %arg5[%swap3A_14, %swap3A_15], %convert_element_type3A_13 {strides = array<i32>} : memref<10000x128xbf16, #tpu.memory_space<vmem>>, vector<10000x128xbf16>,
    %get3A_17 = arith.constant 0 : index
    %get3A_18 = arith.constant 0 : index
    %get3A_19 = vector.load %arg3[%get3A_17, %get3A_18] : memref<128x128xf32, #tpu.memory_space<vmem>>, vector<128x128xf32>
    %dot_general3A_20 = arith.constant dense<0.000000e+00> : vector<10000x128xf32>
    %dot_general3A_21 = tpu.matmul %get3A_1, %get3A_19, %dot_general3A_20 {dimension_numbers = #tpu.dot_dimension_numbers<[1], [0], [0], [1], [0, 0, 1, 1], [], []>, transpose_lhs_hint = false} : vector<10000x128xf32>, vector<128x128xf32>, vector<10000x128xf32> -> vector<10000x128xf32>
    %convert_element_type3A_22 = arith.truncf %dot_general3A_21 : vector<10000x128xf32> to vector<10000x128xbf16>
    %swap3A_23 = arith.constant 0 : index
    %swap3A_24 = arith.constant 0 : index
    %swap3A_25 = vector.load %arg6[%swap3A_23, %swap3A_24] : memref<10000x128xbf16, #tpu.memory_space<vmem>>, vector<10000x128xbf16>
    tpu.vector_store %arg6[%swap3A_23, %swap3A_24], %convert_element_type3A_22 {strides = array<i32>} : memref<10000x128xbf16, #tpu.memory_space<vmem>>, vector<10000x128xbf16>,
    return
  }
}

module attributes {stable_mosaic.version = 14 : i64} {
  func.func @_tproj_body(%arg0: i32, %arg1: memref<2560x1xf32, #tpu.memory_space<vmem>>, %arg2: memref<1x32xf32, #tpu.memory_space<vmem>>, %arg3: memref<32x128xf32, #tpu.memory_space<vmem>>, %arg4: memref<1x128xf32, #tpu.memory_space<vmem>>, %arg5: memref<2560x144xf32, #tpu.memory_space<vmem>>) attributes {dimension_semantics = [#tpu.dimension_semantics<arbitrary>], iteration_bounds = array<i64: 250>, scalar_prefetch = 0 : i64, scratch_operands = 0 : i64, tpu.core_type = #tpu.core_type<tc>, window_params = [{transform_indices = @transform_0, window_bounds = array<i64: 2560, 1>}, {pipeline_mode = #tpu.pipeline_mode<synchronous>, transform_indices = @transform_1, window_bounds = array<i64: 1, 32>}, {pipeline_mode = #tpu.pipeline_mode<synchronous>, transform_indices = @transform_2, window_bounds = array<i64: 32, 128>}, {pipeline_mode = #tpu.pipeline_mode<synchronous>, transform_indices = @transform_3, window_bounds = array<i64: 1, 128>}, {transform_indices = @transform_4, window_bounds = array<i64: 2560, 144>}]} {
    %get3A = arith.constant 0 : index
    %get3A_0 = arith.constant 0 : index
    %get3A_1 = vector.load %arg1[%get3A, %get3A_0] : memref<2560x1xf32, #tpu.memory_space<vmem>>, vector<2560x1xf32>
    %get3A_2 = arith.constant 0 : index
    %get3A_3 = arith.constant 0 : index
    %get3A_4 = vector.load %arg2[%get3A_2, %get3A_3] : memref<1x32xf32, #tpu.memory_space<vmem>>, vector<1x32xf32>
    %sub3A = vector.broadcast %get3A_1 : vector<2560x1xf32> to vector<2560x32xf32>
    %sub3A_5 = vector.broadcast %get3A_4 : vector<1x32xf32> to vector<2560x32xf32>
    %sub3A_6 = arith.subf %sub3A, %sub3A_5 : vector<2560x32xf32>
    %mul3A = arith.mulf %sub3A_6, %sub3A_6 : vector<2560x32xf32>
    %neg3A = arith.constant 0.000000e+00 : f32
    %neg3A_7 = vector.broadcast %neg3A : f32 to vector<2560x32xf32>
    %neg3A_8 = arith.subf %neg3A_7, %mul3A : vector<2560x32xf32>
    %mul3A_9 = arith.constant 103.752892 : f32
    %mul3A_10 = vector.broadcast %mul3A_9 : f32 to vector<2560x32xf32>
    %mul3A_11 = arith.mulf %neg3A_8, %mul3A_10 : vector<2560x32xf32>
    %exp3A = math.exp %mul3A_11 : vector<2560x32xf32>
    %get3A_12 = arith.constant 0 : index
    %get3A_13 = arith.constant 0 : index
    %get3A_14 = vector.load %arg3[%get3A_12, %get3A_13] : memref<32x128xf32, #tpu.memory_space<vmem>>, vector<32x128xf32>
    %dot_general3A = arith.constant dense<0.000000e+00> : vector<2560x128xf32>
    %dot_general3A_15 = tpu.matmul %exp3A, %get3A_14, %dot_general3A {dimension_numbers = #tpu.dot_dimension_numbers<[1], [0], [0], [1], [0, 0, 1, 1], [], []>, transpose_lhs_hint = false} : vector<2560x32xf32>, vector<32x128xf32>, vector<2560x128xf32> -> vector<2560x128xf32>
    %get3A_16 = arith.constant 0 : index
    %get3A_17 = arith.constant 0 : index
    %get3A_18 = vector.load %arg4[%get3A_16, %get3A_17] : memref<1x128xf32, #tpu.memory_space<vmem>>, vector<1x128xf32>
    %add3A = vector.broadcast %get3A_18 : vector<1x128xf32> to vector<2560x128xf32>
    %add3A_19 = arith.addf %dot_general3A_15, %add3A : vector<2560x128xf32>
    %swap3A = arith.constant 0 : index
    %swap3A_20 = arith.constant 0 : index
    %swap3A_21 = vector.load %arg5[%swap3A, %swap3A_20] : memref<2560x144xf32, #tpu.memory_space<vmem>>, vector<2560x128xf32>
    tpu.vector_store %arg5[%swap3A, %swap3A_20], %add3A_19 {strides = array<i32>} : memref<2560x144xf32, #tpu.memory_space<vmem>>, vector<2560x128xf32>,
    %iota3A = tpu.iota {dimensions = array<i32: 1>} : vector<2560x16xi32>
    %eq3A = arith.constant 0 : i32
    %eq3A_22 = vector.broadcast %eq3A : i32 to vector<2560x16xi32>
    %eq3A_23 = arith.cmpi eq, %iota3A, %eq3A_22 : vector<2560x16xi32>
    %jit3A = arith.constant 1.000000e+00 : f32
    %jit3A_24 = arith.constant 0.000000e+00 : f32
    %broadcast_in_dim3A = vector.broadcast %jit3A : f32 to vector<2560x16xf32>
    %broadcast_in_dim3A_25 = vector.broadcast %jit3A_24 : f32 to vector<2560x16xf32>
    %select_n3A = arith.select %eq3A_23, %broadcast_in_dim3A, %broadcast_in_dim3A_25 : vector<2560x16xi1>, vector<2560x16xf32>
    %swap3A_26 = arith.constant 0 : index
    %swap3A_27 = arith.constant 128 : index
    %swap3A_28 = vector.load %arg5[%swap3A_26, %swap3A_27] : memref<2560x144xf32, #tpu.memory_space<vmem>>, vector<2560x16xf32>
    tpu.vector_store %arg5[%swap3A_26, %swap3A_27], %select_n3A {strides = array<i32>} : memref<2560x144xf32, #tpu.memory_space<vmem>>, vector<2560x16xf32>,
    return
  }
  func.func @transform_0(%arg0: i32) -> (i32, i32) {
    %c0_i32 = arith.constant 0 : i32
    %c0_i32_0 = arith.constant 0 : i32
    return %arg0, %c0_i32 : i32, i32
  }
  func.func @transform_1(%arg0: i32) -> (i32, i32) {
    %c0_i32 = arith.constant 0 : i32
    %c0_i32_0 = arith.constant 0 : i32
    %c0_i32_1 = arith.constant 0 : i32
    return %c0_i32, %c0_i32_0 : i32, i32
  }
  func.func @transform_2(%arg0: i32) -> (i32, i32) {
    %c0_i32 = arith.constant 0 : i32
    %c0_i32_0 = arith.constant 0 : i32
    %c0_i32_1 = arith.constant 0 : i32
    return %c0_i32, %c0_i32_0 : i32, i32
  }
  func.func @transform_3(%arg0: i32) -> (i32, i32) {
    %c0_i32 = arith.constant 0 : i32
    %c0_i32_0 = arith.constant 0 : i32
    %c0_i32_1 = arith.constant 0 : i32
    return %c0_i32, %c0_i32_0 : i32, i32
  }
  func.func @transform_4(%arg0: i32) -> (i32, i32) {
    %c0_i32 = arith.constant 0 : i32
    %c0_i32_0 = arith.constant 0 : i32
    return %arg0, %c0_i32 : i32, i32
  }
}

module attributes {stable_mosaic.version = 14 : i64} {
  func.func @_eproj_body(%arg0: i32, %arg1: memref<2000x32xf32, #tpu.memory_space<vmem>>, %arg2: memref<32x128xf32, #tpu.memory_space<vmem>>, %arg3: memref<1x128xf32, #tpu.memory_space<vmem>>, %arg4: memref<2000x144xf32, #tpu.memory_space<vmem>>) attributes {dimension_semantics = [#tpu.dimension_semantics<arbitrary>], iteration_bounds = array<i64: 160>, scalar_prefetch = 0 : i64, scratch_operands = 0 : i64, tpu.core_type = #tpu.core_type<tc>, window_params = [{transform_indices = @transform_0, window_bounds = array<i64: 2000, 32>}, {pipeline_mode = #tpu.pipeline_mode<synchronous>, transform_indices = @transform_1, window_bounds = array<i64: 32, 128>}, {pipeline_mode = #tpu.pipeline_mode<synchronous>, transform_indices = @transform_2, window_bounds = array<i64: 1, 128>}, {transform_indices = @transform_3, window_bounds = array<i64: 2000, 144>}]} {
    %get3A = arith.constant 0 : index
    %get3A_0 = arith.constant 0 : index
    %get3A_1 = vector.load %arg1[%get3A, %get3A_0] : memref<2000x32xf32, #tpu.memory_space<vmem>>, vector<2000x32xf32>
    %get3A_2 = arith.constant 0 : index
    %get3A_3 = arith.constant 0 : index
    %get3A_4 = vector.load %arg2[%get3A_2, %get3A_3] : memref<32x128xf32, #tpu.memory_space<vmem>>, vector<32x128xf32>
    %dot_general3A = arith.constant dense<0.000000e+00> : vector<2000x128xf32>
    %dot_general3A_5 = tpu.matmul %get3A_1, %get3A_4, %dot_general3A {dimension_numbers = #tpu.dot_dimension_numbers<[1], [0], [0], [1], [0, 0, 1, 1], [], []>, transpose_lhs_hint = false} : vector<2000x32xf32>, vector<32x128xf32>, vector<2000x128xf32> -> vector<2000x128xf32>
    %get3A_6 = arith.constant 0 : index
    %get3A_7 = arith.constant 0 : index
    %get3A_8 = vector.load %arg3[%get3A_6, %get3A_7] : memref<1x128xf32, #tpu.memory_space<vmem>>, vector<1x128xf32>
    %add3A = vector.broadcast %get3A_8 : vector<1x128xf32> to vector<2000x128xf32>
    %add3A_9 = arith.addf %dot_general3A_5, %add3A : vector<2000x128xf32>
    %swap3A = arith.constant 0 : index
    %swap3A_10 = arith.constant 0 : index
    %swap3A_11 = vector.load %arg4[%swap3A, %swap3A_10] : memref<2000x144xf32, #tpu.memory_space<vmem>>, vector<2000x128xf32>
    tpu.vector_store %arg4[%swap3A, %swap3A_10], %add3A_9 {strides = array<i32>} : memref<2000x144xf32, #tpu.memory_space<vmem>>, vector<2000x128xf32>,
    %iota3A = tpu.iota {dimensions = array<i32: 1>} : vector<2000x16xi32>
    %eq3A = arith.constant 0 : i32
    %eq3A_12 = vector.broadcast %eq3A : i32 to vector<2000x16xi32>
    %eq3A_13 = arith.cmpi eq, %iota3A, %eq3A_12 : vector<2000x16xi32>
    %jit3A = arith.constant 1.000000e+00 : f32
    %jit3A_14 = arith.constant 0.000000e+00 : f32
    %broadcast_in_dim3A = vector.broadcast %jit3A : f32 to vector<2000x16xf32>
    %broadcast_in_dim3A_15 = vector.broadcast %jit3A_14 : f32 to vector<2000x16xf32>
    %select_n3A = arith.select %eq3A_13, %broadcast_in_dim3A, %broadcast_in_dim3A_15 : vector<2000x16xi1>, vector<2000x16xf32>
    %swap3A_16 = arith.constant 0 : index
    %swap3A_17 = arith.constant 128 : index
    %swap3A_18 = vector.load %arg4[%swap3A_16, %swap3A_17] : memref<2000x144xf32, #tpu.memory_space<vmem>>, vector<2000x16xf32>
    tpu.vector_store %arg4[%swap3A_16, %swap3A_17], %select_n3A {strides = array<i32>} : memref<2000x144xf32, #tpu.memory_space<vmem>>, vector<2000x16xf32>,
    return
  }
  func.func @transform_0(%arg0: i32) -> (i32, i32) {
    %c0_i32 = arith.constant 0 : i32
    %c0_i32_0 = arith.constant 0 : i32
    return %arg0, %c0_i32 : i32, i32
  }
  func.func @transform_1(%arg0: i32) -> (i32, i32) {
    %c0_i32 = arith.constant 0 : i32
    %c0_i32_0 = arith.constant 0 : i32
    %c0_i32_1 = arith.constant 0 : i32
    return %c0_i32, %c0_i32_0 : i32, i32
  }
  func.func @transform_2(%arg0: i32) -> (i32, i32) {
    %c0_i32 = arith.constant 0 : i32
    %c0_i32_0 = arith.constant 0 : i32
    %c0_i32_1 = arith.constant 0 : i32
    return %c0_i32, %c0_i32_0 : i32, i32
  }
  func.func @transform_3(%arg0: i32) -> (i32, i32) {
    %c0_i32 = arith.constant 0 : i32
    %c0_i32_0 = arith.constant 0 : i32
    return %arg0, %c0_i32 : i32, i32
  }
}

module attributes {stable_mosaic.version = 14 : i64} {
  func.func @_node_body(%arg0: i32, %arg1: memref<2000x128xf32, #tpu.memory_space<vmem>>, %arg2: memref<2x2000x144xf32, #tpu.memory_space<vmem>>, %arg3: memref<2x2000x144xf32, #tpu.memory_space<vmem>>, %arg4: memref<128x128xf32, #tpu.memory_space<vmem>>, %arg5: memref<1x128xf32, #tpu.memory_space<vmem>>, %arg6: memref<128x128xf32, #tpu.memory_space<vmem>>, %arg7: memref<1x128xf32, #tpu.memory_space<vmem>>, %arg8: memref<128x128xf32, #tpu.memory_space<vmem>>, %arg9: memref<128x128xf32, #tpu.memory_space<vmem>>, %arg10: memref<1x128xf32, #tpu.memory_space<vmem>>, %arg11: memref<128x128xf32, #tpu.memory_space<vmem>>, %arg12: memref<1x128xf32, #tpu.memory_space<vmem>>, %arg13: memref<2000x128xf32, #tpu.memory_space<vmem>>) attributes {dimension_semantics = [#tpu.dimension_semantics<arbitrary>], iteration_bounds = array<i64: 5>, scalar_prefetch = 0 : i64, scratch_operands = 0 : i64, tpu.core_type = #tpu.core_type<tc>, window_params = [{transform_indices = @transform_0, window_bounds = array<i64: 2000, 128>}, {transform_indices = @transform_1, window_bounds = array<i64: 2, 2000, 144>}, {transform_indices = @transform_2, window_bounds = array<i64: 2, 2000, 144>}, {pipeline_mode = #tpu.pipeline_mode<synchronous>, transform_indices = @transform_3, window_bounds = array<i64: 128, 128>}, {pipeline_mode = #tpu.pipeline_mode<synchronous>, transform_indices = @transform_4, window_bounds = array<i64: 1, 128>}, {pipeline_mode = #tpu.pipeline_mode<synchronous>, transform_indices = @transform_5, window_bounds = array<i64: 128, 128>}, {pipeline_mode = #tpu.pipeline_mode<synchronous>, transform_indices = @transform_6, window_bounds = array<i64: 1, 128>}, {pipeline_mode = #tpu.pipeline_mode<synchronous>, transform_indices = @transform_7, window_bounds = array<i64: 128, 128>}, {pipeline_mode = #tpu.pipeline_mode<synchronous>, transform_indices = @transform_8, window_bounds = array<i64: 128, 128>}, {pipeline_mode = #tpu.pipeline_mode<synchronous>, transform_indices = @transform_9, window_bounds = array<i64: 1, 128>}, {pipeline_mode = #tpu.pipeline_mode<synchronous>, transform_indices = @transform_10, window_bounds = array<i64: 128, 128>}, {pipeline_mode = #tpu.pipeline_mode<synchronous>, transform_indices = @transform_11, window_bounds = array<i64: 1, 128>}, {transform_indices = @transform_12, window_bounds = array<i64: 2000, 128>}]} {
    %get3A = arith.constant 0 : index
    %get3A_0 = arith.constant 0 : index
    %get3A_1 = arith.constant 0 : index
    %get3A_2 = vector.load %arg2[%get3A, %get3A_0, %get3A_1] : memref<2x2000x144xf32, #tpu.memory_space<vmem>>, vector<1x2000x144xf32>
    %get3A_3 = vector.shape_cast %get3A_2 : vector<1x2000x144xf32> to vector<2000x144xf32>
    %get3A_4 = arith.constant 1 : index
    %get3A_5 = arith.constant 0 : index
    %get3A_6 = arith.constant 0 : index
    %get3A_7 = vector.load %arg2[%get3A_4, %get3A_5, %get3A_6] : memref<2x2000x144xf32, #tpu.memory_space<vmem>>, vector<1x2000x144xf32>
    %get3A_8 = vector.shape_cast %get3A_7 : vector<1x2000x144xf32> to vector<2000x144xf32>
    %add3A = arith.addf %get3A_3, %get3A_8 : vector<2000x144xf32>
    %get3A_9 = arith.constant 0 : index
    %get3A_10 = arith.constant 0 : index
    %get3A_11 = arith.constant 0 : index
    %get3A_12 = vector.load %arg3[%get3A_9, %get3A_10, %get3A_11] : memref<2x2000x144xf32, #tpu.memory_space<vmem>>, vector<1x2000x144xf32>
    %get3A_13 = vector.shape_cast %get3A_12 : vector<1x2000x144xf32> to vector<2000x144xf32>
    %get3A_14 = arith.constant 1 : index
    %get3A_15 = arith.constant 0 : index
    %get3A_16 = arith.constant 0 : index
    %get3A_17 = vector.load %arg3[%get3A_14, %get3A_15, %get3A_16] : memref<2x2000x144xf32, #tpu.memory_space<vmem>>, vector<1x2000x144xf32>
    %get3A_18 = vector.shape_cast %get3A_17 : vector<1x2000x144xf32> to vector<2000x144xf32>
    %add3A_19 = arith.addf %get3A_13, %get3A_18 : vector<2000x144xf32>
    %slice3A = vector.extract_strided_slice %add3A {offsets = [0, 0], sizes = [2000, 128], strides = [1, 1]} : vector<2000x144xf32> to vector<2000x128xf32>
    %get3A_20 = arith.constant 0 : index
    %get3A_21 = arith.constant 0 : index
    %get3A_22 = vector.load %arg4[%get3A_20, %get3A_21] : memref<128x128xf32, #tpu.memory_space<vmem>>, vector<128x128xf32>
    %dot_general3A = arith.constant dense<0.000000e+00> : vector<2000x128xf32>
    %dot_general3A_23 = tpu.matmul %slice3A, %get3A_22, %dot_general3A {dimension_numbers = #tpu.dot_dimension_numbers<[1], [0], [0], [1], [0, 0, 1, 1], [], []>, transpose_lhs_hint = false} : vector<2000x128xf32>, vector<128x128xf32>, vector<2000x128xf32> -> vector<2000x128xf32>
    %slice3A_24 = vector.extract_strided_slice %add3A {offsets = [0, 128], sizes = [2000, 1], strides = [1, 1]} : vector<2000x144xf32> to vector<2000x1xf32>
    %get3A_25 = arith.constant 0 : index
    %get3A_26 = arith.constant 0 : index
    %get3A_27 = vector.load %arg5[%get3A_25, %get3A_26] : memref<1x128xf32, #tpu.memory_space<vmem>>, vector<1x128xf32>
    %mul3A = vector.broadcast %slice3A_24 : vector<2000x1xf32> to vector<2000x128xf32>
    %mul3A_28 = vector.broadcast %get3A_27 : vector<1x128xf32> to vector<2000x128xf32>
    %mul3A_29 = arith.mulf %mul3A, %mul3A_28 : vector<2000x128xf32>
    %add3A_30 = arith.addf %dot_general3A_23, %mul3A_29 : vector<2000x128xf32>
    %slice3A_31 = vector.extract_strided_slice %add3A_19 {offsets = [0, 0], sizes = [2000, 128], strides = [1, 1]} : vector<2000x144xf32> to vector<2000x128xf32>
    %get3A_32 = arith.constant 0 : index
    %get3A_33 = arith.constant 0 : index
    %get3A_34 = vector.load %arg6[%get3A_32, %get3A_33] : memref<128x128xf32, #tpu.memory_space<vmem>>, vector<128x128xf32>
    %dot_general3A_35 = arith.constant dense<0.000000e+00> : vector<2000x128xf32>
    %dot_general3A_36 = tpu.matmul %slice3A_31, %get3A_34, %dot_general3A_35 {dimension_numbers = #tpu.dot_dimension_numbers<[1], [0], [0], [1], [0, 0, 1, 1], [], []>, transpose_lhs_hint = false} : vector<2000x128xf32>, vector<128x128xf32>, vector<2000x128xf32> -> vector<2000x128xf32>
    %add3A_37 = arith.addf %add3A_30, %dot_general3A_36 : vector<2000x128xf32>
    %slice3A_38 = vector.extract_strided_slice %add3A_19 {offsets = [0, 128], sizes = [2000, 1], strides = [1, 1]} : vector<2000x144xf32> to vector<2000x1xf32>
    %get3A_39 = arith.constant 0 : index
    %get3A_40 = arith.constant 0 : index
    %get3A_41 = vector.load %arg7[%get3A_39, %get3A_40] : memref<1x128xf32, #tpu.memory_space<vmem>>, vector<1x128xf32>
    %mul3A_42 = vector.broadcast %slice3A_38 : vector<2000x1xf32> to vector<2000x128xf32>
    %mul3A_43 = vector.broadcast %get3A_41 : vector<1x128xf32> to vector<2000x128xf32>
    %mul3A_44 = arith.mulf %mul3A_42, %mul3A_43 : vector<2000x128xf32>
    %add3A_45 = arith.addf %add3A_37, %mul3A_44 : vector<2000x128xf32>
    %get3A_46 = arith.constant 0 : index
    %get3A_47 = arith.constant 0 : index
    %get3A_48 = vector.load %arg1[%get3A_46, %get3A_47] : memref<2000x128xf32, #tpu.memory_space<vmem>>, vector<2000x128xf32>
    %get3A_49 = arith.constant 0 : index
    %get3A_50 = arith.constant 0 : index
    %get3A_51 = vector.load %arg8[%get3A_49, %get3A_50] : memref<128x128xf32, #tpu.memory_space<vmem>>, vector<128x128xf32>
    %dot_general3A_52 = arith.constant dense<0.000000e+00> : vector<2000x128xf32>
    %dot_general3A_53 = tpu.matmul %get3A_48, %get3A_51, %dot_general3A_52 {dimension_numbers = #tpu.dot_dimension_numbers<[1], [0], [0], [1], [0, 0, 1, 1], [], []>, transpose_lhs_hint = false} : vector<2000x128xf32>, vector<128x128xf32>, vector<2000x128xf32> -> vector<2000x128xf32>
    %get3A_54 = arith.constant 0 : index
    %get3A_55 = arith.constant 0 : index
    %get3A_56 = vector.load %arg9[%get3A_54, %get3A_55] : memref<128x128xf32, #tpu.memory_space<vmem>>, vector<128x128xf32>
    %dot_general3A_57 = arith.constant dense<0.000000e+00> : vector<2000x128xf32>
    %dot_general3A_58 = tpu.matmul %add3A_45, %get3A_56, %dot_general3A_57 {dimension_numbers = #tpu.dot_dimension_numbers<[1], [0], [0], [1], [0, 0, 1, 1], [], []>, transpose_lhs_hint = false} : vector<2000x128xf32>, vector<128x128xf32>, vector<2000x128xf32> -> vector<2000x128xf32>
    %add3A_59 = arith.addf %dot_general3A_53, %dot_general3A_58 : vector<2000x128xf32>
    %get3A_60 = arith.constant 0 : index
    %get3A_61 = arith.constant 0 : index
    %get3A_62 = vector.load %arg10[%get3A_60, %get3A_61] : memref<1x128xf32, #tpu.memory_space<vmem>>, vector<1x128xf32>
    %add3A_63 = vector.broadcast %get3A_62 : vector<1x128xf32> to vector<2000x128xf32>
    %add3A_64 = arith.addf %add3A_59, %add3A_63 : vector<2000x128xf32>
    %neg3A = arith.constant 0.000000e+00 : f32
    %neg3A_65 = vector.broadcast %neg3A : f32 to vector<2000x128xf32>
    %neg3A_66 = arith.subf %neg3A_65, %add3A_64 : vector<2000x128xf32>
    %exp3A = math.exp %neg3A_66 : vector<2000x128xf32>
    %add3A_67 = arith.constant 1.000000e+00 : f32
    %add3A_68 = vector.broadcast %add3A_67 : f32 to vector<2000x128xf32>
    %add3A_69 = arith.addf %add3A_68, %exp3A : vector<2000x128xf32>
    %div3A = arith.divf %add3A_64, %add3A_69 : vector<2000x128xf32>
    %get3A_70 = arith.constant 0 : index
    %get3A_71 = arith.constant 0 : index
    %get3A_72 = vector.load %arg11[%get3A_70, %get3A_71] : memref<128x128xf32, #tpu.memory_space<vmem>>, vector<128x128xf32>
    %dot_general3A_73 = arith.constant dense<0.000000e+00> : vector<2000x128xf32>
    %dot_general3A_74 = tpu.matmul %div3A, %get3A_72, %dot_general3A_73 {dimension_numbers = #tpu.dot_dimension_numbers<[1], [0], [0], [1], [0, 0, 1, 1], [], []>, transpose_lhs_hint = false} : vector<2000x128xf32>, vector<128x128xf32>, vector<2000x128xf32> -> vector<2000x128xf32>
    %add3A_75 = arith.addf %get3A_48, %dot_general3A_74 : vector<2000x128xf32>
    %get3A_76 = arith.constant 0 : index
    %get3A_77 = arith.constant 0 : index
    %get3A_78 = vector.load %arg12[%get3A_76, %get3A_77] : memref<1x128xf32, #tpu.memory_space<vmem>>, vector<1x128xf32>
    %add3A_79 = vector.broadcast %get3A_78 : vector<1x128xf32> to vector<2000x128xf32>
    %add3A_80 = arith.addf %add3A_75, %add3A_79 : vector<2000x128xf32>
    %swap3A = arith.constant 0 : index
    %swap3A_81 = arith.constant 0 : index
    %swap3A_82 = vector.load %arg13[%swap3A, %swap3A_81] : memref<2000x128xf32, #tpu.memory_space<vmem>>, vector<2000x128xf32>
    tpu.vector_store %arg13[%swap3A, %swap3A_81], %add3A_80 {strides = array<i32>} : memref<2000x128xf32, #tpu.memory_space<vmem>>, vector<2000x128xf32>,
    return
  }
  func.func @transform_0(%arg0: i32) -> (i32, i32) {
    %c0_i32 = arith.constant 0 : i32
    %c0_i32_0 = arith.constant 0 : i32
    return %arg0, %c0_i32 : i32, i32
  }
  func.func @transform_1(%arg0: i32) -> (i32, i32, i32) {
    %c0_i32 = arith.constant 0 : i32
    %c0_i32_0 = arith.constant 0 : i32
    %c0_i32_1 = arith.constant 0 : i32
    return %c0_i32, %arg0, %c0_i32_0 : i32, i32, i32
  }
  func.func @transform_2(%arg0: i32) -> (i32, i32, i32) {
    %c0_i32 = arith.constant 0 : i32
    %c0_i32_0 = arith.constant 0 : i32
    %c0_i32_1 = arith.constant 0 : i32
    return %c0_i32, %arg0, %c0_i32_0 : i32, i32, i32
  }
  func.func @transform_3(%arg0: i32) -> (i32, i32) {
    %c0_i32 = arith.constant 0 : i32
    %c0_i32_0 = arith.constant 0 : i32
    %c0_i32_1 = arith.constant 0 : i32
    return %c0_i32, %c0_i32_0 : i32, i32
  }
  func.func @transform_4(%arg0: i32) -> (i32, i32) {
    %c0_i32 = arith.constant 0 : i32
    %c0_i32_0 = arith.constant 0 : i32
    %c0_i32_1 = arith.constant 0 : i32
    return %c0_i32, %c0_i32_0 : i32, i32
  }
  func.func @transform_5(%arg0: i32) -> (i32, i32) {
    %c0_i32 = arith.constant 0 : i32
    %c0_i32_0 = arith.constant 0 : i32
    %c0_i32_1 = arith.constant 0 : i32
    return %c0_i32, %c0_i32_0 : i32, i32
  }
  func.func @transform_6(%arg0: i32) -> (i32, i32) {
    %c0_i32 = arith.constant 0 : i32
    %c0_i32_0 = arith.constant 0 : i32
    %c0_i32_1 = arith.constant 0 : i32
    return %c0_i32, %c0_i32_0 : i32, i32
  }
  func.func @transform_7(%arg0: i32) -> (i32, i32) {
    %c0_i32 = arith.constant 0 : i32
    %c0_i32_0 = arith.constant 0 : i32
    %c0_i32_1 = arith.constant 0 : i32
    return %c0_i32, %c0_i32_0 : i32, i32
  }
  func.func @transform_8(%arg0: i32) -> (i32, i32) {
    %c0_i32 = arith.constant 0 : i32
    %c0_i32_0 = arith.constant 0 : i32
    %c0_i32_1 = arith.constant 0 : i32
    return %c0_i32, %c0_i32_0 : i32, i32
  }
  func.func @transform_9(%arg0: i32) -> (i32, i32) {
    %c0_i32 = arith.constant 0 : i32
    %c0_i32_0 = arith.constant 0 : i32
    %c0_i32_1 = arith.constant 0 : i32
    return %c0_i32, %c0_i32_0 : i32, i32
  }
  func.func @transform_10(%arg0: i32) -> (i32, i32) {
    %c0_i32 = arith.constant 0 : i32
    %c0_i32_0 = arith.constant 0 : i32
    %c0_i32_1 = arith.constant 0 : i32
    return %c0_i32, %c0_i32_0 : i32, i32
  }
  func.func @transform_11(%arg0: i32) -> (i32, i32) {
    %c0_i32 = arith.constant 0 : i32
    %c0_i32_0 = arith.constant 0 : i32
    %c0_i32_1 = arith.constant 0 : i32
    return %c0_i32, %c0_i32_0 : i32, i32
  }
  func.func @transform_12(%arg0: i32) -> (i32, i32) {
    %c0_i32 = arith.constant 0 : i32
    %c0_i32_0 = arith.constant 0 : i32
    return %arg0, %c0_i32 : i32, i32
  }
}

</mosaic_0001>

<sc_bundles>
// kernel: kernel.7.cloned.1.call-start
scs
__scs_entry_jumppad:
0x0: {  	(pc) =	sbr.rel $0x88, $3  }
0x1: {  	(tag) =	ssettag $0x0;
	lr =	simm.s32 $0x1  }
0x2: {  	[smem:$0x3F8F] =	sst lr;
	_ =	strace $0xD0000000  }
0x3: {  	_ = 	snop  }
0x4: {  	_ = 	snop  }
0x5: {  	_ = 	snop  }
0x6: {  	_ = 	snop  }
0x7: {  	_ = 	snop  }
__scs_overlays_trampoline_lowered:
0x8: {  	[smem:$0x3F9E] =	sst s0  }
0x9: {  	[smem:$0x3F9F] =	sst s1  }
0xa: {  	[smem:$0x3FA0] =	sst s2  }
0xb: {  	[smem:$0x3FA1] =	sst s3  }
0xc: {  	[smem:$0x3FA2] =	sst s4  }
0xd: {  	[smem:$0x3FA3] =	sst s5  }
0xe: {  	[smem:$0x3FA4] =	sst s6  }
0xf: {  	[smem:$0x3FA5] =	sst s7  }
0x10: {  	[smem:$0x3FA6] =	sst s8  }
0x11: {  	[smem:$0x3FA7] =	sst s9;
	s0 =	simm.s32 @!p0 $0x0  }
0x12: {  	s1 =	sld [smem:$0x3F8D];
	s0 =	simm.s32 @p0 $0x1  }
0x13: {  	[smem:$0x3FA8] =	sst s0;
	s0 =	simm.s32 @!p1 $0x0  }
0x14: {  	s2 =	sld [smem:$0x3F8C];
	s0 =	simm.s32 @p1 $0x1  }
0x15: {  	[smem:$0x3FA9] =	sst s0;
	s0 =	simm.s32 @!p2 $0x0  }
0x16: {  	s3 =	sld [smem:$0x3FDB];
	s0 =	simm.s32 @p2 $0x1  }
0x17: {  	s4 =	simm.s32 $0x1BF5;
	[smem:$0x3FAB] =	sst s0  }
0x18: {  	s0 =	sld [smem:$0x3F8E];
	_ =	swait.ge [sflag:s4], $0x0  }
0x19: {  	s7 =	sld [smem:$0x3F8F]  }
0x1a: {  	s8 =	sadd.s32 $0xFFFFE003, lr  }
0x1b: {  	s9 =	sadd.s32 $0xFFFFFEF7, lr;
	s5 =	simm.s32 $0xFFFFFFFF;
	p2 =	slt.u32 s8, $0xFFFFF086  }
0x1c: {  	p1 =	slt.u32 s9, $0xF7A;
	s5 =	simm.s32 @!p2 $0x0  }
0x1d: {  	s5 =	simm.s32 @p1 $0x1;
	p0 =	seq.s32 s7, s2  }
0x1e: {  	s7 =	smul.u32 @!p0 $0xF7A, s2;
	p2 =	seq.s32 @!p0 s5, $0x0  }
0x1f: {  	s9 =	smul.u32 $0xF7A, s1;
	s8 =	simm.s32 @!p0 $0x1BF5;
	p2 =	por !p2, p0  }
0x20: {  	[sflag:s8] =	ssyncset.s32 @!p0 $0xFFFFF086;
	s6 =	sadd.s32 @!p0 s3, s7;
	s7 =	simm.s32 @!p0 $0x108  }
0x21: {  	s3 =	sadd.s32 s3, s9;
	s6 =	sadd.s32 @!p0 $0x88, s6;
	s7 =	simm.s32 @p2 $0x1082  }
0x22: {  	[simem:s7], [sflag:s8] =	dma.local @!p0 [hbm:s6], $0xF7A  }
0x23: {  	s9 =	sor.u32 $0xD0000000, s2;
	s6 =	simm.s32 $0x108;
	_ =	swait.ge @!p0 [sflag:s8], $0x0  }
0x24: {  	s3 =	sadd.s32 $0x88, s3;
	s6 =	simm.s32 @!p1 $0x1082;
	[sflag:s4] =	ssyncset.s32 $0xFFFFF086  }
0x25: {  	[simem:s6], [sflag:s4] =	dma.local [hbm:s3], $0xF7A  }
0x26: {  	[smem:$0x3F8F] =	sst s1;
	(tag) =	ssettag s2;
	_ =	strace s9  }
0x27: {  	s1 =	sld [smem:$0x3F9F]  }
0x28: {  	s2 =	sld [smem:$0x3FA0]  }
0x29: {  	s4 =	sld [smem:$0x3FA2]  }
0x2a: {  	p0 =	seq.s32 s5, $0x0;
	s5 =	sld [smem:$0x3FA3]  }
0x2b: {  	s6 =	sld [smem:$0x3FA4]  }
0x2c: {  	s7 =	sld [smem:$0x3FA5]  }
0x2d: {  	s3 =	simm.s32 $0x108;
	s8 =	sld [smem:$0x3FA6]  }
0x2e: {  	s3 =	simm.s32 @!p0 $0x1082;
	s9 =	sld [smem:$0x3FA7]  }
0x2f: {  	lr =	sadd.s32 s0, s3;
	s0 =	sld [smem:$0x3F9E]  }
0x30: {  	s3 =	sld [smem:$0x3FA1]  }
0x31: {  	[smem:$0x3FAA] =	sst s10  }
0x32: {  	s10 =	sld [smem:$0x3FA8];
	_ =	sdelay $0x3  }
0x33: {  	p0 =	seq.s32 s10, $0x1;
	s10 =	sld [smem:$0x3FAA];
	_ =	sdelay $0x3  }
0x34: {  	[smem:$0x3FAA] =	sst s10  }
0x35: {  	s10 =	sld [smem:$0x3FA9];
	_ =	sdelay $0x3  }
0x36: {  	p1 =	seq.s32 s10, $0x1;
	s10 =	sld [smem:$0x3FAA];
	_ =	sdelay $0x3  }
0x37: {  	[smem:$0x3FAA] =	sst s10  }
0x38: {  	s10 =	sld [smem:$0x3FAB]  }
0x39: {  	_ = 	snop;
	(pc) =	sbr.ind lr, $3  }
0x3a: {  	_ = 	snop  }
0x3b: {  	_ = 	snop  }
0x3c: {  	p2 =	seq.s32 s10, $0x1;
	s10 =	sld [smem:$0x3FAA]  }
0x3d: {  	_ =	shalt  }
0x3e: {  	_ =	shalt  }
0x3f: {  	_ =	shalt  }
0x40: {  	_ =	shalt  }
0x41: {  	_ =	shalt  }
0x42: {  	_ =	shalt  }
0x43: {  	_ =	shalt  }
0x44: {  	_ =	shalt  }
0x45: {  	_ =	shalt  }
0x46: {  	_ =	shalt  }
0x47: {  	_ =	shalt  }
0x48: {  	_ =	shalt  }
0x49: {  	_ =	shalt  }
0x4a: {  	_ =	shalt  }
0x4b: {  	_ =	shalt  }
0x4c: {  	_ =	shalt  }
0x4d: {  	_ =	shalt  }
0x4e: {  	_ =	shalt  }
0x4f: {  	_ =	shalt  }
0x50: {  	_ =	shalt  }
0x51: {  	_ =	shalt  }
0x52: {  	_ =	shalt  }
0x53: {  	_ =	shalt  }
0x54: {  	_ =	shalt  }
0x55: {  	_ =	shalt  }
0x56: {  	_ =	shalt  }
0x57: {  	_ =	shalt  }
0x58: {  	_ =	shalt  }
0x59: {  	_ =	shalt  }
0x5a: {  	_ =	shalt  }
0x5b: {  	_ =	shalt  }
0x5c: {  	_ =	shalt  }
0x5d: {  	_ =	shalt  }
0x5e: {  	_ =	shalt  }
0x5f: {  	_ =	shalt  }
0x60: {  	_ =	shalt  }
0x61: {  	_ =	shalt  }
0x62: {  	_ =	shalt  }
0x63: {  	_ =	shalt  }
0x64: {  	_ =	shalt  }
0x65: {  	_ =	shalt  }
0x66: {  	_ =	shalt  }
0x67: {  	_ =	shalt  }
0x68: {  	_ =	shalt  }
0x69: {  	_ =	shalt  }
0x6a: {  	_ =	shalt  }
0x6b: {  	_ =	shalt  }
0x6c: {  	_ =	shalt  }
0x6d: {  	_ =	shalt  }
0x6e: {  	_ =	shalt  }
0x6f: {  	_ =	shalt  }
0x70: {  	_ =	shalt  }
0x71: {  	_ =	shalt  }
0x72: {  	_ =	shalt  }
0x73: {  	_ =	shalt  }
0x74: {  	_ =	shalt  }
0x75: {  	_ =	shalt  }
0x76: {  	_ =	shalt  }
0x77: {  	_ =	shalt  }
0x78: {  	_ =	shalt  }
0x79: {  	_ =	shalt  }
0x7a: {  	_ =	shalt  }
0x7b: {  	_ =	shalt  }
0x7c: {  	_ =	shalt  }
0x7d: {  	_ =	shalt  }
0x7e: {  	_ =	shalt  }
0x7f: {  	_ =	shalt  }
0x80: {  	_ =	shalt  }
0x81: {  	_ =	shalt  }
0x82: {  	_ =	shalt  }
0x83: {  	_ =	shalt  }
0x84: {  	_ =	shalt  }
0x85: {  	_ =	shalt  }
0x86: {  	_ =	shalt  }
0x87: {  	_ =	shalt  }
.Lfunc_end0:
.L_simem_size_0:
called_computation_lowered:
.L_overlay_start_0:
0x88: {  	s2 =	sld [smem:$0x3FD9]  }
0x89: {  	s3 =	sld [smem:$0x3FFE];
	_ =	sdelay $0x1  }
0x8a: {  	s1 =	srdreg.scid  }
0x8b: {  	s0 =	sand.u32 $0x1, s1  }
0x8c: {  	s17 =	sshll.u32 s0, $0xA;
	s2 =	sadd.s32 s3, s2  }
0x8d: {  	s2 =	sadd.s32 s2, s17  }
0x8e: {  	[smem:$0x3FB6] =	sst s2  }
0x8f: {  	_ = 	snop  }
0x90: {  	s2 =	sld [smem:$0x3FD0];
	(tm) =	ssettm $0x1  }
0x91: {  	s18 =	sld [smem:$0x3FFB];
	_ =	sdelay $0x3  }
0x92: {  	_ =	strace s18  }
0x93: {  	s3 =	sld [smem:$0x3FFC];
	_ =	sdelay $0x3  }
0x94: {  	_ =	strace s3  }
0x95: {  	s3 =	sld [smem:$0x3FFD];
	_ =	sdelay $0x3  }
0x96: {  	_ =	strace s3  }
0x97: {  	_ =	strace $0x8FFFFFFF  }
0x98: {  	s19 =	sld [smem:$0x3FDB];
	_ =	sdelay $0x1  }
0x99: {  	s4 =	simm.s32 $_scs_section_size  }
0x9a: {  	s5 =	simm.s32 $_size__tile_overlayer_lowered;
	s6 =	simm.s32 $_tile_overlayer_lowered  }
0x9b: {  	s22 =	simm.s32 $0x1BFF;
	s21 =	sshll.u32 s6, $0x1;
	s3 =	sadd.s32 s4, s19  }
0x9c: {  	s7 =	simm.s32 $0x0;
	s20 =	sshll.u32 s5, $0x1;
	s5 =	sadd.s32 s21, s3  }
0x9d: {  	[timem:s7], [sflag:s22] =	dma.local [hbm:s5], s20  }
0x9e: {  	_ =	swait.ge [sflag:s22], s20  }
0x9f: {  	s4 =	ssub.s32 $0x0, s20;
	[sflag:s22] =	ssyncset.done $0x0  }
0xa0: {  	[sflag:s22] =	ssyncadd.s32 s4;
	_ =	sdelay $0x1  }
0xa1: {  	s23 =	simm.s32 $0x1B8B  }
0xa2: {  	_ =	swait.ge [sflag:s23], $0x1  }
0xa3: {  	[sflag:s23] =	ssyncset.done $0x0  }
0xa4: {  	s25 =	simm.s32 $0x1B8E;
	s24 =	sld [smem:$0x3FFE];
	[sflag:s23] =	ssyncadd.s32 $0xFFFFFFFF  }
0xa5: {  	s26 =	simm.s32 $execute0_lowered;
	[smem:$0x3FD2] =	sst s25  }
0xa6: {  	s5 =	sshll.u32 s26, $0x1;
	_ =	strace $0x80000046;
	[dreg:$0x1] =	wrdreg $0xFFFFFFFF  }
0xa7: {  	s28 =	simm.s32 $_size_execute0_lowered;
	s3 =	sadd.s32 s3, s5;
	[dreg:$0x0] =	wrdreg $0x0  }
0xa8: {  	s5 =	sshll.u32 s28, $0x1;
	[dreg:$0x2] =	wrdreg s3  }
0xa9: {  	[dreg:$0x3] =	wrdreg s5  }
0xaa: {  	[dreg:$0x4] =	wrdreg $0xC0  }
0xab: {  	_ =	task [dreg:s7], $0x5FFFF  }
0xac: {  	[dreg:$0x1] =	wrdreg $0xFFFFFFFF  }
0xad: {  	[dreg:$0x0] =	wrdreg $0x60  }
0xae: {  	[dreg:$0x2] =	wrdreg s24  }
0xaf: {  	[dreg:$0x3] =	wrdreg s2  }
0xb0: {  	[dreg:$0x4] =	wrdreg $0x6CC00  }
0xb1: {  	[dreg:$0x5] =	wrdreg $0x9  }
0xb2: {  	_ =	task.clear_ibuf [dreg:s7], $0x6FFFF;
	_ =	strace $0x90000046  }
0xb3: {  	s29 =	simm.s32 $0x9;
	_ =	strace $0x80000048  }
0xb4: {  	_ =	swait.ge [sflag:s29], $0x1  }
0xb5: {  	[sflag:s29] =	ssyncadd.s32 $0xFFFFFFFF  }
0xb6: {  	_ =	strace $0x90000048  }
0xb7: {  	_ =	sfence  }
0xb8: {  	s30 =	sld [smem:$0x0];
	_ =	sdelay $0x2  }
0xb9: {  	s31 =	sshll.u32 s1, $0xD;
	s1 =	sshrl.u32 s1, $0x2  }
0xba: {  	s3 =	sand.u32 $0x4000, s31;
	s1 =	sadd.s32 s1, s30  }
0xbb: {  	s0 =	sor.u32 s3, s0;
	s1 =	sshll.u32 s1, $0x11  }
0xbc: {  	s0 =	sor.u32 s1, s0  }
0xbd: {  	s0 =	sadd.s32 $0x8F2B, s0  }
0xbe: {  	[sflag:s0] =	ssyncadd.remote.s32 $0x1  }
0xbf: {  	_ =	sfence.sel $0xFFFF  }
0xc0: {  	[dreg:$0x0] =	wrdreg $0xFFFFFFFF;
	(pc) =	sbr.abs _section_cstart, $3  }
0xc1: {  	[dreg:$0x1] =	wrdreg $0xFFFFFFFF  }
0xc2: {  	_ =	task.clear_ibuf [dreg:s7], $0x2FFFF;
	_ =	strace $0x9FFFFFFF  }
0xc3: {  	(tm) =	ssettm $0x7FFFFFFF  }
tec
execute0_lowered:
.L_overlay_start_1:
0x0: {  	(tag) =	ssettag $0x1  }
0x1: {  	s0 =	rddreg [dreg:$0x0]  }
0x2: {  	s1 =	rddreg [dreg:$0x1]  }
0x3: {  	s2 =	rddreg [dreg:$0x2]  }
0x4: {  	s3 =	simm.s32 $0x0;
	s4 =	srdreg.scid;
	s18 =	stileid.u32  }
0x5: {  	s29 =	simm.s32 $0x4;
	s31 =	simm.s32 $0x1;
	s30 =	simm.s32 $0x3  }
0x6: {  	[smem:$0x7FF] =	sst s3;
	s5 =	sadd.s32 $0x46A00, s0;
	s6 =	sadd.s32 $0x3CC00, s0  }
0x7: {  	s7 =	sadd.s32 $0xEF6800, s0;
	s8 =	sadd.s32 $0x1D9C800, s0;
	s4 =	sand.u32 $0x1, s4  }
0x8: {  	s14 =	smul.u32 $0x16800, s18;
	s9 =	sadd.s32 $0x29200, s0;
	s10 =	sadd.s32 $0x15800, s0  }
0x9: {  	s11 =	sadd.s32 $0x1E00, s0;
	s12 =	sadd.s32 $0x1474C00, s0;
	s15 =	sshll.u32 s18, $0x1  }
0xa: {  	s13 =	smul.u32 $0x168000, s4;
	s16 =	ssub.s32 $0x2, s4;
	s4 =	sor.u32 s4, s15  }
0xb: {  	s18 =	sshll.u32 s18, $0x6;
	s17 =	sshrl.u32 s16, $0x1;
	s22 =	smul.u32 $0x2BF20, s4  }
0xc: {  	s13 =	sadd.s32 s14, s13;
	s17 =	ssub.s32 s16, s17;
	s16 =	smul.u32 $0x4E20, s4  }
0xd: {  	_ =	strace $0x80000047;
	s26 =	sshrl.u32 s13, $0x3;
	s13 =	smul.u32 $0x2710, s4  }
0xe: {  	s14 =	sadd.s32 s14, s2;
	s4 =	smul.u32 $0x57E40, s4;
	s24 =	sshrl.u32 s16, $0x3  }
0xf: {  	[dreg:$0x4] =	wrdreg s14;
	s19 =	sadd.s32 $0x28, s13;
	s25 =	sadd.s32 s1, s24  }
0x10: {  	s20 =	sshrl.u32 s13, $0x3;
	s4 =	sadd.s32 s8, s4;
	[dreg:$0xa] =	wrdreg s25  }
0x11: {  	s14 =	sshrl.u32 s19, $0x3;
	s19 =	sadd.s32 s5, s20;
	[dreg:$0xc] =	wrdreg s4  }
0x12: {  	s15 =	sor.u32 $0x1C04, s18;
	s18 =	sadd.s32 s6, s20;
	[dreg:$0x5] =	wrdreg s19  }
0x13: {  	s28 =	smax.u32 s17, $0x1;
	[dreg:$0x6] =	wrdreg s18;
	s21 =	sadd.s32 s5, s14  }
0x14: {  	s23 =	sadd.s32 $0x28, s16;
	s14 =	sadd.s32 s6, s14;
	[dreg:$0x7] =	wrdreg s21  }
0x15: {  	s18 =	sshrl.u32 s23, $0x3;
	[dreg:$0x8] =	wrdreg s14;
	s14 =	sadd.s32 s7, s22  }
0x16: {  	s0 =	sadd.s32 s26, s0;
	s26 =	sadd.s32 s1, s18;
	[dreg:$0x9] =	wrdreg s14  }
0x17: {  	s25 =	sadd.s32 $0x14D1A00, s0;
	s4 =	simm.s32 $0x2;
	[dreg:$0xb] =	wrdreg s26  }
0x18: {  	s26 =	sadd.s32 $0x1477A00, s0;
	s0 =	simm.s32 $0x28;
	s14 =	simm.s32 $0x0  }
.LBB2_1:
0x19: {  	s17 =	rddreg [dreg:$0x4]  }
0x1a: {  	s17 =	sshrl.u32 s17, $0x3  }
0x1b: {  	[spmem:s17], [sflag:s15] =	dma.local [hbm:s12], $0x2D00  }
0x1c: {  	_ =	swait.ge [sflag:s29], $0x2D00  }
0x1d: {  	[sflag:s29] =	ssyncset.done $0x0  }
0x1e: {  	[sflag:s29] =	ssyncadd.s32 $0xFFFFD300  }
0x1f: {  	[bflag:$0x0] =	sbarrier.arrive $0xFFFF  }
0x20: {  	s18 =	rddreg [dreg:$0x5]  }
0x21: {  	[tilespmem:s3], [sflag:$0x1] =	stream.linear.gather [hbm4b:s18+s3], $0x28, $0x38;
	[tilespmem:$0x1D4C0] =	vst v63  }
0x22: {  	s19 =	simm.s32 $0xA0;
	s22 =	rddreg [dreg:$0x6]  }
0x23: {  	[tilespmem:s19], [sflag:$0x1] =	stream.linear.gather [hbm4b:s22+s3], $0x28, $0x38;
	[tilespmem:$0x1D4C0] =	vst v63  }
0x24: {  	_ =	swait.ge [sflag:s31], $0x28  }
0x25: {  	[sflag:s31] =	ssyncset.done $0x0  }
0x26: {  	[sflag:s31] =	ssyncadd.s32 $0xFFFFFFD8  }
0x27: {  	_ =	swait.ge [sflag:s31], $0x28  }
0x28: {  	[sflag:s31] =	ssyncset.done $0x0  }
0x29: {  	s23 =	rddreg [dreg:$0x7];
	[sflag:s31] =	ssyncadd.s32 $0xFFFFFFD8  }
0x2a: {  	[tilespmem:s0], [sflag:$0x1] =	stream.linear.gather [hbm4b:s23+s3], $0x28, $0x38;
	[tilespmem:$0x1D4C0] =	vst v63  }
0x2b: {  	s20 =	simm.s32 $0xC8;
	s24 =	rddreg [dreg:$0x8]  }
0x2c: {  	[tilespmem:s20], [sflag:$0x1] =	stream.linear.gather [hbm4b:s24+s3], $0x28, $0x38;
	[tilespmem:$0x1D4C0] =	vst v63  }
0x2d: {  	s22 =	simm.s32 $0x2940;
	s21 =	rddreg [dreg:$0x9]  }
0x2e: {  	[tilespmem:s22], [sflag:$0x2] =	stream.linear.gather [hbm4b:s21+s3], $0x1680, $0x38;
	[tilespmem:$0x1D4C0] =	vst v63  }
0x2f: {  	s23 =	simm.s32 $0x140  }
0x30: {  	[tilespmem:s23], [sflag:$0x2] =	stream.indirect.gather [hbm4b:s9+s0], $0x40, s3, s0, $0xb8;
	[tilespmem:$0x1D4C0] =	vst v63  }
0x31: {  	s18 =	simm.s32 $0x0;
	s24 =	simm.s32 $0x1540  }
0x32: {  	[tilespmem:s24], [sflag:$0x2] =	stream.indirect.gather [hbm4b:s10+s0], $0x40, s19, s0, $0xb8;
	[tilespmem:$0x1D4C0] =	vst v63  }
.LBB2_2:
0x33: {  	p0 =	slt.u32 s18, $0x2  }
0x34: {  	p1 =	sgt.u32 @!p0 s18, $0xF7  }
0x35: {  	p1 =	por p0, !p1  }
.Ltmp0:
0x36: {  	_ = 	snop;
	(pc) =	sbr.rel @!p1 .LBB2_4-.Ltmp0, $4  }
0x37: {  	s19 =	simm.s32 @!p0 $0x3  }
0x38: {  	_ =	swait.ge @!p0 [sflag:s19], $0x1680  }
0x39: {  	[sflag:s19] =	ssyncset.done @!p0 $0x0  }
0x3a: {  	[sflag:s19] =	ssyncadd.s32 @!p0 $0xFFFFE980  }
0x3b: {  	s19 =	sadd.s32 $0x2, s18  }
0x3c: {  	s20 =	smul.u32 $0x28, s19;
	_ =	sdelay $0x1  }
0x3d: {  	s19 =	sand.u32 $0x3, s19;
	s20 =	sadd.s32 s13, s20  }
0x3e: {  	s19 =	smul.u32 $0x28, s19;
	s20 =	sshrl.u32 s20, $0x3  }
.Ltmp1:
0x3f: {  	s21 =	sadd.s32 s5, s20;
	(pc) =	sbr.rel .LBB2_5-.Ltmp1, $4  }
0x40: {  	[tilespmem:s19], [sflag:$0x1] =	stream.linear.gather [hbm4b:s21+s3], $0x28, $0x38;
	[tilespmem:$0x1D4C0] =	vst v63  }
0x41: {  	s20 =	sadd.s32 s6, s20;
	s19 =	sadd.s32 $0xA0, s19  }
0x42: {  	[tilespmem:s19], [sflag:$0x1] =	stream.linear.gather [hbm4b:s20+s3], $0x28, $0x38;
	[tilespmem:$0x1D4C0] =	vst v63  }
0x43: {  	s20 =	sadd.s32 $0x1, s18  }
.LBB2_4:
0x44: {  	p0 =	seq.s32 s18, $0xF9  }
.Ltmp2:
0x45: {  	_ = 	snop;
	(pc) =	sbr.rel @p0 .LBB2_6-.Ltmp2, $2  }
0x46: {  	_ =	sdelay $0x2  }
0x47: {  	s20 =	simm.s32 $0xF9;
	s19 =	simm.s32 $0xFA  }
.LBB2_5:
0x48: {  	s19 =	smul.u32 $0xAB, s20;
	_ =	sdelay $0x1  }
0x49: {  	s19 =	sshrl.u32 s19, $0x9  }
0x4a: {  	s19 =	sand.u32 $0x7F, s19  }
0x4b: {  	s19 =	smul.u32 $0x3, s19;
	_ =	sdelay $0x1  }
0x4c: {  	_ =	swait.ge [sflag:s31], $0x28;
	s21 =	smul.u32 $0x28, s20;
	s19 =	ssub.s32 s20, s19  }
0x4d: {  	[sflag:s31] =	ssyncset.done $0x0;
	s19 =	sand.u32 $0xFF, s19  }
0x4e: {  	[sflag:s31] =	ssyncadd.s32 $0xFFFFFFD8;
	s21 =	sadd.s32 s13, s21;
	s19 =	smul.u32 $0x5A00, s19  }
0x4f: {  	_ =	swait.ge [sflag:s31], $0x28;
	s21 =	smul.u32 $0x12, s21  }
0x50: {  	s23 =	sand.u32 $0x1, s20;
	[sflag:s31] =	ssyncset.done $0x0;
	s19 =	sshrl.u32 s19, $0x2  }
0x51: {  	[sflag:s31] =	ssyncadd.s32 $0xFFFFFFD8;
	s21 =	sadd.s32 s7, s21;
	s19 =	sadd.s32 $0x2940, s19  }
0x52: {  	[tilespmem:s19], [sflag:$0x2] =	stream.linear.gather [hbm4b:s21+s3], $0x1680, $0x38;
	[tilespmem:$0x1D4C0] =	vst v63  }
0x53: {  	s24 =	sand.u32 $0x3, s20;
	p0 =	seq.s32 s23, $0x1;
	s19 =	simm.s32 $0xA00  }
0x54: {  	s21 =	smul.u32 $0x28, s24;
	s19 =	simm.s32 @!p0 $0x0  }
0x55: {  	s22 =	sor.u32 $0x140, s19  }
0x56: {  	[tilespmem:s22], [sflag:$0x2] =	stream.indirect.gather [hbm4b:s9+s0], $0x40, s21, s0, $0xb8;
	[tilespmem:$0x1D4C0] =	vst v63  }
0x57: {  	s19 =	sor.u32 $0x1540, s19;
	s21 =	sadd.s32 $0xA0, s21  }
0x58: {  	[tilespmem:s19], [sflag:$0x2] =	stream.indirect.gather [hbm4b:s10+s0], $0x40, s21, s0, $0xb8;
	[tilespmem:$0x1D4C0] =	vst v63  }
0x59: {  	s19 =	smov.u32 s20  }
.LBB2_6:
0x5a: {  	s20 =	smul.u32 $0xAB, s18;
	_ =	sdelay $0x1  }
0x5b: {  	_ =	swait.ge [sflag:s4], $0x1680;
	s20 =	sshrl.u32 s20, $0x9  }
0x5c: {  	[sflag:s4] =	ssyncset.done $0x0;
	s20 =	sand.u32 $0x7F, s20  }
0x5d: {  	[sflag:s4] =	ssyncadd.s32 $0xFFFFE980;
	s20 =	smul.u32 $0x3, s20  }
0x5e: {  	s21 =	sand.u32 $0x1, s18;
	_ =	swait.ge [sflag:s4], $0xA00  }
0x5f: {  	s23 =	simm.s32 $0xA00;
	[sflag:s4] =	ssyncset.done $0x0;
	s20 =	ssub.s32 s18, s20  }
0x60: {  	p0 =	seq.s32 s21, $0x1;
	[sflag:s4] =	ssyncadd.s32 $0xFFFFF600;
	s20 =	sand.u32 $0xFF, s20  }
0x61: {  	s23 =	simm.s32 @!p0 $0x0;
	_ =	swait.ge [sflag:s4], $0xA00;
	s20 =	smul.u32 $0x5A00, s20  }
0x62: {  	s22 =	sadd.s32 $0x1640, s23;
	[sflag:s4] =	ssyncset.done $0x0  }
0x63: {  	s23 =	sadd.s32 $0x240, s23;
	[sflag:s4] =	ssyncadd.s32 $0xFFFFF600;
	s24 =	sshrl.u32 s20, $0x2  }
0x64: {  	s20 =	sadd.s32 $0x2940, s24;
	s21 =	sadd.s32 $0x2B80, s24;
	s24 =	simm.s32 $0xFFFFFFF8  }
.LBB2_7:
0x65: {  	v0 =	vld [tilespmem:s23+$0xFFFFFF00]  }
0x66: {  	v1 =	vld [tilespmem:s22+$0xFFFFFF00];
	_ =	sdelay $0x2  }
0x67: {  	v2 =	vld [tilespmem:s21+$0xFFFFFDC0];
	_ =	sdelay $0x1  }
0x68: {  	v3 =	vshll.u32 v0, $0x10;
	v4 =	vshll.u32 v1, $0x10  }
0x69: {  	v3 =	vadd.f32 v4, v3;
	_ =	sdelay $0x1  }
0x6a: {  	v2 =	vadd.f32 v3, v2;
	_ =	sdelay $0x1  }
0x6b: {  	v3 =	vsub.f32 $0.0e+00, v2;
	_ =	sdelay $0x1  }
0x6c: {  	v3 =	vmul.f32 $1.442695020e+00, v3;
	_ =	sdelay $0x1  }
0x6d: {  	(erf) = vpow2.f32 v3;
	_ =	sdelay $0x8  }
0x6e: {  	v3 =	vpop (erf)  }
0x6f: {  	v46 =	vld [tilespmem:s21+$0xFFFFFDD0];
	v3 =	vadd.f32 $1.000000000e+00, v3;
	_ =	sdelay $0x1  }
0x70: {  	v0 =	vand.u32 $0xFFFF0000, v0;
	v1 =	vand.u32 $0xFFFF0000, v1;
	(erf) = vrcp.f32 v3  }
0x71: {  	v0 =	vadd.f32 v1, v0;
	_ =	sdelay $0x1  }
0x72: {  	v0 =	vadd.f32 v0, v46;
	_ =	sdelay $0x1  }
0x73: {  	v47 =	vsub.f32 $0.0e+00, v0;
	_ =	sdelay $0x1  }
0x74: {  	v1 =	vmul.f32 $1.442695020e+00, v47;
	_ =	sdelay $0x1  }
0x75: {  	v3 =	vpop (erf);
	(erf) = vpow2.f32 v1;
	_ =	sdelay $0x8  }
0x76: {  	v1 =	vpop (erf)  }
0x77: {  	v1 =	vadd.f32 $1.000000000e+00, v1;
	_ =	sdelay $0x1  }
0x78: {  	(erf) = vrcp.f32 v1;
	_ =	sdelay $0x8  }
0x79: {  	v2 =	vmul.f32 v3, v2;
	v1 =	vpop (erf)  }
0x7a: {  	v0 =	vmul.f32 v1, v0  }
0x7b: {  	[tilespmem:s21+$0xFFFFFDC0] =	vst v2  }
0x7c: {  	[tilespmem:s21+$0xFFFFFDD0] =	vst v0  }
0x7d: {  	v0 =	vld [tilespmem:s23+$0xFFFFFF10]  }
0x7e: {  	v48 =	vld [tilespmem:s22+$0xFFFFFF10];
	_ =	sdelay $0x2  }
0x7f: {  	v49 =	vld [tilespmem:s21+$0xFFFFFDE0];
	_ =	sdelay $0x1  }
0x80: {  	v50 =	vshll.u32 v0, $0x10;
	v51 =	vshll.u32 v48, $0x10  }
0x81: {  	v3 =	vadd.f32 v51, v50;
	_ =	sdelay $0x1  }
0x82: {  	v2 =	vadd.f32 v3, v49;
	_ =	sdelay $0x1  }
0x83: {  	v3 =	vsub.f32 $0.0e+00, v2;
	_ =	sdelay $0x1  }
0x84: {  	v3 =	vmul.f32 $1.442695020e+00, v3;
	_ =	sdelay $0x1  }
0x85: {  	(erf) = vpow2.f32 v3;
	_ =	sdelay $0x8  }
0x86: {  	v3 =	vpop (erf)  }
0x87: {  	v52 =	vld [tilespmem:s21+$0xFFFFFDF0];
	v3 =	vadd.f32 $1.000000000e+00, v3;
	_ =	sdelay $0x1  }
0x88: {  	v0 =	vand.u32 $0xFFFF0000, v0;
	v1 =	vand.u32 $0xFFFF0000, v48;
	(erf) = vrcp.f32 v3  }
0x89: {  	v0 =	vadd.f32 v1, v0;
	_ =	sdelay $0x1  }
0x8a: {  	v0 =	vadd.f32 v0, v52;
	_ =	sdelay $0x1  }
0x8b: {  	v53 =	vsub.f32 $0.0e+00, v0;
	_ =	sdelay $0x1  }
0x8c: {  	v1 =	vmul.f32 $1.442695020e+00, v53;
	_ =	sdelay $0x1  }
0x8d: {  	v3 =	vpop (erf);
	(erf) = vpow2.f32 v1;
	_ =	sdelay $0x8  }
0x8e: {  	v1 =	vpop (erf)  }
0x8f: {  	v1 =	vadd.f32 $1.000000000e+00, v1;
	_ =	sdelay $0x1  }
0x90: {  	(erf) = vrcp.f32 v1;
	_ =	sdelay $0x8  }
0x91: {  	v2 =	vmul.f32 v3, v2;
	v1 =	vpop (erf)  }
0x92: {  	v0 =	vmul.f32 v1, v0  }
0x93: {  	[tilespmem:s21+$0xFFFFFDE0] =	vst v2  }
0x94: {  	[tilespmem:s21+$0xFFFFFDF0] =	vst v0  }
0x95: {  	v0 =	vld [tilespmem:s23+$0xFFFFFF20]  }
0x96: {  	v54 =	vld [tilespmem:s22+$0xFFFFFF20];
	_ =	sdelay $0x2  }
0x97: {  	v55 =	vld [tilespmem:s21+$0xFFFFFE00];
	_ =	sdelay $0x1  }
0x98: {  	v56 =	vshll.u32 v0, $0x10;
	v57 =	vshll.u32 v54, $0x10  }
0x99: {  	v3 =	vadd.f32 v57, v56;
	_ =	sdelay $0x1  }
0x9a: {  	v2 =	vadd.f32 v3, v55;
	_ =	sdelay $0x1  }
0x9b: {  	v3 =	vsub.f32 $0.0e+00, v2;
	_ =	sdelay $0x1  }
0x9c: {  	v3 =	vmul.f32 $1.442695020e+00, v3;
	_ =	sdelay $0x1  }
0x9d: {  	(erf) = vpow2.f32 v3;
	_ =	sdelay $0x8  }
0x9e: {  	v3 =	vpop (erf)  }
0x9f: {  	v58 =	vld [tilespmem:s21+$0xFFFFFE10];
	v3 =	vadd.f32 $1.000000000e+00, v3;
	_ =	sdelay $0x1  }
0xa0: {  	v0 =	vand.u32 $0xFFFF0000, v0;
	v1 =	vand.u32 $0xFFFF0000, v54;
	(erf) = vrcp.f32 v3  }
0xa1: {  	v0 =	vadd.f32 v1, v0;
	_ =	sdelay $0x1  }
0xa2: {  	v0 =	vadd.f32 v0, v58;
	_ =	sdelay $0x1  }
0xa3: {  	v59 =	vsub.f32 $0.0e+00, v0;
	_ =	sdelay $0x1  }
0xa4: {  	v1 =	vmul.f32 $1.442695020e+00, v59;
	_ =	sdelay $0x1  }
0xa5: {  	v3 =	vpop (erf);
	(erf) = vpow2.f32 v1;
	_ =	sdelay $0x8  }
0xa6: {  	v1 =	vpop (erf)  }
0xa7: {  	v1 =	vadd.f32 $1.000000000e+00, v1;
	_ =	sdelay $0x1  }
0xa8: {  	(erf) = vrcp.f32 v1;
	_ =	sdelay $0x8  }
0xa9: {  	v2 =	vmul.f32 v3, v2;
	v1 =	vpop (erf)  }
0xaa: {  	v0 =	vmul.f32 v1, v0  }
0xab: {  	[tilespmem:s21+$0xFFFFFE00] =	vst v2  }
0xac: {  	[tilespmem:s21+$0xFFFFFE10] =	vst v0  }
0xad: {  	v0 =	vld [tilespmem:s23+$0xFFFFFF30]  }
0xae: {  	v60 =	vld [tilespmem:s22+$0xFFFFFF30];
	_ =	sdelay $0x2  }
0xaf: {  	v61 =	vld [tilespmem:s21+$0xFFFFFE20];
	_ =	sdelay $0x1  }
0xb0: {  	v62 =	vshll.u32 v0, $0x10;
	v63 =	vshll.u32 v60, $0x10  }
0xb1: {  	v3 =	vadd.f32 v63, v62;
	_ =	sdelay $0x1  }
0xb2: {  	v2 =	vadd.f32 v3, v61;
	_ =	sdelay $0x1  }
0xb3: {  	v3 =	vsub.f32 $0.0e+00, v2;
	_ =	sdelay $0x1  }
0xb4: {  	v3 =	vmul.f32 $1.442695020e+00, v3;
	_ =	sdelay $0x1  }
0xb5: {  	(erf) = vpow2.f32 v3;
	_ =	sdelay $0x8  }
0xb6: {  	v3 =	vpop (erf)  }
0xb7: {  	v6 =	vld [tilespmem:s21+$0xFFFFFE30];
	v3 =	vadd.f32 $1.000000000e+00, v3;
	_ =	sdelay $0x1  }
0xb8: {  	v0 =	vand.u32 $0xFFFF0000, v0;
	v1 =	vand.u32 $0xFFFF0000, v60;
	(erf) = vrcp.f32 v3  }
0xb9: {  	v0 =	vadd.f32 v1, v0;
	_ =	sdelay $0x1  }
0xba: {  	v0 =	vadd.f32 v0, v6;
	_ =	sdelay $0x1  }
0xbb: {  	v7 =	vsub.f32 $0.0e+00, v0;
	_ =	sdelay $0x1  }
0xbc: {  	v1 =	vmul.f32 $1.442695020e+00, v7;
	_ =	sdelay $0x1  }
0xbd: {  	v3 =	vpop (erf);
	(erf) = vpow2.f32 v1;
	_ =	sdelay $0x8  }
0xbe: {  	v1 =	vpop (erf)  }
0xbf: {  	v1 =	vadd.f32 $1.000000000e+00, v1;
	_ =	sdelay $0x1  }
0xc0: {  	(erf) = vrcp.f32 v1;
	_ =	sdelay $0x8  }
0xc1: {  	v2 =	vmul.f32 v3, v2;
	v1 =	vpop (erf)  }
0xc2: {  	v0 =	vmul.f32 v1, v0  }
0xc3: {  	[tilespmem:s21+$0xFFFFFE20] =	vst v2  }
0xc4: {  	[tilespmem:s21+$0xFFFFFE30] =	vst v0  }
0xc5: {  	v0 =	vld [tilespmem:s23+$0xFFFFFF40]  }
0xc6: {  	v8 =	vld [tilespmem:s22+$0xFFFFFF40];
	_ =	sdelay $0x2  }
0xc7: {  	v9 =	vld [tilespmem:s21+$0xFFFFFE50];
	_ =	sdelay $0x1  }
0xc8: {  	v10 =	vshll.u32 v0, $0x10;
	v11 =	vshll.u32 v8, $0x10  }
0xc9: {  	v3 =	vadd.f32 v11, v10;
	_ =	sdelay $0x1  }
0xca: {  	v2 =	vadd.f32 v3, v9;
	_ =	sdelay $0x1  }
0xcb: {  	v3 =	vsub.f32 $0.0e+00, v2;
	_ =	sdelay $0x1  }
0xcc: {  	v3 =	vmul.f32 $1.442695020e+00, v3;
	_ =	sdelay $0x1  }
0xcd: {  	(erf) = vpow2.f32 v3;
	_ =	sdelay $0x8  }
0xce: {  	v3 =	vpop (erf)  }
0xcf: {  	v12 =	vld [tilespmem:s21+$0xFFFFFE60];
	v3 =	vadd.f32 $1.000000000e+00, v3;
	_ =	sdelay $0x1  }
0xd0: {  	v0 =	vand.u32 $0xFFFF0000, v0;
	v1 =	vand.u32 $0xFFFF0000, v8;
	(erf) = vrcp.f32 v3  }
0xd1: {  	v0 =	vadd.f32 v1, v0;
	_ =	sdelay $0x1  }
0xd2: {  	v0 =	vadd.f32 v0, v12;
	_ =	sdelay $0x1  }
0xd3: {  	v13 =	vsub.f32 $0.0e+00, v0;
	_ =	sdelay $0x1  }
0xd4: {  	v1 =	vmul.f32 $1.442695020e+00, v13;
	_ =	sdelay $0x1  }
0xd5: {  	v3 =	vpop (erf);
	(erf) = vpow2.f32 v1;
	_ =	sdelay $0x8  }
0xd6: {  	v1 =	vpop (erf)  }
0xd7: {  	v1 =	vadd.f32 $1.000000000e+00, v1;
	_ =	sdelay $0x1  }
0xd8: {  	(erf) = vrcp.f32 v1;
	_ =	sdelay $0x8  }
0xd9: {  	v2 =	vmul.f32 v3, v2;
	v1 =	vpop (erf)  }
0xda: {  	v0 =	vmul.f32 v1, v0  }
0xdb: {  	[tilespmem:s21+$0xFFFFFE50] =	vst v2  }
0xdc: {  	[tilespmem:s21+$0xFFFFFE60] =	vst v0  }
0xdd: {  	v0 =	vld [tilespmem:s23+$0xFFFFFF50]  }
0xde: {  	v14 =	vld [tilespmem:s22+$0xFFFFFF50];
	_ =	sdelay $0x2  }
0xdf: {  	v15 =	vld [tilespmem:s21+$0xFFFFFE70];
	_ =	sdelay $0x1  }
0xe0: {  	v16 =	vshll.u32 v0, $0x10;
	v17 =	vshll.u32 v14, $0x10  }
0xe1: {  	v3 =	vadd.f32 v17, v16;
	_ =	sdelay $0x1  }
0xe2: {  	v2 =	vadd.f32 v3, v15;
	_ =	sdelay $0x1  }
0xe3: {  	v3 =	vsub.f32 $0.0e+00, v2;
	_ =	sdelay $0x1  }
0xe4: {  	v3 =	vmul.f32 $1.442695020e+00, v3;
	_ =	sdelay $0x1  }
0xe5: {  	(erf) = vpow2.f32 v3;
	_ =	sdelay $0x8  }
0xe6: {  	v3 =	vpop (erf)  }
0xe7: {  	v18 =	vld [tilespmem:s21+$0xFFFFFE80];
	v3 =	vadd.f32 $1.000000000e+00, v3;
	_ =	sdelay $0x1  }
0xe8: {  	v0 =	vand.u32 $0xFFFF0000, v0;
	v1 =	vand.u32 $0xFFFF0000, v14;
	(erf) = vrcp.f32 v3  }
0xe9: {  	v0 =	vadd.f32 v1, v0;
	_ =	sdelay $0x1  }
0xea: {  	v0 =	vadd.f32 v0, v18;
	_ =	sdelay $0x1  }
0xeb: {  	v19 =	vsub.f32 $0.0e+00, v0;
	_ =	sdelay $0x1  }
0xec: {  	v1 =	vmul.f32 $1.442695020e+00, v19;
	_ =	sdelay $0x1  }
0xed: {  	v3 =	vpop (erf);
	(erf) = vpow2.f32 v1;
	_ =	sdelay $0x8  }
0xee: {  	v1 =	vpop (erf)  }
0xef: {  	v1 =	vadd.f32 $1.000000000e+00, v1;
	_ =	sdelay $0x1  }
0xf0: {  	(erf) = vrcp.f32 v1;
	_ =	sdelay $0x8  }
0xf1: {  	v2 =	vmul.f32 v3, v2;
	v1 =	vpop (erf)  }
0xf2: {  	v0 =	vmul.f32 v1, v0  }
0xf3: {  	[tilespmem:s21+$0xFFFFFE70] =	vst v2  }
0xf4: {  	[tilespmem:s21+$0xFFFFFE80] =	vst v0  }
0xf5: {  	v0 =	vld [tilespmem:s23+$0xFFFFFF60]  }
0xf6: {  	v20 =	vld [tilespmem:s22+$0xFFFFFF60];
	_ =	sdelay $0x2  }
0xf7: {  	v21 =	vld [tilespmem:s21+$0xFFFFFE90];
	_ =	sdelay $0x1  }
0xf8: {  	v22 =	vshll.u32 v0, $0x10;
	v23 =	vshll.u32 v20, $0x10  }
0xf9: {  	v3 =	vadd.f32 v23, v22;
	_ =	sdelay $0x1  }
0xfa: {  	v2 =	vadd.f32 v3, v21;
	_ =	sdelay $0x1  }
0xfb: {  	v3 =	vsub.f32 $0.0e+00, v2;
	_ =	sdelay $0x1  }
0xfc: {  	v3 =	vmul.f32 $1.442695020e+00, v3;
	_ =	sdelay $0x1  }
0xfd: {  	(erf) = vpow2.f32 v3;
	_ =	sdelay $0x8  }
0xfe: {  	v3 =	vpop (erf)  }
0xff: {  	v24 =	vld [tilespmem:s21+$0xFFFFFEA0];
	v3 =	vadd.f32 $1.000000000e+00, v3;
	_ =	sdelay $0x1  }
0x100: {  	v0 =	vand.u32 $0xFFFF0000, v0;
	v1 =	vand.u32 $0xFFFF0000, v20;
	(erf) = vrcp.f32 v3  }
0x101: {  	v0 =	vadd.f32 v1, v0;
	_ =	sdelay $0x1  }
0x102: {  	v0 =	vadd.f32 v0, v24;
	_ =	sdelay $0x1  }
0x103: {  	v25 =	vsub.f32 $0.0e+00, v0;
	_ =	sdelay $0x1  }
0x104: {  	v1 =	vmul.f32 $1.442695020e+00, v25;
	_ =	sdelay $0x1  }
0x105: {  	v3 =	vpop (erf);
	(erf) = vpow2.f32 v1;
	_ =	sdelay $0x8  }
0x106: {  	v1 =	vpop (erf)  }
0x107: {  	v1 =	vadd.f32 $1.000000000e+00, v1;
	_ =	sdelay $0x1  }
0x108: {  	(erf) = vrcp.f32 v1;
	_ =	sdelay $0x8  }
0x109: {  	v2 =	vmul.f32 v3, v2;
	v1 =	vpop (erf)  }
0x10a: {  	v0 =	vmul.f32 v1, v0  }
0x10b: {  	[tilespmem:s21+$0xFFFFFE90] =	vst v2  }
0x10c: {  	[tilespmem:s21+$0xFFFFFEA0] =	vst v0  }
0x10d: {  	v0 =	vld [tilespmem:s23+$0xFFFFFF70]  }
0x10e: {  	v26 =	vld [tilespmem:s22+$0xFFFFFF70];
	_ =	sdelay $0x2  }
0x10f: {  	v27 =	vld [tilespmem:s21+$0xFFFFFEB0];
	_ =	sdelay $0x1  }
0x110: {  	v28 =	vshll.u32 v0, $0x10;
	v29 =	vshll.u32 v26, $0x10  }
0x111: {  	v3 =	vadd.f32 v29, v28;
	_ =	sdelay $0x1  }
0x112: {  	v2 =	vadd.f32 v3, v27;
	_ =	sdelay $0x1  }
0x113: {  	v3 =	vsub.f32 $0.0e+00, v2;
	_ =	sdelay $0x1  }
0x114: {  	v3 =	vmul.f32 $1.442695020e+00, v3;
	_ =	sdelay $0x1  }
0x115: {  	(erf) = vpow2.f32 v3;
	_ =	sdelay $0x8  }
0x116: {  	v3 =	vpop (erf)  }
0x117: {  	v30 =	vld [tilespmem:s21+$0xFFFFFEC0];
	v3 =	vadd.f32 $1.000000000e+00, v3;
	_ =	sdelay $0x1  }
0x118: {  	v0 =	vand.u32 $0xFFFF0000, v0;
	v1 =	vand.u32 $0xFFFF0000, v26;
	(erf) = vrcp.f32 v3  }
0x119: {  	v0 =	vadd.f32 v1, v0;
	_ =	sdelay $0x1  }
0x11a: {  	v0 =	vadd.f32 v0, v30;
	_ =	sdelay $0x1  }
0x11b: {  	v31 =	vsub.f32 $0.0e+00, v0;
	_ =	sdelay $0x1  }
0x11c: {  	v1 =	vmul.f32 $1.442695020e+00, v31;
	_ =	sdelay $0x1  }
0x11d: {  	v3 =	vpop (erf);
	(erf) = vpow2.f32 v1;
	_ =	sdelay $0x8  }
0x11e: {  	v1 =	vpop (erf)  }
0x11f: {  	v1 =	vadd.f32 $1.000000000e+00, v1;
	_ =	sdelay $0x1  }
0x120: {  	(erf) = vrcp.f32 v1;
	_ =	sdelay $0x8  }
0x121: {  	v2 =	vmul.f32 v3, v2;
	v1 =	vpop (erf)  }
0x122: {  	v0 =	vmul.f32 v1, v0  }
0x123: {  	[tilespmem:s21+$0xFFFFFEB0] =	vst v2  }
0x124: {  	[tilespmem:s21+$0xFFFFFEC0] =	vst v0  }
0x125: {  	v0 =	vld [tilespmem:s23+$0xFFFFFF80]  }
0x126: {  	v32 =	vld [tilespmem:s22+$0xFFFFFF80];
	_ =	sdelay $0x2  }
0x127: {  	v33 =	vld [tilespmem:s21+$0xFFFFFEE0];
	_ =	sdelay $0x1  }
0x128: {  	v34 =	vshll.u32 v0, $0x10;
	v35 =	vshll.u32 v32, $0x10  }
0x129: {  	v3 =	vadd.f32 v35, v34;
	_ =	sdelay $0x1  }
0x12a: {  	v2 =	vadd.f32 v3, v33;
	_ =	sdelay $0x1  }
0x12b: {  	v3 =	vsub.f32 $0.0e+00, v2;
	_ =	sdelay $0x1  }
0x12c: {  	v3 =	vmul.f32 $1.442695020e+00, v3;
	_ =	sdelay $0x1  }
0x12d: {  	(erf) = vpow2.f32 v3;
	_ =	sdelay $0x8  }
0x12e: {  	v3 =	vpop (erf)  }
0x12f: {  	v36 =	vld [tilespmem:s21+$0xFFFFFEF0];
	v3 =	vadd.f32 $1.000000000e+00, v3;
	_ =	sdelay $0x1  }
0x130: {  	v0 =	vand.u32 $0xFFFF0000, v0;
	v1 =	vand.u32 $0xFFFF0000, v32;
	(erf) = vrcp.f32 v3  }
0x131: {  	v0 =	vadd.f32 v1, v0;
	_ =	sdelay $0x1  }
0x132: {  	v0 =	vadd.f32 v0, v36;
	_ =	sdelay $0x1  }
0x133: {  	v37 =	vsub.f32 $0.0e+00, v0;
	_ =	sdelay $0x1  }
0x134: {  	v1 =	vmul.f32 $1.442695020e+00, v37;
	_ =	sdelay $0x1  }
0x135: {  	v3 =	vpop (erf);
	(erf) = vpow2.f32 v1;
	_ =	sdelay $0x8  }
0x136: {  	v1 =	vpop (erf)  }
0x137: {  	v1 =	vadd.f32 $1.000000000e+00, v1;
	_ =	sdelay $0x1  }
0x138: {  	(erf) = vrcp.f32 v1;
	_ =	sdelay $0x8  }
0x139: {  	v2 =	vmul.f32 v3, v2;
	v1 =	vpop (erf)  }
0x13a: {  	v0 =	vmul.f32 v1, v0  }
0x13b: {  	[tilespmem:s21+$0xFFFFFEE0] =	vst v2  }
0x13c: {  	[tilespmem:s21+$0xFFFFFEF0] =	vst v0  }
0x13d: {  	v0 =	vld [tilespmem:s23+$0xFFFFFF90]  }
0x13e: {  	v38 =	vld [tilespmem:s22+$0xFFFFFF90];
	_ =	sdelay $0x2  }
0x13f: {  	v39 =	vld [tilespmem:s21+$0xFFFFFF00];
	_ =	sdelay $0x1  }
0x140: {  	v40 =	vshll.u32 v0, $0x10;
	v41 =	vshll.u32 v38, $0x10  }
0x141: {  	v3 =	vadd.f32 v41, v40;
	_ =	sdelay $0x1  }
0x142: {  	v2 =	vadd.f32 v3, v39;
	_ =	sdelay $0x1  }
0x143: {  	v3 =	vsub.f32 $0.0e+00, v2;
	_ =	sdelay $0x1  }
0x144: {  	v3 =	vmul.f32 $1.442695020e+00, v3;
	_ =	sdelay $0x1  }
0x145: {  	(erf) = vpow2.f32 v3;
	_ =	sdelay $0x8  }
0x146: {  	v3 =	vpop (erf)  }
0x147: {  	v42 =	vld [tilespmem:s21+$0xFFFFFF10];
	v3 =	vadd.f32 $1.000000000e+00, v3;
	_ =	sdelay $0x1  }
0x148: {  	v0 =	vand.u32 $0xFFFF0000, v0;
	v1 =	vand.u32 $0xFFFF0000, v38;
	(erf) = vrcp.f32 v3  }
0x149: {  	v0 =	vadd.f32 v1, v0;
	_ =	sdelay $0x1  }
0x14a: {  	v0 =	vadd.f32 v0, v42;
	_ =	sdelay $0x1  }
0x14b: {  	v43 =	vsub.f32 $0.0e+00, v0;
	_ =	sdelay $0x1  }
0x14c: {  	v1 =	vmul.f32 $1.442695020e+00, v43;
	_ =	sdelay $0x1  }
0x14d: {  	v3 =	vpop (erf);
	(erf) = vpow2.f32 v1;
	_ =	sdelay $0x8  }
0x14e: {  	v1 =	vpop (erf)  }
0x14f: {  	v1 =	vadd.f32 $1.000000000e+00, v1;
	_ =	sdelay $0x1  }
0x150: {  	(erf) = vrcp.f32 v1;
	_ =	sdelay $0x8  }
0x151: {  	v2 =	vmul.f32 v3, v2;
	v1 =	vpop (erf)  }
0x152: {  	v0 =	vmul.f32 v1, v0  }
0x153: {  	[tilespmem:s21+$0xFFFFFF00] =	vst v2  }
0x154: {  	[tilespmem:s21+$0xFFFFFF10] =	vst v0  }
0x155: {  	v0 =	vld [tilespmem:s23+$0xFFFFFFA0]  }
0x156: {  	v44 =	vld [tilespmem:s22+$0xFFFFFFA0];
	_ =	sdelay $0x2  }
0x157: {  	v45 =	vld [tilespmem:s21+$0xFFFFFF20];
	_ =	sdelay $0x1  }
0x158: {  	v46 =	vshll.u32 v0, $0x10;
	v47 =	vshll.u32 v44, $0x10  }
0x159: {  	v3 =	vadd.f32 v47, v46;
	_ =	sdelay $0x1  }
0x15a: {  	v2 =	vadd.f32 v3, v45;
	_ =	sdelay $0x1  }
0x15b: {  	v3 =	vsub.f32 $0.0e+00, v2;
	_ =	sdelay $0x1  }
0x15c: {  	v3 =	vmul.f32 $1.442695020e+00, v3;
	_ =	sdelay $0x1  }
0x15d: {  	(erf) = vpow2.f32 v3;
	_ =	sdelay $0x8  }
0x15e: {  	v3 =	vpop (erf)  }
0x15f: {  	v48 =	vld [tilespmem:s21+$0xFFFFFF30];
	v3 =	vadd.f32 $1.000000000e+00, v3;
	_ =	sdelay $0x1  }
0x160: {  	v0 =	vand.u32 $0xFFFF0000, v0;
	v1 =	vand.u32 $0xFFFF0000, v44;
	(erf) = vrcp.f32 v3  }
0x161: {  	v0 =	vadd.f32 v1, v0;
	_ =	sdelay $0x1  }
0x162: {  	v0 =	vadd.f32 v0, v48;
	_ =	sdelay $0x1  }
0x163: {  	v49 =	vsub.f32 $0.0e+00, v0;
	_ =	sdelay $0x1  }
0x164: {  	v1 =	vmul.f32 $1.442695020e+00, v49;
	_ =	sdelay $0x1  }
0x165: {  	v3 =	vpop (erf);
	(erf) = vpow2.f32 v1;
	_ =	sdelay $0x8  }
0x166: {  	v1 =	vpop (erf)  }
0x167: {  	v1 =	vadd.f32 $1.000000000e+00, v1;
	_ =	sdelay $0x1  }
0x168: {  	(erf) = vrcp.f32 v1;
	_ =	sdelay $0x8  }
0x169: {  	v2 =	vmul.f32 v3, v2;
	v1 =	vpop (erf)  }
0x16a: {  	v0 =	vmul.f32 v1, v0  }
0x16b: {  	[tilespmem:s21+$0xFFFFFF20] =	vst v2  }
0x16c: {  	[tilespmem:s21+$0xFFFFFF30] =	vst v0  }
0x16d: {  	v0 =	vld [tilespmem:s23+$0xFFFFFFB0]  }
0x16e: {  	v50 =	vld [tilespmem:s22+$0xFFFFFFB0];
	_ =	sdelay $0x2  }
0x16f: {  	v51 =	vld [tilespmem:s21+$0xFFFFFF40];
	_ =	sdelay $0x1  }
0x170: {  	v52 =	vshll.u32 v0, $0x10;
	v53 =	vshll.u32 v50, $0x10  }
0x171: {  	v3 =	vadd.f32 v53, v52;
	_ =	sdelay $0x1  }
0x172: {  	v2 =	vadd.f32 v3, v51;
	_ =	sdelay $0x1  }
0x173: {  	v3 =	vsub.f32 $0.0e+00, v2;
	_ =	sdelay $0x1  }
0x174: {  	v3 =	vmul.f32 $1.442695020e+00, v3;
	_ =	sdelay $0x1  }
0x175: {  	(erf) = vpow2.f32 v3;
	_ =	sdelay $0x8  }
0x176: {  	v3 =	vpop (erf)  }
0x177: {  	v54 =	vld [tilespmem:s21+$0xFFFFFF50];
	v3 =	vadd.f32 $1.000000000e+00, v3;
	_ =	sdelay $0x1  }
0x178: {  	v0 =	vand.u32 $0xFFFF0000, v0;
	v1 =	vand.u32 $0xFFFF0000, v50;
	(erf) = vrcp.f32 v3  }
0x179: {  	v0 =	vadd.f32 v1, v0;
	_ =	sdelay $0x1  }
0x17a: {  	v0 =	vadd.f32 v0, v54;
	_ =	sdelay $0x1  }
0x17b: {  	v55 =	vsub.f32 $0.0e+00, v0;
	_ =	sdelay $0x1  }
0x17c: {  	v1 =	vmul.f32 $1.442695020e+00, v55;
	_ =	sdelay $0x1  }
0x17d: {  	v3 =	vpop (erf);
	(erf) = vpow2.f32 v1;
	_ =	sdelay $0x8  }
0x17e: {  	v1 =	vpop (erf)  }
0x17f: {  	v1 =	vadd.f32 $1.000000000e+00, v1;
	_ =	sdelay $0x1  }
0x180: {  	(erf) = vrcp.f32 v1;
	_ =	sdelay $0x8  }
0x181: {  	v2 =	vmul.f32 v3, v2;
	v1 =	vpop (erf)  }
0x182: {  	v0 =	vmul.f32 v1, v0  }
0x183: {  	[tilespmem:s21+$0xFFFFFF40] =	vst v2  }
0x184: {  	[tilespmem:s21+$0xFFFFFF50] =	vst v0  }
0x185: {  	v0 =	vld [tilespmem:s23+$0xFFFFFFC0]  }
0x186: {  	v56 =	vld [tilespmem:s22+$0xFFFFFFC0];
	_ =	sdelay $0x2  }
0x187: {  	v57 =	vld [tilespmem:s21+$0xFFFFFF70];
	_ =	sdelay $0x1  }
0x188: {  	v58 =	vshll.u32 v0, $0x10;
	v59 =	vshll.u32 v56, $0x10  }
0x189: {  	v3 =	vadd.f32 v59, v58;
	_ =	sdelay $0x1  }
0x18a: {  	v2 =	vadd.f32 v3, v57;
	_ =	sdelay $0x1  }
0x18b: {  	v3 =	vsub.f32 $0.0e+00, v2;
	_ =	sdelay $0x1  }
0x18c: {  	v3 =	vmul.f32 $1.442695020e+00, v3;
	_ =	sdelay $0x1  }
0x18d: {  	(erf) = vpow2.f32 v3;
	_ =	sdelay $0x8  }
0x18e: {  	v3 =	vpop (erf)  }
0x18f: {  	v60 =	vld [tilespmem:s21+$0xFFFFFF80];
	v3 =	vadd.f32 $1.000000000e+00, v3;
	_ =	sdelay $0x1  }
0x190: {  	v0 =	vand.u32 $0xFFFF0000, v0;
	v1 =	vand.u32 $0xFFFF0000, v56;
	(erf) = vrcp.f32 v3  }
0x191: {  	v0 =	vadd.f32 v1, v0;
	_ =	sdelay $0x1  }
0x192: {  	v0 =	vadd.f32 v0, v60;
	_ =	sdelay $0x1  }
0x193: {  	v61 =	vsub.f32 $0.0e+00, v0;
	_ =	sdelay $0x1  }
0x194: {  	v1 =	vmul.f32 $1.442695020e+00, v61;
	_ =	sdelay $0x1  }
0x195: {  	v3 =	vpop (erf);
	(erf) = vpow2.f32 v1;
	_ =	sdelay $0x8  }
0x196: {  	v1 =	vpop (erf)  }
0x197: {  	v1 =	vadd.f32 $1.000000000e+00, v1;
	_ =	sdelay $0x1  }
0x198: {  	(erf) = vrcp.f32 v1;
	_ =	sdelay $0x8  }
0x199: {  	v2 =	vmul.f32 v3, v2;
	v1 =	vpop (erf)  }
0x19a: {  	v0 =	vmul.f32 v1, v0  }
0x19b: {  	[tilespmem:s21+$0xFFFFFF70] =	vst v2  }
0x19c: {  	[tilespmem:s21+$0xFFFFFF80] =	vst v0  }
0x19d: {  	v0 =	vld [tilespmem:s23+$0xFFFFFFD0]  }
0x19e: {  	v62 =	vld [tilespmem:s22+$0xFFFFFFD0];
	_ =	sdelay $0x2  }
0x19f: {  	v63 =	vld [tilespmem:s21+$0xFFFFFF90];
	_ =	sdelay $0x1  }
0x1a0: {  	v8 =	vshll.u32 v0, $0x10;
	v9 =	vshll.u32 v62, $0x10  }
0x1a1: {  	v3 =	vadd.f32 v9, v8;
	_ =	sdelay $0x1  }
0x1a2: {  	v2 =	vadd.f32 v3, v63;
	_ =	sdelay $0x1  }
0x1a3: {  	v3 =	vsub.f32 $0.0e+00, v2;
	_ =	sdelay $0x1  }
0x1a4: {  	v3 =	vmul.f32 $1.442695020e+00, v3;
	_ =	sdelay $0x1  }
0x1a5: {  	(erf) = vpow2.f32 v3;
	_ =	sdelay $0x8  }
0x1a6: {  	v3 =	vpop (erf)  }
0x1a7: {  	v10 =	vld [tilespmem:s21+$0xFFFFFFA0];
	v3 =	vadd.f32 $1.000000000e+00, v3;
	_ =	sdelay $0x1  }
0x1a8: {  	v0 =	vand.u32 $0xFFFF0000, v0;
	v1 =	vand.u32 $0xFFFF0000, v62;
	(erf) = vrcp.f32 v3  }
0x1a9: {  	v0 =	vadd.f32 v1, v0;
	_ =	sdelay $0x1  }
0x1aa: {  	v0 =	vadd.f32 v0, v10;
	_ =	sdelay $0x1  }
0x1ab: {  	v11 =	vsub.f32 $0.0e+00, v0;
	_ =	sdelay $0x1  }
0x1ac: {  	v1 =	vmul.f32 $1.442695020e+00, v11;
	_ =	sdelay $0x1  }
0x1ad: {  	v3 =	vpop (erf);
	(erf) = vpow2.f32 v1;
	_ =	sdelay $0x8  }
0x1ae: {  	v1 =	vpop (erf)  }
0x1af: {  	v1 =	vadd.f32 $1.000000000e+00, v1;
	_ =	sdelay $0x1  }
0x1b0: {  	(erf) = vrcp.f32 v1;
	_ =	sdelay $0x8  }
0x1b1: {  	v2 =	vmul.f32 v3, v2;
	v1 =	vpop (erf)  }
0x1b2: {  	v0 =	vmul.f32 v1, v0  }
0x1b3: {  	[tilespmem:s21+$0xFFFFFF90] =	vst v2  }
0x1b4: {  	[tilespmem:s21+$0xFFFFFFA0] =	vst v0  }
0x1b5: {  	v0 =	vld [tilespmem:s23+$0xFFFFFFE0]  }
0x1b6: {  	v12 =	vld [tilespmem:s22+$0xFFFFFFE0];
	_ =	sdelay $0x2  }
0x1b7: {  	v13 =	vld [tilespmem:s21+$0xFFFFFFB0];
	_ =	sdelay $0x1  }
0x1b8: {  	v14 =	vshll.u32 v0, $0x10;
	v15 =	vshll.u32 v12, $0x10  }
0x1b9: {  	v3 =	vadd.f32 v15, v14;
	_ =	sdelay $0x1  }
0x1ba: {  	v2 =	vadd.f32 v3, v13;
	_ =	sdelay $0x1  }
0x1bb: {  	v3 =	vsub.f32 $0.0e+00, v2;
	_ =	sdelay $0x1  }
0x1bc: {  	v3 =	vmul.f32 $1.442695020e+00, v3;
	_ =	sdelay $0x1  }
0x1bd: {  	(erf) = vpow2.f32 v3;
	_ =	sdelay $0x8  }
0x1be: {  	v3 =	vpop (erf)  }
0x1bf: {  	v16 =	vld [tilespmem:s21+$0xFFFFFFC0];
	v3 =	vadd.f32 $1.000000000e+00, v3;
	_ =	sdelay $0x1  }
0x1c0: {  	v0 =	vand.u32 $0xFFFF0000, v0;
	v1 =	vand.u32 $0xFFFF0000, v12;
	(erf) = vrcp.f32 v3  }
0x1c1: {  	v0 =	vadd.f32 v1, v0;
	_ =	sdelay $0x1  }
0x1c2: {  	v0 =	vadd.f32 v0, v16;
	_ =	sdelay $0x1  }
0x1c3: {  	v17 =	vsub.f32 $0.0e+00, v0;
	_ =	sdelay $0x1  }
0x1c4: {  	v1 =	vmul.f32 $1.442695020e+00, v17;
	_ =	sdelay $0x1  }
0x1c5: {  	v3 =	vpop (erf);
	(erf) = vpow2.f32 v1;
	_ =	sdelay $0x8  }
0x1c6: {  	v1 =	vpop (erf)  }
0x1c7: {  	v1 =	vadd.f32 $1.000000000e+00, v1;
	_ =	sdelay $0x1  }
0x1c8: {  	(erf) = vrcp.f32 v1;
	_ =	sdelay $0x8  }
0x1c9: {  	v2 =	vmul.f32 v3, v2;
	v1 =	vpop (erf)  }
0x1ca: {  	v0 =	vmul.f32 v1, v0  }
0x1cb: {  	[tilespmem:s21+$0xFFFFFFB0] =	vst v2  }
0x1cc: {  	[tilespmem:s21+$0xFFFFFFC0] =	vst v0  }
0x1cd: {  	v0 =	vld [tilespmem:s23+$0xFFFFFFF0]  }
0x1ce: {  	v18 =	vld [tilespmem:s22+$0xFFFFFFF0];
	_ =	sdelay $0x2  }
0x1cf: {  	v19 =	vld [tilespmem:s21+$0xFFFFFFD0];
	_ =	sdelay $0x1  }
0x1d0: {  	v20 =	vshll.u32 v0, $0x10;
	v21 =	vshll.u32 v18, $0x10  }
0x1d1: {  	v3 =	vadd.f32 v21, v20;
	_ =	sdelay $0x1  }
0x1d2: {  	v2 =	vadd.f32 v3, v19;
	_ =	sdelay $0x1  }
0x1d3: {  	v3 =	vsub.f32 $0.0e+00, v2;
	_ =	sdelay $0x1  }
0x1d4: {  	v3 =	vmul.f32 $1.442695020e+00, v3;
	_ =	sdelay $0x1  }
0x1d5: {  	(erf) = vpow2.f32 v3;
	_ =	sdelay $0x8  }
0x1d6: {  	v3 =	vpop (erf)  }
0x1d7: {  	v22 =	vld [tilespmem:s21+$0xFFFFFFE0];
	v3 =	vadd.f32 $1.000000000e+00, v3;
	_ =	sdelay $0x1  }
0x1d8: {  	v0 =	vand.u32 $0xFFFF0000, v0;
	v1 =	vand.u32 $0xFFFF0000, v18;
	(erf) = vrcp.f32 v3  }
0x1d9: {  	v0 =	vadd.f32 v1, v0;
	_ =	sdelay $0x1  }
0x1da: {  	v0 =	vadd.f32 v0, v22;
	_ =	sdelay $0x1  }
0x1db: {  	v23 =	vsub.f32 $0.0e+00, v0;
	_ =	sdelay $0x1  }
0x1dc: {  	v1 =	vmul.f32 $1.442695020e+00, v23;
	_ =	sdelay $0x1  }
0x1dd: {  	v3 =	vpop (erf);
	(erf) = vpow2.f32 v1;
	_ =	sdelay $0x8  }
0x1de: {  	v1 =	vpop (erf)  }
0x1df: {  	v1 =	vadd.f32 $1.000000000e+00, v1;
	_ =	sdelay $0x1  }
0x1e0: {  	(erf) = vrcp.f32 v1;
	_ =	sdelay $0x8  }
0x1e1: {  	v2 =	vmul.f32 v3, v2;
	v1 =	vpop (erf)  }
0x1e2: {  	v0 =	vmul.f32 v1, v0  }
0x1e3: {  	[tilespmem:s21+$0xFFFFFFD0] =	vst v2  }
0x1e4: {  	[tilespmem:s21+$0xFFFFFFE0] =	vst v0  }
0x1e5: {  	v0 =	vld [tilespmem:s23+$0x0]  }
0x1e6: {  	v24 =	vld [tilespmem:s22+$0x0];
	_ =	sdelay $0x2  }
0x1e7: {  	v25 =	vld [tilespmem:s21+$0x0];
	_ =	sdelay $0x1  }
0x1e8: {  	v26 =	vshll.u32 v0, $0x10;
	v27 =	vshll.u32 v24, $0x10  }
0x1e9: {  	v3 =	vadd.f32 v27, v26;
	_ =	sdelay $0x1  }
0x1ea: {  	v2 =	vadd.f32 v3, v25;
	_ =	sdelay $0x1  }
0x1eb: {  	v3 =	vsub.f32 $0.0e+00, v2;
	_ =	sdelay $0x1  }
0x1ec: {  	v3 =	vmul.f32 $1.442695020e+00, v3;
	_ =	sdelay $0x1  }
0x1ed: {  	(erf) = vpow2.f32 v3;
	_ =	sdelay $0x8  }
0x1ee: {  	v3 =	vpop (erf)  }
0x1ef: {  	v28 =	vld [tilespmem:s21+$0x10];
	v3 =	vadd.f32 $1.000000000e+00, v3;
	_ =	sdelay $0x1  }
0x1f0: {  	v0 =	vand.u32 $0xFFFF0000, v0;
	v1 =	vand.u32 $0xFFFF0000, v24;
	(erf) = vrcp.f32 v3  }
0x1f1: {  	v0 =	vadd.f32 v1, v0;
	_ =	sdelay $0x1  }
0x1f2: {  	v0 =	vadd.f32 v0, v28;
	_ =	sdelay $0x1  }
0x1f3: {  	v29 =	vsub.f32 $0.0e+00, v0;
	_ =	sdelay $0x1  }
0x1f4: {  	v1 =	vmul.f32 $1.442695020e+00, v29;
	_ =	sdelay $0x1  }
0x1f5: {  	v3 =	vpop (erf);
	(erf) = vpow2.f32 v1;
	_ =	sdelay $0x8  }
0x1f6: {  	v1 =	vpop (erf)  }
0x1f7: {  	v1 =	vadd.f32 $1.000000000e+00, v1;
	_ =	sdelay $0x1  }
0x1f8: {  	(erf) = vrcp.f32 v1;
	_ =	sdelay $0x8  }
0x1f9: {  	v2 =	vmul.f32 v3, v2;
	v1 =	vpop (erf)  }
0x1fa: {  	v0 =	vmul.f32 v1, v0  }
0x1fb: {  	[tilespmem:s21+$0x0] =	vst v2  }
0x1fc: {  	[tilespmem:s21+$0x10] =	vst v0  }
0x1fd: {  	v0 =	vld [tilespmem:s23+$0x10]  }
0x1fe: {  	v30 =	vld [tilespmem:s22+$0x10];
	_ =	sdelay $0x2  }
0x1ff: {  	v31 =	vld [tilespmem:s21+$0x20];
	_ =	sdelay $0x1  }
0x200: {  	v32 =	vshll.u32 v0, $0x10;
	v33 =	vshll.u32 v30, $0x10  }
0x201: {  	v3 =	vadd.f32 v33, v32;
	_ =	sdelay $0x1  }
0x202: {  	v2 =	vadd.f32 v3, v31;
	_ =	sdelay $0x1  }
0x203: {  	v3 =	vsub.f32 $0.0e+00, v2;
	_ =	sdelay $0x1  }
0x204: {  	v3 =	vmul.f32 $1.442695020e+00, v3;
	_ =	sdelay $0x1  }
0x205: {  	(erf) = vpow2.f32 v3;
	_ =	sdelay $0x8  }
0x206: {  	v3 =	vpop (erf)  }
0x207: {  	v34 =	vld [tilespmem:s21+$0x30];
	v3 =	vadd.f32 $1.000000000e+00, v3;
	_ =	sdelay $0x1  }
0x208: {  	v0 =	vand.u32 $0xFFFF0000, v0;
	v1 =	vand.u32 $0xFFFF0000, v30;
	(erf) = vrcp.f32 v3  }
0x209: {  	v0 =	vadd.f32 v1, v0;
	_ =	sdelay $0x1  }
0x20a: {  	v0 =	vadd.f32 v0, v34;
	_ =	sdelay $0x1  }
0x20b: {  	v35 =	vsub.f32 $0.0e+00, v0;
	_ =	sdelay $0x1  }
0x20c: {  	v1 =	vmul.f32 $1.442695020e+00, v35;
	_ =	sdelay $0x1  }
0x20d: {  	v3 =	vpop (erf);
	(erf) = vpow2.f32 v1;
	_ =	sdelay $0x8  }
0x20e: {  	v1 =	vpop (erf)  }
0x20f: {  	v1 =	vadd.f32 $1.000000000e+00, v1;
	_ =	sdelay $0x1  }
0x210: {  	(erf) = vrcp.f32 v1;
	_ =	sdelay $0x8  }
0x211: {  	v2 =	vmul.f32 v3, v2;
	v1 =	vpop (erf)  }
0x212: {  	v0 =	vmul.f32 v1, v0  }
0x213: {  	[tilespmem:s21+$0x20] =	vst v2  }
0x214: {  	[tilespmem:s21+$0x30] =	vst v0  }
0x215: {  	v0 =	vld [tilespmem:s23+$0x20]  }
0x216: {  	v36 =	vld [tilespmem:s22+$0x20];
	_ =	sdelay $0x2  }
0x217: {  	v37 =	vld [tilespmem:s21+$0x40];
	_ =	sdelay $0x1  }
0x218: {  	v38 =	vshll.u32 v0, $0x10;
	v39 =	vshll.u32 v36, $0x10  }
0x219: {  	v3 =	vadd.f32 v39, v38;
	_ =	sdelay $0x1  }
0x21a: {  	v2 =	vadd.f32 v3, v37;
	_ =	sdelay $0x1  }
0x21b: {  	v3 =	vsub.f32 $0.0e+00, v2;
	_ =	sdelay $0x1  }
0x21c: {  	v3 =	vmul.f32 $1.442695020e+00, v3;
	_ =	sdelay $0x1  }
0x21d: {  	(erf) = vpow2.f32 v3;
	_ =	sdelay $0x8  }
0x21e: {  	v3 =	vpop (erf)  }
0x21f: {  	v40 =	vld [tilespmem:s21+$0x50];
	v3 =	vadd.f32 $1.000000000e+00, v3;
	_ =	sdelay $0x1  }
0x220: {  	v0 =	vand.u32 $0xFFFF0000, v0;
	v1 =	vand.u32 $0xFFFF0000, v36;
	(erf) = vrcp.f32 v3  }
0x221: {  	v0 =	vadd.f32 v1, v0;
	_ =	sdelay $0x1  }
0x222: {  	v0 =	vadd.f32 v0, v40;
	_ =	sdelay $0x1  }
0x223: {  	v41 =	vsub.f32 $0.0e+00, v0;
	_ =	sdelay $0x1  }
0x224: {  	v1 =	vmul.f32 $1.442695020e+00, v41;
	_ =	sdelay $0x1  }
0x225: {  	v3 =	vpop (erf);
	(erf) = vpow2.f32 v1;
	_ =	sdelay $0x8  }
0x226: {  	v1 =	vpop (erf)  }
0x227: {  	v1 =	vadd.f32 $1.000000000e+00, v1;
	_ =	sdelay $0x1  }
0x228: {  	(erf) = vrcp.f32 v1;
	_ =	sdelay $0x8  }
0x229: {  	v2 =	vmul.f32 v3, v2;
	v1 =	vpop (erf)  }
0x22a: {  	v0 =	vmul.f32 v1, v0  }
0x22b: {  	[tilespmem:s21+$0x40] =	vst v2  }
0x22c: {  	[tilespmem:s21+$0x50] =	vst v0  }
0x22d: {  	v0 =	vld [tilespmem:s23+$0x30]  }
0x22e: {  	v42 =	vld [tilespmem:s22+$0x30];
	_ =	sdelay $0x2  }
0x22f: {  	v43 =	vld [tilespmem:s21+$0x60];
	_ =	sdelay $0x1  }
0x230: {  	v44 =	vshll.u32 v0, $0x10;
	v45 =	vshll.u32 v42, $0x10  }
0x231: {  	v3 =	vadd.f32 v45, v44;
	_ =	sdelay $0x1  }
0x232: {  	v2 =	vadd.f32 v3, v43;
	_ =	sdelay $0x1  }
0x233: {  	v3 =	vsub.f32 $0.0e+00, v2;
	_ =	sdelay $0x1  }
0x234: {  	v3 =	vmul.f32 $1.442695020e+00, v3;
	_ =	sdelay $0x1  }
0x235: {  	(erf) = vpow2.f32 v3;
	_ =	sdelay $0x8  }
0x236: {  	v3 =	vpop (erf)  }
0x237: {  	v46 =	vld [tilespmem:s21+$0x70];
	v3 =	vadd.f32 $1.000000000e+00, v3;
	_ =	sdelay $0x1  }
0x238: {  	v0 =	vand.u32 $0xFFFF0000, v0;
	v1 =	vand.u32 $0xFFFF0000, v42;
	(erf) = vrcp.f32 v3  }
0x239: {  	v0 =	vadd.f32 v1, v0;
	_ =	sdelay $0x1  }
0x23a: {  	v0 =	vadd.f32 v0, v46;
	_ =	sdelay $0x1  }
0x23b: {  	v47 =	vsub.f32 $0.0e+00, v0;
	_ =	sdelay $0x1  }
0x23c: {  	v1 =	vmul.f32 $1.442695020e+00, v47;
	_ =	sdelay $0x1  }
0x23d: {  	v3 =	vpop (erf);
	(erf) = vpow2.f32 v1;
	_ =	sdelay $0x8  }
0x23e: {  	v1 =	vpop (erf)  }
0x23f: {  	v1 =	vadd.f32 $1.000000000e+00, v1;
	_ =	sdelay $0x1  }
0x240: {  	(erf) = vrcp.f32 v1;
	_ =	sdelay $0x8  }
0x241: {  	v2 =	vmul.f32 v3, v2;
	v1 =	vpop (erf)  }
0x242: {  	v0 =	vmul.f32 v1, v0  }
0x243: {  	[tilespmem:s21+$0x60] =	vst v2  }
0x244: {  	[tilespmem:s21+$0x70] =	vst v0  }
0x245: {  	v0 =	vld [tilespmem:s23+$0x40]  }
0x246: {  	v48 =	vld [tilespmem:s22+$0x40];
	_ =	sdelay $0x2  }
0x247: {  	v49 =	vld [tilespmem:s21+$0x90];
	_ =	sdelay $0x1  }
0x248: {  	v50 =	vshll.u32 v0, $0x10;
	v51 =	vshll.u32 v48, $0x10  }
0x249: {  	v3 =	vadd.f32 v51, v50;
	_ =	sdelay $0x1  }
0x24a: {  	v2 =	vadd.f32 v3, v49;
	_ =	sdelay $0x1  }
0x24b: {  	v3 =	vsub.f32 $0.0e+00, v2;
	_ =	sdelay $0x1  }
0x24c: {  	v3 =	vmul.f32 $1.442695020e+00, v3;
	_ =	sdelay $0x1  }
0x24d: {  	(erf) = vpow2.f32 v3;
	_ =	sdelay $0x8  }
0x24e: {  	v3 =	vpop (erf)  }
0x24f: {  	v52 =	vld [tilespmem:s21+$0xA0];
	v3 =	vadd.f32 $1.000000000e+00, v3;
	_ =	sdelay $0x1  }
0x250: {  	v0 =	vand.u32 $0xFFFF0000, v0;
	v1 =	vand.u32 $0xFFFF0000, v48;
	(erf) = vrcp.f32 v3  }
0x251: {  	v0 =	vadd.f32 v1, v0;
	_ =	sdelay $0x1  }
0x252: {  	v0 =	vadd.f32 v0, v52;
	_ =	sdelay $0x1  }
0x253: {  	v53 =	vsub.f32 $0.0e+00, v0;
	_ =	sdelay $0x1  }
0x254: {  	v1 =	vmul.f32 $1.442695020e+00, v53;
	_ =	sdelay $0x1  }
0x255: {  	v3 =	vpop (erf);
	(erf) = vpow2.f32 v1;
	_ =	sdelay $0x8  }
0x256: {  	v1 =	vpop (erf)  }
0x257: {  	v1 =	vadd.f32 $1.000000000e+00, v1;
	_ =	sdelay $0x1  }
0x258: {  	(erf) = vrcp.f32 v1;
	_ =	sdelay $0x8  }
0x259: {  	v2 =	vmul.f32 v3, v2;
	v1 =	vpop (erf)  }
0x25a: {  	v0 =	vmul.f32 v1, v0  }
0x25b: {  	[tilespmem:s21+$0x90] =	vst v2  }
0x25c: {  	[tilespmem:s21+$0xA0] =	vst v0  }
0x25d: {  	v0 =	vld [tilespmem:s23+$0x50]  }
0x25e: {  	v54 =	vld [tilespmem:s22+$0x50];
	_ =	sdelay $0x2  }
0x25f: {  	v55 =	vld [tilespmem:s21+$0xB0];
	_ =	sdelay $0x1  }
0x260: {  	v56 =	vshll.u32 v0, $0x10;
	v57 =	vshll.u32 v54, $0x10  }
0x261: {  	v3 =	vadd.f32 v57, v56;
	_ =	sdelay $0x1  }
0x262: {  	v2 =	vadd.f32 v3, v55;
	_ =	sdelay $0x1  }
0x263: {  	v3 =	vsub.f32 $0.0e+00, v2;
	_ =	sdelay $0x1  }
0x264: {  	v3 =	vmul.f32 $1.442695020e+00, v3;
	_ =	sdelay $0x1  }
0x265: {  	(erf) = vpow2.f32 v3;
	_ =	sdelay $0x8  }
0x266: {  	v3 =	vpop (erf)  }
0x267: {  	v58 =	vld [tilespmem:s21+$0xC0];
	v3 =	vadd.f32 $1.000000000e+00, v3;
	_ =	sdelay $0x1  }
0x268: {  	v0 =	vand.u32 $0xFFFF0000, v0;
	v1 =	vand.u32 $0xFFFF0000, v54;
	(erf) = vrcp.f32 v3  }
0x269: {  	v0 =	vadd.f32 v1, v0;
	_ =	sdelay $0x1  }
0x26a: {  	v0 =	vadd.f32 v0, v58;
	_ =	sdelay $0x1  }
0x26b: {  	v59 =	vsub.f32 $0.0e+00, v0;
	_ =	sdelay $0x1  }
0x26c: {  	v1 =	vmul.f32 $1.442695020e+00, v59;
	_ =	sdelay $0x1  }
0x26d: {  	v3 =	vpop (erf);
	(erf) = vpow2.f32 v1;
	_ =	sdelay $0x8  }
0x26e: {  	v1 =	vpop (erf)  }
0x26f: {  	v1 =	vadd.f32 $1.000000000e+00, v1;
	_ =	sdelay $0x1  }
0x270: {  	(erf) = vrcp.f32 v1;
	_ =	sdelay $0x8  }
0x271: {  	v2 =	vmul.f32 v3, v2;
	v1 =	vpop (erf)  }
0x272: {  	v0 =	vmul.f32 v1, v0  }
0x273: {  	[tilespmem:s21+$0xB0] =	vst v2  }
0x274: {  	[tilespmem:s21+$0xC0] =	vst v0  }
0x275: {  	v0 =	vld [tilespmem:s23+$0x60]  }
0x276: {  	v60 =	vld [tilespmem:s22+$0x60];
	_ =	sdelay $0x2  }
0x277: {  	v61 =	vld [tilespmem:s21+$0xD0];
	_ =	sdelay $0x1  }
0x278: {  	v62 =	vshll.u32 v0, $0x10;
	v63 =	vshll.u32 v60, $0x10  }
0x279: {  	v3 =	vadd.f32 v63, v62;
	_ =	sdelay $0x1  }
0x27a: {  	v2 =	vadd.f32 v3, v61;
	_ =	sdelay $0x1  }
0x27b: {  	v3 =	vsub.f32 $0.0e+00, v2;
	_ =	sdelay $0x1  }
0x27c: {  	v3 =	vmul.f32 $1.442695020e+00, v3;
	_ =	sdelay $0x1  }
0x27d: {  	(erf) = vpow2.f32 v3;
	_ =	sdelay $0x8  }
0x27e: {  	v3 =	vpop (erf)  }
0x27f: {  	v8 =	vld [tilespmem:s21+$0xE0];
	v3 =	vadd.f32 $1.000000000e+00, v3;
	_ =	sdelay $0x1  }
0x280: {  	v0 =	vand.u32 $0xFFFF0000, v0;
	v1 =	vand.u32 $0xFFFF0000, v60;
	(erf) = vrcp.f32 v3  }
0x281: {  	v0 =	vadd.f32 v1, v0;
	_ =	sdelay $0x1  }
0x282: {  	v0 =	vadd.f32 v0, v8;
	_ =	sdelay $0x1  }
0x283: {  	v9 =	vsub.f32 $0.0e+00, v0;
	_ =	sdelay $0x1  }
0x284: {  	v1 =	vmul.f32 $1.442695020e+00, v9;
	_ =	sdelay $0x1  }
0x285: {  	v3 =	vpop (erf);
	(erf) = vpow2.f32 v1;
	_ =	sdelay $0x8  }
0x286: {  	v1 =	vpop (erf)  }
0x287: {  	v1 =	vadd.f32 $1.000000000e+00, v1;
	_ =	sdelay $0x1  }
0x288: {  	(erf) = vrcp.f32 v1;
	_ =	sdelay $0x8  }
0x289: {  	v2 =	vmul.f32 v3, v2;
	v1 =	vpop (erf)  }
0x28a: {  	v0 =	vmul.f32 v1, v0  }
0x28b: {  	[tilespmem:s21+$0xD0] =	vst v2  }
0x28c: {  	[tilespmem:s21+$0xE0] =	vst v0  }
0x28d: {  	v0 =	vld [tilespmem:s23+$0x70]  }
0x28e: {  	v10 =	vld [tilespmem:s22+$0x70];
	_ =	sdelay $0x2  }
0x28f: {  	v11 =	vld [tilespmem:s21+$0xF0];
	_ =	sdelay $0x1  }
0x290: {  	v12 =	vshll.u32 v0, $0x10;
	v13 =	vshll.u32 v10, $0x10  }
0x291: {  	v3 =	vadd.f32 v13, v12;
	_ =	sdelay $0x1  }
0x292: {  	v2 =	vadd.f32 v3, v11;
	_ =	sdelay $0x1  }
0x293: {  	v3 =	vsub.f32 $0.0e+00, v2;
	_ =	sdelay $0x1  }
0x294: {  	v3 =	vmul.f32 $1.442695020e+00, v3;
	_ =	sdelay $0x1  }
0x295: {  	(erf) = vpow2.f32 v3;
	_ =	sdelay $0x8  }
0x296: {  	v3 =	vpop (erf)  }
0x297: {  	v14 =	vld [tilespmem:s21+$0x100];
	v3 =	vadd.f32 $1.000000000e+00, v3;
	_ =	sdelay $0x1  }
0x298: {  	v0 =	vand.u32 $0xFFFF0000, v0;
	v1 =	vand.u32 $0xFFFF0000, v10;
	(erf) = vrcp.f32 v3  }
0x299: {  	v0 =	vadd.f32 v1, v0;
	_ =	sdelay $0x1  }
0x29a: {  	v0 =	vadd.f32 v0, v14;
	_ =	sdelay $0x1  }
0x29b: {  	v15 =	vsub.f32 $0.0e+00, v0;
	_ =	sdelay $0x1  }
0x29c: {  	v1 =	vmul.f32 $1.442695020e+00, v15;
	_ =	sdelay $0x1  }
0x29d: {  	v3 =	vpop (erf);
	(erf) = vpow2.f32 v1;
	_ =	sdelay $0x8  }
0x29e: {  	v1 =	vpop (erf)  }
0x29f: {  	v1 =	vadd.f32 $1.000000000e+00, v1;
	_ =	sdelay $0x1  }
0x2a0: {  	(erf) = vrcp.f32 v1;
	_ =	sdelay $0x8  }
0x2a1: {  	v2 =	vmul.f32 v3, v2;
	v1 =	vpop (erf)  }
0x2a2: {  	v0 =	vmul.f32 v1, v0  }
0x2a3: {  	[tilespmem:s21+$0xF0] =	vst v2  }
0x2a4: {  	[tilespmem:s21+$0x100] =	vst v0  }
0x2a5: {  	v0 =	vld [tilespmem:s23+$0x80]  }
0x2a6: {  	v16 =	vld [tilespmem:s22+$0x80];
	_ =	sdelay $0x2  }
0x2a7: {  	v17 =	vld [tilespmem:s21+$0x120];
	_ =	sdelay $0x1  }
0x2a8: {  	v18 =	vshll.u32 v0, $0x10;
	v19 =	vshll.u32 v16, $0x10  }
0x2a9: {  	v3 =	vadd.f32 v19, v18;
	_ =	sdelay $0x1  }
0x2aa: {  	v2 =	vadd.f32 v3, v17;
	_ =	sdelay $0x1  }
0x2ab: {  	v3 =	vsub.f32 $0.0e+00, v2;
	_ =	sdelay $0x1  }
0x2ac: {  	v3 =	vmul.f32 $1.442695020e+00, v3;
	_ =	sdelay $0x1  }
0x2ad: {  	(erf) = vpow2.f32 v3;
	_ =	sdelay $0x8  }
0x2ae: {  	v3 =	vpop (erf)  }
0x2af: {  	v20 =	vld [tilespmem:s21+$0x130];
	v3 =	vadd.f32 $1.000000000e+00, v3;
	_ =	sdelay $0x1  }
0x2b0: {  	v0 =	vand.u32 $0xFFFF0000, v0;
	v1 =	vand.u32 $0xFFFF0000, v16;
	(erf) = vrcp.f32 v3  }
0x2b1: {  	v0 =	vadd.f32 v1, v0;
	_ =	sdelay $0x1  }
0x2b2: {  	v0 =	vadd.f32 v0, v20;
	_ =	sdelay $0x1  }
0x2b3: {  	v21 =	vsub.f32 $0.0e+00, v0;
	_ =	sdelay $0x1  }
0x2b4: {  	v1 =	vmul.f32 $1.442695020e+00, v21;
	_ =	sdelay $0x1  }
0x2b5: {  	v3 =	vpop (erf);
	(erf) = vpow2.f32 v1;
	_ =	sdelay $0x8  }
0x2b6: {  	v1 =	vpop (erf)  }
0x2b7: {  	v1 =	vadd.f32 $1.000000000e+00, v1;
	_ =	sdelay $0x1  }
0x2b8: {  	(erf) = vrcp.f32 v1;
	_ =	sdelay $0x8  }
0x2b9: {  	v2 =	vmul.f32 v3, v2;
	v1 =	vpop (erf)  }
0x2ba: {  	v0 =	vmul.f32 v1, v0  }
0x2bb: {  	[tilespmem:s21+$0x120] =	vst v2  }
0x2bc: {  	[tilespmem:s21+$0x130] =	vst v0  }
0x2bd: {  	v0 =	vld [tilespmem:s23+$0x90]  }
0x2be: {  	v22 =	vld [tilespmem:s22+$0x90];
	_ =	sdelay $0x2  }
0x2bf: {  	v23 =	vld [tilespmem:s21+$0x140];
	_ =	sdelay $0x1  }
0x2c0: {  	v24 =	vshll.u32 v0, $0x10;
	v25 =	vshll.u32 v22, $0x10  }
0x2c1: {  	v3 =	vadd.f32 v25, v24;
	_ =	sdelay $0x1  }
0x2c2: {  	v2 =	vadd.f32 v3, v23;
	_ =	sdelay $0x1  }
0x2c3: {  	v3 =	vsub.f32 $0.0e+00, v2;
	_ =	sdelay $0x1  }
0x2c4: {  	v3 =	vmul.f32 $1.442695020e+00, v3;
	_ =	sdelay $0x1  }
0x2c5: {  	(erf) = vpow2.f32 v3;
	_ =	sdelay $0x8  }
0x2c6: {  	v3 =	vpop (erf)  }
0x2c7: {  	v26 =	vld [tilespmem:s21+$0x150];
	v3 =	vadd.f32 $1.000000000e+00, v3;
	_ =	sdelay $0x1  }
0x2c8: {  	v0 =	vand.u32 $0xFFFF0000, v0;
	v1 =	vand.u32 $0xFFFF0000, v22;
	(erf) = vrcp.f32 v3  }
0x2c9: {  	v0 =	vadd.f32 v1, v0;
	_ =	sdelay $0x1  }
0x2ca: {  	v0 =	vadd.f32 v0, v26;
	_ =	sdelay $0x1  }
0x2cb: {  	v27 =	vsub.f32 $0.0e+00, v0;
	_ =	sdelay $0x1  }
0x2cc: {  	v1 =	vmul.f32 $1.442695020e+00, v27;
	_ =	sdelay $0x1  }
0x2cd: {  	v3 =	vpop (erf);
	(erf) = vpow2.f32 v1;
	_ =	sdelay $0x8  }
0x2ce: {  	v1 =	vpop (erf)  }
0x2cf: {  	v1 =	vadd.f32 $1.000000000e+00, v1;
	_ =	sdelay $0x1  }
0x2d0: {  	(erf) = vrcp.f32 v1;
	_ =	sdelay $0x8  }
0x2d1: {  	v2 =	vmul.f32 v3, v2;
	v1 =	vpop (erf)  }
0x2d2: {  	v0 =	vmul.f32 v1, v0  }
0x2d3: {  	[tilespmem:s21+$0x140] =	vst v2  }
0x2d4: {  	[tilespmem:s21+$0x150] =	vst v0  }
0x2d5: {  	v0 =	vld [tilespmem:s23+$0xA0]  }
0x2d6: {  	v28 =	vld [tilespmem:s22+$0xA0];
	_ =	sdelay $0x2  }
0x2d7: {  	v29 =	vld [tilespmem:s21+$0x160];
	_ =	sdelay $0x1  }
0x2d8: {  	v30 =	vshll.u32 v0, $0x10;
	v31 =	vshll.u32 v28, $0x10  }
0x2d9: {  	v3 =	vadd.f32 v31, v30;
	_ =	sdelay $0x1  }
0x2da: {  	v2 =	vadd.f32 v3, v29;
	_ =	sdelay $0x1  }
0x2db: {  	v3 =	vsub.f32 $0.0e+00, v2;
	_ =	sdelay $0x1  }
0x2dc: {  	v3 =	vmul.f32 $1.442695020e+00, v3;
	_ =	sdelay $0x1  }
0x2dd: {  	(erf) = vpow2.f32 v3;
	_ =	sdelay $0x8  }
0x2de: {  	v3 =	vpop (erf)  }
0x2df: {  	v32 =	vld [tilespmem:s21+$0x170];
	v3 =	vadd.f32 $1.000000000e+00, v3;
	_ =	sdelay $0x1  }
0x2e0: {  	v0 =	vand.u32 $0xFFFF0000, v0;
	v1 =	vand.u32 $0xFFFF0000, v28;
	(erf) = vrcp.f32 v3  }
0x2e1: {  	v0 =	vadd.f32 v1, v0;
	_ =	sdelay $0x1  }
0x2e2: {  	v0 =	vadd.f32 v0, v32;
	_ =	sdelay $0x1  }
0x2e3: {  	v33 =	vsub.f32 $0.0e+00, v0;
	_ =	sdelay $0x1  }
0x2e4: {  	v1 =	vmul.f32 $1.442695020e+00, v33;
	_ =	sdelay $0x1  }
0x2e5: {  	v3 =	vpop (erf);
	(erf) = vpow2.f32 v1;
	_ =	sdelay $0x8  }
0x2e6: {  	v1 =	vpop (erf)  }
0x2e7: {  	v1 =	vadd.f32 $1.000000000e+00, v1;
	_ =	sdelay $0x1  }
0x2e8: {  	(erf) = vrcp.f32 v1;
	_ =	sdelay $0x8  }
0x2e9: {  	v2 =	vmul.f32 v3, v2;
	v1 =	vpop (erf)  }
0x2ea: {  	v0 =	vmul.f32 v1, v0  }
0x2eb: {  	[tilespmem:s21+$0x160] =	vst v2  }
0x2ec: {  	[tilespmem:s21+$0x170] =	vst v0  }
0x2ed: {  	v0 =	vld [tilespmem:s23+$0xB0]  }
0x2ee: {  	v34 =	vld [tilespmem:s22+$0xB0];
	_ =	sdelay $0x2  }
0x2ef: {  	v35 =	vld [tilespmem:s21+$0x180];
	_ =	sdelay $0x1  }
0x2f0: {  	v36 =	vshll.u32 v0, $0x10;
	v37 =	vshll.u32 v34, $0x10  }
0x2f1: {  	v3 =	vadd.f32 v37, v36;
	_ =	sdelay $0x1  }
0x2f2: {  	v2 =	vadd.f32 v3, v35;
	_ =	sdelay $0x1  }
0x2f3: {  	v3 =	vsub.f32 $0.0e+00, v2;
	_ =	sdelay $0x1  }
0x2f4: {  	v3 =	vmul.f32 $1.442695020e+00, v3;
	_ =	sdelay $0x1  }
0x2f5: {  	(erf) = vpow2.f32 v3;
	_ =	sdelay $0x8  }
0x2f6: {  	v3 =	vpop (erf)  }
0x2f7: {  	v38 =	vld [tilespmem:s21+$0x190];
	v3 =	vadd.f32 $1.000000000e+00, v3;
	_ =	sdelay $0x1  }
0x2f8: {  	v0 =	vand.u32 $0xFFFF0000, v0;
	v1 =	vand.u32 $0xFFFF0000, v34;
	(erf) = vrcp.f32 v3  }
0x2f9: {  	v0 =	vadd.f32 v1, v0;
	_ =	sdelay $0x1  }
0x2fa: {  	v0 =	vadd.f32 v0, v38;
	_ =	sdelay $0x1  }
0x2fb: {  	v39 =	vsub.f32 $0.0e+00, v0;
	_ =	sdelay $0x1  }
0x2fc: {  	v1 =	vmul.f32 $1.442695020e+00, v39;
	_ =	sdelay $0x1  }
0x2fd: {  	v3 =	vpop (erf);
	(erf) = vpow2.f32 v1;
	_ =	sdelay $0x8  }
0x2fe: {  	v1 =	vpop (erf)  }
0x2ff: {  	v1 =	vadd.f32 $1.000000000e+00, v1;
	_ =	sdelay $0x1  }
0x300: {  	(erf) = vrcp.f32 v1;
	_ =	sdelay $0x8  }
0x301: {  	v2 =	vmul.f32 v3, v2;
	v1 =	vpop (erf)  }
0x302: {  	v0 =	vmul.f32 v1, v0  }
0x303: {  	[tilespmem:s21+$0x180] =	vst v2  }
0x304: {  	[tilespmem:s21+$0x190] =	vst v0  }
0x305: {  	v0 =	vld [tilespmem:s23+$0xC0]  }
0x306: {  	v40 =	vld [tilespmem:s22+$0xC0];
	_ =	sdelay $0x2  }
0x307: {  	v41 =	vld [tilespmem:s21+$0x1B0];
	_ =	sdelay $0x1  }
0x308: {  	v42 =	vshll.u32 v0, $0x10;
	v43 =	vshll.u32 v40, $0x10  }
0x309: {  	v3 =	vadd.f32 v43, v42;
	_ =	sdelay $0x1  }
0x30a: {  	v2 =	vadd.f32 v3, v41;
	_ =	sdelay $0x1  }
0x30b: {  	v3 =	vsub.f32 $0.0e+00, v2;
	_ =	sdelay $0x1  }
0x30c: {  	v3 =	vmul.f32 $1.442695020e+00, v3;
	_ =	sdelay $0x1  }
0x30d: {  	(erf) = vpow2.f32 v3;
	_ =	sdelay $0x8  }
0x30e: {  	v3 =	vpop (erf)  }
0x30f: {  	v44 =	vld [tilespmem:s21+$0x1C0];
	v3 =	vadd.f32 $1.000000000e+00, v3;
	_ =	sdelay $0x1  }
0x310: {  	v0 =	vand.u32 $0xFFFF0000, v0;
	v1 =	vand.u32 $0xFFFF0000, v40;
	(erf) = vrcp.f32 v3  }
0x311: {  	v0 =	vadd.f32 v1, v0;
	_ =	sdelay $0x1  }
0x312: {  	v0 =	vadd.f32 v0, v44;
	_ =	sdelay $0x1  }
0x313: {  	v45 =	vsub.f32 $0.0e+00, v0;
	_ =	sdelay $0x1  }
0x314: {  	v1 =	vmul.f32 $1.442695020e+00, v45;
	_ =	sdelay $0x1  }
0x315: {  	v3 =	vpop (erf);
	(erf) = vpow2.f32 v1;
	_ =	sdelay $0x8  }
0x316: {  	v1 =	vpop (erf)  }
0x317: {  	v1 =	vadd.f32 $1.000000000e+00, v1;
	_ =	sdelay $0x1  }
0x318: {  	(erf) = vrcp.f32 v1;
	_ =	sdelay $0x8  }
0x319: {  	v2 =	vmul.f32 v3, v2;
	v1 =	vpop (erf)  }
0x31a: {  	v0 =	vmul.f32 v1, v0  }
0x31b: {  	[tilespmem:s21+$0x1B0] =	vst v2  }
0x31c: {  	[tilespmem:s21+$0x1C0] =	vst v0  }
0x31d: {  	v0 =	vld [tilespmem:s23+$0xD0]  }
0x31e: {  	v46 =	vld [tilespmem:s22+$0xD0];
	_ =	sdelay $0x2  }
0x31f: {  	v47 =	vld [tilespmem:s21+$0x1D0];
	_ =	sdelay $0x1  }
0x320: {  	v48 =	vshll.u32 v0, $0x10;
	v49 =	vshll.u32 v46, $0x10  }
0x321: {  	v3 =	vadd.f32 v49, v48;
	_ =	sdelay $0x1  }
0x322: {  	v2 =	vadd.f32 v3, v47;
	_ =	sdelay $0x1  }
0x323: {  	v3 =	vsub.f32 $0.0e+00, v2;
	_ =	sdelay $0x1  }
0x324: {  	v3 =	vmul.f32 $1.442695020e+00, v3;
	_ =	sdelay $0x1  }
0x325: {  	(erf) = vpow2.f32 v3;
	_ =	sdelay $0x8  }
0x326: {  	v3 =	vpop (erf)  }
0x327: {  	v50 =	vld [tilespmem:s21+$0x1E0];
	v3 =	vadd.f32 $1.000000000e+00, v3;
	_ =	sdelay $0x1  }
0x328: {  	v0 =	vand.u32 $0xFFFF0000, v0;
	v1 =	vand.u32 $0xFFFF0000, v46;
	(erf) = vrcp.f32 v3  }
0x329: {  	v0 =	vadd.f32 v1, v0;
	_ =	sdelay $0x1  }
0x32a: {  	v0 =	vadd.f32 v0, v50;
	_ =	sdelay $0x1  }
0x32b: {  	v51 =	vsub.f32 $0.0e+00, v0;
	_ =	sdelay $0x1  }
0x32c: {  	v1 =	vmul.f32 $1.442695020e+00, v51;
	_ =	sdelay $0x1  }
0x32d: {  	v3 =	vpop (erf);
	(erf) = vpow2.f32 v1;
	_ =	sdelay $0x8  }
0x32e: {  	v1 =	vpop (erf)  }
0x32f: {  	v1 =	vadd.f32 $1.000000000e+00, v1;
	_ =	sdelay $0x1  }
0x330: {  	(erf) = vrcp.f32 v1;
	_ =	sdelay $0x8  }
0x331: {  	v2 =	vmul.f32 v3, v2;
	v1 =	vpop (erf)  }
0x332: {  	v0 =	vmul.f32 v1, v0  }
0x333: {  	[tilespmem:s21+$0x1D0] =	vst v2  }
0x334: {  	[tilespmem:s21+$0x1E0] =	vst v0  }
0x335: {  	v0 =	vld [tilespmem:s23+$0xE0]  }
0x336: {  	v52 =	vld [tilespmem:s22+$0xE0];
	_ =	sdelay $0x2  }
0x337: {  	v53 =	vld [tilespmem:s21+$0x1F0];
	_ =	sdelay $0x1  }
0x338: {  	v54 =	vshll.u32 v0, $0x10;
	v55 =	vshll.u32 v52, $0x10  }
0x339: {  	v3 =	vadd.f32 v55, v54;
	_ =	sdelay $0x1  }
0x33a: {  	v2 =	vadd.f32 v3, v53;
	_ =	sdelay $0x1  }
0x33b: {  	v3 =	vsub.f32 $0.0e+00, v2;
	_ =	sdelay $0x1  }
0x33c: {  	v3 =	vmul.f32 $1.442695020e+00, v3;
	_ =	sdelay $0x1  }
0x33d: {  	(erf) = vpow2.f32 v3;
	_ =	sdelay $0x8  }
0x33e: {  	v3 =	vpop (erf)  }
0x33f: {  	v56 =	vld [tilespmem:s21+$0x200];
	v3 =	vadd.f32 $1.000000000e+00, v3;
	_ =	sdelay $0x1  }
0x340: {  	v0 =	vand.u32 $0xFFFF0000, v0;
	v1 =	vand.u32 $0xFFFF0000, v52;
	(erf) = vrcp.f32 v3  }
0x341: {  	v0 =	vadd.f32 v1, v0;
	_ =	sdelay $0x1  }
0x342: {  	v0 =	vadd.f32 v0, v56;
	_ =	sdelay $0x1  }
0x343: {  	v57 =	vsub.f32 $0.0e+00, v0;
	_ =	sdelay $0x1  }
0x344: {  	v1 =	vmul.f32 $1.442695020e+00, v57;
	_ =	sdelay $0x1  }
0x345: {  	v3 =	vpop (erf);
	(erf) = vpow2.f32 v1;
	_ =	sdelay $0x8  }
0x346: {  	v1 =	vpop (erf)  }
0x347: {  	v1 =	vadd.f32 $1.000000000e+00, v1;
	_ =	sdelay $0x1  }
0x348: {  	(erf) = vrcp.f32 v1;
	_ =	sdelay $0x8  }
0x349: {  	v2 =	vmul.f32 v3, v2;
	v1 =	vpop (erf)  }
0x34a: {  	v0 =	vmul.f32 v1, v0  }
0x34b: {  	[tilespmem:s21+$0x1F0] =	vst v2  }
0x34c: {  	[tilespmem:s21+$0x200] =	vst v0  }
0x34d: {  	v0 =	vld [tilespmem:s23+$0xF0]  }
0x34e: {  	v58 =	vld [tilespmem:s22+$0xF0];
	_ =	sdelay $0x2  }
0x34f: {  	v59 =	vld [tilespmem:s21+$0x210];
	_ =	sdelay $0x1  }
0x350: {  	v60 =	vshll.u32 v0, $0x10;
	v61 =	vshll.u32 v58, $0x10  }
0x351: {  	v3 =	vadd.f32 v61, v60;
	_ =	sdelay $0x1  }
0x352: {  	v2 =	vadd.f32 v3, v59;
	_ =	sdelay $0x1  }
0x353: {  	v3 =	vsub.f32 $0.0e+00, v2;
	_ =	sdelay $0x1  }
0x354: {  	v3 =	vmul.f32 $1.442695020e+00, v3;
	_ =	sdelay $0x1  }
0x355: {  	(erf) = vpow2.f32 v3;
	_ =	sdelay $0x8  }
0x356: {  	v3 =	vpop (erf)  }
0x357: {  	v62 =	vld [tilespmem:s21+$0x220];
	v3 =	vadd.f32 $1.000000000e+00, v3;
	_ =	sdelay $0x1  }
0x358: {  	v0 =	vand.u32 $0xFFFF0000, v0;
	v1 =	vand.u32 $0xFFFF0000, v58;
	(erf) = vrcp.f32 v3  }
0x359: {  	v0 =	vadd.f32 v1, v0;
	_ =	sdelay $0x1  }
0x35a: {  	v0 =	vadd.f32 v0, v62;
	_ =	sdelay $0x1  }
0x35b: {  	v63 =	vsub.f32 $0.0e+00, v0;
	_ =	sdelay $0x1  }
0x35c: {  	v1 =	vmul.f32 $1.442695020e+00, v63;
	_ =	sdelay $0x1  }
0x35d: {  	v3 =	vpop (erf);
	(erf) = vpow2.f32 v1;
	_ =	sdelay $0x8  }
0x35e: {  	v1 =	vpop (erf)  }
0x35f: {  	v1 =	vadd.f32 $1.000000000e+00, v1;
	_ =	sdelay $0x1  }
0x360: {  	(erf) = vrcp.f32 v1;
	_ =	sdelay $0x5  }
0x361: {  	s24 =	sadd.s32 $0x8, s24  }
0x362: {  	p0 =	slt.u32 s24, $0x20  }
.Ltmp3:
0x363: {  	_ = 	snop;
	(pc) =	sbr.rel @p0 .LBB2_7-.Ltmp3, $4  }
0x364: {  	v2 =	vmul.f32 v3, v2;
	v1 =	vpop (erf)  }
0x365: {  	v0 =	vmul.f32 v1, v0  }
0x366: {  	[tilespmem:s21+$0x210] =	vst v2  }
0x367: {  	s22 =	sadd.s32 $0x200, s22;
	s23 =	sadd.s32 $0x200, s23;
	[tilespmem:s21+$0x220] =	vst v0;
	s21 =	sadd.s32 $0x480, s21  }
0x368: {  	s18 =	sand.u32 $0x3, s18  }
0x369: {  	p0 =	slt.u32 s19, $0xFA;
	s18 =	smul.u32 $0xA0, s18  }
.Ltmp4:
0x36a: {  	_ = 	snop;
	(pc) =	sbr.rel @p0 .LBB2_2-.Ltmp4, $4  }
0x36b: {  	_ = 	snop  }
0x36c: {  	s18 =	sshrl.u32 s18, $0x2  }
0x36d: {  	[spmem:s2] =	stream.indirect.scatter.add.f32 [tilespmem:s20], [sflag:$0x3], $0x90, s18, s0, $0xb8;
	[tilespmem:$0x1D4C0] =	vst v63  }
0x36e: {  	s18 =	smov.u32 s19  }
0x36f: {  	_ =	swait.ge [sflag:s30], $0x1680  }
0x370: {  	[sflag:s30] =	ssyncset.done $0x0  }
0x371: {  	[sflag:s30] =	ssyncadd.s32 $0xFFFFE980  }
0x372: {  	_ =	swait.ge [sflag:s30], $0x1680  }
0x373: {  	[sflag:s30] =	ssyncset.done $0x0  }
0x374: {  	[sflag:s30] =	ssyncadd.s32 $0xFFFFE980  }
0x375: {  	[bflag:$0x0] =	sbarrier.arrive $0xFFFF  }
0x376: {  	[hbm:s25], [sflag:s15] =	dma.local [spmem:s17], $0x2D00  }
0x377: {  	_ =	swait.ge [sflag:s29], $0x2D00  }
0x378: {  	[sflag:s29] =	ssyncset.done $0x0  }
0x379: {  	[sflag:s29] =	ssyncadd.s32 $0xFFFFD300  }
0x37a: {  	[spmem:s17], [sflag:s15] =	dma.local [hbm:s12], $0x2D00  }
0x37b: {  	_ =	swait.ge [sflag:s29], $0x2D00  }
0x37c: {  	[sflag:s29] =	ssyncset.done $0x0  }
0x37d: {  	[sflag:s29] =	ssyncadd.s32 $0xFFFFD300  }
0x37e: {  	[bflag:$0x0] =	sbarrier.arrive $0xFFFF  }
0x37f: {  	s18 =	simm.s32 $0x0;
	s19 =	rddreg [dreg:$0xa]  }
0x380: {  	[tilespmem:s18], [sflag:$0x1] =	stream.linear.gather [hbm4b:s19+s18], $0x28, $0x38;
	[tilespmem:$0x1D4C0] =	vst v63  }
0x381: {  	_ =	swait.ge [sflag:s31], $0x28  }
0x382: {  	[sflag:s31] =	ssyncset.done $0x0  }
0x383: {  	s22 =	rddreg [dreg:$0xb];
	[sflag:s31] =	ssyncadd.s32 $0xFFFFFFD8  }
0x384: {  	[tilespmem:s0], [sflag:$0x1] =	stream.linear.gather [hbm4b:s22+s18], $0x28, $0x38;
	[tilespmem:$0x1D4C0] =	vst v63  }
0x385: {  	s20 =	simm.s32 $0x2940;
	s23 =	rddreg [dreg:$0xc]  }
0x386: {  	[tilespmem:s20], [sflag:$0x2] =	stream.linear.gather [hbm4b:s23+s18], $0x1680, $0x38;
	[tilespmem:$0x1D4C0] =	vst v63  }
0x387: {  	s24 =	simm.s32 $0x140  }
0x388: {  	[tilespmem:s24], [sflag:$0x2] =	stream.indirect.gather [hbm4b:s11+s0], $0x40, s18, s0, $0xb8;
	[tilespmem:$0x1D4C0] =	vst v63  }
.LBB2_10:
0x389: {  	p0 =	slt.u32 s18, $0x2  }
0x38a: {  	p1 =	sgt.u32 @!p0 s18, $0x1F1  }
0x38b: {  	p1 =	por p0, !p1  }
.Ltmp5:
0x38c: {  	_ = 	snop;
	(pc) =	sbr.rel @!p1 .LBB2_12-.Ltmp5, $4  }
0x38d: {  	s19 =	simm.s32 @!p0 $0x3  }
0x38e: {  	_ =	swait.ge @!p0 [sflag:s19], $0x1680  }
0x38f: {  	[sflag:s19] =	ssyncset.done @!p0 $0x0  }
0x390: {  	[sflag:s19] =	ssyncadd.s32 @!p0 $0xFFFFE980  }
0x391: {  	s19 =	sadd.s32 $0x2, s18  }
0x392: {  	s20 =	smul.u32 $0x28, s19;
	s19 =	sand.u32 $0x3, s19  }
0x393: {  	s19 =	smul.u32 $0xA0, s19  }
.Ltmp6:
0x394: {  	s20 =	sadd.s32 s16, s20;
	(pc) =	sbr.rel .LBB2_13-.Ltmp6, $4  }
0x395: {  	s20 =	sshrl.u32 s20, $0x3  }
0x396: {  	s19 =	sshrl.u32 s19, $0x2;
	s20 =	sadd.s32 s1, s20  }
0x397: {  	[tilespmem:s19], [sflag:$0x1] =	stream.linear.gather [hbm4b:s20+s3], $0x28, $0x38;
	[tilespmem:$0x1D4C0] =	vst v63  }
0x398: {  	s20 =	sadd.s32 $0x1, s18  }
.LBB2_12:
0x399: {  	p0 =	seq.s32 s18, $0x1F3  }
.Ltmp7:
0x39a: {  	_ = 	snop;
	(pc) =	sbr.rel @p0 .LBB2_14-.Ltmp7, $2  }
0x39b: {  	_ =	sdelay $0x2  }
0x39c: {  	s20 =	simm.s32 $0x1F3;
	s19 =	simm.s32 $0x1F4  }
.LBB2_13:
0x39d: {  	s19 =	smul.u32 $0xAAAB, s20;
	_ =	sdelay $0x1  }
0x39e: {  	s19 =	sshrl.u32 s19, $0x11  }
0x39f: {  	s19 =	smul.u32 $0x3, s19;
	_ =	sdelay $0x1  }
0x3a0: {  	s21 =	smul.u32 $0x28, s20;
	s19 =	ssub.s32 s20, s19  }
0x3a1: {  	s19 =	smul.u32 $0x5A00, s19  }
0x3a2: {  	_ =	swait.ge [sflag:s31], $0x28;
	s22 =	sand.u32 $0x3, s20;
	s21 =	sadd.s32 s16, s21  }
0x3a3: {  	s24 =	sand.u32 $0x1, s20;
	s21 =	smul.u32 $0x12, s21;
	s19 =	sand.u32 $0xFE00, s19  }
0x3a4: {  	[sflag:s31] =	ssyncset.done $0x0;
	s23 =	smul.u32 $0xA0, s22;
	s19 =	sshrl.u32 s19, $0x2  }
0x3a5: {  	[sflag:s31] =	ssyncadd.s32 $0xFFFFFFD8;
	s21 =	sadd.s32 s8, s21;
	s19 =	sadd.s32 $0x2940, s19  }
0x3a6: {  	[tilespmem:s19], [sflag:$0x2] =	stream.linear.gather [hbm4b:s21+s3], $0x1680, $0x38;
	[tilespmem:$0x1D4C0] =	vst v63  }
0x3a7: {  	p0 =	seq.s32 s24, $0x1;
	s21 =	simm.s32 $0xB40  }
0x3a8: {  	s19 =	sshrl.u32 s23, $0x2;
	s21 =	simm.s32 @!p0 $0x140  }
0x3a9: {  	[tilespmem:s21], [sflag:$0x2] =	stream.indirect.gather [hbm4b:s11+s0], $0x40, s19, s0, $0xb8;
	[tilespmem:$0x1D4C0] =	vst v63  }
0x3aa: {  	s19 =	smov.u32 s20  }
.LBB2_14:
0x3ab: {  	s20 =	sand.u32 $0xFFFF, s18  }
0x3ac: {  	s20 =	smul.u32 $0xAAAB, s20;
	_ =	sdelay $0x1  }
0x3ad: {  	s20 =	sshrl.u32 s20, $0x11  }
0x3ae: {  	s20 =	smul.u32 $0x3, s20  }
0x3af: {  	_ =	swait.ge [sflag:s4], $0x1680  }
0x3b0: {  	s21 =	sand.u32 $0x1, s18;
	[sflag:s4] =	ssyncset.done $0x0;
	s20 =	ssub.s32 s18, s20  }
0x3b1: {  	s23 =	simm.s32 $0xFFFFFFF8;
	[sflag:s4] =	ssyncadd.s32 $0xFFFFE980;
	s20 =	smul.u32 $0x1680, s20  }
0x3b2: {  	p0 =	seq.s32 s21, $0x1;
	s21 =	simm.s32 $0xC40;
	_ =	swait.ge [sflag:s4], $0xA00  }
0x3b3: {  	s21 =	simm.s32 @!p0 $0x240;
	[sflag:s4] =	ssyncset.done $0x0;
	s22 =	sand.u32 $0xFF80, s20  }
0x3b4: {  	[sflag:s4] =	ssyncadd.s32 $0xFFFFF600;
	s20 =	sadd.s32 $0x2940, s22;
	s22 =	sadd.s32 $0x2B80, s22  }
.LBB2_15:
0x3b5: {  	v0 =	vld [tilespmem:s21+$0xFFFFFF00]  }
0x3b6: {  	v1 =	vld [tilespmem:s22+$0xFFFFFDC0];
	_ =	sdelay $0x3  }
0x3b7: {  	v2 =	vshll.u32 v0, $0x10  }
0x3b8: {  	v1 =	vadd.f32 v2, v1;
	_ =	sdelay $0x1  }
0x3b9: {  	v2 =	vsub.f32 $0.0e+00, v1;
	_ =	sdelay $0x1  }
0x3ba: {  	v2 =	vmul.f32 $1.442695020e+00, v2;
	_ =	sdelay $0x1  }
0x3bb: {  	(erf) = vpow2.f32 v2;
	_ =	sdelay $0x8  }
0x3bc: {  	v2 =	vpop (erf)  }
0x3bd: {  	v2 =	vadd.f32 $1.000000000e+00, v2;
	_ =	sdelay $0x1  }
0x3be: {  	(erf) = vrcp.f32 v2;
	_ =	sdelay $0x4  }
0x3bf: {  	v30 =	vld [tilespmem:s22+$0xFFFFFDD0];
	_ =	sdelay $0x3  }
0x3c0: {  	v0 =	vand.u32 $0xFFFF0000, v0;
	v2 =	vpop (erf)  }
0x3c1: {  	v0 =	vadd.f32 v0, v30;
	v1 =	vmul.f32 v2, v1;
	_ =	sdelay $0x1  }
0x3c2: {  	[tilespmem:s22+$0xFFFFFDC0] =	vst v1;
	v1 =	vsub.f32 $0.0e+00, v0;
	_ =	sdelay $0x1  }
0x3c3: {  	v1 =	vmul.f32 $1.442695020e+00, v1;
	_ =	sdelay $0x1  }
0x3c4: {  	(erf) = vpow2.f32 v1;
	_ =	sdelay $0x8  }
0x3c5: {  	v1 =	vpop (erf)  }
0x3c6: {  	v1 =	vadd.f32 $1.000000000e+00, v1;
	_ =	sdelay $0x1  }
0x3c7: {  	(erf) = vrcp.f32 v1;
	_ =	sdelay $0x8  }
0x3c8: {  	v1 =	vpop (erf)  }
0x3c9: {  	v0 =	vmul.f32 v1, v0;
	_ =	sdelay $0x1  }
0x3ca: {  	[tilespmem:s22+$0xFFFFFDD0] =	vst v0  }
0x3cb: {  	v0 =	vld [tilespmem:s21+$0xFFFFFF10]  }
0x3cc: {  	v31 =	vld [tilespmem:s22+$0xFFFFFDE0];
	_ =	sdelay $0x3  }
0x3cd: {  	v32 =	vshll.u32 v0, $0x10  }
0x3ce: {  	v1 =	vadd.f32 v32, v31;
	_ =	sdelay $0x1  }
0x3cf: {  	v2 =	vsub.f32 $0.0e+00, v1;
	_ =	sdelay $0x1  }
0x3d0: {  	v2 =	vmul.f32 $1.442695020e+00, v2;
	_ =	sdelay $0x1  }
0x3d1: {  	(erf) = vpow2.f32 v2;
	_ =	sdelay $0x8  }
0x3d2: {  	v2 =	vpop (erf)  }
0x3d3: {  	v2 =	vadd.f32 $1.000000000e+00, v2;
	_ =	sdelay $0x1  }
0x3d4: {  	(erf) = vrcp.f32 v2;
	_ =	sdelay $0x4  }
0x3d5: {  	v33 =	vld [tilespmem:s22+$0xFFFFFDF0];
	_ =	sdelay $0x3  }
0x3d6: {  	v0 =	vand.u32 $0xFFFF0000, v0;
	v2 =	vpop (erf)  }
0x3d7: {  	v0 =	vadd.f32 v0, v33;
	v1 =	vmul.f32 v2, v1;
	_ =	sdelay $0x1  }
0x3d8: {  	[tilespmem:s22+$0xFFFFFDE0] =	vst v1;
	v1 =	vsub.f32 $0.0e+00, v0;
	_ =	sdelay $0x1  }
0x3d9: {  	v1 =	vmul.f32 $1.442695020e+00, v1;
	_ =	sdelay $0x1  }
0x3da: {  	(erf) = vpow2.f32 v1;
	_ =	sdelay $0x8  }
0x3db: {  	v1 =	vpop (erf)  }
0x3dc: {  	v1 =	vadd.f32 $1.000000000e+00, v1;
	_ =	sdelay $0x1  }
0x3dd: {  	(erf) = vrcp.f32 v1;
	_ =	sdelay $0x8  }
0x3de: {  	v1 =	vpop (erf)  }
0x3df: {  	v0 =	vmul.f32 v1, v0;
	_ =	sdelay $0x1  }
0x3e0: {  	[tilespmem:s22+$0xFFFFFDF0] =	vst v0  }
0x3e1: {  	v0 =	vld [tilespmem:s21+$0xFFFFFF20]  }
0x3e2: {  	v34 =	vld [tilespmem:s22+$0xFFFFFE00];
	_ =	sdelay $0x3  }
0x3e3: {  	v35 =	vshll.u32 v0, $0x10  }
0x3e4: {  	v1 =	vadd.f32 v35, v34;
	_ =	sdelay $0x1  }
0x3e5: {  	v2 =	vsub.f32 $0.0e+00, v1;
	_ =	sdelay $0x1  }
0x3e6: {  	v2 =	vmul.f32 $1.442695020e+00, v2;
	_ =	sdelay $0x1  }
0x3e7: {  	(erf) = vpow2.f32 v2;
	_ =	sdelay $0x8  }
0x3e8: {  	v2 =	vpop (erf)  }
0x3e9: {  	v2 =	vadd.f32 $1.000000000e+00, v2;
	_ =	sdelay $0x1  }
0x3ea: {  	(erf) = vrcp.f32 v2;
	_ =	sdelay $0x4  }
0x3eb: {  	v36 =	vld [tilespmem:s22+$0xFFFFFE10];
	_ =	sdelay $0x3  }
0x3ec: {  	v0 =	vand.u32 $0xFFFF0000, v0;
	v2 =	vpop (erf)  }
0x3ed: {  	v0 =	vadd.f32 v0, v36;
	v1 =	vmul.f32 v2, v1;
	_ =	sdelay $0x1  }
0x3ee: {  	[tilespmem:s22+$0xFFFFFE00] =	vst v1;
	v1 =	vsub.f32 $0.0e+00, v0;
	_ =	sdelay $0x1  }
0x3ef: {  	v1 =	vmul.f32 $1.442695020e+00, v1;
	_ =	sdelay $0x1  }
0x3f0: {  	(erf) = vpow2.f32 v1;
	_ =	sdelay $0x8  }
0x3f1: {  	v1 =	vpop (erf)  }
0x3f2: {  	v1 =	vadd.f32 $1.000000000e+00, v1;
	_ =	sdelay $0x1  }
0x3f3: {  	(erf) = vrcp.f32 v1;
	_ =	sdelay $0x8  }
0x3f4: {  	v1 =	vpop (erf)  }
0x3f5: {  	v0 =	vmul.f32 v1, v0;
	_ =	sdelay $0x1  }
0x3f6: {  	[tilespmem:s22+$0xFFFFFE10] =	vst v0  }
0x3f7: {  	v0 =	vld [tilespmem:s21+$0xFFFFFF30]  }
0x3f8: {  	v37 =	vld [tilespmem:s22+$0xFFFFFE20];
	_ =	sdelay $0x3  }
0x3f9: {  	v38 =	vshll.u32 v0, $0x10  }
0x3fa: {  	v1 =	vadd.f32 v38, v37;
	_ =	sdelay $0x1  }
0x3fb: {  	v2 =	vsub.f32 $0.0e+00, v1;
	_ =	sdelay $0x1  }
0x3fc: {  	v2 =	vmul.f32 $1.442695020e+00, v2;
	_ =	sdelay $0x1  }
0x3fd: {  	(erf) = vpow2.f32 v2;
	_ =	sdelay $0x8  }
0x3fe: {  	v2 =	vpop (erf)  }
0x3ff: {  	v2 =	vadd.f32 $1.000000000e+00, v2;
	_ =	sdelay $0x1  }
0x400: {  	(erf) = vrcp.f32 v2;
	_ =	sdelay $0x4  }
0x401: {  	v39 =	vld [tilespmem:s22+$0xFFFFFE30];
	_ =	sdelay $0x3  }
0x402: {  	v0 =	vand.u32 $0xFFFF0000, v0;
	v2 =	vpop (erf)  }
0x403: {  	v0 =	vadd.f32 v0, v39;
	v1 =	vmul.f32 v2, v1;
	_ =	sdelay $0x1  }
0x404: {  	[tilespmem:s22+$0xFFFFFE20] =	vst v1;
	v1 =	vsub.f32 $0.0e+00, v0;
	_ =	sdelay $0x1  }
0x405: {  	v1 =	vmul.f32 $1.442695020e+00, v1;
	_ =	sdelay $0x1  }
0x406: {  	(erf) = vpow2.f32 v1;
	_ =	sdelay $0x8  }
0x407: {  	v1 =	vpop (erf)  }
0x408: {  	v1 =	vadd.f32 $1.000000000e+00, v1;
	_ =	sdelay $0x1  }
0x409: {  	(erf) = vrcp.f32 v1;
	_ =	sdelay $0x8  }
0x40a: {  	v1 =	vpop (erf)  }
0x40b: {  	v0 =	vmul.f32 v1, v0;
	_ =	sdelay $0x1  }
0x40c: {  	[tilespmem:s22+$0xFFFFFE30] =	vst v0  }
0x40d: {  	v0 =	vld [tilespmem:s21+$0xFFFFFF40]  }
0x40e: {  	v40 =	vld [tilespmem:s22+$0xFFFFFE50];
	_ =	sdelay $0x3  }
0x40f: {  	v41 =	vshll.u32 v0, $0x10  }
0x410: {  	v1 =	vadd.f32 v41, v40;
	_ =	sdelay $0x1  }
0x411: {  	v2 =	vsub.f32 $0.0e+00, v1;
	_ =	sdelay $0x1  }
0x412: {  	v2 =	vmul.f32 $1.442695020e+00, v2;
	_ =	sdelay $0x1  }
0x413: {  	(erf) = vpow2.f32 v2;
	_ =	sdelay $0x8  }
0x414: {  	v2 =	vpop (erf)  }
0x415: {  	v2 =	vadd.f32 $1.000000000e+00, v2;
	_ =	sdelay $0x1  }
0x416: {  	(erf) = vrcp.f32 v2;
	_ =	sdelay $0x4  }
0x417: {  	v42 =	vld [tilespmem:s22+$0xFFFFFE60];
	_ =	sdelay $0x3  }
0x418: {  	v0 =	vand.u32 $0xFFFF0000, v0;
	v2 =	vpop (erf)  }
0x419: {  	v0 =	vadd.f32 v0, v42;
	v1 =	vmul.f32 v2, v1;
	_ =	sdelay $0x1  }
0x41a: {  	[tilespmem:s22+$0xFFFFFE50] =	vst v1;
	v1 =	vsub.f32 $0.0e+00, v0;
	_ =	sdelay $0x1  }
0x41b: {  	v1 =	vmul.f32 $1.442695020e+00, v1;
	_ =	sdelay $0x1  }
0x41c: {  	(erf) = vpow2.f32 v1;
	_ =	sdelay $0x8  }
0x41d: {  	v1 =	vpop (erf)  }
0x41e: {  	v1 =	vadd.f32 $1.000000000e+00, v1;
	_ =	sdelay $0x1  }
0x41f: {  	(erf) = vrcp.f32 v1;
	_ =	sdelay $0x8  }
0x420: {  	v1 =	vpop (erf)  }
0x421: {  	v0 =	vmul.f32 v1, v0;
	_ =	sdelay $0x1  }
0x422: {  	[tilespmem:s22+$0xFFFFFE60] =	vst v0  }
0x423: {  	v0 =	vld [tilespmem:s21+$0xFFFFFF50]  }
0x424: {  	v43 =	vld [tilespmem:s22+$0xFFFFFE70];
	_ =	sdelay $0x3  }
0x425: {  	v44 =	vshll.u32 v0, $0x10  }
0x426: {  	v1 =	vadd.f32 v44, v43;
	_ =	sdelay $0x1  }
0x427: {  	v2 =	vsub.f32 $0.0e+00, v1;
	_ =	sdelay $0x1  }
0x428: {  	v2 =	vmul.f32 $1.442695020e+00, v2;
	_ =	sdelay $0x1  }
0x429: {  	(erf) = vpow2.f32 v2;
	_ =	sdelay $0x8  }
0x42a: {  	v2 =	vpop (erf)  }
0x42b: {  	v2 =	vadd.f32 $1.000000000e+00, v2;
	_ =	sdelay $0x1  }
0x42c: {  	(erf) = vrcp.f32 v2;
	_ =	sdelay $0x4  }
0x42d: {  	v45 =	vld [tilespmem:s22+$0xFFFFFE80];
	_ =	sdelay $0x3  }
0x42e: {  	v0 =	vand.u32 $0xFFFF0000, v0;
	v2 =	vpop (erf)  }
0x42f: {  	v0 =	vadd.f32 v0, v45;
	v1 =	vmul.f32 v2, v1;
	_ =	sdelay $0x1  }
0x430: {  	[tilespmem:s22+$0xFFFFFE70] =	vst v1;
	v1 =	vsub.f32 $0.0e+00, v0;
	_ =	sdelay $0x1  }
0x431: {  	v1 =	vmul.f32 $1.442695020e+00, v1;
	_ =	sdelay $0x1  }
0x432: {  	(erf) = vpow2.f32 v1;
	_ =	sdelay $0x8  }
0x433: {  	v1 =	vpop (erf)  }
0x434: {  	v1 =	vadd.f32 $1.000000000e+00, v1;
	_ =	sdelay $0x1  }
0x435: {  	(erf) = vrcp.f32 v1;
	_ =	sdelay $0x8  }
0x436: {  	v1 =	vpop (erf)  }
0x437: {  	v0 =	vmul.f32 v1, v0;
	_ =	sdelay $0x1  }
0x438: {  	[tilespmem:s22+$0xFFFFFE80] =	vst v0  }
0x439: {  	v0 =	vld [tilespmem:s21+$0xFFFFFF60]  }
0x43a: {  	v46 =	vld [tilespmem:s22+$0xFFFFFE90];
	_ =	sdelay $0x3  }
0x43b: {  	v47 =	vshll.u32 v0, $0x10  }
0x43c: {  	v1 =	vadd.f32 v47, v46;
	_ =	sdelay $0x1  }
0x43d: {  	v2 =	vsub.f32 $0.0e+00, v1;
	_ =	sdelay $0x1  }
0x43e: {  	v2 =	vmul.f32 $1.442695020e+00, v2;
	_ =	sdelay $0x1  }
0x43f: {  	(erf) = vpow2.f32 v2;
	_ =	sdelay $0x8  }
0x440: {  	v2 =	vpop (erf)  }
0x441: {  	v2 =	vadd.f32 $1.000000000e+00, v2;
	_ =	sdelay $0x1  }
0x442: {  	(erf) = vrcp.f32 v2;
	_ =	sdelay $0x4  }
0x443: {  	v48 =	vld [tilespmem:s22+$0xFFFFFEA0];
	_ =	sdelay $0x3  }
0x444: {  	v0 =	vand.u32 $0xFFFF0000, v0;
	v2 =	vpop (erf)  }
0x445: {  	v0 =	vadd.f32 v0, v48;
	v1 =	vmul.f32 v2, v1;
	_ =	sdelay $0x1  }
0x446: {  	[tilespmem:s22+$0xFFFFFE90] =	vst v1;
	v1 =	vsub.f32 $0.0e+00, v0;
	_ =	sdelay $0x1  }
0x447: {  	v1 =	vmul.f32 $1.442695020e+00, v1;
	_ =	sdelay $0x1  }
0x448: {  	(erf) = vpow2.f32 v1;
	_ =	sdelay $0x8  }
0x449: {  	v1 =	vpop (erf)  }
0x44a: {  	v1 =	vadd.f32 $1.000000000e+00, v1;
	_ =	sdelay $0x1  }
0x44b: {  	(erf) = vrcp.f32 v1;
	_ =	sdelay $0x8  }
0x44c: {  	v1 =	vpop (erf)  }
0x44d: {  	v0 =	vmul.f32 v1, v0;
	_ =	sdelay $0x1  }
0x44e: {  	[tilespmem:s22+$0xFFFFFEA0] =	vst v0  }
0x44f: {  	v0 =	vld [tilespmem:s21+$0xFFFFFF70]  }
0x450: {  	v49 =	vld [tilespmem:s22+$0xFFFFFEB0];
	_ =	sdelay $0x3  }
0x451: {  	v50 =	vshll.u32 v0, $0x10  }
0x452: {  	v1 =	vadd.f32 v50, v49;
	_ =	sdelay $0x1  }
0x453: {  	v2 =	vsub.f32 $0.0e+00, v1;
	_ =	sdelay $0x1  }
0x454: {  	v2 =	vmul.f32 $1.442695020e+00, v2;
	_ =	sdelay $0x1  }
0x455: {  	(erf) = vpow2.f32 v2;
	_ =	sdelay $0x8  }
0x456: {  	v2 =	vpop (erf)  }
0x457: {  	v2 =	vadd.f32 $1.000000000e+00, v2;
	_ =	sdelay $0x1  }
0x458: {  	(erf) = vrcp.f32 v2;
	_ =	sdelay $0x4  }
0x459: {  	v51 =	vld [tilespmem:s22+$0xFFFFFEC0];
	_ =	sdelay $0x3  }
0x45a: {  	v0 =	vand.u32 $0xFFFF0000, v0;
	v2 =	vpop (erf)  }
0x45b: {  	v0 =	vadd.f32 v0, v51;
	v1 =	vmul.f32 v2, v1;
	_ =	sdelay $0x1  }
0x45c: {  	[tilespmem:s22+$0xFFFFFEB0] =	vst v1;
	v1 =	vsub.f32 $0.0e+00, v0;
	_ =	sdelay $0x1  }
0x45d: {  	v1 =	vmul.f32 $1.442695020e+00, v1;
	_ =	sdelay $0x1  }
0x45e: {  	(erf) = vpow2.f32 v1;
	_ =	sdelay $0x8  }
0x45f: {  	v1 =	vpop (erf)  }
0x460: {  	v1 =	vadd.f32 $1.000000000e+00, v1;
	_ =	sdelay $0x1  }
0x461: {  	(erf) = vrcp.f32 v1;
	_ =	sdelay $0x8  }
0x462: {  	v1 =	vpop (erf)  }
0x463: {  	v0 =	vmul.f32 v1, v0;
	_ =	sdelay $0x1  }
0x464: {  	[tilespmem:s22+$0xFFFFFEC0] =	vst v0  }
0x465: {  	v0 =	vld [tilespmem:s21+$0xFFFFFF80]  }
0x466: {  	v52 =	vld [tilespmem:s22+$0xFFFFFEE0];
	_ =	sdelay $0x3  }
0x467: {  	v53 =	vshll.u32 v0, $0x10  }
0x468: {  	v1 =	vadd.f32 v53, v52;
	_ =	sdelay $0x1  }
0x469: {  	v2 =	vsub.f32 $0.0e+00, v1;
	_ =	sdelay $0x1  }
0x46a: {  	v2 =	vmul.f32 $1.442695020e+00, v2;
	_ =	sdelay $0x1  }
0x46b: {  	(erf) = vpow2.f32 v2;
	_ =	sdelay $0x8  }
0x46c: {  	v2 =	vpop (erf)  }
0x46d: {  	v2 =	vadd.f32 $1.000000000e+00, v2;
	_ =	sdelay $0x1  }
0x46e: {  	(erf) = vrcp.f32 v2;
	_ =	sdelay $0x4  }
0x46f: {  	v54 =	vld [tilespmem:s22+$0xFFFFFEF0];
	_ =	sdelay $0x3  }
0x470: {  	v0 =	vand.u32 $0xFFFF0000, v0;
	v2 =	vpop (erf)  }
0x471: {  	v0 =	vadd.f32 v0, v54;
	v1 =	vmul.f32 v2, v1;
	_ =	sdelay $0x1  }
0x472: {  	[tilespmem:s22+$0xFFFFFEE0] =	vst v1;
	v1 =	vsub.f32 $0.0e+00, v0;
	_ =	sdelay $0x1  }
0x473: {  	v1 =	vmul.f32 $1.442695020e+00, v1;
	_ =	sdelay $0x1  }
0x474: {  	(erf) = vpow2.f32 v1;
	_ =	sdelay $0x8  }
0x475: {  	v1 =	vpop (erf)  }
0x476: {  	v1 =	vadd.f32 $1.000000000e+00, v1;
	_ =	sdelay $0x1  }
0x477: {  	(erf) = vrcp.f32 v1;
	_ =	sdelay $0x8  }
0x478: {  	v1 =	vpop (erf)  }
0x479: {  	v0 =	vmul.f32 v1, v0;
	_ =	sdelay $0x1  }
0x47a: {  	[tilespmem:s22+$0xFFFFFEF0] =	vst v0  }
0x47b: {  	v0 =	vld [tilespmem:s21+$0xFFFFFF90]  }
0x47c: {  	v55 =	vld [tilespmem:s22+$0xFFFFFF00];
	_ =	sdelay $0x3  }
0x47d: {  	v56 =	vshll.u32 v0, $0x10  }
0x47e: {  	v1 =	vadd.f32 v56, v55;
	_ =	sdelay $0x1  }
0x47f: {  	v2 =	vsub.f32 $0.0e+00, v1;
	_ =	sdelay $0x1  }
0x480: {  	v2 =	vmul.f32 $1.442695020e+00, v2;
	_ =	sdelay $0x1  }
0x481: {  	(erf) = vpow2.f32 v2;
	_ =	sdelay $0x8  }
0x482: {  	v2 =	vpop (erf)  }
0x483: {  	v2 =	vadd.f32 $1.000000000e+00, v2;
	_ =	sdelay $0x1  }
0x484: {  	(erf) = vrcp.f32 v2;
	_ =	sdelay $0x4  }
0x485: {  	v57 =	vld [tilespmem:s22+$0xFFFFFF10];
	_ =	sdelay $0x3  }
0x486: {  	v0 =	vand.u32 $0xFFFF0000, v0;
	v2 =	vpop (erf)  }
0x487: {  	v0 =	vadd.f32 v0, v57;
	v1 =	vmul.f32 v2, v1;
	_ =	sdelay $0x1  }
0x488: {  	[tilespmem:s22+$0xFFFFFF00] =	vst v1;
	v1 =	vsub.f32 $0.0e+00, v0;
	_ =	sdelay $0x1  }
0x489: {  	v1 =	vmul.f32 $1.442695020e+00, v1;
	_ =	sdelay $0x1  }
0x48a: {  	(erf) = vpow2.f32 v1;
	_ =	sdelay $0x8  }
0x48b: {  	v1 =	vpop (erf)  }
0x48c: {  	v1 =	vadd.f32 $1.000000000e+00, v1;
	_ =	sdelay $0x1  }
0x48d: {  	(erf) = vrcp.f32 v1;
	_ =	sdelay $0x8  }
0x48e: {  	v1 =	vpop (erf)  }
0x48f: {  	v0 =	vmul.f32 v1, v0;
	_ =	sdelay $0x1  }
0x490: {  	[tilespmem:s22+$0xFFFFFF10] =	vst v0  }
0x491: {  	v0 =	vld [tilespmem:s21+$0xFFFFFFA0]  }
0x492: {  	v58 =	vld [tilespmem:s22+$0xFFFFFF20];
	_ =	sdelay $0x3  }
0x493: {  	v59 =	vshll.u32 v0, $0x10  }
0x494: {  	v1 =	vadd.f32 v59, v58;
	_ =	sdelay $0x1  }
0x495: {  	v2 =	vsub.f32 $0.0e+00, v1;
	_ =	sdelay $0x1  }
0x496: {  	v2 =	vmul.f32 $1.442695020e+00, v2;
	_ =	sdelay $0x1  }
0x497: {  	(erf) = vpow2.f32 v2;
	_ =	sdelay $0x8  }
0x498: {  	v2 =	vpop (erf)  }
0x499: {  	v2 =	vadd.f32 $1.000000000e+00, v2;
	_ =	sdelay $0x1  }
0x49a: {  	(erf) = vrcp.f32 v2;
	_ =	sdelay $0x4  }
0x49b: {  	v60 =	vld [tilespmem:s22+$0xFFFFFF30];
	_ =	sdelay $0x3  }
0x49c: {  	v0 =	vand.u32 $0xFFFF0000, v0;
	v2 =	vpop (erf)  }
0x49d: {  	v0 =	vadd.f32 v0, v60;
	v1 =	vmul.f32 v2, v1;
	_ =	sdelay $0x1  }
0x49e: {  	[tilespmem:s22+$0xFFFFFF20] =	vst v1;
	v1 =	vsub.f32 $0.0e+00, v0;
	_ =	sdelay $0x1  }
0x49f: {  	v1 =	vmul.f32 $1.442695020e+00, v1;
	_ =	sdelay $0x1  }
0x4a0: {  	(erf) = vpow2.f32 v1;
	_ =	sdelay $0x8  }
0x4a1: {  	v1 =	vpop (erf)  }
0x4a2: {  	v1 =	vadd.f32 $1.000000000e+00, v1;
	_ =	sdelay $0x1  }
0x4a3: {  	(erf) = vrcp.f32 v1;
	_ =	sdelay $0x8  }
0x4a4: {  	v1 =	vpop (erf)  }
0x4a5: {  	v0 =	vmul.f32 v1, v0;
	_ =	sdelay $0x1  }
0x4a6: {  	[tilespmem:s22+$0xFFFFFF30] =	vst v0  }
0x4a7: {  	v0 =	vld [tilespmem:s21+$0xFFFFFFB0]  }
0x4a8: {  	v61 =	vld [tilespmem:s22+$0xFFFFFF40];
	_ =	sdelay $0x3  }
0x4a9: {  	v62 =	vshll.u32 v0, $0x10  }
0x4aa: {  	v1 =	vadd.f32 v62, v61;
	_ =	sdelay $0x1  }
0x4ab: {  	v2 =	vsub.f32 $0.0e+00, v1;
	_ =	sdelay $0x1  }
0x4ac: {  	v2 =	vmul.f32 $1.442695020e+00, v2;
	_ =	sdelay $0x1  }
0x4ad: {  	(erf) = vpow2.f32 v2;
	_ =	sdelay $0x8  }
0x4ae: {  	v2 =	vpop (erf)  }
0x4af: {  	v2 =	vadd.f32 $1.000000000e+00, v2;
	_ =	sdelay $0x1  }
0x4b0: {  	(erf) = vrcp.f32 v2;
	_ =	sdelay $0x4  }
0x4b1: {  	v63 =	vld [tilespmem:s22+$0xFFFFFF50];
	_ =	sdelay $0x3  }
0x4b2: {  	v0 =	vand.u32 $0xFFFF0000, v0;
	v2 =	vpop (erf)  }
0x4b3: {  	v0 =	vadd.f32 v0, v63;
	v1 =	vmul.f32 v2, v1;
	_ =	sdelay $0x1  }
0x4b4: {  	[tilespmem:s22+$0xFFFFFF40] =	vst v1;
	v1 =	vsub.f32 $0.0e+00, v0;
	_ =	sdelay $0x1  }
0x4b5: {  	v1 =	vmul.f32 $1.442695020e+00, v1;
	_ =	sdelay $0x1  }
0x4b6: {  	(erf) = vpow2.f32 v1;
	_ =	sdelay $0x8  }
0x4b7: {  	v1 =	vpop (erf)  }
0x4b8: {  	v1 =	vadd.f32 $1.000000000e+00, v1;
	_ =	sdelay $0x1  }
0x4b9: {  	(erf) = vrcp.f32 v1;
	_ =	sdelay $0x8  }
0x4ba: {  	v1 =	vpop (erf)  }
0x4bb: {  	v0 =	vmul.f32 v1, v0;
	_ =	sdelay $0x1  }
0x4bc: {  	[tilespmem:s22+$0xFFFFFF50] =	vst v0  }
0x4bd: {  	v0 =	vld [tilespmem:s21+$0xFFFFFFC0]  }
0x4be: {  	v4 =	vld [tilespmem:s22+$0xFFFFFF70];
	_ =	sdelay $0x3  }
0x4bf: {  	v5 =	vshll.u32 v0, $0x10  }
0x4c0: {  	v1 =	vadd.f32 v5, v4;
	_ =	sdelay $0x1  }
0x4c1: {  	v2 =	vsub.f32 $0.0e+00, v1;
	_ =	sdelay $0x1  }
0x4c2: {  	v2 =	vmul.f32 $1.442695020e+00, v2;
	_ =	sdelay $0x1  }
0x4c3: {  	(erf) = vpow2.f32 v2;
	_ =	sdelay $0x8  }
0x4c4: {  	v2 =	vpop (erf)  }
0x4c5: {  	v2 =	vadd.f32 $1.000000000e+00, v2;
	_ =	sdelay $0x1  }
0x4c6: {  	(erf) = vrcp.f32 v2;
	_ =	sdelay $0x4  }
0x4c7: {  	v6 =	vld [tilespmem:s22+$0xFFFFFF80];
	_ =	sdelay $0x3  }
0x4c8: {  	v0 =	vand.u32 $0xFFFF0000, v0;
	v2 =	vpop (erf)  }
0x4c9: {  	v0 =	vadd.f32 v0, v6;
	v1 =	vmul.f32 v2, v1;
	_ =	sdelay $0x1  }
0x4ca: {  	[tilespmem:s22+$0xFFFFFF70] =	vst v1;
	v1 =	vsub.f32 $0.0e+00, v0;
	_ =	sdelay $0x1  }
0x4cb: {  	v1 =	vmul.f32 $1.442695020e+00, v1;
	_ =	sdelay $0x1  }
0x4cc: {  	(erf) = vpow2.f32 v1;
	_ =	sdelay $0x8  }
0x4cd: {  	v1 =	vpop (erf)  }
0x4ce: {  	v1 =	vadd.f32 $1.000000000e+00, v1;
	_ =	sdelay $0x1  }
0x4cf: {  	(erf) = vrcp.f32 v1;
	_ =	sdelay $0x8  }
0x4d0: {  	v1 =	vpop (erf)  }
0x4d1: {  	v0 =	vmul.f32 v1, v0;
	_ =	sdelay $0x1  }
0x4d2: {  	[tilespmem:s22+$0xFFFFFF80] =	vst v0  }
0x4d3: {  	v0 =	vld [tilespmem:s21+$0xFFFFFFD0]  }
0x4d4: {  	v7 =	vld [tilespmem:s22+$0xFFFFFF90];
	_ =	sdelay $0x3  }
0x4d5: {  	v8 =	vshll.u32 v0, $0x10  }
0x4d6: {  	v1 =	vadd.f32 v8, v7;
	_ =	sdelay $0x1  }
0x4d7: {  	v2 =	vsub.f32 $0.0e+00, v1;
	_ =	sdelay $0x1  }
0x4d8: {  	v2 =	vmul.f32 $1.442695020e+00, v2;
	_ =	sdelay $0x1  }
0x4d9: {  	(erf) = vpow2.f32 v2;
	_ =	sdelay $0x8  }
0x4da: {  	v2 =	vpop (erf)  }
0x4db: {  	v2 =	vadd.f32 $1.000000000e+00, v2;
	_ =	sdelay $0x1  }
0x4dc: {  	(erf) = vrcp.f32 v2;
	_ =	sdelay $0x4  }
0x4dd: {  	v9 =	vld [tilespmem:s22+$0xFFFFFFA0];
	_ =	sdelay $0x3  }
0x4de: {  	v0 =	vand.u32 $0xFFFF0000, v0;
	v2 =	vpop (erf)  }
0x4df: {  	v0 =	vadd.f32 v0, v9;
	v1 =	vmul.f32 v2, v1;
	_ =	sdelay $0x1  }
0x4e0: {  	[tilespmem:s22+$0xFFFFFF90] =	vst v1;
	v1 =	vsub.f32 $0.0e+00, v0;
	_ =	sdelay $0x1  }
0x4e1: {  	v1 =	vmul.f32 $1.442695020e+00, v1;
	_ =	sdelay $0x1  }
0x4e2: {  	(erf) = vpow2.f32 v1;
	_ =	sdelay $0x8  }
0x4e3: {  	v1 =	vpop (erf)  }
0x4e4: {  	v1 =	vadd.f32 $1.000000000e+00, v1;
	_ =	sdelay $0x1  }
0x4e5: {  	(erf) = vrcp.f32 v1;
	_ =	sdelay $0x8  }
0x4e6: {  	v1 =	vpop (erf)  }
0x4e7: {  	v0 =	vmul.f32 v1, v0;
	_ =	sdelay $0x1  }
0x4e8: {  	[tilespmem:s22+$0xFFFFFFA0] =	vst v0  }
0x4e9: {  	v0 =	vld [tilespmem:s21+$0xFFFFFFE0]  }
0x4ea: {  	v10 =	vld [tilespmem:s22+$0xFFFFFFB0];
	_ =	sdelay $0x3  }
0x4eb: {  	v11 =	vshll.u32 v0, $0x10  }
0x4ec: {  	v1 =	vadd.f32 v11, v10;
	_ =	sdelay $0x1  }
0x4ed: {  	v2 =	vsub.f32 $0.0e+00, v1;
	_ =	sdelay $0x1  }
0x4ee: {  	v2 =	vmul.f32 $1.442695020e+00, v2;
	_ =	sdelay $0x1  }
0x4ef: {  	(erf) = vpow2.f32 v2;
	_ =	sdelay $0x8  }
0x4f0: {  	v2 =	vpop (erf)  }
0x4f1: {  	v2 =	vadd.f32 $1.000000000e+00, v2;
	_ =	sdelay $0x1  }
0x4f2: {  	(erf) = vrcp.f32 v2;
	_ =	sdelay $0x4  }
0x4f3: {  	v12 =	vld [tilespmem:s22+$0xFFFFFFC0];
	_ =	sdelay $0x3  }
0x4f4: {  	v0 =	vand.u32 $0xFFFF0000, v0;
	v2 =	vpop (erf)  }
0x4f5: {  	v0 =	vadd.f32 v0, v12;
	v1 =	vmul.f32 v2, v1;
	_ =	sdelay $0x1  }
0x4f6: {  	[tilespmem:s22+$0xFFFFFFB0] =	vst v1;
	v1 =	vsub.f32 $0.0e+00, v0;
	_ =	sdelay $0x1  }
0x4f7: {  	v1 =	vmul.f32 $1.442695020e+00, v1;
	_ =	sdelay $0x1  }
0x4f8: {  	(erf) = vpow2.f32 v1;
	_ =	sdelay $0x8  }
0x4f9: {  	v1 =	vpop (erf)  }
0x4fa: {  	v1 =	vadd.f32 $1.000000000e+00, v1;
	_ =	sdelay $0x1  }
0x4fb: {  	(erf) = vrcp.f32 v1;
	_ =	sdelay $0x8  }
0x4fc: {  	v1 =	vpop (erf)  }
0x4fd: {  	v0 =	vmul.f32 v1, v0;
	_ =	sdelay $0x1  }
0x4fe: {  	[tilespmem:s22+$0xFFFFFFC0] =	vst v0  }
0x4ff: {  	v0 =	vld [tilespmem:s21+$0xFFFFFFF0]  }
0x500: {  	v13 =	vld [tilespmem:s22+$0xFFFFFFD0];
	_ =	sdelay $0x3  }
0x501: {  	v14 =	vshll.u32 v0, $0x10  }
0x502: {  	v1 =	vadd.f32 v14, v13;
	_ =	sdelay $0x1  }
0x503: {  	v2 =	vsub.f32 $0.0e+00, v1;
	_ =	sdelay $0x1  }
0x504: {  	v2 =	vmul.f32 $1.442695020e+00, v2;
	_ =	sdelay $0x1  }
0x505: {  	(erf) = vpow2.f32 v2;
	_ =	sdelay $0x8  }
0x506: {  	v2 =	vpop (erf)  }
0x507: {  	v2 =	vadd.f32 $1.000000000e+00, v2;
	_ =	sdelay $0x1  }
0x508: {  	(erf) = vrcp.f32 v2;
	_ =	sdelay $0x4  }
0x509: {  	v15 =	vld [tilespmem:s22+$0xFFFFFFE0];
	_ =	sdelay $0x3  }
0x50a: {  	v0 =	vand.u32 $0xFFFF0000, v0;
	v2 =	vpop (erf)  }
0x50b: {  	v0 =	vadd.f32 v0, v15;
	v1 =	vmul.f32 v2, v1;
	_ =	sdelay $0x1  }
0x50c: {  	[tilespmem:s22+$0xFFFFFFD0] =	vst v1;
	v1 =	vsub.f32 $0.0e+00, v0;
	_ =	sdelay $0x1  }
0x50d: {  	v1 =	vmul.f32 $1.442695020e+00, v1;
	_ =	sdelay $0x1  }
0x50e: {  	(erf) = vpow2.f32 v1;
	_ =	sdelay $0x8  }
0x50f: {  	v1 =	vpop (erf)  }
0x510: {  	v1 =	vadd.f32 $1.000000000e+00, v1;
	_ =	sdelay $0x1  }
0x511: {  	(erf) = vrcp.f32 v1;
	_ =	sdelay $0x8  }
0x512: {  	v1 =	vpop (erf)  }
0x513: {  	v0 =	vmul.f32 v1, v0;
	_ =	sdelay $0x1  }
0x514: {  	[tilespmem:s22+$0xFFFFFFE0] =	vst v0  }
0x515: {  	v0 =	vld [tilespmem:s21+$0x0]  }
0x516: {  	v16 =	vld [tilespmem:s22+$0x0];
	_ =	sdelay $0x3  }
0x517: {  	v17 =	vshll.u32 v0, $0x10  }
0x518: {  	v1 =	vadd.f32 v17, v16;
	_ =	sdelay $0x1  }
0x519: {  	v2 =	vsub.f32 $0.0e+00, v1;
	_ =	sdelay $0x1  }
0x51a: {  	v2 =	vmul.f32 $1.442695020e+00, v2;
	_ =	sdelay $0x1  }
0x51b: {  	(erf) = vpow2.f32 v2;
	_ =	sdelay $0x8  }
0x51c: {  	v2 =	vpop (erf)  }
0x51d: {  	v2 =	vadd.f32 $1.000000000e+00, v2;
	_ =	sdelay $0x1  }
0x51e: {  	(erf) = vrcp.f32 v2;
	_ =	sdelay $0x4  }
0x51f: {  	v18 =	vld [tilespmem:s22+$0x10];
	_ =	sdelay $0x3  }
0x520: {  	v0 =	vand.u32 $0xFFFF0000, v0;
	v2 =	vpop (erf)  }
0x521: {  	v0 =	vadd.f32 v0, v18;
	v1 =	vmul.f32 v2, v1;
	_ =	sdelay $0x1  }
0x522: {  	[tilespmem:s22+$0x0] =	vst v1;
	v1 =	vsub.f32 $0.0e+00, v0;
	_ =	sdelay $0x1  }
0x523: {  	v1 =	vmul.f32 $1.442695020e+00, v1;
	_ =	sdelay $0x1  }
0x524: {  	(erf) = vpow2.f32 v1;
	_ =	sdelay $0x8  }
0x525: {  	v1 =	vpop (erf)  }
0x526: {  	v1 =	vadd.f32 $1.000000000e+00, v1;
	_ =	sdelay $0x1  }
0x527: {  	(erf) = vrcp.f32 v1;
	_ =	sdelay $0x8  }
0x528: {  	v1 =	vpop (erf)  }
0x529: {  	v0 =	vmul.f32 v1, v0;
	_ =	sdelay $0x1  }
0x52a: {  	[tilespmem:s22+$0x10] =	vst v0  }
0x52b: {  	v0 =	vld [tilespmem:s21+$0x10]  }
0x52c: {  	v19 =	vld [tilespmem:s22+$0x20];
	_ =	sdelay $0x3  }
0x52d: {  	v20 =	vshll.u32 v0, $0x10  }
0x52e: {  	v1 =	vadd.f32 v20, v19;
	_ =	sdelay $0x1  }
0x52f: {  	v2 =	vsub.f32 $0.0e+00, v1;
	_ =	sdelay $0x1  }
0x530: {  	v2 =	vmul.f32 $1.442695020e+00, v2;
	_ =	sdelay $0x1  }
0x531: {  	(erf) = vpow2.f32 v2;
	_ =	sdelay $0x8  }
0x532: {  	v2 =	vpop (erf)  }
0x533: {  	v2 =	vadd.f32 $1.000000000e+00, v2;
	_ =	sdelay $0x1  }
0x534: {  	(erf) = vrcp.f32 v2;
	_ =	sdelay $0x4  }
0x535: {  	v21 =	vld [tilespmem:s22+$0x30];
	_ =	sdelay $0x3  }
0x536: {  	v0 =	vand.u32 $0xFFFF0000, v0;
	v2 =	vpop (erf)  }
0x537: {  	v0 =	vadd.f32 v0, v21;
	v1 =	vmul.f32 v2, v1;
	_ =	sdelay $0x1  }
0x538: {  	[tilespmem:s22+$0x20] =	vst v1;
	v1 =	vsub.f32 $0.0e+00, v0;
	_ =	sdelay $0x1  }
0x539: {  	v1 =	vmul.f32 $1.442695020e+00, v1;
	_ =	sdelay $0x1  }
0x53a: {  	(erf) = vpow2.f32 v1;
	_ =	sdelay $0x8  }
0x53b: {  	v1 =	vpop (erf)  }
0x53c: {  	v1 =	vadd.f32 $1.000000000e+00, v1;
	_ =	sdelay $0x1  }
0x53d: {  	(erf) = vrcp.f32 v1;
	_ =	sdelay $0x8  }
0x53e: {  	v1 =	vpop (erf)  }
0x53f: {  	v0 =	vmul.f32 v1, v0;
	_ =	sdelay $0x1  }
0x540: {  	[tilespmem:s22+$0x30] =	vst v0  }
0x541: {  	v0 =	vld [tilespmem:s21+$0x20]  }
0x542: {  	v22 =	vld [tilespmem:s22+$0x40];
	_ =	sdelay $0x3  }
0x543: {  	v23 =	vshll.u32 v0, $0x10  }
0x544: {  	v1 =	vadd.f32 v23, v22;
	_ =	sdelay $0x1  }
0x545: {  	v2 =	vsub.f32 $0.0e+00, v1;
	_ =	sdelay $0x1  }
0x546: {  	v2 =	vmul.f32 $1.442695020e+00, v2;
	_ =	sdelay $0x1  }
0x547: {  	(erf) = vpow2.f32 v2;
	_ =	sdelay $0x8  }
0x548: {  	v2 =	vpop (erf)  }
0x549: {  	v2 =	vadd.f32 $1.000000000e+00, v2;
	_ =	sdelay $0x1  }
0x54a: {  	(erf) = vrcp.f32 v2;
	_ =	sdelay $0x4  }
0x54b: {  	v24 =	vld [tilespmem:s22+$0x50];
	_ =	sdelay $0x3  }
0x54c: {  	v0 =	vand.u32 $0xFFFF0000, v0;
	v2 =	vpop (erf)  }
0x54d: {  	v0 =	vadd.f32 v0, v24;
	v1 =	vmul.f32 v2, v1;
	_ =	sdelay $0x1  }
0x54e: {  	[tilespmem:s22+$0x40] =	vst v1;
	v1 =	vsub.f32 $0.0e+00, v0;
	_ =	sdelay $0x1  }
0x54f: {  	v1 =	vmul.f32 $1.442695020e+00, v1;
	_ =	sdelay $0x1  }
0x550: {  	(erf) = vpow2.f32 v1;
	_ =	sdelay $0x8  }
0x551: {  	v1 =	vpop (erf)  }
0x552: {  	v1 =	vadd.f32 $1.000000000e+00, v1;
	_ =	sdelay $0x1  }
0x553: {  	(erf) = vrcp.f32 v1;
	_ =	sdelay $0x8  }
0x554: {  	v1 =	vpop (erf)  }
0x555: {  	v0 =	vmul.f32 v1, v0;
	_ =	sdelay $0x1  }
0x556: {  	[tilespmem:s22+$0x50] =	vst v0  }
0x557: {  	v0 =	vld [tilespmem:s21+$0x30]  }
0x558: {  	v25 =	vld [tilespmem:s22+$0x60];
	_ =	sdelay $0x3  }
0x559: {  	v26 =	vshll.u32 v0, $0x10  }
0x55a: {  	v1 =	vadd.f32 v26, v25;
	_ =	sdelay $0x1  }
0x55b: {  	v2 =	vsub.f32 $0.0e+00, v1;
	_ =	sdelay $0x1  }
0x55c: {  	v2 =	vmul.f32 $1.442695020e+00, v2;
	_ =	sdelay $0x1  }
0x55d: {  	(erf) = vpow2.f32 v2;
	_ =	sdelay $0x8  }
0x55e: {  	v2 =	vpop (erf)  }
0x55f: {  	v2 =	vadd.f32 $1.000000000e+00, v2;
	_ =	sdelay $0x1  }
0x560: {  	(erf) = vrcp.f32 v2;
	_ =	sdelay $0x4  }
0x561: {  	v27 =	vld [tilespmem:s22+$0x70];
	_ =	sdelay $0x3  }
0x562: {  	v0 =	vand.u32 $0xFFFF0000, v0;
	v2 =	vpop (erf)  }
0x563: {  	v0 =	vadd.f32 v0, v27;
	v1 =	vmul.f32 v2, v1;
	_ =	sdelay $0x1  }
0x564: {  	[tilespmem:s22+$0x60] =	vst v1;
	v1 =	vsub.f32 $0.0e+00, v0;
	_ =	sdelay $0x1  }
0x565: {  	v1 =	vmul.f32 $1.442695020e+00, v1;
	_ =	sdelay $0x1  }
0x566: {  	(erf) = vpow2.f32 v1;
	_ =	sdelay $0x8  }
0x567: {  	v1 =	vpop (erf)  }
0x568: {  	v1 =	vadd.f32 $1.000000000e+00, v1;
	_ =	sdelay $0x1  }
0x569: {  	(erf) = vrcp.f32 v1;
	_ =	sdelay $0x8  }
0x56a: {  	v1 =	vpop (erf)  }
0x56b: {  	v0 =	vmul.f32 v1, v0;
	_ =	sdelay $0x1  }
0x56c: {  	[tilespmem:s22+$0x70] =	vst v0  }
0x56d: {  	v0 =	vld [tilespmem:s21+$0x40]  }
0x56e: {  	v28 =	vld [tilespmem:s22+$0x90];
	_ =	sdelay $0x3  }
0x56f: {  	v29 =	vshll.u32 v0, $0x10  }
0x570: {  	v1 =	vadd.f32 v29, v28;
	_ =	sdelay $0x1  }
0x571: {  	v2 =	vsub.f32 $0.0e+00, v1;
	_ =	sdelay $0x1  }
0x572: {  	v2 =	vmul.f32 $1.442695020e+00, v2;
	_ =	sdelay $0x1  }
0x573: {  	(erf) = vpow2.f32 v2;
	_ =	sdelay $0x8  }
0x574: {  	v2 =	vpop (erf)  }
0x575: {  	v2 =	vadd.f32 $1.000000000e+00, v2;
	_ =	sdelay $0x1  }
0x576: {  	(erf) = vrcp.f32 v2;
	_ =	sdelay $0x4  }
0x577: {  	v30 =	vld [tilespmem:s22+$0xA0];
	_ =	sdelay $0x3  }
0x578: {  	v0 =	vand.u32 $0xFFFF0000, v0;
	v2 =	vpop (erf)  }
0x579: {  	v0 =	vadd.f32 v0, v30;
	v1 =	vmul.f32 v2, v1;
	_ =	sdelay $0x1  }
0x57a: {  	[tilespmem:s22+$0x90] =	vst v1;
	v1 =	vsub.f32 $0.0e+00, v0;
	_ =	sdelay $0x1  }
0x57b: {  	v1 =	vmul.f32 $1.442695020e+00, v1;
	_ =	sdelay $0x1  }
0x57c: {  	(erf) = vpow2.f32 v1;
	_ =	sdelay $0x8  }
0x57d: {  	v1 =	vpop (erf)  }
0x57e: {  	v1 =	vadd.f32 $1.000000000e+00, v1;
	_ =	sdelay $0x1  }
0x57f: {  	(erf) = vrcp.f32 v1;
	_ =	sdelay $0x8  }
0x580: {  	v1 =	vpop (erf)  }
0x581: {  	v0 =	vmul.f32 v1, v0;
	_ =	sdelay $0x1  }
0x582: {  	[tilespmem:s22+$0xA0] =	vst v0  }
0x583: {  	v0 =	vld [tilespmem:s21+$0x50]  }
0x584: {  	v31 =	vld [tilespmem:s22+$0xB0];
	_ =	sdelay $0x3  }
0x585: {  	v32 =	vshll.u32 v0, $0x10  }
0x586: {  	v1 =	vadd.f32 v32, v31;
	_ =	sdelay $0x1  }
0x587: {  	v2 =	vsub.f32 $0.0e+00, v1;
	_ =	sdelay $0x1  }
0x588: {  	v2 =	vmul.f32 $1.442695020e+00, v2;
	_ =	sdelay $0x1  }
0x589: {  	(erf) = vpow2.f32 v2;
	_ =	sdelay $0x8  }
0x58a: {  	v2 =	vpop (erf)  }
0x58b: {  	v2 =	vadd.f32 $1.000000000e+00, v2;
	_ =	sdelay $0x1  }
0x58c: {  	(erf) = vrcp.f32 v2;
	_ =	sdelay $0x4  }
0x58d: {  	v33 =	vld [tilespmem:s22+$0xC0];
	_ =	sdelay $0x3  }
0x58e: {  	v0 =	vand.u32 $0xFFFF0000, v0;
	v2 =	vpop (erf)  }
0x58f: {  	v0 =	vadd.f32 v0, v33;
	v1 =	vmul.f32 v2, v1;
	_ =	sdelay $0x1  }
0x590: {  	[tilespmem:s22+$0xB0] =	vst v1;
	v1 =	vsub.f32 $0.0e+00, v0;
	_ =	sdelay $0x1  }
0x591: {  	v1 =	vmul.f32 $1.442695020e+00, v1;
	_ =	sdelay $0x1  }
0x592: {  	(erf) = vpow2.f32 v1;
	_ =	sdelay $0x8  }
0x593: {  	v1 =	vpop (erf)  }
0x594: {  	v1 =	vadd.f32 $1.000000000e+00, v1;
	_ =	sdelay $0x1  }
0x595: {  	(erf) = vrcp.f32 v1;
	_ =	sdelay $0x8  }
0x596: {  	v1 =	vpop (erf)  }
0x597: {  	v0 =	vmul.f32 v1, v0;
	_ =	sdelay $0x1  }
0x598: {  	[tilespmem:s22+$0xC0] =	vst v0  }
0x599: {  	v0 =	vld [tilespmem:s21+$0x60]  }
0x59a: {  	v34 =	vld [tilespmem:s22+$0xD0];
	_ =	sdelay $0x3  }
0x59b: {  	v35 =	vshll.u32 v0, $0x10  }
0x59c: {  	v1 =	vadd.f32 v35, v34;
	_ =	sdelay $0x1  }
0x59d: {  	v2 =	vsub.f32 $0.0e+00, v1;
	_ =	sdelay $0x1  }
0x59e: {  	v2 =	vmul.f32 $1.442695020e+00, v2;
	_ =	sdelay $0x1  }
0x59f: {  	(erf) = vpow2.f32 v2;
	_ =	sdelay $0x8  }
0x5a0: {  	v2 =	vpop (erf)  }
0x5a1: {  	v2 =	vadd.f32 $1.000000000e+00, v2;
	_ =	sdelay $0x1  }
0x5a2: {  	(erf) = vrcp.f32 v2;
	_ =	sdelay $0x4  }
0x5a3: {  	v36 =	vld [tilespmem:s22+$0xE0];
	_ =	sdelay $0x3  }
0x5a4: {  	v0 =	vand.u32 $0xFFFF0000, v0;
	v2 =	vpop (erf)  }
0x5a5: {  	v0 =	vadd.f32 v0, v36;
	v1 =	vmul.f32 v2, v1;
	_ =	sdelay $0x1  }
0x5a6: {  	[tilespmem:s22+$0xD0] =	vst v1;
	v1 =	vsub.f32 $0.0e+00, v0;
	_ =	sdelay $0x1  }
0x5a7: {  	v1 =	vmul.f32 $1.442695020e+00, v1;
	_ =	sdelay $0x1  }
0x5a8: {  	(erf) = vpow2.f32 v1;
	_ =	sdelay $0x8  }
0x5a9: {  	v1 =	vpop (erf)  }
0x5aa: {  	v1 =	vadd.f32 $1.000000000e+00, v1;
	_ =	sdelay $0x1  }
0x5ab: {  	(erf) = vrcp.f32 v1;
	_ =	sdelay $0x8  }
0x5ac: {  	v1 =	vpop (erf)  }
0x5ad: {  	v0 =	vmul.f32 v1, v0;
	_ =	sdelay $0x1  }
0x5ae: {  	[tilespmem:s22+$0xE0] =	vst v0  }
0x5af: {  	v0 =	vld [tilespmem:s21+$0x70]  }
0x5b0: {  	v37 =	vld [tilespmem:s22+$0xF0];
	_ =	sdelay $0x3  }
0x5b1: {  	v38 =	vshll.u32 v0, $0x10  }
0x5b2: {  	v1 =	vadd.f32 v38, v37;
	_ =	sdelay $0x1  }
0x5b3: {  	v2 =	vsub.f32 $0.0e+00, v1;
	_ =	sdelay $0x1  }
0x5b4: {  	v2 =	vmul.f32 $1.442695020e+00, v2;
	_ =	sdelay $0x1  }
0x5b5: {  	(erf) = vpow2.f32 v2;
	_ =	sdelay $0x8  }
0x5b6: {  	v2 =	vpop (erf)  }
0x5b7: {  	v2 =	vadd.f32 $1.000000000e+00, v2;
	_ =	sdelay $0x1  }
0x5b8: {  	(erf) = vrcp.f32 v2;
	_ =	sdelay $0x4  }
0x5b9: {  	v39 =	vld [tilespmem:s22+$0x100];
	_ =	sdelay $0x3  }
0x5ba: {  	v0 =	vand.u32 $0xFFFF0000, v0;
	v2 =	vpop (erf)  }
0x5bb: {  	v0 =	vadd.f32 v0, v39;
	v1 =	vmul.f32 v2, v1;
	_ =	sdelay $0x1  }
0x5bc: {  	[tilespmem:s22+$0xF0] =	vst v1;
	v1 =	vsub.f32 $0.0e+00, v0;
	_ =	sdelay $0x1  }
0x5bd: {  	v1 =	vmul.f32 $1.442695020e+00, v1;
	_ =	sdelay $0x1  }
0x5be: {  	(erf) = vpow2.f32 v1;
	_ =	sdelay $0x8  }
0x5bf: {  	v1 =	vpop (erf)  }
0x5c0: {  	v1 =	vadd.f32 $1.000000000e+00, v1;
	_ =	sdelay $0x1  }
0x5c1: {  	(erf) = vrcp.f32 v1;
	_ =	sdelay $0x8  }
0x5c2: {  	v1 =	vpop (erf)  }
0x5c3: {  	v0 =	vmul.f32 v1, v0;
	_ =	sdelay $0x1  }
0x5c4: {  	[tilespmem:s22+$0x100] =	vst v0  }
0x5c5: {  	v0 =	vld [tilespmem:s21+$0x80]  }
0x5c6: {  	v40 =	vld [tilespmem:s22+$0x120];
	_ =	sdelay $0x3  }
0x5c7: {  	v41 =	vshll.u32 v0, $0x10  }
0x5c8: {  	v1 =	vadd.f32 v41, v40;
	_ =	sdelay $0x1  }
0x5c9: {  	v2 =	vsub.f32 $0.0e+00, v1;
	_ =	sdelay $0x1  }
0x5ca: {  	v2 =	vmul.f32 $1.442695020e+00, v2;
	_ =	sdelay $0x1  }
0x5cb: {  	(erf) = vpow2.f32 v2;
	_ =	sdelay $0x8  }
0x5cc: {  	v2 =	vpop (erf)  }
0x5cd: {  	v2 =	vadd.f32 $1.000000000e+00, v2;
	_ =	sdelay $0x1  }
0x5ce: {  	(erf) = vrcp.f32 v2;
	_ =	sdelay $0x4  }
0x5cf: {  	v42 =	vld [tilespmem:s22+$0x130];
	_ =	sdelay $0x3  }
0x5d0: {  	v0 =	vand.u32 $0xFFFF0000, v0;
	v2 =	vpop (erf)  }
0x5d1: {  	v0 =	vadd.f32 v0, v42;
	v1 =	vmul.f32 v2, v1;
	_ =	sdelay $0x1  }
0x5d2: {  	[tilespmem:s22+$0x120] =	vst v1;
	v1 =	vsub.f32 $0.0e+00, v0;
	_ =	sdelay $0x1  }
0x5d3: {  	v1 =	vmul.f32 $1.442695020e+00, v1;
	_ =	sdelay $0x1  }
0x5d4: {  	(erf) = vpow2.f32 v1;
	_ =	sdelay $0x8  }
0x5d5: {  	v1 =	vpop (erf)  }
0x5d6: {  	v1 =	vadd.f32 $1.000000000e+00, v1;
	_ =	sdelay $0x1  }
0x5d7: {  	(erf) = vrcp.f32 v1;
	_ =	sdelay $0x8  }
0x5d8: {  	v1 =	vpop (erf)  }
0x5d9: {  	v0 =	vmul.f32 v1, v0;
	_ =	sdelay $0x1  }
0x5da: {  	[tilespmem:s22+$0x130] =	vst v0  }
0x5db: {  	v0 =	vld [tilespmem:s21+$0x90]  }
0x5dc: {  	v43 =	vld [tilespmem:s22+$0x140];
	_ =	sdelay $0x3  }
0x5dd: {  	v44 =	vshll.u32 v0, $0x10  }
0x5de: {  	v1 =	vadd.f32 v44, v43;
	_ =	sdelay $0x1  }
0x5df: {  	v2 =	vsub.f32 $0.0e+00, v1;
	_ =	sdelay $0x1  }
0x5e0: {  	v2 =	vmul.f32 $1.442695020e+00, v2;
	_ =	sdelay $0x1  }
0x5e1: {  	(erf) = vpow2.f32 v2;
	_ =	sdelay $0x8  }
0x5e2: {  	v2 =	vpop (erf)  }
0x5e3: {  	v2 =	vadd.f32 $1.000000000e+00, v2;
	_ =	sdelay $0x1  }
0x5e4: {  	(erf) = vrcp.f32 v2;
	_ =	sdelay $0x4  }
0x5e5: {  	v45 =	vld [tilespmem:s22+$0x150];
	_ =	sdelay $0x3  }
0x5e6: {  	v0 =	vand.u32 $0xFFFF0000, v0;
	v2 =	vpop (erf)  }
0x5e7: {  	v0 =	vadd.f32 v0, v45;
	v1 =	vmul.f32 v2, v1;
	_ =	sdelay $0x1  }
0x5e8: {  	[tilespmem:s22+$0x140] =	vst v1;
	v1 =	vsub.f32 $0.0e+00, v0;
	_ =	sdelay $0x1  }
0x5e9: {  	v1 =	vmul.f32 $1.442695020e+00, v1;
	_ =	sdelay $0x1  }
0x5ea: {  	(erf) = vpow2.f32 v1;
	_ =	sdelay $0x8  }
0x5eb: {  	v1 =	vpop (erf)  }
0x5ec: {  	v1 =	vadd.f32 $1.000000000e+00, v1;
	_ =	sdelay $0x1  }
0x5ed: {  	(erf) = vrcp.f32 v1;
	_ =	sdelay $0x8  }
0x5ee: {  	v1 =	vpop (erf)  }
0x5ef: {  	v0 =	vmul.f32 v1, v0;
	_ =	sdelay $0x1  }
0x5f0: {  	[tilespmem:s22+$0x150] =	vst v0  }
0x5f1: {  	v0 =	vld [tilespmem:s21+$0xA0]  }
0x5f2: {  	v46 =	vld [tilespmem:s22+$0x160];
	_ =	sdelay $0x3  }
0x5f3: {  	v47 =	vshll.u32 v0, $0x10  }
0x5f4: {  	v1 =	vadd.f32 v47, v46;
	_ =	sdelay $0x1  }
0x5f5: {  	v2 =	vsub.f32 $0.0e+00, v1;
	_ =	sdelay $0x1  }
0x5f6: {  	v2 =	vmul.f32 $1.442695020e+00, v2;
	_ =	sdelay $0x1  }
0x5f7: {  	(erf) = vpow2.f32 v2;
	_ =	sdelay $0x8  }
0x5f8: {  	v2 =	vpop (erf)  }
0x5f9: {  	v2 =	vadd.f32 $1.000000000e+00, v2;
	_ =	sdelay $0x1  }
0x5fa: {  	(erf) = vrcp.f32 v2;
	_ =	sdelay $0x4  }
0x5fb: {  	v48 =	vld [tilespmem:s22+$0x170];
	_ =	sdelay $0x3  }
0x5fc: {  	v0 =	vand.u32 $0xFFFF0000, v0;
	v2 =	vpop (erf)  }
0x5fd: {  	v0 =	vadd.f32 v0, v48;
	v1 =	vmul.f32 v2, v1;
	_ =	sdelay $0x1  }
0x5fe: {  	[tilespmem:s22+$0x160] =	vst v1;
	v1 =	vsub.f32 $0.0e+00, v0;
	_ =	sdelay $0x1  }
0x5ff: {  	v1 =	vmul.f32 $1.442695020e+00, v1;
	_ =	sdelay $0x1  }
0x600: {  	(erf) = vpow2.f32 v1;
	_ =	sdelay $0x8  }
0x601: {  	v1 =	vpop (erf)  }
0x602: {  	v1 =	vadd.f32 $1.000000000e+00, v1;
	_ =	sdelay $0x1  }
0x603: {  	(erf) = vrcp.f32 v1;
	_ =	sdelay $0x8  }
0x604: {  	v1 =	vpop (erf)  }
0x605: {  	v0 =	vmul.f32 v1, v0;
	_ =	sdelay $0x1  }
0x606: {  	[tilespmem:s22+$0x170] =	vst v0  }
0x607: {  	v0 =	vld [tilespmem:s21+$0xB0]  }
0x608: {  	v49 =	vld [tilespmem:s22+$0x180];
	_ =	sdelay $0x3  }
0x609: {  	v50 =	vshll.u32 v0, $0x10  }
0x60a: {  	v1 =	vadd.f32 v50, v49;
	_ =	sdelay $0x1  }
0x60b: {  	v2 =	vsub.f32 $0.0e+00, v1;
	_ =	sdelay $0x1  }
0x60c: {  	v2 =	vmul.f32 $1.442695020e+00, v2;
	_ =	sdelay $0x1  }
0x60d: {  	(erf) = vpow2.f32 v2;
	_ =	sdelay $0x8  }
0x60e: {  	v2 =	vpop (erf)  }
0x60f: {  	v2 =	vadd.f32 $1.000000000e+00, v2;
	_ =	sdelay $0x1  }
0x610: {  	(erf) = vrcp.f32 v2;
	_ =	sdelay $0x4  }
0x611: {  	v51 =	vld [tilespmem:s22+$0x190];
	_ =	sdelay $0x3  }
0x612: {  	v0 =	vand.u32 $0xFFFF0000, v0;
	v2 =	vpop (erf)  }
0x613: {  	v0 =	vadd.f32 v0, v51;
	v1 =	vmul.f32 v2, v1;
	_ =	sdelay $0x1  }
0x614: {  	[tilespmem:s22+$0x180] =	vst v1;
	v1 =	vsub.f32 $0.0e+00, v0;
	_ =	sdelay $0x1  }
0x615: {  	v1 =	vmul.f32 $1.442695020e+00, v1;
	_ =	sdelay $0x1  }
0x616: {  	(erf) = vpow2.f32 v1;
	_ =	sdelay $0x8  }
0x617: {  	v1 =	vpop (erf)  }
0x618: {  	v1 =	vadd.f32 $1.000000000e+00, v1;
	_ =	sdelay $0x1  }
0x619: {  	(erf) = vrcp.f32 v1;
	_ =	sdelay $0x8  }
0x61a: {  	v1 =	vpop (erf)  }
0x61b: {  	v0 =	vmul.f32 v1, v0;
	_ =	sdelay $0x1  }
0x61c: {  	[tilespmem:s22+$0x190] =	vst v0  }
0x61d: {  	v0 =	vld [tilespmem:s21+$0xC0]  }
0x61e: {  	v52 =	vld [tilespmem:s22+$0x1B0];
	_ =	sdelay $0x3  }
0x61f: {  	v53 =	vshll.u32 v0, $0x10  }
0x620: {  	v1 =	vadd.f32 v53, v52;
	_ =	sdelay $0x1  }
0x621: {  	v2 =	vsub.f32 $0.0e+00, v1;
	_ =	sdelay $0x1  }
0x622: {  	v2 =	vmul.f32 $1.442695020e+00, v2;
	_ =	sdelay $0x1  }
0x623: {  	(erf) = vpow2.f32 v2;
	_ =	sdelay $0x8  }
0x624: {  	v2 =	vpop (erf)  }
0x625: {  	v2 =	vadd.f32 $1.000000000e+00, v2;
	_ =	sdelay $0x1  }
0x626: {  	(erf) = vrcp.f32 v2;
	_ =	sdelay $0x4  }
0x627: {  	v54 =	vld [tilespmem:s22+$0x1C0];
	_ =	sdelay $0x3  }
0x628: {  	v0 =	vand.u32 $0xFFFF0000, v0;
	v2 =	vpop (erf)  }
0x629: {  	v0 =	vadd.f32 v0, v54;
	v1 =	vmul.f32 v2, v1;
	_ =	sdelay $0x1  }
0x62a: {  	[tilespmem:s22+$0x1B0] =	vst v1;
	v1 =	vsub.f32 $0.0e+00, v0;
	_ =	sdelay $0x1  }
0x62b: {  	v1 =	vmul.f32 $1.442695020e+00, v1;
	_ =	sdelay $0x1  }
0x62c: {  	(erf) = vpow2.f32 v1;
	_ =	sdelay $0x8  }
0x62d: {  	v1 =	vpop (erf)  }
0x62e: {  	v1 =	vadd.f32 $1.000000000e+00, v1;
	_ =	sdelay $0x1  }
0x62f: {  	(erf) = vrcp.f32 v1;
	_ =	sdelay $0x8  }
0x630: {  	v1 =	vpop (erf)  }
0x631: {  	v0 =	vmul.f32 v1, v0;
	_ =	sdelay $0x1  }
0x632: {  	[tilespmem:s22+$0x1C0] =	vst v0  }
0x633: {  	v0 =	vld [tilespmem:s21+$0xD0]  }
0x634: {  	v55 =	vld [tilespmem:s22+$0x1D0];
	_ =	sdelay $0x3  }
0x635: {  	v56 =	vshll.u32 v0, $0x10  }
0x636: {  	v1 =	vadd.f32 v56, v55;
	_ =	sdelay $0x1  }
0x637: {  	v2 =	vsub.f32 $0.0e+00, v1;
	_ =	sdelay $0x1  }
0x638: {  	v2 =	vmul.f32 $1.442695020e+00, v2;
	_ =	sdelay $0x1  }
0x639: {  	(erf) = vpow2.f32 v2;
	_ =	sdelay $0x8  }
0x63a: {  	v2 =	vpop (erf)  }
0x63b: {  	v2 =	vadd.f32 $1.000000000e+00, v2;
	_ =	sdelay $0x1  }
0x63c: {  	(erf) = vrcp.f32 v2;
	_ =	sdelay $0x4  }
0x63d: {  	v57 =	vld [tilespmem:s22+$0x1E0];
	_ =	sdelay $0x3  }
0x63e: {  	v0 =	vand.u32 $0xFFFF0000, v0;
	v2 =	vpop (erf)  }
0x63f: {  	v0 =	vadd.f32 v0, v57;
	v1 =	vmul.f32 v2, v1;
	_ =	sdelay $0x1  }
0x640: {  	[tilespmem:s22+$0x1D0] =	vst v1;
	v1 =	vsub.f32 $0.0e+00, v0;
	_ =	sdelay $0x1  }
0x641: {  	v1 =	vmul.f32 $1.442695020e+00, v1;
	_ =	sdelay $0x1  }
0x642: {  	(erf) = vpow2.f32 v1;
	_ =	sdelay $0x8  }
0x643: {  	v1 =	vpop (erf)  }
0x644: {  	v1 =	vadd.f32 $1.000000000e+00, v1;
	_ =	sdelay $0x1  }
0x645: {  	(erf) = vrcp.f32 v1;
	_ =	sdelay $0x8  }
0x646: {  	v1 =	vpop (erf)  }
0x647: {  	v0 =	vmul.f32 v1, v0;
	_ =	sdelay $0x1  }
0x648: {  	[tilespmem:s22+$0x1E0] =	vst v0  }
0x649: {  	v0 =	vld [tilespmem:s21+$0xE0]  }
0x64a: {  	v58 =	vld [tilespmem:s22+$0x1F0];
	_ =	sdelay $0x3  }
0x64b: {  	v59 =	vshll.u32 v0, $0x10  }
0x64c: {  	v1 =	vadd.f32 v59, v58;
	_ =	sdelay $0x1  }
0x64d: {  	v2 =	vsub.f32 $0.0e+00, v1;
	_ =	sdelay $0x1  }
0x64e: {  	v2 =	vmul.f32 $1.442695020e+00, v2;
	_ =	sdelay $0x1  }
0x64f: {  	(erf) = vpow2.f32 v2;
	_ =	sdelay $0x8  }
0x650: {  	v2 =	vpop (erf)  }
0x651: {  	v2 =	vadd.f32 $1.000000000e+00, v2;
	_ =	sdelay $0x1  }
0x652: {  	(erf) = vrcp.f32 v2;
	_ =	sdelay $0x4  }
0x653: {  	v60 =	vld [tilespmem:s22+$0x200];
	_ =	sdelay $0x3  }
0x654: {  	v0 =	vand.u32 $0xFFFF0000, v0;
	v2 =	vpop (erf)  }
0x655: {  	v0 =	vadd.f32 v0, v60;
	v1 =	vmul.f32 v2, v1;
	_ =	sdelay $0x1  }
0x656: {  	[tilespmem:s22+$0x1F0] =	vst v1;
	v1 =	vsub.f32 $0.0e+00, v0;
	_ =	sdelay $0x1  }
0x657: {  	v1 =	vmul.f32 $1.442695020e+00, v1;
	_ =	sdelay $0x1  }
0x658: {  	(erf) = vpow2.f32 v1;
	_ =	sdelay $0x8  }
0x659: {  	v1 =	vpop (erf)  }
0x65a: {  	v1 =	vadd.f32 $1.000000000e+00, v1;
	_ =	sdelay $0x1  }
0x65b: {  	(erf) = vrcp.f32 v1;
	_ =	sdelay $0x8  }
0x65c: {  	v1 =	vpop (erf)  }
0x65d: {  	v0 =	vmul.f32 v1, v0;
	_ =	sdelay $0x1  }
0x65e: {  	[tilespmem:s22+$0x200] =	vst v0  }
0x65f: {  	v0 =	vld [tilespmem:s21+$0xF0]  }
0x660: {  	v61 =	vld [tilespmem:s22+$0x210];
	_ =	sdelay $0x3  }
0x661: {  	v62 =	vshll.u32 v0, $0x10  }
0x662: {  	v1 =	vadd.f32 v62, v61;
	_ =	sdelay $0x1  }
0x663: {  	v2 =	vsub.f32 $0.0e+00, v1;
	_ =	sdelay $0x1  }
0x664: {  	v2 =	vmul.f32 $1.442695020e+00, v2;
	_ =	sdelay $0x1  }
0x665: {  	(erf) = vpow2.f32 v2;
	_ =	sdelay $0x8  }
0x666: {  	v2 =	vpop (erf)  }
0x667: {  	v2 =	vadd.f32 $1.000000000e+00, v2;
	_ =	sdelay $0x1  }
0x668: {  	(erf) = vrcp.f32 v2;
	_ =	sdelay $0x4  }
0x669: {  	v63 =	vld [tilespmem:s22+$0x220];
	_ =	sdelay $0x3  }
0x66a: {  	v0 =	vand.u32 $0xFFFF0000, v0;
	v2 =	vpop (erf)  }
0x66b: {  	v0 =	vadd.f32 v0, v63;
	v1 =	vmul.f32 v2, v1;
	_ =	sdelay $0x1  }
0x66c: {  	[tilespmem:s22+$0x210] =	vst v1;
	v1 =	vsub.f32 $0.0e+00, v0;
	_ =	sdelay $0x1  }
0x66d: {  	v1 =	vmul.f32 $1.442695020e+00, v1;
	_ =	sdelay $0x1  }
0x66e: {  	(erf) = vpow2.f32 v1;
	_ =	sdelay $0x8  }
0x66f: {  	v1 =	vpop (erf)  }
0x670: {  	v1 =	vadd.f32 $1.000000000e+00, v1;
	_ =	sdelay $0x1  }
0x671: {  	(erf) = vrcp.f32 v1;
	_ =	sdelay $0x5  }
0x672: {  	s23 =	sadd.s32 $0x8, s23  }
0x673: {  	p0 =	slt.u32 s23, $0x20  }
.Ltmp8:
0x674: {  	_ = 	snop;
	(pc) =	sbr.rel @p0 .LBB2_15-.Ltmp8, $3  }
0x675: {  	v1 =	vpop (erf)  }
0x676: {  	v0 =	vmul.f32 v1, v0;
	_ =	sdelay $0x1  }
0x677: {  	s21 =	sadd.s32 $0x200, s21;
	[tilespmem:s22+$0x220] =	vst v0;
	s22 =	sadd.s32 $0x480, s22  }
0x678: {  	s18 =	sand.u32 $0x3, s18  }
0x679: {  	p0 =	slt.u32 s19, $0x1F4;
	s18 =	smul.u32 $0xA0, s18  }
.Ltmp9:
0x67a: {  	_ = 	snop;
	(pc) =	sbr.rel @p0 .LBB2_10-.Ltmp9, $4  }
0x67b: {  	_ = 	snop  }
0x67c: {  	s18 =	sshrl.u32 s18, $0x2  }
0x67d: {  	[spmem:s2] =	stream.indirect.scatter.add.f32 [tilespmem:s20], [sflag:$0x3], $0x90, s18, s0, $0xb8;
	[tilespmem:$0x1D4C0] =	vst v63  }
0x67e: {  	s18 =	smov.u32 s19  }
0x67f: {  	_ =	swait.ge [sflag:s30], $0x1680  }
0x680: {  	[sflag:s30] =	ssyncset.done $0x0  }
0x681: {  	[sflag:s30] =	ssyncadd.s32 $0xFFFFE980  }
0x682: {  	_ =	swait.ge [sflag:s30], $0x1680  }
0x683: {  	s14 =	sadd.s32 $0x1, s14;
	[sflag:s30] =	ssyncset.done $0x0  }
0x684: {  	p0 =	sne.s32 s14, s28;
	[sflag:s30] =	ssyncadd.s32 $0xFFFFE980  }
.Ltmp10:
0x685: {  	[bflag:$0x0] =	sbarrier.arrive $0xFFFF;
	(pc) =	sbr.rel @p0 .LBB2_1-.Ltmp10, $4  }
0x686: {  	[hbm:s26], [sflag:s15] =	dma.local [spmem:s17], $0x2D00  }
0x687: {  	_ =	swait.ge [sflag:s29], $0x2D00  }
0x688: {  	[sflag:s29] =	ssyncset.done $0x0  }
0x689: {  	[sflag:s29] =	ssyncadd.s32 $0xFFFFD300  }
0x68a: {  	_ =	sfence.sel $0x180000  }
0x68b: {  	[bflag:$0x0] =	sbarrier.arrive $0xFFFF  }
0x68c: {  	_ =	strace $0x90000047  }
0x68d: {  	s0 =	stileid.u32;
	[bflag:$0x2] =	sbarrier.arrive $0xFFFF  }
0x68e: {  	p0 =	sne.s32 s0, $0x0;
	s0 =	rddreg [dreg:$0x3]  }
0x68f: {  	s0 =	sadd.s32 @!p0 $0x100000, s0  }
0x690: {  	[sflag:s0] =	ssyncadd.tile.s32 @!p0 $0x1;
	_ =	shalt  }
.Lfunc_end2:
_tile_overlayer_lowered:
.L_overlay_start_2:
0x691: {  	(tag) =	ssettag $0x2  }
0x692: {  	s0 =	rddreg [dreg:$0x0];
	s2 =	stileid.u32  }
0x693: {  	s1 =	rddreg [dreg:$0x1];
	p0 =	sne.s32 s2, $0x0  }
0x694: {  	s3 =	rddreg [dreg:$0x2];
	[bflag:$0x3] =	sbarrier.arrive $0xFFFF;
	s2 =	simm.s32 @!p0 $0x1C04  }
0x695: {  	[timem:s3], [sflag:s2] =	dma.local @!p0 [hbm:s0], s1  }
0x696: {  	s0 =	simm.s32 @!p0 $0x4  }
0x697: {  	_ =	swait.ge @!p0 [sflag:s0], s1  }
0x698: {  	s1 =	ssub.s32 @!p0 $0x0, s1;
	[sflag:s0] =	ssyncset.done @!p0 $0x0  }
0x699: {  	[sflag:s0] =	ssyncadd.s32 @!p0 s1  }
0x69a: {  	[bflag:$0x3] =	sbarrier.arrive $0xFFFF  }
0x69b: {  	_ =	shalt  }

</sc_bundles>
